<compile_context>
chip_gen: v7x
topology: tpu7x:2x2x1
jax: 0.10.2.dev20260603
libtpu: 0.0.44.dev20260713+nightly
codegen_flags: <defaults>
</compile_context>

<pallas_src>
import dataclasses
import functools

import jax
import jax.numpy as jnp
import numpy as np
from jax import lax
from jax.experimental import pallas as pl
from jax.experimental.pallas import tpu as pltpu
from jax.experimental.pallas import tpu_sc as plsc

BATCH = 16384
N_NUM = 13
SEQ = 50
VOCAB = 100000
DIM = 16
MAX_NORM = 5.0
BN_EPS = 1e-5

NC = 2
NS = 16
NW = NC * NS
B = BATCH * SEQ
B_PER_W = B // NW
CHUNK = 320
N_CHUNKS = B_PER_W // CHUNK

ROWS_PER_LINE = 128 // DIM
LINES = VOCAB // ROWS_PER_LINE


def _bn_body(x_ref, g_ref, b_ref, o_ref):
    x = x_ref[...]
    mean = jnp.mean(x, axis=0, keepdims=True)
    xc = x - mean
    var = jnp.mean(xc * xc, axis=0, keepdims=True)
    inv = lax.rsqrt(var + BN_EPS)
    o_ref[...] = xc * inv * g_ref[...] + b_ref[...]


def _batchnorm(numeric, gamma, beta):
    return pl.pallas_call(
        _bn_body,
        out_shape=jax.ShapeDtypeStruct((BATCH, N_NUM), jnp.float32),
    )(numeric, gamma.reshape(1, N_NUM), beta.reshape(1, N_NUM))


_SEG = np.zeros((128, ROWS_PER_LINE), dtype=np.float32)
for _c in range(128):
    _SEG[_c, _c // DIM] = 1.0
_SEG_T = _SEG.T.copy()


def _scale_body(seg_ref, seg_t_ref, t_ref, o_ref):
    x = t_ref[...]
    n2 = lax.dot(x * x, seg_ref[...], preferred_element_type=jnp.float32)
    n = jnp.sqrt(n2)
    s8 = jnp.minimum(1.0, MAX_NORM / jnp.maximum(n, 1e-12))
    s = lax.dot(s8, seg_t_ref[...], preferred_element_type=jnp.float32)
    o_ref[...] = x * s


def _scale_tables(tables128):
    call = pl.pallas_call(
        _scale_body,
        out_shape=jax.ShapeDtypeStruct((LINES, 128), jnp.float32),
    )
    seg = jnp.asarray(_SEG)
    seg_t = jnp.asarray(_SEG_T)
    return [call(seg, seg_t, t) for t in tables128]


OUT_LINES = B * DIM // 128
LINES_PER_CHUNK = CHUNK * DIM // 128


def _gather4(tables128, indices):
    mesh = plsc.VectorSubcoreMesh(core_axis_name="c", subcore_axis_name="s")
    cp = pltpu.CompilerParams()
    if "needs_layout_passes" in pltpu.CompilerParams.__dataclass_fields__:
        cp = dataclasses.replace(cp, needs_layout_passes=False)

    @functools.partial(
        pl.kernel,
        mesh=mesh,
        compiler_params=cp,
        out_type=[jax.ShapeDtypeStruct((OUT_LINES, 128), jnp.float32)] * 4,
        scratch_types=[
            pltpu.VMEM((B_PER_W,), jnp.int32),
            pltpu.VMEM((CHUNK,), jnp.int32),
            pltpu.VMEM((CHUNK,), jnp.int32),
            pltpu.VMEM((CHUNK, 128), jnp.float32),
            pltpu.VMEM((CHUNK, 128), jnp.float32),
            pltpu.VMEM((LINES_PER_CHUNK, 128), jnp.float32),
            pltpu.SemaphoreType.DMA,
            pltpu.SemaphoreType.DMA,
        ],
    )
    def k(t0, t1, t2, t3, i0, i1, i2, i3, o0, o1, o2, o3,
          idxt_v, sup0_v, sup1_v, rows0_v, rows1_v, out_v, sem0, sem1):
        wid = lax.axis_index("s") * NC + lax.axis_index("c")
        base0 = wid * B_PER_W
        lane = lax.iota(jnp.int32, DIM)

        for t_hbm, i_hbm, o_hbm in ((t0, i0, o0), (t1, i1, o1),
                                    (t2, i2, o2), (t3, i3, o3)):
            pltpu.sync_copy(i_hbm.at[pl.ds(base0, B_PER_W)], idxt_v)

            def prep(c, sup_v, rows_v, sem, t_hbm=t_hbm):
                @pl.loop(0, CHUNK, step=DIM)
                def _(j):
                    sup_v[pl.ds(j, DIM)] = \
                        idxt_v[pl.ds(c * CHUNK + j, DIM)] >> 3
                pltpu.make_async_copy(t_hbm.at[sup_v], rows_v, sem).start()

            def drain(c, rows_v, sem, o_hbm=o_hbm, t_hbm=t_hbm):
                sup = sup0_v if rows_v is rows0_v else sup1_v
                pltpu.make_async_copy(t_hbm.at[sup], rows_v, sem).wait()

                @pl.loop(0, CHUNK, step=DIM)
                def _(j):
                    idxv = idxt_v[pl.ds(c * CHUNK + j, DIM)]
                    rowv = j + lane
                    colv = (idxv & 7) * DIM
                    addrv = rowv * DIM
                    for m in range(DIM):
                        vals = plsc.load_gather(rows_v, [rowv, colv + m])
                        a = addrv + m
                        plsc.store_scatter(out_v, [a >> 7, a & 127], vals)

                line0 = pl.multiple_of(
                    (base0 + c * CHUNK) * DIM // 128, 8)
                pltpu.sync_copy(
                    out_v, o_hbm.at[pl.ds(line0, LINES_PER_CHUNK), :])

            prep(0, sup0_v, rows0_v, sem0)

            @pl.loop(0, N_CHUNKS, step=2)
            def _(c, prep=prep, drain=drain):
                prep(c + 1, sup1_v, rows1_v, sem1)
                drain(c, rows0_v, sem0)

                @pl.when(c + 2 < N_CHUNKS)
                def _():
                    prep(c + 2, sup0_v, rows0_v, sem0)

                drain(c + 1, rows1_v, sem1)

    return k(*tables128, *indices)


def kernel(numeric, categorical, text_0, text_1, text_2, text_3,
           gamma, beta, table_0, table_1, table_2, table_3):
    numeric_out = _batchnorm(numeric, gamma, beta)
    t128 = [t.reshape(LINES, 128)
            for t in (table_0, table_1, table_2, table_3)]
    scaled = _scale_tables(t128)
    idx = [t.reshape(-1).astype(jnp.int32)
           for t in (text_0, text_1, text_2, text_3)]
    outs = _gather4(scaled, idx)
    embs = [o.reshape(BATCH, SEQ, DIM) for o in outs]
    return (numeric_out, categorical, embs[0], embs[1], embs[2], embs[3])

# --- scband reference (transcript-rebuilt; emitter-appended) ---
"""Pipeline reference for scband-basic-input-layer-24824910971486 (READ-ONLY COPY).

The authoritative reference and input builder live on the scoring server;
editing this copy changes nothing except your own understanding.
"""

import jax, jax.numpy as jnp
import numpy as np

BATCH = 16384
N_NUM = 13
N_CAT = 26
SEQ = 50
VOCAB = 100000
DIM = 16
MAX_NORM = 5.0
PAD = 0
BN_EPS = 1e-5


def setup_inputs(seed: int = 0) -> dict:
    key = jax.random.key(seed)
    ks = jax.random.split(key, 12)
    numeric = jax.random.normal(ks[0], (BATCH, N_NUM), dtype=jnp.float32)
    categorical = jax.random.randint(ks[1], (BATCH, N_CAT), 0, 1000, dtype=jnp.int64)
    text_0 = jax.random.randint(ks[2], (BATCH, SEQ), 0, VOCAB, dtype=jnp.int64)
    text_1 = jax.random.randint(ks[3], (BATCH, SEQ), 0, VOCAB, dtype=jnp.int64)
    text_2 = jax.random.randint(ks[4], (BATCH, SEQ), 0, VOCAB, dtype=jnp.int64)
    text_3 = jax.random.randint(ks[5], (BATCH, SEQ), 0, VOCAB, dtype=jnp.int64)
    # embedding tables (torch nn.Embedding init: N(0,1)); padding row zeroed
    def make_table(k):
        t = jax.random.normal(k, (VOCAB, DIM), dtype=jnp.float32)
        return t.at[PAD].set(0.0)
    table_0 = make_table(ks[6])
    table_1 = make_table(ks[7])
    table_2 = make_table(ks[8])
    table_3 = make_table(ks[9])
    gamma = jnp.ones((N_NUM,), dtype=jnp.float32)
    beta = jnp.zeros((N_NUM,), dtype=jnp.float32)
    return {
        "numeric": numeric,
        "categorical": categorical,
        "text_0": text_0,
        "text_1": text_1,
        "text_2": text_2,
        "text_3": text_3,
        "gamma": gamma,
        "beta": beta,
        "table_0": table_0,
        "table_1": table_1,
        "table_2": table_2,
        "table_3": table_3,
    }


def _embed_max_norm(table, idx):
    # gather then renormalize rows whose L2 norm exceeds MAX_NORM
    # (matches torch nn.Embedding(max_norm=...) forward semantics)
    e = jnp.take(table, idx, axis=0)
    n = jnp.linalg.norm(e, axis=-1, keepdims=True)
    scale = jnp.where(n > MAX_NORM, MAX_NORM / jnp.maximum(n, 1e-12), 1.0)
    return e * scale


def reference(numeric, categorical, text_0, text_1, text_2, text_3,
              gamma, beta, table_0, table_1, table_2, table_3):
    # BatchNorm1d in training mode: batch statistics (biased variance)
    mean = jnp.mean(numeric, axis=0)
    var = jnp.var(numeric, axis=0)
    numeric_out = (numeric - mean) / jnp.sqrt(var + BN_EPS) * gamma + beta
    emb_0 = _embed_max_norm(table_0, text_0)
    emb_1 = _embed_max_norm(table_1, text_1)
    emb_2 = _embed_max_norm(table_2, text_2)
    emb_3 = _embed_max_norm(table_3, text_3)
    return (numeric_out, categorical, emb_0, emb_1, emb_2, emb_3)

if __name__ == "__main__":
    import jax
    _d = setup_inputs()
    print(jax.jit(kernel)(*tuple(_d.values())))

</pallas_src>

<mosaic_0001>
#map = affine_map<(d0, d1) -> (0, 0)>
#map1 = affine_map<(d0, d1) -> (0)>
module attributes {stable_mosaic.version = 14 : i64} {
  func.func @k(%arg0: i32, %arg1: i32, %arg2: memref<12500x128xf32, #tpu.memory_space<hbm>>, %arg3: memref<12500x128xf32, #tpu.memory_space<hbm>>, %arg4: memref<12500x128xf32, #tpu.memory_space<hbm>>, %arg5: memref<12500x128xf32, #tpu.memory_space<hbm>>, %arg6: memref<819200xi32, #tpu.memory_space<hbm>>, %arg7: memref<819200xi32, #tpu.memory_space<hbm>>, %arg8: memref<819200xi32, #tpu.memory_space<hbm>>, %arg9: memref<819200xi32, #tpu.memory_space<hbm>>, %arg10: memref<102400x128xf32, #tpu.memory_space<hbm>>, %arg11: memref<102400x128xf32, #tpu.memory_space<hbm>>, %arg12: memref<102400x128xf32, #tpu.memory_space<hbm>>, %arg13: memref<102400x128xf32, #tpu.memory_space<hbm>>, %arg14: memref<25600xi32, #tpu.memory_space<vmem>>, %arg15: memref<320xi32, #tpu.memory_space<vmem>>, %arg16: memref<320xi32, #tpu.memory_space<vmem>>, %arg17: memref<320x128xf32, #tpu.memory_space<vmem>>, %arg18: memref<320x128xf32, #tpu.memory_space<vmem>>, %arg19: memref<40x128xf32, #tpu.memory_space<vmem>>, %arg20: memref<!tpu.dma_semaphore, #tpu.memory_space<semaphore_mem>>, %arg21: memref<!tpu.dma_semaphore, #tpu.memory_space<semaphore_mem>>) attributes {dimension_semantics = [#tpu.dimension_semantics<core_parallel>, #tpu.dimension_semantics<subcore_parallel>], iteration_bounds = array<i64: 2, 16>, scalar_prefetch = 0 : i64, scratch_operands = 8 : i64, tpu.core_type = #tpu.core_type<sc_vector_subcore>, window_params = [{transform_indices = #map}, {transform_indices = #map}, {transform_indices = #map}, {transform_indices = #map}, {transform_indices = #map1}, {transform_indices = #map1}, {transform_indices = #map1}, {transform_indices = #map1}, {transform_indices = #map}, {transform_indices = #map}, {transform_indices = #map}, {transform_indices = #map}]} {
    %mul3A = arith.constant 2 : i32
    %mul3A_0 = arith.muli %arg1, %mul3A : i32
    %add3A = arith.addi %mul3A_0, %arg0 : i32
    %mul3A_1 = arith.constant 25600 : i32
    %mul3A_2 = arith.muli %add3A, %mul3A_1 : i32
    %iota3A = tpu.iota {dimensions = array<i32: 0>} : vector<16xi32>
    "tpu.region"() ({
      %run_scoped3A = tpu.sem_alloc : memref<!tpu.dma_semaphore, #tpu.memory_space<semaphore_mem>>
      %dma_start3A_53 = tpu.memref_slice %arg6[%mul3A_2] : memref<819200xi32, #tpu.memory_space<hbm>> -> memref<25600xi32, #tpu.memory_space<hbm>>
      %dma_start3A_54 = tpu.memref_slice %arg6[%mul3A_2] : memref<819200xi32, #tpu.memory_space<hbm>> -> memref<25600xi32, #tpu.memory_space<hbm>>
      tpu.enqueue_dma source(%dma_start3A_54 : memref<25600xi32, #tpu.memory_space<hbm>>) target(%arg14 : memref<25600xi32, #tpu.memory_space<vmem>>) target_semaphore(%run_scoped3A : memref<!tpu.dma_semaphore, #tpu.memory_space<semaphore_mem>>)
      %dma_wait3A = tpu.memref_slice %arg6[%mul3A_2] : memref<819200xi32, #tpu.memory_space<hbm>> -> memref<25600xi32, #tpu.memory_space<hbm>>
      %dma_wait3A_55 = tpu.memref_slice %arg6[%mul3A_2] : memref<819200xi32, #tpu.memory_space<hbm>> -> memref<25600xi32, #tpu.memory_space<hbm>>
      tpu.wait_dma2 semaphore(%run_scoped3A : memref<!tpu.dma_semaphore, #tpu.memory_space<semaphore_mem>>) src(%dma_wait3A_55 : memref<25600xi32, #tpu.memory_space<hbm>>) dst(%arg14 : memref<25600xi32, #tpu.memory_space<vmem>>)
      tpu.yield
    }) : () -> ()
    %scan3A = arith.constant 0 : i32
    %scan3A_3 = arith.constant 20 : i32
    %scan3A_4 = arith.addi %scan3A, %scan3A_3 : i32
    %scan3A_5 = arith.constant 1 : i32
    scf.for %scan3A_53 = %scan3A to %scan3A_4 step %scan3A_5  : i32 {
      %mul3A_54 = arith.constant 16 : i32
      %mul3A_55 = arith.muli %scan3A_53, %mul3A_54 : i32
      %add3A_56 = arith.constant 0 : i32
      %add3A_57 = arith.addi %add3A_56, %mul3A_55 : i32
      %add3A_58 = arith.constant 0 : i32
      %add3A_59 = arith.addi %add3A_58, %add3A_57 : i32
      %get3A = arith.index_cast %add3A_59 : i32 to index
      %get3A_60 = tpu.vector_load %arg14[%get3A] {strides = array<i32>} : memref<25600xi32, #tpu.memory_space<vmem>>, vector<16xi32>,
      %shift_right_arithmetic3A = arith.constant 3 : i32
      %shift_right_arithmetic3A_61 = vector.broadcast %shift_right_arithmetic3A : i32 to vector<16xi32>
      %shift_right_arithmetic3A_62 = arith.shrsi %get3A_60, %shift_right_arithmetic3A_61 : vector<16xi32>
      %swap3A = arith.index_cast %add3A_57 : i32 to index
      %swap3A_63 = tpu.vector_load %arg15[%swap3A] {strides = array<i32>} : memref<320xi32, #tpu.memory_space<vmem>>, vector<16xi32>,
      tpu.vector_store %arg15[%swap3A], %shift_right_arithmetic3A_62 {strides = array<i32>} : memref<320xi32, #tpu.memory_space<vmem>>, vector<16xi32>,
    }
    %scan3A_6 = arith.constant 20 : i32
    %dma_start3A = arith.constant 0 : i32
    %dma_start3A_7 = arith.constant 0 : i32
    %dma_start3A_8 = tpu.memref_slice %arg2[%dma_start3A, %dma_start3A_7] : memref<12500x128xf32, #tpu.memory_space<hbm>> -> memref<12500x128xf32, #tpu.memory_space<hbm>>
    tpu.enqueue_indirect_dma source(%dma_start3A_8 : memref<12500x128xf32, #tpu.memory_space<hbm>>) target(%arg17 : memref<320x128xf32, #tpu.memory_space<vmem>>) offsets(%arg15 : memref<320xi32, #tpu.memory_space<vmem>>) semaphore(%arg20 : memref<!tpu.dma_semaphore, #tpu.memory_space<semaphore_mem>>)
    %scan3A_9 = arith.constant 0 : i32
    %scan3A_10 = arith.constant 40 : i32
    %scan3A_11 = arith.addi %scan3A_9, %scan3A_10 : i32
    %scan3A_12 = arith.constant 1 : i32
    scf.for %scan3A_53 = %scan3A_9 to %scan3A_11 step %scan3A_12  : i32 {
      %mul3A_54 = arith.constant 2 : i32
      %mul3A_55 = arith.muli %scan3A_53, %mul3A_54 : i32
      %add3A_56 = arith.constant 0 : i32
      %add3A_57 = arith.addi %add3A_56, %mul3A_55 : i32
      %add3A_58 = arith.constant 1 : i32
      %add3A_59 = arith.addi %add3A_57, %add3A_58 : i32
      %scan3A_60 = arith.constant 0 : i32
      %scan3A_61 = arith.constant 20 : i32
      %scan3A_62 = arith.addi %scan3A_60, %scan3A_61 : i32
      %scan3A_63 = arith.constant 1 : i32
      scf.for %scan3A_140 = %scan3A_60 to %scan3A_62 step %scan3A_63  : i32 {
        %mul3A_141 = arith.constant 16 : i32
        %mul3A_142 = arith.muli %scan3A_140, %mul3A_141 : i32
        %add3A_143 = arith.constant 0 : i32
        %add3A_144 = arith.addi %add3A_143, %mul3A_142 : i32
        %mul3A_145 = arith.constant 320 : i32
        %mul3A_146 = arith.muli %add3A_59, %mul3A_145 : i32
        %add3A_147 = arith.addi %mul3A_146, %add3A_144 : i32
        %get3A = arith.index_cast %add3A_147 : i32 to index
        %get3A_148 = tpu.vector_load %arg14[%get3A] {strides = array<i32>} : memref<25600xi32, #tpu.memory_space<vmem>>, vector<16xi32>,
        %shift_right_arithmetic3A = arith.constant 3 : i32
        %shift_right_arithmetic3A_149 = vector.broadcast %shift_right_arithmetic3A : i32 to vector<16xi32>
        %shift_right_arithmetic3A_150 = arith.shrsi %get3A_148, %shift_right_arithmetic3A_149 : vector<16xi32>
        %swap3A = arith.index_cast %add3A_144 : i32 to index
        %swap3A_151 = tpu.vector_load %arg16[%swap3A] {strides = array<i32>} : memref<320xi32, #tpu.memory_space<vmem>>, vector<16xi32>,
        tpu.vector_store %arg16[%swap3A], %shift_right_arithmetic3A_150 {strides = array<i32>} : memref<320xi32, #tpu.memory_space<vmem>>, vector<16xi32>,
      }
      %scan3A_64 = arith.constant 20 : i32
      %dma_start3A_65 = arith.constant 0 : i32
      %dma_start3A_66 = arith.constant 0 : i32
      %dma_start3A_67 = tpu.memref_slice %arg2[%dma_start3A_65, %dma_start3A_66] : memref<12500x128xf32, #tpu.memory_space<hbm>> -> memref<12500x128xf32, #tpu.memory_space<hbm>>
      tpu.enqueue_indirect_dma source(%dma_start3A_67 : memref<12500x128xf32, #tpu.memory_space<hbm>>) target(%arg18 : memref<320x128xf32, #tpu.memory_space<vmem>>) offsets(%arg16 : memref<320xi32, #tpu.memory_space<vmem>>) semaphore(%arg21 : memref<!tpu.dma_semaphore, #tpu.memory_space<semaphore_mem>>)
      %dma_wait3A = arith.constant 0 : i32
      %dma_wait3A_68 = arith.constant 0 : i32
      %dma_wait3A_69 = tpu.memref_slice %arg2[%dma_wait3A, %dma_wait3A_68] : memref<12500x128xf32, #tpu.memory_space<hbm>> -> memref<12500x128xf32, #tpu.memory_space<hbm>>
      tpu.wait_indirect_dma semaphore(%arg20 : memref<!tpu.dma_semaphore, #tpu.memory_space<semaphore_mem>>) src(%dma_wait3A_69 : memref<12500x128xf32, #tpu.memory_space<hbm>>) dst(%arg17 : memref<320x128xf32, #tpu.memory_space<vmem>>)
      %scan3A_70 = arith.constant 0 : i32
      %scan3A_71 = arith.constant 20 : i32
      %scan3A_72 = arith.addi %scan3A_70, %scan3A_71 : i32
      %scan3A_73 = arith.constant 1 : i32
      scf.for %scan3A_140 = %scan3A_70 to %scan3A_72 step %scan3A_73  : i32 {
        %mul3A_141 = arith.constant 16 : i32
        %mul3A_142 = arith.muli %scan3A_140, %mul3A_141 : i32
        %add3A_143 = arith.constant 0 : i32
        %add3A_144 = arith.addi %add3A_143, %mul3A_142 : i32
        %mul3A_145 = arith.constant 320 : i32
        %mul3A_146 = arith.muli %add3A_57, %mul3A_145 : i32
        %add3A_147 = arith.addi %mul3A_146, %add3A_144 : i32
        %get3A = arith.index_cast %add3A_147 : i32 to index
        %get3A_148 = tpu.vector_load %arg14[%get3A] {strides = array<i32>} : memref<25600xi32, #tpu.memory_space<vmem>>, vector<16xi32>,
        %add3A_149 = vector.broadcast %add3A_144 : i32 to vector<16xi32>
        %add3A_150 = arith.addi %add3A_149, %iota3A : vector<16xi32>
        %and3A_151 = arith.constant 7 : i32
        %and3A_152 = vector.broadcast %and3A_151 : i32 to vector<16xi32>
        %and3A_153 = arith.andi %get3A_148, %and3A_152 : vector<16xi32>
        %mul3A_154 = arith.constant 16 : i32
        %mul3A_155 = vector.broadcast %mul3A_154 : i32 to vector<16xi32>
        %mul3A_156 = arith.muli %and3A_153, %mul3A_155 : vector<16xi32>
        %mul3A_157 = arith.constant 16 : i32
        %mul3A_158 = vector.broadcast %mul3A_157 : i32 to vector<16xi32>
        %mul3A_159 = arith.muli %add3A_150, %mul3A_158 : vector<16xi32>
        %add3A_160 = arith.constant 0 : i32
        %add3A_161 = vector.broadcast %add3A_160 : i32 to vector<16xi32>
        %add3A_162 = arith.addi %mul3A_156, %add3A_161 : vector<16xi32>
        %gather3A = tpu.vector_load_idx %arg17[%add3A_150, %add3A_162] : memref<320x128xf32, #tpu.memory_space<vmem>>[vector<16xi32>, vector<16xi32>], vector<16xf32>,
        %add3A_163 = arith.constant 0 : i32
        %add3A_164 = vector.broadcast %add3A_163 : i32 to vector<16xi32>
        %add3A_165 = arith.addi %mul3A_159, %add3A_164 : vector<16xi32>
        %shift_right_arithmetic3A = arith.constant 7 : i32
        %shift_right_arithmetic3A_166 = vector.broadcast %shift_right_arithmetic3A : i32 to vector<16xi32>
        %shift_right_arithmetic3A_167 = arith.shrsi %add3A_165, %shift_right_arithmetic3A_166 : vector<16xi32>
        %and3A_168 = arith.constant 127 : i32
        %and3A_169 = vector.broadcast %and3A_168 : i32 to vector<16xi32>
        %and3A_170 = arith.andi %add3A_165, %and3A_169 : vector<16xi32>
        tpu.vector_store_idx %arg19[%shift_right_arithmetic3A_167, %and3A_170], %gather3A : memref<40x128xf32, #tpu.memory_space<vmem>>[vector<16xi32>, vector<16xi32>], vector<16xf32>,
        %add3A_171 = arith.constant 1 : i32
        %add3A_172 = vector.broadcast %add3A_171 : i32 to vector<16xi32>
        %add3A_173 = arith.addi %mul3A_156, %add3A_172 : vector<16xi32>
        %gather3A_174 = tpu.vector_load_idx %arg17[%add3A_150, %add3A_173] : memref<320x128xf32, #tpu.memory_space<vmem>>[vector<16xi32>, vector<16xi32>], vector<16xf32>,
        %add3A_175 = arith.constant 1 : i32
        %add3A_176 = vector.broadcast %add3A_175 : i32 to vector<16xi32>
        %add3A_177 = arith.addi %mul3A_159, %add3A_176 : vector<16xi32>
        %shift_right_arithmetic3A_178 = arith.constant 7 : i32
        %shift_right_arithmetic3A_179 = vector.broadcast %shift_right_arithmetic3A_178 : i32 to vector<16xi32>
        %shift_right_arithmetic3A_180 = arith.shrsi %add3A_177, %shift_right_arithmetic3A_179 : vector<16xi32>
        %and3A_181 = arith.constant 127 : i32
        %and3A_182 = vector.broadcast %and3A_181 : i32 to vector<16xi32>
        %and3A_183 = arith.andi %add3A_177, %and3A_182 : vector<16xi32>
        tpu.vector_store_idx %arg19[%shift_right_arithmetic3A_180, %and3A_183], %gather3A_174 : memref<40x128xf32, #tpu.memory_space<vmem>>[vector<16xi32>, vector<16xi32>], vector<16xf32>,
        %add3A_184 = arith.constant 2 : i32
        %add3A_185 = vector.broadcast %add3A_184 : i32 to vector<16xi32>
        %add3A_186 = arith.addi %mul3A_156, %add3A_185 : vector<16xi32>
        %gather3A_187 = tpu.vector_load_idx %arg17[%add3A_150, %add3A_186] : memref<320x128xf32, #tpu.memory_space<vmem>>[vector<16xi32>, vector<16xi32>], vector<16xf32>,
        %add3A_188 = arith.constant 2 : i32
        %add3A_189 = vector.broadcast %add3A_188 : i32 to vector<16xi32>
        %add3A_190 = arith.addi %mul3A_159, %add3A_189 : vector<16xi32>
        %shift_right_arithmetic3A_191 = arith.constant 7 : i32
        %shift_right_arithmetic3A_192 = vector.broadcast %shift_right_arithmetic3A_191 : i32 to vector<16xi32>
        %shift_right_arithmetic3A_193 = arith.shrsi %add3A_190, %shift_right_arithmetic3A_192 : vector<16xi32>
        %and3A_194 = arith.constant 127 : i32
        %and3A_195 = vector.broadcast %and3A_194 : i32 to vector<16xi32>
        %and3A_196 = arith.andi %add3A_190, %and3A_195 : vector<16xi32>
        tpu.vector_store_idx %arg19[%shift_right_arithmetic3A_193, %and3A_196], %gather3A_187 : memref<40x128xf32, #tpu.memory_space<vmem>>[vector<16xi32>, vector<16xi32>], vector<16xf32>,
        %add3A_197 = arith.constant 3 : i32
        %add3A_198 = vector.broadcast %add3A_197 : i32 to vector<16xi32>
        %add3A_199 = arith.addi %mul3A_156, %add3A_198 : vector<16xi32>
        %gather3A_200 = tpu.vector_load_idx %arg17[%add3A_150, %add3A_199] : memref<320x128xf32, #tpu.memory_space<vmem>>[vector<16xi32>, vector<16xi32>], vector<16xf32>,
        %add3A_201 = arith.constant 3 : i32
        %add3A_202 = vector.broadcast %add3A_201 : i32 to vector<16xi32>
        %add3A_203 = arith.addi %mul3A_159, %add3A_202 : vector<16xi32>
        %shift_right_arithmetic3A_204 = arith.constant 7 : i32
        %shift_right_arithmetic3A_205 = vector.broadcast %shift_right_arithmetic3A_204 : i32 to vector<16xi32>
        %shift_right_arithmetic3A_206 = arith.shrsi %add3A_203, %shift_right_arithmetic3A_205 : vector<16xi32>
        %and3A_207 = arith.constant 127 : i32
        %and3A_208 = vector.broadcast %and3A_207 : i32 to vector<16xi32>
        %and3A_209 = arith.andi %add3A_203, %and3A_208 : vector<16xi32>
        tpu.vector_store_idx %arg19[%shift_right_arithmetic3A_206, %and3A_209], %gather3A_200 : memref<40x128xf32, #tpu.memory_space<vmem>>[vector<16xi32>, vector<16xi32>], vector<16xf32>,
        %add3A_210 = arith.constant 4 : i32
        %add3A_211 = vector.broadcast %add3A_210 : i32 to vector<16xi32>
        %add3A_212 = arith.addi %mul3A_156, %add3A_211 : vector<16xi32>
        %gather3A_213 = tpu.vector_load_idx %arg17[%add3A_150, %add3A_212] : memref<320x128xf32, #tpu.memory_space<vmem>>[vector<16xi32>, vector<16xi32>], vector<16xf32>,
        %add3A_214 = arith.constant 4 : i32
        %add3A_215 = vector.broadcast %add3A_214 : i32 to vector<16xi32>
        %add3A_216 = arith.addi %mul3A_159, %add3A_215 : vector<16xi32>
        %shift_right_arithmetic3A_217 = arith.constant 7 : i32
        %shift_right_arithmetic3A_218 = vector.broadcast %shift_right_arithmetic3A_217 : i32 to vector<16xi32>
        %shift_right_arithmetic3A_219 = arith.shrsi %add3A_216, %shift_right_arithmetic3A_218 : vector<16xi32>
        %and3A_220 = arith.constant 127 : i32
        %and3A_221 = vector.broadcast %and3A_220 : i32 to vector<16xi32>
        %and3A_222 = arith.andi %add3A_216, %and3A_221 : vector<16xi32>
        tpu.vector_store_idx %arg19[%shift_right_arithmetic3A_219, %and3A_222], %gather3A_213 : memref<40x128xf32, #tpu.memory_space<vmem>>[vector<16xi32>, vector<16xi32>], vector<16xf32>,
        %add3A_223 = arith.constant 5 : i32
        %add3A_224 = vector.broadcast %add3A_223 : i32 to vector<16xi32>
        %add3A_225 = arith.addi %mul3A_156, %add3A_224 : vector<16xi32>
        %gather3A_226 = tpu.vector_load_idx %arg17[%add3A_150, %add3A_225] : memref<320x128xf32, #tpu.memory_space<vmem>>[vector<16xi32>, vector<16xi32>], vector<16xf32>,
        %add3A_227 = arith.constant 5 : i32
        %add3A_228 = vector.broadcast %add3A_227 : i32 to vector<16xi32>
        %add3A_229 = arith.addi %mul3A_159, %add3A_228 : vector<16xi32>
        %shift_right_arithmetic3A_230 = arith.constant 7 : i32
        %shift_right_arithmetic3A_231 = vector.broadcast %shift_right_arithmetic3A_230 : i32 to vector<16xi32>
        %shift_right_arithmetic3A_232 = arith.shrsi %add3A_229, %shift_right_arithmetic3A_231 : vector<16xi32>
        %and3A_233 = arith.constant 127 : i32
        %and3A_234 = vector.broadcast %and3A_233 : i32 to vector<16xi32>
        %and3A_235 = arith.andi %add3A_229, %and3A_234 : vector<16xi32>
        tpu.vector_store_idx %arg19[%shift_right_arithmetic3A_232, %and3A_235], %gather3A_226 : memref<40x128xf32, #tpu.memory_space<vmem>>[vector<16xi32>, vector<16xi32>], vector<16xf32>,
        %add3A_236 = arith.constant 6 : i32
        %add3A_237 = vector.broadcast %add3A_236 : i32 to vector<16xi32>
        %add3A_238 = arith.addi %mul3A_156, %add3A_237 : vector<16xi32>
        %gather3A_239 = tpu.vector_load_idx %arg17[%add3A_150, %add3A_238] : memref<320x128xf32, #tpu.memory_space<vmem>>[vector<16xi32>, vector<16xi32>], vector<16xf32>,
        %add3A_240 = arith.constant 6 : i32
        %add3A_241 = vector.broadcast %add3A_240 : i32 to vector<16xi32>
        %add3A_242 = arith.addi %mul3A_159, %add3A_241 : vector<16xi32>
        %shift_right_arithmetic3A_243 = arith.constant 7 : i32
        %shift_right_arithmetic3A_244 = vector.broadcast %shift_right_arithmetic3A_243 : i32 to vector<16xi32>
        %shift_right_arithmetic3A_245 = arith.shrsi %add3A_242, %shift_right_arithmetic3A_244 : vector<16xi32>
        %and3A_246 = arith.constant 127 : i32
        %and3A_247 = vector.broadcast %and3A_246 : i32 to vector<16xi32>
        %and3A_248 = arith.andi %add3A_242, %and3A_247 : vector<16xi32>
        tpu.vector_store_idx %arg19[%shift_right_arithmetic3A_245, %and3A_248], %gather3A_239 : memref<40x128xf32, #tpu.memory_space<vmem>>[vector<16xi32>, vector<16xi32>], vector<16xf32>,
        %add3A_249 = arith.constant 7 : i32
        %add3A_250 = vector.broadcast %add3A_249 : i32 to vector<16xi32>
        %add3A_251 = arith.addi %mul3A_156, %add3A_250 : vector<16xi32>
        %gather3A_252 = tpu.vector_load_idx %arg17[%add3A_150, %add3A_251] : memref<320x128xf32, #tpu.memory_space<vmem>>[vector<16xi32>, vector<16xi32>], vector<16xf32>,
        %add3A_253 = arith.constant 7 : i32
        %add3A_254 = vector.broadcast %add3A_253 : i32 to vector<16xi32>
        %add3A_255 = arith.addi %mul3A_159, %add3A_254 : vector<16xi32>
        %shift_right_arithmetic3A_256 = arith.constant 7 : i32
        %shift_right_arithmetic3A_257 = vector.broadcast %shift_right_arithmetic3A_256 : i32 to vector<16xi32>
        %shift_right_arithmetic3A_258 = arith.shrsi %add3A_255, %shift_right_arithmetic3A_257 : vector<16xi32>
        %and3A_259 = arith.constant 127 : i32
        %and3A_260 = vector.broadcast %and3A_259 : i32 to vector<16xi32>
        %and3A_261 = arith.andi %add3A_255, %and3A_260 : vector<16xi32>
        tpu.vector_store_idx %arg19[%shift_right_arithmetic3A_258, %and3A_261], %gather3A_252 : memref<40x128xf32, #tpu.memory_space<vmem>>[vector<16xi32>, vector<16xi32>], vector<16xf32>,
        %add3A_262 = arith.constant 8 : i32
        %add3A_263 = vector.broadcast %add3A_262 : i32 to vector<16xi32>
        %add3A_264 = arith.addi %mul3A_156, %add3A_263 : vector<16xi32>
        %gather3A_265 = tpu.vector_load_idx %arg17[%add3A_150, %add3A_264] : memref<320x128xf32, #tpu.memory_space<vmem>>[vector<16xi32>, vector<16xi32>], vector<16xf32>,
        %add3A_266 = arith.constant 8 : i32
        %add3A_267 = vector.broadcast %add3A_266 : i32 to vector<16xi32>
        %add3A_268 = arith.addi %mul3A_159, %add3A_267 : vector<16xi32>
        %shift_right_arithmetic3A_269 = arith.constant 7 : i32
        %shift_right_arithmetic3A_270 = vector.broadcast %shift_right_arithmetic3A_269 : i32 to vector<16xi32>
        %shift_right_arithmetic3A_271 = arith.shrsi %add3A_268, %shift_right_arithmetic3A_270 : vector<16xi32>
        %and3A_272 = arith.constant 127 : i32
        %and3A_273 = vector.broadcast %and3A_272 : i32 to vector<16xi32>
        %and3A_274 = arith.andi %add3A_268, %and3A_273 : vector<16xi32>
        tpu.vector_store_idx %arg19[%shift_right_arithmetic3A_271, %and3A_274], %gather3A_265 : memref<40x128xf32, #tpu.memory_space<vmem>>[vector<16xi32>, vector<16xi32>], vector<16xf32>,
        %add3A_275 = arith.constant 9 : i32
        %add3A_276 = vector.broadcast %add3A_275 : i32 to vector<16xi32>
        %add3A_277 = arith.addi %mul3A_156, %add3A_276 : vector<16xi32>
        %gather3A_278 = tpu.vector_load_idx %arg17[%add3A_150, %add3A_277] : memref<320x128xf32, #tpu.memory_space<vmem>>[vector<16xi32>, vector<16xi32>], vector<16xf32>,
        %add3A_279 = arith.constant 9 : i32
        %add3A_280 = vector.broadcast %add3A_279 : i32 to vector<16xi32>
        %add3A_281 = arith.addi %mul3A_159, %add3A_280 : vector<16xi32>
        %shift_right_arithmetic3A_282 = arith.constant 7 : i32
        %shift_right_arithmetic3A_283 = vector.broadcast %shift_right_arithmetic3A_282 : i32 to vector<16xi32>
        %shift_right_arithmetic3A_284 = arith.shrsi %add3A_281, %shift_right_arithmetic3A_283 : vector<16xi32>
        %and3A_285 = arith.constant 127 : i32
        %and3A_286 = vector.broadcast %and3A_285 : i32 to vector<16xi32>
        %and3A_287 = arith.andi %add3A_281, %and3A_286 : vector<16xi32>
        tpu.vector_store_idx %arg19[%shift_right_arithmetic3A_284, %and3A_287], %gather3A_278 : memref<40x128xf32, #tpu.memory_space<vmem>>[vector<16xi32>, vector<16xi32>], vector<16xf32>,
        %add3A_288 = arith.constant 10 : i32
        %add3A_289 = vector.broadcast %add3A_288 : i32 to vector<16xi32>
        %add3A_290 = arith.addi %mul3A_156, %add3A_289 : vector<16xi32>
        %gather3A_291 = tpu.vector_load_idx %arg17[%add3A_150, %add3A_290] : memref<320x128xf32, #tpu.memory_space<vmem>>[vector<16xi32>, vector<16xi32>], vector<16xf32>,
        %add3A_292 = arith.constant 10 : i32
        %add3A_293 = vector.broadcast %add3A_292 : i32 to vector<16xi32>
        %add3A_294 = arith.addi %mul3A_159, %add3A_293 : vector<16xi32>
        %shift_right_arithmetic3A_295 = arith.constant 7 : i32
        %shift_right_arithmetic3A_296 = vector.broadcast %shift_right_arithmetic3A_295 : i32 to vector<16xi32>
        %shift_right_arithmetic3A_297 = arith.shrsi %add3A_294, %shift_right_arithmetic3A_296 : vector<16xi32>
        %and3A_298 = arith.constant 127 : i32
        %and3A_299 = vector.broadcast %and3A_298 : i32 to vector<16xi32>
        %and3A_300 = arith.andi %add3A_294, %and3A_299 : vector<16xi32>
        tpu.vector_store_idx %arg19[%shift_right_arithmetic3A_297, %and3A_300], %gather3A_291 : memref<40x128xf32, #tpu.memory_space<vmem>>[vector<16xi32>, vector<16xi32>], vector<16xf32>,
        %add3A_301 = arith.constant 11 : i32
        %add3A_302 = vector.broadcast %add3A_301 : i32 to vector<16xi32>
        %add3A_303 = arith.addi %mul3A_156, %add3A_302 : vector<16xi32>
        %gather3A_304 = tpu.vector_load_idx %arg17[%add3A_150, %add3A_303] : memref<320x128xf32, #tpu.memory_space<vmem>>[vector<16xi32>, vector<16xi32>], vector<16xf32>,
        %add3A_305 = arith.constant 11 : i32
        %add3A_306 = vector.broadcast %add3A_305 : i32 to vector<16xi32>
        %add3A_307 = arith.addi %mul3A_159, %add3A_306 : vector<16xi32>
        %shift_right_arithmetic3A_308 = arith.constant 7 : i32
        %shift_right_arithmetic3A_309 = vector.broadcast %shift_right_arithmetic3A_308 : i32 to vector<16xi32>
        %shift_right_arithmetic3A_310 = arith.shrsi %add3A_307, %shift_right_arithmetic3A_309 : vector<16xi32>
        %and3A_311 = arith.constant 127 : i32
        %and3A_312 = vector.broadcast %and3A_311 : i32 to vector<16xi32>
        %and3A_313 = arith.andi %add3A_307, %and3A_312 : vector<16xi32>
        tpu.vector_store_idx %arg19[%shift_right_arithmetic3A_310, %and3A_313], %gather3A_304 : memref<40x128xf32, #tpu.memory_space<vmem>>[vector<16xi32>, vector<16xi32>], vector<16xf32>,
        %add3A_314 = arith.constant 12 : i32
        %add3A_315 = vector.broadcast %add3A_314 : i32 to vector<16xi32>
        %add3A_316 = arith.addi %mul3A_156, %add3A_315 : vector<16xi32>
        %gather3A_317 = tpu.vector_load_idx %arg17[%add3A_150, %add3A_316] : memref<320x128xf32, #tpu.memory_space<vmem>>[vector<16xi32>, vector<16xi32>], vector<16xf32>,
        %add3A_318 = arith.constant 12 : i32
        %add3A_319 = vector.broadcast %add3A_318 : i32 to vector<16xi32>
        %add3A_320 = arith.addi %mul3A_159, %add3A_319 : vector<16xi32>
        %shift_right_arithmetic3A_321 = arith.constant 7 : i32
        %shift_right_arithmetic3A_322 = vector.broadcast %shift_right_arithmetic3A_321 : i32 to vector<16xi32>
        %shift_right_arithmetic3A_323 = arith.shrsi %add3A_320, %shift_right_arithmetic3A_322 : vector<16xi32>
        %and3A_324 = arith.constant 127 : i32
        %and3A_325 = vector.broadcast %and3A_324 : i32 to vector<16xi32>
        %and3A_326 = arith.andi %add3A_320, %and3A_325 : vector<16xi32>
        tpu.vector_store_idx %arg19[%shift_right_arithmetic3A_323, %and3A_326], %gather3A_317 : memref<40x128xf32, #tpu.memory_space<vmem>>[vector<16xi32>, vector<16xi32>], vector<16xf32>,
        %add3A_327 = arith.constant 13 : i32
        %add3A_328 = vector.broadcast %add3A_327 : i32 to vector<16xi32>
        %add3A_329 = arith.addi %mul3A_156, %add3A_328 : vector<16xi32>
        %gather3A_330 = tpu.vector_load_idx %arg17[%add3A_150, %add3A_329] : memref<320x128xf32, #tpu.memory_space<vmem>>[vector<16xi32>, vector<16xi32>], vector<16xf32>,
        %add3A_331 = arith.constant 13 : i32
        %add3A_332 = vector.broadcast %add3A_331 : i32 to vector<16xi32>
        %add3A_333 = arith.addi %mul3A_159, %add3A_332 : vector<16xi32>
        %shift_right_arithmetic3A_334 = arith.constant 7 : i32
        %shift_right_arithmetic3A_335 = vector.broadcast %shift_right_arithmetic3A_334 : i32 to vector<16xi32>
        %shift_right_arithmetic3A_336 = arith.shrsi %add3A_333, %shift_right_arithmetic3A_335 : vector<16xi32>
        %and3A_337 = arith.constant 127 : i32
        %and3A_338 = vector.broadcast %and3A_337 : i32 to vector<16xi32>
        %and3A_339 = arith.andi %add3A_333, %and3A_338 : vector<16xi32>
        tpu.vector_store_idx %arg19[%shift_right_arithmetic3A_336, %and3A_339], %gather3A_330 : memref<40x128xf32, #tpu.memory_space<vmem>>[vector<16xi32>, vector<16xi32>], vector<16xf32>,
        %add3A_340 = arith.constant 14 : i32
        %add3A_341 = vector.broadcast %add3A_340 : i32 to vector<16xi32>
        %add3A_342 = arith.addi %mul3A_156, %add3A_341 : vector<16xi32>
        %gather3A_343 = tpu.vector_load_idx %arg17[%add3A_150, %add3A_342] : memref<320x128xf32, #tpu.memory_space<vmem>>[vector<16xi32>, vector<16xi32>], vector<16xf32>,
        %add3A_344 = arith.constant 14 : i32
        %add3A_345 = vector.broadcast %add3A_344 : i32 to vector<16xi32>
        %add3A_346 = arith.addi %mul3A_159, %add3A_345 : vector<16xi32>
        %shift_right_arithmetic3A_347 = arith.constant 7 : i32
        %shift_right_arithmetic3A_348 = vector.broadcast %shift_right_arithmetic3A_347 : i32 to vector<16xi32>
        %shift_right_arithmetic3A_349 = arith.shrsi %add3A_346, %shift_right_arithmetic3A_348 : vector<16xi32>
        %and3A_350 = arith.constant 127 : i32
        %and3A_351 = vector.broadcast %and3A_350 : i32 to vector<16xi32>
        %and3A_352 = arith.andi %add3A_346, %and3A_351 : vector<16xi32>
        tpu.vector_store_idx %arg19[%shift_right_arithmetic3A_349, %and3A_352], %gather3A_343 : memref<40x128xf32, #tpu.memory_space<vmem>>[vector<16xi32>, vector<16xi32>], vector<16xf32>,
        %add3A_353 = arith.constant 15 : i32
        %add3A_354 = vector.broadcast %add3A_353 : i32 to vector<16xi32>
        %add3A_355 = arith.addi %mul3A_156, %add3A_354 : vector<16xi32>
        %gather3A_356 = tpu.vector_load_idx %arg17[%add3A_150, %add3A_355] : memref<320x128xf32, #tpu.memory_space<vmem>>[vector<16xi32>, vector<16xi32>], vector<16xf32>,
        %add3A_357 = arith.constant 15 : i32
        %add3A_358 = vector.broadcast %add3A_357 : i32 to vector<16xi32>
        %add3A_359 = arith.addi %mul3A_159, %add3A_358 : vector<16xi32>
        %shift_right_arithmetic3A_360 = arith.constant 7 : i32
        %shift_right_arithmetic3A_361 = vector.broadcast %shift_right_arithmetic3A_360 : i32 to vector<16xi32>
        %shift_right_arithmetic3A_362 = arith.shrsi %add3A_359, %shift_right_arithmetic3A_361 : vector<16xi32>
        %and3A_363 = arith.constant 127 : i32
        %and3A_364 = vector.broadcast %and3A_363 : i32 to vector<16xi32>
        %and3A_365 = arith.andi %add3A_359, %and3A_364 : vector<16xi32>
        tpu.vector_store_idx %arg19[%shift_right_arithmetic3A_362, %and3A_365], %gather3A_356 : memref<40x128xf32, #tpu.memory_space<vmem>>[vector<16xi32>, vector<16xi32>], vector<16xf32>,
      }
      %scan3A_74 = arith.constant 20 : i32
      %mul3A_75 = arith.constant 320 : i32
      %mul3A_76 = arith.muli %add3A_57, %mul3A_75 : i32
      %add3A_77 = arith.addi %mul3A_2, %mul3A_76 : i32
      %mul3A_78 = arith.constant 16 : i32
      %mul3A_79 = arith.muli %add3A_77, %mul3A_78 : i32
      %jit3A = arith.constant 128 : i32
      %div3A = arith.divsi %mul3A_79, %jit3A : i32
      %sign3A = arith.constant 0 : i32
      %sign3A_80 = arith.cmpi sgt, %mul3A_79, %sign3A : i32
      %sign3A_81 = arith.extui %sign3A_80 : i1 to i32
      %sign3A_82 = arith.constant 0 : i32
      %sign3A_83 = arith.cmpi slt, %mul3A_79, %sign3A_82 : i32
      %sign3A_84 = arith.extui %sign3A_83 : i1 to i32
      %sign3A_85 = arith.subi %sign3A_81, %sign3A_84 : i32
      %sign3A_86 = arith.constant 0 : i32
      %sign3A_87 = arith.cmpi sgt, %jit3A, %sign3A_86 : i32
      %sign3A_88 = arith.extui %sign3A_87 : i1 to i32
      %sign3A_89 = arith.constant 0 : i32
      %sign3A_90 = arith.cmpi slt, %jit3A, %sign3A_89 : i32
      %sign3A_91 = arith.extui %sign3A_90 : i1 to i32
      %sign3A_92 = arith.subi %sign3A_88, %sign3A_91 : i32
      %ne3A = arith.cmpi ne, %sign3A_85, %sign3A_92 : i32
      %rem3A = arith.remsi %mul3A_79, %jit3A : i32
      %ne3A_93 = arith.constant 0 : i32
      %ne3A_94 = arith.cmpi ne, %rem3A, %ne3A_93 : i32
      %and3A = arith.andi %ne3A, %ne3A_94 : i1
      %sub3A = arith.constant 1 : i32
      %sub3A_95 = arith.subi %div3A, %sub3A : i32
      %select_n3A = arith.select %and3A, %sub3A_95, %div3A : i32
      %multiple_of3A = tpu.assume_multiple %select_n3A, 8 : i32
      "tpu.region"() ({
        %run_scoped3A = tpu.sem_alloc : memref<!tpu.dma_semaphore, #tpu.memory_space<semaphore_mem>>
        %dma_start3A_140 = arith.constant 0 : i32
        %dma_start3A_141 = tpu.memref_slice %arg10[%multiple_of3A, %dma_start3A_140] : memref<102400x128xf32, #tpu.memory_space<hbm>> -> memref<40x128xf32, #tpu.memory_space<hbm>>
        %dma_start3A_142 = arith.constant 0 : i32
        %dma_start3A_143 = tpu.memref_slice %arg10[%multiple_of3A, %dma_start3A_142] : memref<102400x128xf32, #tpu.memory_space<hbm>> -> memref<40x128xf32, #tpu.memory_space<hbm>>
        tpu.enqueue_dma source(%arg19 : memref<40x128xf32, #tpu.memory_space<vmem>>) target(%dma_start3A_143 : memref<40x128xf32, #tpu.memory_space<hbm>>) target_semaphore(%run_scoped3A : memref<!tpu.dma_semaphore, #tpu.memory_space<semaphore_mem>>)
        %dma_wait3A_144 = arith.constant 0 : i32
        %dma_wait3A_145 = tpu.memref_slice %arg10[%multiple_of3A, %dma_wait3A_144] : memref<102400x128xf32, #tpu.memory_space<hbm>> -> memref<40x128xf32, #tpu.memory_space<hbm>>
        %dma_wait3A_146 = arith.constant 0 : i32
        %dma_wait3A_147 = tpu.memref_slice %arg10[%multiple_of3A, %dma_wait3A_146] : memref<102400x128xf32, #tpu.memory_space<hbm>> -> memref<40x128xf32, #tpu.memory_space<hbm>>
        tpu.wait_dma2 semaphore(%run_scoped3A : memref<!tpu.dma_semaphore, #tpu.memory_space<semaphore_mem>>) src(%arg19 : memref<40x128xf32, #tpu.memory_space<vmem>>) dst(%dma_wait3A_147 : memref<40x128xf32, #tpu.memory_space<hbm>>)
        tpu.yield
      }) : () -> ()
      %add3A_96 = arith.constant 2 : i32
      %add3A_97 = arith.addi %add3A_57, %add3A_96 : i32
      %lt3A = arith.constant 80 : i32
      %lt3A_98 = arith.cmpi slt, %add3A_97, %lt3A : i32
      %convert_element_type3A = arith.extui %lt3A_98 : i1 to i32
      %cond3A = arith.constant 0 : i32
      %cond3A_99 = arith.cmpi ne, %convert_element_type3A, %cond3A : i32
      scf.if %cond3A_99 {
        %add3A_140 = arith.constant 2 : i32
        %add3A_141 = arith.addi %add3A_57, %add3A_140 : i32
        %scan3A_142 = arith.constant 0 : i32
        %scan3A_143 = arith.constant 20 : i32
        %scan3A_144 = arith.addi %scan3A_142, %scan3A_143 : i32
        %scan3A_145 = arith.constant 1 : i32
        scf.for %scan3A_150 = %scan3A_142 to %scan3A_144 step %scan3A_145  : i32 {
          %mul3A_151 = arith.constant 16 : i32
          %mul3A_152 = arith.muli %scan3A_150, %mul3A_151 : i32
          %add3A_153 = arith.constant 0 : i32
          %add3A_154 = arith.addi %add3A_153, %mul3A_152 : i32
          %mul3A_155 = arith.constant 320 : i32
          %mul3A_156 = arith.muli %add3A_141, %mul3A_155 : i32
          %add3A_157 = arith.addi %mul3A_156, %add3A_154 : i32
          %get3A = arith.index_cast %add3A_157 : i32 to index
          %get3A_158 = tpu.vector_load %arg14[%get3A] {strides = array<i32>} : memref<25600xi32, #tpu.memory_space<vmem>>, vector<16xi32>,
          %shift_right_arithmetic3A = arith.constant 3 : i32
          %shift_right_arithmetic3A_159 = vector.broadcast %shift_right_arithmetic3A : i32 to vector<16xi32>
          %shift_right_arithmetic3A_160 = arith.shrsi %get3A_158, %shift_right_arithmetic3A_159 : vector<16xi32>
          %swap3A = arith.index_cast %add3A_154 : i32 to index
          %swap3A_161 = tpu.vector_load %arg15[%swap3A] {strides = array<i32>} : memref<320xi32, #tpu.memory_space<vmem>>, vector<16xi32>,
          tpu.vector_store %arg15[%swap3A], %shift_right_arithmetic3A_160 {strides = array<i32>} : memref<320xi32, #tpu.memory_space<vmem>>, vector<16xi32>,
        }
        %scan3A_146 = arith.constant 20 : i32
        %dma_start3A_147 = arith.constant 0 : i32
        %dma_start3A_148 = arith.constant 0 : i32
        %dma_start3A_149 = tpu.memref_slice %arg2[%dma_start3A_147, %dma_start3A_148] : memref<12500x128xf32, #tpu.memory_space<hbm>> -> memref<12500x128xf32, #tpu.memory_space<hbm>>
        tpu.enqueue_indirect_dma source(%dma_start3A_149 : memref<12500x128xf32, #tpu.memory_space<hbm>>) target(%arg17 : memref<320x128xf32, #tpu.memory_space<vmem>>) offsets(%arg15 : memref<320xi32, #tpu.memory_space<vmem>>) semaphore(%arg20 : memref<!tpu.dma_semaphore, #tpu.memory_space<semaphore_mem>>)
      } else {
      }
      %add3A_100 = arith.constant 1 : i32
      %add3A_101 = arith.addi %add3A_57, %add3A_100 : i32
      %dma_wait3A_102 = arith.constant 0 : i32
      %dma_wait3A_103 = arith.constant 0 : i32
      %dma_wait3A_104 = tpu.memref_slice %arg2[%dma_wait3A_102, %dma_wait3A_103] : memref<12500x128xf32, #tpu.memory_space<hbm>> -> memref<12500x128xf32, #tpu.memory_space<hbm>>
      tpu.wait_indirect_dma semaphore(%arg21 : memref<!tpu.dma_semaphore, #tpu.memory_space<semaphore_mem>>) src(%dma_wait3A_104 : memref<12500x128xf32, #tpu.memory_space<hbm>>) dst(%arg18 : memref<320x128xf32, #tpu.memory_space<vmem>>)
      %scan3A_105 = arith.constant 0 : i32
      %scan3A_106 = arith.constant 20 : i32
      %scan3A_107 = arith.addi %scan3A_105, %scan3A_106 : i32
      %scan3A_108 = arith.constant 1 : i32
      scf.for %scan3A_140 = %scan3A_105 to %scan3A_107 step %scan3A_108  : i32 {
        %mul3A_141 = arith.constant 16 : i32
        %mul3A_142 = arith.muli %scan3A_140, %mul3A_141 : i32
        %add3A_143 = arith.constant 0 : i32
        %add3A_144 = arith.addi %add3A_143, %mul3A_142 : i32
        %mul3A_145 = arith.constant 320 : i32
        %mul3A_146 = arith.muli %add3A_101, %mul3A_145 : i32
        %add3A_147 = arith.addi %mul3A_146, %add3A_144 : i32
        %get3A = arith.index_cast %add3A_147 : i32 to index
        %get3A_148 = tpu.vector_load %arg14[%get3A] {strides = array<i32>} : memref<25600xi32, #tpu.memory_space<vmem>>, vector<16xi32>,
        %add3A_149 = vector.broadcast %add3A_144 : i32 to vector<16xi32>
        %add3A_150 = arith.addi %add3A_149, %iota3A : vector<16xi32>
        %and3A_151 = arith.constant 7 : i32
        %and3A_152 = vector.broadcast %and3A_151 : i32 to vector<16xi32>
        %and3A_153 = arith.andi %get3A_148, %and3A_152 : vector<16xi32>
        %mul3A_154 = arith.constant 16 : i32
        %mul3A_155 = vector.broadcast %mul3A_154 : i32 to vector<16xi32>
        %mul3A_156 = arith.muli %and3A_153, %mul3A_155 : vector<16xi32>
        %mul3A_157 = arith.constant 16 : i32
        %mul3A_158 = vector.broadcast %mul3A_157 : i32 to vector<16xi32>
        %mul3A_159 = arith.muli %add3A_150, %mul3A_158 : vector<16xi32>
        %add3A_160 = arith.constant 0 : i32
        %add3A_161 = vector.broadcast %add3A_160 : i32 to vector<16xi32>
        %add3A_162 = arith.addi %mul3A_156, %add3A_161 : vector<16xi32>
        %gather3A = tpu.vector_load_idx %arg18[%add3A_150, %add3A_162] : memref<320x128xf32, #tpu.memory_space<vmem>>[vector<16xi32>, vector<16xi32>], vector<16xf32>,
        %add3A_163 = arith.constant 0 : i32
        %add3A_164 = vector.broadcast %add3A_163 : i32 to vector<16xi32>
        %add3A_165 = arith.addi %mul3A_159, %add3A_164 : vector<16xi32>
        %shift_right_arithmetic3A = arith.constant 7 : i32
        %shift_right_arithmetic3A_166 = vector.broadcast %shift_right_arithmetic3A : i32 to vector<16xi32>
        %shift_right_arithmetic3A_167 = arith.shrsi %add3A_165, %shift_right_arithmetic3A_166 : vector<16xi32>
        %and3A_168 = arith.constant 127 : i32
        %and3A_169 = vector.broadcast %and3A_168 : i32 to vector<16xi32>
        %and3A_170 = arith.andi %add3A_165, %and3A_169 : vector<16xi32>
        tpu.vector_store_idx %arg19[%shift_right_arithmetic3A_167, %and3A_170], %gather3A : memref<40x128xf32, #tpu.memory_space<vmem>>[vector<16xi32>, vector<16xi32>], vector<16xf32>,
        %add3A_171 = arith.constant 1 : i32
        %add3A_172 = vector.broadcast %add3A_171 : i32 to vector<16xi32>
        %add3A_173 = arith.addi %mul3A_156, %add3A_172 : vector<16xi32>
        %gather3A_174 = tpu.vector_load_idx %arg18[%add3A_150, %add3A_173] : memref<320x128xf32, #tpu.memory_space<vmem>>[vector<16xi32>, vector<16xi32>], vector<16xf32>,
        %add3A_175 = arith.constant 1 : i32
        %add3A_176 = vector.broadcast %add3A_175 : i32 to vector<16xi32>
        %add3A_177 = arith.addi %mul3A_159, %add3A_176 : vector<16xi32>
        %shift_right_arithmetic3A_178 = arith.constant 7 : i32
        %shift_right_arithmetic3A_179 = vector.broadcast %shift_right_arithmetic3A_178 : i32 to vector<16xi32>
        %shift_right_arithmetic3A_180 = arith.shrsi %add3A_177, %shift_right_arithmetic3A_179 : vector<16xi32>
        %and3A_181 = arith.constant 127 : i32
        %and3A_182 = vector.broadcast %and3A_181 : i32 to vector<16xi32>
        %and3A_183 = arith.andi %add3A_177, %and3A_182 : vector<16xi32>
        tpu.vector_store_idx %arg19[%shift_right_arithmetic3A_180, %and3A_183], %gather3A_174 : memref<40x128xf32, #tpu.memory_space<vmem>>[vector<16xi32>, vector<16xi32>], vector<16xf32>,
        %add3A_184 = arith.constant 2 : i32
        %add3A_185 = vector.broadcast %add3A_184 : i32 to vector<16xi32>
        %add3A_186 = arith.addi %mul3A_156, %add3A_185 : vector<16xi32>
        %gather3A_187 = tpu.vector_load_idx %arg18[%add3A_150, %add3A_186] : memref<320x128xf32, #tpu.memory_space<vmem>>[vector<16xi32>, vector<16xi32>], vector<16xf32>,
        %add3A_188 = arith.constant 2 : i32
        %add3A_189 = vector.broadcast %add3A_188 : i32 to vector<16xi32>
        %add3A_190 = arith.addi %mul3A_159, %add3A_189 : vector<16xi32>
        %shift_right_arithmetic3A_191 = arith.constant 7 : i32
        %shift_right_arithmetic3A_192 = vector.broadcast %shift_right_arithmetic3A_191 : i32 to vector<16xi32>
        %shift_right_arithmetic3A_193 = arith.shrsi %add3A_190, %shift_right_arithmetic3A_192 : vector<16xi32>
        %and3A_194 = arith.constant 127 : i32
        %and3A_195 = vector.broadcast %and3A_194 : i32 to vector<16xi32>
        %and3A_196 = arith.andi %add3A_190, %and3A_195 : vector<16xi32>
        tpu.vector_store_idx %arg19[%shift_right_arithmetic3A_193, %and3A_196], %gather3A_187 : memref<40x128xf32, #tpu.memory_space<vmem>>[vector<16xi32>, vector<16xi32>], vector<16xf32>,
        %add3A_197 = arith.constant 3 : i32
        %add3A_198 = vector.broadcast %add3A_197 : i32 to vector<16xi32>
        %add3A_199 = arith.addi %mul3A_156, %add3A_198 : vector<16xi32>
        %gather3A_200 = tpu.vector_load_idx %arg18[%add3A_150, %add3A_199] : memref<320x128xf32, #tpu.memory_space<vmem>>[vector<16xi32>, vector<16xi32>], vector<16xf32>,
        %add3A_201 = arith.constant 3 : i32
        %add3A_202 = vector.broadcast %add3A_201 : i32 to vector<16xi32>
        %add3A_203 = arith.addi %mul3A_159, %add3A_202 : vector<16xi32>
        %shift_right_arithmetic3A_204 = arith.constant 7 : i32
        %shift_right_arithmetic3A_205 = vector.broadcast %shift_right_arithmetic3A_204 : i32 to vector<16xi32>
        %shift_right_arithmetic3A_206 = arith.shrsi %add3A_203, %shift_right_arithmetic3A_205 : vector<16xi32>
        %and3A_207 = arith.constant 127 : i32
        %and3A_208 = vector.broadcast %and3A_207 : i32 to vector<16xi32>
        %and3A_209 = arith.andi %add3A_203, %and3A_208 : vector<16xi32>
        tpu.vector_store_idx %arg19[%shift_right_arithmetic3A_206, %and3A_209], %gather3A_200 : memref<40x128xf32, #tpu.memory_space<vmem>>[vector<16xi32>, vector<16xi32>], vector<16xf32>,
        %add3A_210 = arith.constant 4 : i32
        %add3A_211 = vector.broadcast %add3A_210 : i32 to vector<16xi32>
        %add3A_212 = arith.addi %mul3A_156, %add3A_211 : vector<16xi32>
        %gather3A_213 = tpu.vector_load_idx %arg18[%add3A_150, %add3A_212] : memref<320x128xf32, #tpu.memory_space<vmem>>[vector<16xi32>, vector<16xi32>], vector<16xf32>,
        %add3A_214 = arith.constant 4 : i32
        %add3A_215 = vector.broadcast %add3A_214 : i32 to vector<16xi32>
        %add3A_216 = arith.addi %mul3A_159, %add3A_215 : vector<16xi32>
        %shift_right_arithmetic3A_217 = arith.constant 7 : i32
        %shift_right_arithmetic3A_218 = vector.broadcast %shift_right_arithmetic3A_217 : i32 to vector<16xi32>
        %shift_right_arithmetic3A_219 = arith.shrsi %add3A_216, %shift_right_arithmetic3A_218 : vector<16xi32>
        %and3A_220 = arith.constant 127 : i32
        %and3A_221 = vector.broadcast %and3A_220 : i32 to vector<16xi32>
        %and3A_222 = arith.andi %add3A_216, %and3A_221 : vector<16xi32>
        tpu.vector_store_idx %arg19[%shift_right_arithmetic3A_219, %and3A_222], %gather3A_213 : memref<40x128xf32, #tpu.memory_space<vmem>>[vector<16xi32>, vector<16xi32>], vector<16xf32>,
        %add3A_223 = arith.constant 5 : i32
        %add3A_224 = vector.broadcast %add3A_223 : i32 to vector<16xi32>
        %add3A_225 = arith.addi %mul3A_156, %add3A_224 : vector<16xi32>
        %gather3A_226 = tpu.vector_load_idx %arg18[%add3A_150, %add3A_225] : memref<320x128xf32, #tpu.memory_space<vmem>>[vector<16xi32>, vector<16xi32>], vector<16xf32>,
        %add3A_227 = arith.constant 5 : i32
        %add3A_228 = vector.broadcast %add3A_227 : i32 to vector<16xi32>
        %add3A_229 = arith.addi %mul3A_159, %add3A_228 : vector<16xi32>
        %shift_right_arithmetic3A_230 = arith.constant 7 : i32
        %shift_right_arithmetic3A_231 = vector.broadcast %shift_right_arithmetic3A_230 : i32 to vector<16xi32>
        %shift_right_arithmetic3A_232 = arith.shrsi %add3A_229, %shift_right_arithmetic3A_231 : vector<16xi32>
        %and3A_233 = arith.constant 127 : i32
        %and3A_234 = vector.broadcast %and3A_233 : i32 to vector<16xi32>
        %and3A_235 = arith.andi %add3A_229, %and3A_234 : vector<16xi32>
        tpu.vector_store_idx %arg19[%shift_right_arithmetic3A_232, %and3A_235], %gather3A_226 : memref<40x128xf32, #tpu.memory_space<vmem>>[vector<16xi32>, vector<16xi32>], vector<16xf32>,
        %add3A_236 = arith.constant 6 : i32
        %add3A_237 = vector.broadcast %add3A_236 : i32 to vector<16xi32>
        %add3A_238 = arith.addi %mul3A_156, %add3A_237 : vector<16xi32>
        %gather3A_239 = tpu.vector_load_idx %arg18[%add3A_150, %add3A_238] : memref<320x128xf32, #tpu.memory_space<vmem>>[vector<16xi32>, vector<16xi32>], vector<16xf32>,
        %add3A_240 = arith.constant 6 : i32
        %add3A_241 = vector.broadcast %add3A_240 : i32 to vector<16xi32>
        %add3A_242 = arith.addi %mul3A_159, %add3A_241 : vector<16xi32>
        %shift_right_arithmetic3A_243 = arith.constant 7 : i32
        %shift_right_arithmetic3A_244 = vector.broadcast %shift_right_arithmetic3A_243 : i32 to vector<16xi32>
        %shift_right_arithmetic3A_245 = arith.shrsi %add3A_242, %shift_right_arithmetic3A_244 : vector<16xi32>
        %and3A_246 = arith.constant 127 : i32
        %and3A_247 = vector.broadcast %and3A_246 : i32 to vector<16xi32>
        %and3A_248 = arith.andi %add3A_242, %and3A_247 : vector<16xi32>
        tpu.vector_store_idx %arg19[%shift_right_arithmetic3A_245, %and3A_248], %gather3A_239 : memref<40x128xf32, #tpu.memory_space<vmem>>[vector<16xi32>, vector<16xi32>], vector<16xf32>,
        %add3A_249 = arith.constant 7 : i32
        %add3A_250 = vector.broadcast %add3A_249 : i32 to vector<16xi32>
        %add3A_251 = arith.addi %mul3A_156, %add3A_250 : vector<16xi32>
        %gather3A_252 = tpu.vector_load_idx %arg18[%add3A_150, %add3A_251] : memref<320x128xf32, #tpu.memory_space<vmem>>[vector<16xi32>, vector<16xi32>], vector<16xf32>,
        %add3A_253 = arith.constant 7 : i32
        %add3A_254 = vector.broadcast %add3A_253 : i32 to vector<16xi32>
        %add3A_255 = arith.addi %mul3A_159, %add3A_254 : vector<16xi32>
        %shift_right_arithmetic3A_256 = arith.constant 7 : i32
        %shift_right_arithmetic3A_257 = vector.broadcast %shift_right_arithmetic3A_256 : i32 to vector<16xi32>
        %shift_right_arithmetic3A_258 = arith.shrsi %add3A_255, %shift_right_arithmetic3A_257 : vector<16xi32>
        %and3A_259 = arith.constant 127 : i32
        %and3A_260 = vector.broadcast %and3A_259 : i32 to vector<16xi32>
        %and3A_261 = arith.andi %add3A_255, %and3A_260 : vector<16xi32>
        tpu.vector_store_idx %arg19[%shift_right_arithmetic3A_258, %and3A_261], %gather3A_252 : memref<40x128xf32, #tpu.memory_space<vmem>>[vector<16xi32>, vector<16xi32>], vector<16xf32>,
        %add3A_262 = arith.constant 8 : i32
        %add3A_263 = vector.broadcast %add3A_262 : i32 to vector<16xi32>
        %add3A_264 = arith.addi %mul3A_156, %add3A_263 : vector<16xi32>
        %gather3A_265 = tpu.vector_load_idx %arg18[%add3A_150, %add3A_264] : memref<320x128xf32, #tpu.memory_space<vmem>>[vector<16xi32>, vector<16xi32>], vector<16xf32>,
        %add3A_266 = arith.constant 8 : i32
        %add3A_267 = vector.broadcast %add3A_266 : i32 to vector<16xi32>
        %add3A_268 = arith.addi %mul3A_159, %add3A_267 : vector<16xi32>
        %shift_right_arithmetic3A_269 = arith.constant 7 : i32
        %shift_right_arithmetic3A_270 = vector.broadcast %shift_right_arithmetic3A_269 : i32 to vector<16xi32>
        %shift_right_arithmetic3A_271 = arith.shrsi %add3A_268, %shift_right_arithmetic3A_270 : vector<16xi32>
        %and3A_272 = arith.constant 127 : i32
        %and3A_273 = vector.broadcast %and3A_272 : i32 to vector<16xi32>
        %and3A_274 = arith.andi %add3A_268, %and3A_273 : vector<16xi32>
        tpu.vector_store_idx %arg19[%shift_right_arithmetic3A_271, %and3A_274], %gather3A_265 : memref<40x128xf32, #tpu.memory_space<vmem>>[vector<16xi32>, vector<16xi32>], vector<16xf32>,
        %add3A_275 = arith.constant 9 : i32
        %add3A_276 = vector.broadcast %add3A_275 : i32 to vector<16xi32>
        %add3A_277 = arith.addi %mul3A_156, %add3A_276 : vector<16xi32>
        %gather3A_278 = tpu.vector_load_idx %arg18[%add3A_150, %add3A_277] : memref<320x128xf32, #tpu.memory_space<vmem>>[vector<16xi32>, vector<16xi32>], vector<16xf32>,
        %add3A_279 = arith.constant 9 : i32
        %add3A_280 = vector.broadcast %add3A_279 : i32 to vector<16xi32>
        %add3A_281 = arith.addi %mul3A_159, %add3A_280 : vector<16xi32>
        %shift_right_arithmetic3A_282 = arith.constant 7 : i32
        %shift_right_arithmetic3A_283 = vector.broadcast %shift_right_arithmetic3A_282 : i32 to vector<16xi32>
        %shift_right_arithmetic3A_284 = arith.shrsi %add3A_281, %shift_right_arithmetic3A_283 : vector<16xi32>
        %and3A_285 = arith.constant 127 : i32
        %and3A_286 = vector.broadcast %and3A_285 : i32 to vector<16xi32>
        %and3A_287 = arith.andi %add3A_281, %and3A_286 : vector<16xi32>
        tpu.vector_store_idx %arg19[%shift_right_arithmetic3A_284, %and3A_287], %gather3A_278 : memref<40x128xf32, #tpu.memory_space<vmem>>[vector<16xi32>, vector<16xi32>], vector<16xf32>,
        %add3A_288 = arith.constant 10 : i32
        %add3A_289 = vector.broadcast %add3A_288 : i32 to vector<16xi32>
        %add3A_290 = arith.addi %mul3A_156, %add3A_289 : vector<16xi32>
        %gather3A_291 = tpu.vector_load_idx %arg18[%add3A_150, %add3A_290] : memref<320x128xf32, #tpu.memory_space<vmem>>[vector<16xi32>, vector<16xi32>], vector<16xf32>,
        %add3A_292 = arith.constant 10 : i32
        %add3A_293 = vector.broadcast %add3A_292 : i32 to vector<16xi32>
        %add3A_294 = arith.addi %mul3A_159, %add3A_293 : vector<16xi32>
        %shift_right_arithmetic3A_295 = arith.constant 7 : i32
        %shift_right_arithmetic3A_296 = vector.broadcast %shift_right_arithmetic3A_295 : i32 to vector<16xi32>
        %shift_right_arithmetic3A_297 = arith.shrsi %add3A_294, %shift_right_arithmetic3A_296 : vector<16xi32>
        %and3A_298 = arith.constant 127 : i32
        %and3A_299 = vector.broadcast %and3A_298 : i32 to vector<16xi32>
        %and3A_300 = arith.andi %add3A_294, %and3A_299 : vector<16xi32>
        tpu.vector_store_idx %arg19[%shift_right_arithmetic3A_297, %and3A_300], %gather3A_291 : memref<40x128xf32, #tpu.memory_space<vmem>>[vector<16xi32>, vector<16xi32>], vector<16xf32>,
        %add3A_301 = arith.constant 11 : i32
        %add3A_302 = vector.broadcast %add3A_301 : i32 to vector<16xi32>
        %add3A_303 = arith.addi %mul3A_156, %add3A_302 : vector<16xi32>
        %gather3A_304 = tpu.vector_load_idx %arg18[%add3A_150, %add3A_303] : memref<320x128xf32, #tpu.memory_space<vmem>>[vector<16xi32>, vector<16xi32>], vector<16xf32>,
        %add3A_305 = arith.constant 11 : i32
        %add3A_306 = vector.broadcast %add3A_305 : i32 to vector<16xi32>
        %add3A_307 = arith.addi %mul3A_159, %add3A_306 : vector<16xi32>
        %shift_right_arithmetic3A_308 = arith.constant 7 : i32
        %shift_right_arithmetic3A_309 = vector.broadcast %shift_right_arithmetic3A_308 : i32 to vector<16xi32>
        %shift_right_arithmetic3A_310 = arith.shrsi %add3A_307, %shift_right_arithmetic3A_309 : vector<16xi32>
        %and3A_311 = arith.constant 127 : i32
        %and3A_312 = vector.broadcast %and3A_311 : i32 to vector<16xi32>
        %and3A_313 = arith.andi %add3A_307, %and3A_312 : vector<16xi32>
        tpu.vector_store_idx %arg19[%shift_right_arithmetic3A_310, %and3A_313], %gather3A_304 : memref<40x128xf32, #tpu.memory_space<vmem>>[vector<16xi32>, vector<16xi32>], vector<16xf32>,
        %add3A_314 = arith.constant 12 : i32
        %add3A_315 = vector.broadcast %add3A_314 : i32 to vector<16xi32>
        %add3A_316 = arith.addi %mul3A_156, %add3A_315 : vector<16xi32>
        %gather3A_317 = tpu.vector_load_idx %arg18[%add3A_150, %add3A_316] : memref<320x128xf32, #tpu.memory_space<vmem>>[vector<16xi32>, vector<16xi32>], vector<16xf32>,
        %add3A_318 = arith.constant 12 : i32
        %add3A_319 = vector.broadcast %add3A_318 : i32 to vector<16xi32>
        %add3A_320 = arith.addi %mul3A_159, %add3A_319 : vector<16xi32>
        %shift_right_arithmetic3A_321 = arith.constant 7 : i32
        %shift_right_arithmetic3A_322 = vector.broadcast %shift_right_arithmetic3A_321 : i32 to vector<16xi32>
        %shift_right_arithmetic3A_323 = arith.shrsi %add3A_320, %shift_right_arithmetic3A_322 : vector<16xi32>
        %and3A_324 = arith.constant 127 : i32
        %and3A_325 = vector.broadcast %and3A_324 : i32 to vector<16xi32>
        %and3A_326 = arith.andi %add3A_320, %and3A_325 : vector<16xi32>
        tpu.vector_store_idx %arg19[%shift_right_arithmetic3A_323, %and3A_326], %gather3A_317 : memref<40x128xf32, #tpu.memory_space<vmem>>[vector<16xi32>, vector<16xi32>], vector<16xf32>,
        %add3A_327 = arith.constant 13 : i32
        %add3A_328 = vector.broadcast %add3A_327 : i32 to vector<16xi32>
        %add3A_329 = arith.addi %mul3A_156, %add3A_328 : vector<16xi32>
        %gather3A_330 = tpu.vector_load_idx %arg18[%add3A_150, %add3A_329] : memref<320x128xf32, #tpu.memory_space<vmem>>[vector<16xi32>, vector<16xi32>], vector<16xf32>,
        %add3A_331 = arith.constant 13 : i32
        %add3A_332 = vector.broadcast %add3A_331 : i32 to vector<16xi32>
        %add3A_333 = arith.addi %mul3A_159, %add3A_332 : vector<16xi32>
        %shift_right_arithmetic3A_334 = arith.constant 7 : i32
        %shift_right_arithmetic3A_335 = vector.broadcast %shift_right_arithmetic3A_334 : i32 to vector<16xi32>
        %shift_right_arithmetic3A_336 = arith.shrsi %add3A_333, %shift_right_arithmetic3A_335 : vector<16xi32>
        %and3A_337 = arith.constant 127 : i32
        %and3A_338 = vector.broadcast %and3A_337 : i32 to vector<16xi32>
        %and3A_339 = arith.andi %add3A_333, %and3A_338 : vector<16xi32>
        tpu.vector_store_idx %arg19[%shift_right_arithmetic3A_336, %and3A_339], %gather3A_330 : memref<40x128xf32, #tpu.memory_space<vmem>>[vector<16xi32>, vector<16xi32>], vector<16xf32>,
        %add3A_340 = arith.constant 14 : i32
        %add3A_341 = vector.broadcast %add3A_340 : i32 to vector<16xi32>
        %add3A_342 = arith.addi %mul3A_156, %add3A_341 : vector<16xi32>
        %gather3A_343 = tpu.vector_load_idx %arg18[%add3A_150, %add3A_342] : memref<320x128xf32, #tpu.memory_space<vmem>>[vector<16xi32>, vector<16xi32>], vector<16xf32>,
        %add3A_344 = arith.constant 14 : i32
        %add3A_345 = vector.broadcast %add3A_344 : i32 to vector<16xi32>
        %add3A_346 = arith.addi %mul3A_159, %add3A_345 : vector<16xi32>
        %shift_right_arithmetic3A_347 = arith.constant 7 : i32
        %shift_right_arithmetic3A_348 = vector.broadcast %shift_right_arithmetic3A_347 : i32 to vector<16xi32>
        %shift_right_arithmetic3A_349 = arith.shrsi %add3A_346, %shift_right_arithmetic3A_348 : vector<16xi32>
        %and3A_350 = arith.constant 127 : i32
        %and3A_351 = vector.broadcast %and3A_350 : i32 to vector<16xi32>
        %and3A_352 = arith.andi %add3A_346, %and3A_351 : vector<16xi32>
        tpu.vector_store_idx %arg19[%shift_right_arithmetic3A_349, %and3A_352], %gather3A_343 : memref<40x128xf32, #tpu.memory_space<vmem>>[vector<16xi32>, vector<16xi32>], vector<16xf32>,
        %add3A_353 = arith.constant 15 : i32
        %add3A_354 = vector.broadcast %add3A_353 : i32 to vector<16xi32>
        %add3A_355 = arith.addi %mul3A_156, %add3A_354 : vector<16xi32>
        %gather3A_356 = tpu.vector_load_idx %arg18[%add3A_150, %add3A_355] : memref<320x128xf32, #tpu.memory_space<vmem>>[vector<16xi32>, vector<16xi32>], vector<16xf32>,
        %add3A_357 = arith.constant 15 : i32
        %add3A_358 = vector.broadcast %add3A_357 : i32 to vector<16xi32>
        %add3A_359 = arith.addi %mul3A_159, %add3A_358 : vector<16xi32>
        %shift_right_arithmetic3A_360 = arith.constant 7 : i32
        %shift_right_arithmetic3A_361 = vector.broadcast %shift_right_arithmetic3A_360 : i32 to vector<16xi32>
        %shift_right_arithmetic3A_362 = arith.shrsi %add3A_359, %shift_right_arithmetic3A_361 : vector<16xi32>
        %and3A_363 = arith.constant 127 : i32
        %and3A_364 = vector.broadcast %and3A_363 : i32 to vector<16xi32>
        %and3A_365 = arith.andi %add3A_359, %and3A_364 : vector<16xi32>
        tpu.vector_store_idx %arg19[%shift_right_arithmetic3A_362, %and3A_365], %gather3A_356 : memref<40x128xf32, #tpu.memory_space<vmem>>[vector<16xi32>, vector<16xi32>], vector<16xf32>,
      }
      %scan3A_109 = arith.constant 20 : i32
      %mul3A_110 = arith.constant 320 : i32
      %mul3A_111 = arith.muli %add3A_101, %mul3A_110 : i32
      %add3A_112 = arith.addi %mul3A_2, %mul3A_111 : i32
      %mul3A_113 = arith.constant 16 : i32
      %mul3A_114 = arith.muli %add3A_112, %mul3A_113 : i32
      %jit3A_115 = arith.constant 128 : i32
      %div3A_116 = arith.divsi %mul3A_114, %jit3A_115 : i32
      %sign3A_117 = arith.constant 0 : i32
      %sign3A_118 = arith.cmpi sgt, %mul3A_114, %sign3A_117 : i32
      %sign3A_119 = arith.extui %sign3A_118 : i1 to i32
      %sign3A_120 = arith.constant 0 : i32
      %sign3A_121 = arith.cmpi slt, %mul3A_114, %sign3A_120 : i32
      %sign3A_122 = arith.extui %sign3A_121 : i1 to i32
      %sign3A_123 = arith.subi %sign3A_119, %sign3A_122 : i32
      %sign3A_124 = arith.constant 0 : i32
      %sign3A_125 = arith.cmpi sgt, %jit3A_115, %sign3A_124 : i32
      %sign3A_126 = arith.extui %sign3A_125 : i1 to i32
      %sign3A_127 = arith.constant 0 : i32
      %sign3A_128 = arith.cmpi slt, %jit3A_115, %sign3A_127 : i32
      %sign3A_129 = arith.extui %sign3A_128 : i1 to i32
      %sign3A_130 = arith.subi %sign3A_126, %sign3A_129 : i32
      %ne3A_131 = arith.cmpi ne, %sign3A_123, %sign3A_130 : i32
      %rem3A_132 = arith.remsi %mul3A_114, %jit3A_115 : i32
      %ne3A_133 = arith.constant 0 : i32
      %ne3A_134 = arith.cmpi ne, %rem3A_132, %ne3A_133 : i32
      %and3A_135 = arith.andi %ne3A_131, %ne3A_134 : i1
      %sub3A_136 = arith.constant 1 : i32
      %sub3A_137 = arith.subi %div3A_116, %sub3A_136 : i32
      %select_n3A_138 = arith.select %and3A_135, %sub3A_137, %div3A_116 : i32
      %multiple_of3A_139 = tpu.assume_multiple %select_n3A_138, 8 : i32
      "tpu.region"() ({
        %run_scoped3A = tpu.sem_alloc : memref<!tpu.dma_semaphore, #tpu.memory_space<semaphore_mem>>
        %dma_start3A_140 = arith.constant 0 : i32
        %dma_start3A_141 = tpu.memref_slice %arg10[%multiple_of3A_139, %dma_start3A_140] : memref<102400x128xf32, #tpu.memory_space<hbm>> -> memref<40x128xf32, #tpu.memory_space<hbm>>
        %dma_start3A_142 = arith.constant 0 : i32
        %dma_start3A_143 = tpu.memref_slice %arg10[%multiple_of3A_139, %dma_start3A_142] : memref<102400x128xf32, #tpu.memory_space<hbm>> -> memref<40x128xf32, #tpu.memory_space<hbm>>
        tpu.enqueue_dma source(%arg19 : memref<40x128xf32, #tpu.memory_space<vmem>>) target(%dma_start3A_143 : memref<40x128xf32, #tpu.memory_space<hbm>>) target_semaphore(%run_scoped3A : memref<!tpu.dma_semaphore, #tpu.memory_space<semaphore_mem>>)
        %dma_wait3A_144 = arith.constant 0 : i32
        %dma_wait3A_145 = tpu.memref_slice %arg10[%multiple_of3A_139, %dma_wait3A_144] : memref<102400x128xf32, #tpu.memory_space<hbm>> -> memref<40x128xf32, #tpu.memory_space<hbm>>
        %dma_wait3A_146 = arith.constant 0 : i32
        %dma_wait3A_147 = tpu.memref_slice %arg10[%multiple_of3A_139, %dma_wait3A_146] : memref<102400x128xf32, #tpu.memory_space<hbm>> -> memref<40x128xf32, #tpu.memory_space<hbm>>
        tpu.wait_dma2 semaphore(%run_scoped3A : memref<!tpu.dma_semaphore, #tpu.memory_space<semaphore_mem>>) src(%arg19 : memref<40x128xf32, #tpu.memory_space<vmem>>) dst(%dma_wait3A_147 : memref<40x128xf32, #tpu.memory_space<hbm>>)
        tpu.yield
      }) : () -> ()
    }
    %scan3A_13 = arith.constant 40 : i32
    "tpu.region"() ({
      %run_scoped3A = tpu.sem_alloc : memref<!tpu.dma_semaphore, #tpu.memory_space<semaphore_mem>>
      %dma_start3A_53 = tpu.memref_slice %arg7[%mul3A_2] : memref<819200xi32, #tpu.memory_space<hbm>> -> memref<25600xi32, #tpu.memory_space<hbm>>
      %dma_start3A_54 = tpu.memref_slice %arg7[%mul3A_2] : memref<819200xi32, #tpu.memory_space<hbm>> -> memref<25600xi32, #tpu.memory_space<hbm>>
      tpu.enqueue_dma source(%dma_start3A_54 : memref<25600xi32, #tpu.memory_space<hbm>>) target(%arg14 : memref<25600xi32, #tpu.memory_space<vmem>>) target_semaphore(%run_scoped3A : memref<!tpu.dma_semaphore, #tpu.memory_space<semaphore_mem>>)
      %dma_wait3A = tpu.memref_slice %arg7[%mul3A_2] : memref<819200xi32, #tpu.memory_space<hbm>> -> memref<25600xi32, #tpu.memory_space<hbm>>
      %dma_wait3A_55 = tpu.memref_slice %arg7[%mul3A_2] : memref<819200xi32, #tpu.memory_space<hbm>> -> memref<25600xi32, #tpu.memory_space<hbm>>
      tpu.wait_dma2 semaphore(%run_scoped3A : memref<!tpu.dma_semaphore, #tpu.memory_space<semaphore_mem>>) src(%dma_wait3A_55 : memref<25600xi32, #tpu.memory_space<hbm>>) dst(%arg14 : memref<25600xi32, #tpu.memory_space<vmem>>)
      tpu.yield
    }) : () -> ()
    %scan3A_14 = arith.constant 0 : i32
    %scan3A_15 = arith.constant 20 : i32
    %scan3A_16 = arith.addi %scan3A_14, %scan3A_15 : i32
    %scan3A_17 = arith.constant 1 : i32
    scf.for %scan3A_53 = %scan3A_14 to %scan3A_16 step %scan3A_17  : i32 {
      %mul3A_54 = arith.constant 16 : i32
      %mul3A_55 = arith.muli %scan3A_53, %mul3A_54 : i32
      %add3A_56 = arith.constant 0 : i32
      %add3A_57 = arith.addi %add3A_56, %mul3A_55 : i32
      %add3A_58 = arith.constant 0 : i32
      %add3A_59 = arith.addi %add3A_58, %add3A_57 : i32
      %get3A = arith.index_cast %add3A_59 : i32 to index
      %get3A_60 = tpu.vector_load %arg14[%get3A] {strides = array<i32>} : memref<25600xi32, #tpu.memory_space<vmem>>, vector<16xi32>,
      %shift_right_arithmetic3A = arith.constant 3 : i32
      %shift_right_arithmetic3A_61 = vector.broadcast %shift_right_arithmetic3A : i32 to vector<16xi32>
      %shift_right_arithmetic3A_62 = arith.shrsi %get3A_60, %shift_right_arithmetic3A_61 : vector<16xi32>
      %swap3A = arith.index_cast %add3A_57 : i32 to index
      %swap3A_63 = tpu.vector_load %arg15[%swap3A] {strides = array<i32>} : memref<320xi32, #tpu.memory_space<vmem>>, vector<16xi32>,
      tpu.vector_store %arg15[%swap3A], %shift_right_arithmetic3A_62 {strides = array<i32>} : memref<320xi32, #tpu.memory_space<vmem>>, vector<16xi32>,
    }
    %scan3A_18 = arith.constant 20 : i32
    %dma_start3A_19 = arith.constant 0 : i32
    %dma_start3A_20 = arith.constant 0 : i32
    %dma_start3A_21 = tpu.memref_slice %arg3[%dma_start3A_19, %dma_start3A_20] : memref<12500x128xf32, #tpu.memory_space<hbm>> -> memref<12500x128xf32, #tpu.memory_space<hbm>>
    tpu.enqueue_indirect_dma source(%dma_start3A_21 : memref<12500x128xf32, #tpu.memory_space<hbm>>) target(%arg17 : memref<320x128xf32, #tpu.memory_space<vmem>>) offsets(%arg15 : memref<320xi32, #tpu.memory_space<vmem>>) semaphore(%arg20 : memref<!tpu.dma_semaphore, #tpu.memory_space<semaphore_mem>>)
    %scan3A_22 = arith.constant 0 : i32
    %scan3A_23 = arith.constant 40 : i32
    %scan3A_24 = arith.addi %scan3A_22, %scan3A_23 : i32
    %scan3A_25 = arith.constant 1 : i32
    scf.for %scan3A_53 = %scan3A_22 to %scan3A_24 step %scan3A_25  : i32 {
      %mul3A_54 = arith.constant 2 : i32
      %mul3A_55 = arith.muli %scan3A_53, %mul3A_54 : i32
      %add3A_56 = arith.constant 0 : i32
      %add3A_57 = arith.addi %add3A_56, %mul3A_55 : i32
      %add3A_58 = arith.constant 1 : i32
      %add3A_59 = arith.addi %add3A_57, %add3A_58 : i32
      %scan3A_60 = arith.constant 0 : i32
      %scan3A_61 = arith.constant 20 : i32
      %scan3A_62 = arith.addi %scan3A_60, %scan3A_61 : i32
      %scan3A_63 = arith.constant 1 : i32
      scf.for %scan3A_140 = %scan3A_60 to %scan3A_62 step %scan3A_63  : i32 {
        %mul3A_141 = arith.constant 16 : i32
        %mul3A_142 = arith.muli %scan3A_140, %mul3A_141 : i32
        %add3A_143 = arith.constant 0 : i32
        %add3A_144 = arith.addi %add3A_143, %mul3A_142 : i32
        %mul3A_145 = arith.constant 320 : i32
        %mul3A_146 = arith.muli %add3A_59, %mul3A_145 : i32
        %add3A_147 = arith.addi %mul3A_146, %add3A_144 : i32
        %get3A = arith.index_cast %add3A_147 : i32 to index
        %get3A_148 = tpu.vector_load %arg14[%get3A] {strides = array<i32>} : memref<25600xi32, #tpu.memory_space<vmem>>, vector<16xi32>,
        %shift_right_arithmetic3A = arith.constant 3 : i32
        %shift_right_arithmetic3A_149 = vector.broadcast %shift_right_arithmetic3A : i32 to vector<16xi32>
        %shift_right_arithmetic3A_150 = arith.shrsi %get3A_148, %shift_right_arithmetic3A_149 : vector<16xi32>
        %swap3A = arith.index_cast %add3A_144 : i32 to index
        %swap3A_151 = tpu.vector_load %arg16[%swap3A] {strides = array<i32>} : memref<320xi32, #tpu.memory_space<vmem>>, vector<16xi32>,
        tpu.vector_store %arg16[%swap3A], %shift_right_arithmetic3A_150 {strides = array<i32>} : memref<320xi32, #tpu.memory_space<vmem>>, vector<16xi32>,
      }
      %scan3A_64 = arith.constant 20 : i32
      %dma_start3A_65 = arith.constant 0 : i32
      %dma_start3A_66 = arith.constant 0 : i32
      %dma_start3A_67 = tpu.memref_slice %arg3[%dma_start3A_65, %dma_start3A_66] : memref<12500x128xf32, #tpu.memory_space<hbm>> -> memref<12500x128xf32, #tpu.memory_space<hbm>>
      tpu.enqueue_indirect_dma source(%dma_start3A_67 : memref<12500x128xf32, #tpu.memory_space<hbm>>) target(%arg18 : memref<320x128xf32, #tpu.memory_space<vmem>>) offsets(%arg16 : memref<320xi32, #tpu.memory_space<vmem>>) semaphore(%arg21 : memref<!tpu.dma_semaphore, #tpu.memory_space<semaphore_mem>>)
      %dma_wait3A = arith.constant 0 : i32
      %dma_wait3A_68 = arith.constant 0 : i32
      %dma_wait3A_69 = tpu.memref_slice %arg3[%dma_wait3A, %dma_wait3A_68] : memref<12500x128xf32, #tpu.memory_space<hbm>> -> memref<12500x128xf32, #tpu.memory_space<hbm>>
      tpu.wait_indirect_dma semaphore(%arg20 : memref<!tpu.dma_semaphore, #tpu.memory_space<semaphore_mem>>) src(%dma_wait3A_69 : memref<12500x128xf32, #tpu.memory_space<hbm>>) dst(%arg17 : memref<320x128xf32, #tpu.memory_space<vmem>>)
      %scan3A_70 = arith.constant 0 : i32
      %scan3A_71 = arith.constant 20 : i32
      %scan3A_72 = arith.addi %scan3A_70, %scan3A_71 : i32
      %scan3A_73 = arith.constant 1 : i32
      scf.for %scan3A_140 = %scan3A_70 to %scan3A_72 step %scan3A_73  : i32 {
        %mul3A_141 = arith.constant 16 : i32
        %mul3A_142 = arith.muli %scan3A_140, %mul3A_141 : i32
        %add3A_143 = arith.constant 0 : i32
        %add3A_144 = arith.addi %add3A_143, %mul3A_142 : i32
        %mul3A_145 = arith.constant 320 : i32
        %mul3A_146 = arith.muli %add3A_57, %mul3A_145 : i32
        %add3A_147 = arith.addi %mul3A_146, %add3A_144 : i32
        %get3A = arith.index_cast %add3A_147 : i32 to index
        %get3A_148 = tpu.vector_load %arg14[%get3A] {strides = array<i32>} : memref<25600xi32, #tpu.memory_space<vmem>>, vector<16xi32>,
        %add3A_149 = vector.broadcast %add3A_144 : i32 to vector<16xi32>
        %add3A_150 = arith.addi %add3A_149, %iota3A : vector<16xi32>
        %and3A_151 = arith.constant 7 : i32
        %and3A_152 = vector.broadcast %and3A_151 : i32 to vector<16xi32>
        %and3A_153 = arith.andi %get3A_148, %and3A_152 : vector<16xi32>
        %mul3A_154 = arith.constant 16 : i32
        %mul3A_155 = vector.broadcast %mul3A_154 : i32 to vector<16xi32>
        %mul3A_156 = arith.muli %and3A_153, %mul3A_155 : vector<16xi32>
        %mul3A_157 = arith.constant 16 : i32
        %mul3A_158 = vector.broadcast %mul3A_157 : i32 to vector<16xi32>
        %mul3A_159 = arith.muli %add3A_150, %mul3A_158 : vector<16xi32>
        %add3A_160 = arith.constant 0 : i32
        %add3A_161 = vector.broadcast %add3A_160 : i32 to vector<16xi32>
        %add3A_162 = arith.addi %mul3A_156, %add3A_161 : vector<16xi32>
        %gather3A = tpu.vector_load_idx %arg17[%add3A_150, %add3A_162] : memref<320x128xf32, #tpu.memory_space<vmem>>[vector<16xi32>, vector<16xi32>], vector<16xf32>,
        %add3A_163 = arith.constant 0 : i32
        %add3A_164 = vector.broadcast %add3A_163 : i32 to vector<16xi32>
        %add3A_165 = arith.addi %mul3A_159, %add3A_164 : vector<16xi32>
        %shift_right_arithmetic3A = arith.constant 7 : i32
        %shift_right_arithmetic3A_166 = vector.broadcast %shift_right_arithmetic3A : i32 to vector<16xi32>
        %shift_right_arithmetic3A_167 = arith.shrsi %add3A_165, %shift_right_arithmetic3A_166 : vector<16xi32>
        %and3A_168 = arith.constant 127 : i32
        %and3A_169 = vector.broadcast %and3A_168 : i32 to vector<16xi32>
        %and3A_170 = arith.andi %add3A_165, %and3A_169 : vector<16xi32>
        tpu.vector_store_idx %arg19[%shift_right_arithmetic3A_167, %and3A_170], %gather3A : memref<40x128xf32, #tpu.memory_space<vmem>>[vector<16xi32>, vector<16xi32>], vector<16xf32>,
        %add3A_171 = arith.constant 1 : i32
        %add3A_172 = vector.broadcast %add3A_171 : i32 to vector<16xi32>
        %add3A_173 = arith.addi %mul3A_156, %add3A_172 : vector<16xi32>
        %gather3A_174 = tpu.vector_load_idx %arg17[%add3A_150, %add3A_173] : memref<320x128xf32, #tpu.memory_space<vmem>>[vector<16xi32>, vector<16xi32>], vector<16xf32>,
        %add3A_175 = arith.constant 1 : i32
        %add3A_176 = vector.broadcast %add3A_175 : i32 to vector<16xi32>
        %add3A_177 = arith.addi %mul3A_159, %add3A_176 : vector<16xi32>
        %shift_right_arithmetic3A_178 = arith.constant 7 : i32
        %shift_right_arithmetic3A_179 = vector.broadcast %shift_right_arithmetic3A_178 : i32 to vector<16xi32>
        %shift_right_arithmetic3A_180 = arith.shrsi %add3A_177, %shift_right_arithmetic3A_179 : vector<16xi32>
        %and3A_181 = arith.constant 127 : i32
        %and3A_182 = vector.broadcast %and3A_181 : i32 to vector<16xi32>
        %and3A_183 = arith.andi %add3A_177, %and3A_182 : vector<16xi32>
        tpu.vector_store_idx %arg19[%shift_right_arithmetic3A_180, %and3A_183], %gather3A_174 : memref<40x128xf32, #tpu.memory_space<vmem>>[vector<16xi32>, vector<16xi32>], vector<16xf32>,
        %add3A_184 = arith.constant 2 : i32
        %add3A_185 = vector.broadcast %add3A_184 : i32 to vector<16xi32>
        %add3A_186 = arith.addi %mul3A_156, %add3A_185 : vector<16xi32>
        %gather3A_187 = tpu.vector_load_idx %arg17[%add3A_150, %add3A_186] : memref<320x128xf32, #tpu.memory_space<vmem>>[vector<16xi32>, vector<16xi32>], vector<16xf32>,
        %add3A_188 = arith.constant 2 : i32
        %add3A_189 = vector.broadcast %add3A_188 : i32 to vector<16xi32>
        %add3A_190 = arith.addi %mul3A_159, %add3A_189 : vector<16xi32>
        %shift_right_arithmetic3A_191 = arith.constant 7 : i32
        %shift_right_arithmetic3A_192 = vector.broadcast %shift_right_arithmetic3A_191 : i32 to vector<16xi32>
        %shift_right_arithmetic3A_193 = arith.shrsi %add3A_190, %shift_right_arithmetic3A_192 : vector<16xi32>
        %and3A_194 = arith.constant 127 : i32
        %and3A_195 = vector.broadcast %and3A_194 : i32 to vector<16xi32>
        %and3A_196 = arith.andi %add3A_190, %and3A_195 : vector<16xi32>
        tpu.vector_store_idx %arg19[%shift_right_arithmetic3A_193, %and3A_196], %gather3A_187 : memref<40x128xf32, #tpu.memory_space<vmem>>[vector<16xi32>, vector<16xi32>], vector<16xf32>,
        %add3A_197 = arith.constant 3 : i32
        %add3A_198 = vector.broadcast %add3A_197 : i32 to vector<16xi32>
        %add3A_199 = arith.addi %mul3A_156, %add3A_198 : vector<16xi32>
        %gather3A_200 = tpu.vector_load_idx %arg17[%add3A_150, %add3A_199] : memref<320x128xf32, #tpu.memory_space<vmem>>[vector<16xi32>, vector<16xi32>], vector<16xf32>,
        %add3A_201 = arith.constant 3 : i32
        %add3A_202 = vector.broadcast %add3A_201 : i32 to vector<16xi32>
        %add3A_203 = arith.addi %mul3A_159, %add3A_202 : vector<16xi32>
        %shift_right_arithmetic3A_204 = arith.constant 7 : i32
        %shift_right_arithmetic3A_205 = vector.broadcast %shift_right_arithmetic3A_204 : i32 to vector<16xi32>
        %shift_right_arithmetic3A_206 = arith.shrsi %add3A_203, %shift_right_arithmetic3A_205 : vector<16xi32>
        %and3A_207 = arith.constant 127 : i32
        %and3A_208 = vector.broadcast %and3A_207 : i32 to vector<16xi32>
        %and3A_209 = arith.andi %add3A_203, %and3A_208 : vector<16xi32>
        tpu.vector_store_idx %arg19[%shift_right_arithmetic3A_206, %and3A_209], %gather3A_200 : memref<40x128xf32, #tpu.memory_space<vmem>>[vector<16xi32>, vector<16xi32>], vector<16xf32>,
        %add3A_210 = arith.constant 4 : i32
        %add3A_211 = vector.broadcast %add3A_210 : i32 to vector<16xi32>
        %add3A_212 = arith.addi %mul3A_156, %add3A_211 : vector<16xi32>
        %gather3A_213 = tpu.vector_load_idx %arg17[%add3A_150, %add3A_212] : memref<320x128xf32, #tpu.memory_space<vmem>>[vector<16xi32>, vector<16xi32>], vector<16xf32>,
        %add3A_214 = arith.constant 4 : i32
        %add3A_215 = vector.broadcast %add3A_214 : i32 to vector<16xi32>
        %add3A_216 = arith.addi %mul3A_159, %add3A_215 : vector<16xi32>
        %shift_right_arithmetic3A_217 = arith.constant 7 : i32
        %shift_right_arithmetic3A_218 = vector.broadcast %shift_right_arithmetic3A_217 : i32 to vector<16xi32>
        %shift_right_arithmetic3A_219 = arith.shrsi %add3A_216, %shift_right_arithmetic3A_218 : vector<16xi32>
        %and3A_220 = arith.constant 127 : i32
        %and3A_221 = vector.broadcast %and3A_220 : i32 to vector<16xi32>
        %and3A_222 = arith.andi %add3A_216, %and3A_221 : vector<16xi32>
        tpu.vector_store_idx %arg19[%shift_right_arithmetic3A_219, %and3A_222], %gather3A_213 : memref<40x128xf32, #tpu.memory_space<vmem>>[vector<16xi32>, vector<16xi32>], vector<16xf32>,
        %add3A_223 = arith.constant 5 : i32
        %add3A_224 = vector.broadcast %add3A_223 : i32 to vector<16xi32>
        %add3A_225 = arith.addi %mul3A_156, %add3A_224 : vector<16xi32>
        %gather3A_226 = tpu.vector_load_idx %arg17[%add3A_150, %add3A_225] : memref<320x128xf32, #tpu.memory_space<vmem>>[vector<16xi32>, vector<16xi32>], vector<16xf32>,
        %add3A_227 = arith.constant 5 : i32
        %add3A_228 = vector.broadcast %add3A_227 : i32 to vector<16xi32>
        %add3A_229 = arith.addi %mul3A_159, %add3A_228 : vector<16xi32>
        %shift_right_arithmetic3A_230 = arith.constant 7 : i32
        %shift_right_arithmetic3A_231 = vector.broadcast %shift_right_arithmetic3A_230 : i32 to vector<16xi32>
        %shift_right_arithmetic3A_232 = arith.shrsi %add3A_229, %shift_right_arithmetic3A_231 : vector<16xi32>
        %and3A_233 = arith.constant 127 : i32
        %and3A_234 = vector.broadcast %and3A_233 : i32 to vector<16xi32>
        %and3A_235 = arith.andi %add3A_229, %and3A_234 : vector<16xi32>
        tpu.vector_store_idx %arg19[%shift_right_arithmetic3A_232, %and3A_235], %gather3A_226 : memref<40x128xf32, #tpu.memory_space<vmem>>[vector<16xi32>, vector<16xi32>], vector<16xf32>,
        %add3A_236 = arith.constant 6 : i32
        %add3A_237 = vector.broadcast %add3A_236 : i32 to vector<16xi32>
        %add3A_238 = arith.addi %mul3A_156, %add3A_237 : vector<16xi32>
        %gather3A_239 = tpu.vector_load_idx %arg17[%add3A_150, %add3A_238] : memref<320x128xf32, #tpu.memory_space<vmem>>[vector<16xi32>, vector<16xi32>], vector<16xf32>,
        %add3A_240 = arith.constant 6 : i32
        %add3A_241 = vector.broadcast %add3A_240 : i32 to vector<16xi32>
        %add3A_242 = arith.addi %mul3A_159, %add3A_241 : vector<16xi32>
        %shift_right_arithmetic3A_243 = arith.constant 7 : i32
        %shift_right_arithmetic3A_244 = vector.broadcast %shift_right_arithmetic3A_243 : i32 to vector<16xi32>
        %shift_right_arithmetic3A_245 = arith.shrsi %add3A_242, %shift_right_arithmetic3A_244 : vector<16xi32>
        %and3A_246 = arith.constant 127 : i32
        %and3A_247 = vector.broadcast %and3A_246 : i32 to vector<16xi32>
        %and3A_248 = arith.andi %add3A_242, %and3A_247 : vector<16xi32>
        tpu.vector_store_idx %arg19[%shift_right_arithmetic3A_245, %and3A_248], %gather3A_239 : memref<40x128xf32, #tpu.memory_space<vmem>>[vector<16xi32>, vector<16xi32>], vector<16xf32>,
        %add3A_249 = arith.constant 7 : i32
        %add3A_250 = vector.broadcast %add3A_249 : i32 to vector<16xi32>
        %add3A_251 = arith.addi %mul3A_156, %add3A_250 : vector<16xi32>
        %gather3A_252 = tpu.vector_load_idx %arg17[%add3A_150, %add3A_251] : memref<320x128xf32, #tpu.memory_space<vmem>>[vector<16xi32>, vector<16xi32>], vector<16xf32>,
        %add3A_253 = arith.constant 7 : i32
        %add3A_254 = vector.broadcast %add3A_253 : i32 to vector<16xi32>
        %add3A_255 = arith.addi %mul3A_159, %add3A_254 : vector<16xi32>
        %shift_right_arithmetic3A_256 = arith.constant 7 : i32
        %shift_right_arithmetic3A_257 = vector.broadcast %shift_right_arithmetic3A_256 : i32 to vector<16xi32>
        %shift_right_arithmetic3A_258 = arith.shrsi %add3A_255, %shift_right_arithmetic3A_257 : vector<16xi32>
        %and3A_259 = arith.constant 127 : i32
        %and3A_260 = vector.broadcast %and3A_259 : i32 to vector<16xi32>
        %and3A_261 = arith.andi %add3A_255, %and3A_260 : vector<16xi32>
        tpu.vector_store_idx %arg19[%shift_right_arithmetic3A_258, %and3A_261], %gather3A_252 : memref<40x128xf32, #tpu.memory_space<vmem>>[vector<16xi32>, vector<16xi32>], vector<16xf32>,
        %add3A_262 = arith.constant 8 : i32
        %add3A_263 = vector.broadcast %add3A_262 : i32 to vector<16xi32>
        %add3A_264 = arith.addi %mul3A_156, %add3A_263 : vector<16xi32>
        %gather3A_265 = tpu.vector_load_idx %arg17[%add3A_150, %add3A_264] : memref<320x128xf32, #tpu.memory_space<vmem>>[vector<16xi32>, vector<16xi32>], vector<16xf32>,
        %add3A_266 = arith.constant 8 : i32
        %add3A_267 = vector.broadcast %add3A_266 : i32 to vector<16xi32>
        %add3A_268 = arith.addi %mul3A_159, %add3A_267 : vector<16xi32>
        %shift_right_arithmetic3A_269 = arith.constant 7 : i32
        %shift_right_arithmetic3A_270 = vector.broadcast %shift_right_arithmetic3A_269 : i32 to vector<16xi32>
        %shift_right_arithmetic3A_271 = arith.shrsi %add3A_268, %shift_right_arithmetic3A_270 : vector<16xi32>
        %and3A_272 = arith.constant 127 : i32
        %and3A_273 = vector.broadcast %and3A_272 : i32 to vector<16xi32>
        %and3A_274 = arith.andi %add3A_268, %and3A_273 : vector<16xi32>
        tpu.vector_store_idx %arg19[%shift_right_arithmetic3A_271, %and3A_274], %gather3A_265 : memref<40x128xf32, #tpu.memory_space<vmem>>[vector<16xi32>, vector<16xi32>], vector<16xf32>,
        %add3A_275 = arith.constant 9 : i32
        %add3A_276 = vector.broadcast %add3A_275 : i32 to vector<16xi32>
        %add3A_277 = arith.addi %mul3A_156, %add3A_276 : vector<16xi32>
        %gather3A_278 = tpu.vector_load_idx %arg17[%add3A_150, %add3A_277] : memref<320x128xf32, #tpu.memory_space<vmem>>[vector<16xi32>, vector<16xi32>], vector<16xf32>,
        %add3A_279 = arith.constant 9 : i32
        %add3A_280 = vector.broadcast %add3A_279 : i32 to vector<16xi32>
        %add3A_281 = arith.addi %mul3A_159, %add3A_280 : vector<16xi32>
        %shift_right_arithmetic3A_282 = arith.constant 7 : i32
        %shift_right_arithmetic3A_283 = vector.broadcast %shift_right_arithmetic3A_282 : i32 to vector<16xi32>
        %shift_right_arithmetic3A_284 = arith.shrsi %add3A_281, %shift_right_arithmetic3A_283 : vector<16xi32>
        %and3A_285 = arith.constant 127 : i32
        %and3A_286 = vector.broadcast %and3A_285 : i32 to vector<16xi32>
        %and3A_287 = arith.andi %add3A_281, %and3A_286 : vector<16xi32>
        tpu.vector_store_idx %arg19[%shift_right_arithmetic3A_284, %and3A_287], %gather3A_278 : memref<40x128xf32, #tpu.memory_space<vmem>>[vector<16xi32>, vector<16xi32>], vector<16xf32>,
        %add3A_288 = arith.constant 10 : i32
        %add3A_289 = vector.broadcast %add3A_288 : i32 to vector<16xi32>
        %add3A_290 = arith.addi %mul3A_156, %add3A_289 : vector<16xi32>
        %gather3A_291 = tpu.vector_load_idx %arg17[%add3A_150, %add3A_290] : memref<320x128xf32, #tpu.memory_space<vmem>>[vector<16xi32>, vector<16xi32>], vector<16xf32>,
        %add3A_292 = arith.constant 10 : i32
        %add3A_293 = vector.broadcast %add3A_292 : i32 to vector<16xi32>
        %add3A_294 = arith.addi %mul3A_159, %add3A_293 : vector<16xi32>
        %shift_right_arithmetic3A_295 = arith.constant 7 : i32
        %shift_right_arithmetic3A_296 = vector.broadcast %shift_right_arithmetic3A_295 : i32 to vector<16xi32>
        %shift_right_arithmetic3A_297 = arith.shrsi %add3A_294, %shift_right_arithmetic3A_296 : vector<16xi32>
        %and3A_298 = arith.constant 127 : i32
        %and3A_299 = vector.broadcast %and3A_298 : i32 to vector<16xi32>
        %and3A_300 = arith.andi %add3A_294, %and3A_299 : vector<16xi32>
        tpu.vector_store_idx %arg19[%shift_right_arithmetic3A_297, %and3A_300], %gather3A_291 : memref<40x128xf32, #tpu.memory_space<vmem>>[vector<16xi32>, vector<16xi32>], vector<16xf32>,
        %add3A_301 = arith.constant 11 : i32
        %add3A_302 = vector.broadcast %add3A_301 : i32 to vector<16xi32>
        %add3A_303 = arith.addi %mul3A_156, %add3A_302 : vector<16xi32>
        %gather3A_304 = tpu.vector_load_idx %arg17[%add3A_150, %add3A_303] : memref<320x128xf32, #tpu.memory_space<vmem>>[vector<16xi32>, vector<16xi32>], vector<16xf32>,
        %add3A_305 = arith.constant 11 : i32
        %add3A_306 = vector.broadcast %add3A_305 : i32 to vector<16xi32>
        %add3A_307 = arith.addi %mul3A_159, %add3A_306 : vector<16xi32>
        %shift_right_arithmetic3A_308 = arith.constant 7 : i32
        %shift_right_arithmetic3A_309 = vector.broadcast %shift_right_arithmetic3A_308 : i32 to vector<16xi32>
        %shift_right_arithmetic3A_310 = arith.shrsi %add3A_307, %shift_right_arithmetic3A_309 : vector<16xi32>
        %and3A_311 = arith.constant 127 : i32
        %and3A_312 = vector.broadcast %and3A_311 : i32 to vector<16xi32>
        %and3A_313 = arith.andi %add3A_307, %and3A_312 : vector<16xi32>
        tpu.vector_store_idx %arg19[%shift_right_arithmetic3A_310, %and3A_313], %gather3A_304 : memref<40x128xf32, #tpu.memory_space<vmem>>[vector<16xi32>, vector<16xi32>], vector<16xf32>,
        %add3A_314 = arith.constant 12 : i32
        %add3A_315 = vector.broadcast %add3A_314 : i32 to vector<16xi32>
        %add3A_316 = arith.addi %mul3A_156, %add3A_315 : vector<16xi32>
        %gather3A_317 = tpu.vector_load_idx %arg17[%add3A_150, %add3A_316] : memref<320x128xf32, #tpu.memory_space<vmem>>[vector<16xi32>, vector<16xi32>], vector<16xf32>,
        %add3A_318 = arith.constant 12 : i32
        %add3A_319 = vector.broadcast %add3A_318 : i32 to vector<16xi32>
        %add3A_320 = arith.addi %mul3A_159, %add3A_319 : vector<16xi32>
        %shift_right_arithmetic3A_321 = arith.constant 7 : i32
        %shift_right_arithmetic3A_322 = vector.broadcast %shift_right_arithmetic3A_321 : i32 to vector<16xi32>
        %shift_right_arithmetic3A_323 = arith.shrsi %add3A_320, %shift_right_arithmetic3A_322 : vector<16xi32>
        %and3A_324 = arith.constant 127 : i32
        %and3A_325 = vector.broadcast %and3A_324 : i32 to vector<16xi32>
        %and3A_326 = arith.andi %add3A_320, %and3A_325 : vector<16xi32>
        tpu.vector_store_idx %arg19[%shift_right_arithmetic3A_323, %and3A_326], %gather3A_317 : memref<40x128xf32, #tpu.memory_space<vmem>>[vector<16xi32>, vector<16xi32>], vector<16xf32>,
        %add3A_327 = arith.constant 13 : i32
        %add3A_328 = vector.broadcast %add3A_327 : i32 to vector<16xi32>
        %add3A_329 = arith.addi %mul3A_156, %add3A_328 : vector<16xi32>
        %gather3A_330 = tpu.vector_load_idx %arg17[%add3A_150, %add3A_329] : memref<320x128xf32, #tpu.memory_space<vmem>>[vector<16xi32>, vector<16xi32>], vector<16xf32>,
        %add3A_331 = arith.constant 13 : i32
        %add3A_332 = vector.broadcast %add3A_331 : i32 to vector<16xi32>
        %add3A_333 = arith.addi %mul3A_159, %add3A_332 : vector<16xi32>
        %shift_right_arithmetic3A_334 = arith.constant 7 : i32
        %shift_right_arithmetic3A_335 = vector.broadcast %shift_right_arithmetic3A_334 : i32 to vector<16xi32>
        %shift_right_arithmetic3A_336 = arith.shrsi %add3A_333, %shift_right_arithmetic3A_335 : vector<16xi32>
        %and3A_337 = arith.constant 127 : i32
        %and3A_338 = vector.broadcast %and3A_337 : i32 to vector<16xi32>
        %and3A_339 = arith.andi %add3A_333, %and3A_338 : vector<16xi32>
        tpu.vector_store_idx %arg19[%shift_right_arithmetic3A_336, %and3A_339], %gather3A_330 : memref<40x128xf32, #tpu.memory_space<vmem>>[vector<16xi32>, vector<16xi32>], vector<16xf32>,
        %add3A_340 = arith.constant 14 : i32
        %add3A_341 = vector.broadcast %add3A_340 : i32 to vector<16xi32>
        %add3A_342 = arith.addi %mul3A_156, %add3A_341 : vector<16xi32>
        %gather3A_343 = tpu.vector_load_idx %arg17[%add3A_150, %add3A_342] : memref<320x128xf32, #tpu.memory_space<vmem>>[vector<16xi32>, vector<16xi32>], vector<16xf32>,
        %add3A_344 = arith.constant 14 : i32
        %add3A_345 = vector.broadcast %add3A_344 : i32 to vector<16xi32>
        %add3A_346 = arith.addi %mul3A_159, %add3A_345 : vector<16xi32>
        %shift_right_arithmetic3A_347 = arith.constant 7 : i32
        %shift_right_arithmetic3A_348 = vector.broadcast %shift_right_arithmetic3A_347 : i32 to vector<16xi32>
        %shift_right_arithmetic3A_349 = arith.shrsi %add3A_346, %shift_right_arithmetic3A_348 : vector<16xi32>
        %and3A_350 = arith.constant 127 : i32
        %and3A_351 = vector.broadcast %and3A_350 : i32 to vector<16xi32>
        %and3A_352 = arith.andi %add3A_346, %and3A_351 : vector<16xi32>
        tpu.vector_store_idx %arg19[%shift_right_arithmetic3A_349, %and3A_352], %gather3A_343 : memref<40x128xf32, #tpu.memory_space<vmem>>[vector<16xi32>, vector<16xi32>], vector<16xf32>,
        %add3A_353 = arith.constant 15 : i32
        %add3A_354 = vector.broadcast %add3A_353 : i32 to vector<16xi32>
        %add3A_355 = arith.addi %mul3A_156, %add3A_354 : vector<16xi32>
        %gather3A_356 = tpu.vector_load_idx %arg17[%add3A_150, %add3A_355] : memref<320x128xf32, #tpu.memory_space<vmem>>[vector<16xi32>, vector<16xi32>], vector<16xf32>,
        %add3A_357 = arith.constant 15 : i32
        %add3A_358 = vector.broadcast %add3A_357 : i32 to vector<16xi32>
        %add3A_359 = arith.addi %mul3A_159, %add3A_358 : vector<16xi32>
        %shift_right_arithmetic3A_360 = arith.constant 7 : i32
        %shift_right_arithmetic3A_361 = vector.broadcast %shift_right_arithmetic3A_360 : i32 to vector<16xi32>
        %shift_right_arithmetic3A_362 = arith.shrsi %add3A_359, %shift_right_arithmetic3A_361 : vector<16xi32>
        %and3A_363 = arith.constant 127 : i32
        %and3A_364 = vector.broadcast %and3A_363 : i32 to vector<16xi32>
        %and3A_365 = arith.andi %add3A_359, %and3A_364 : vector<16xi32>
        tpu.vector_store_idx %arg19[%shift_right_arithmetic3A_362, %and3A_365], %gather3A_356 : memref<40x128xf32, #tpu.memory_space<vmem>>[vector<16xi32>, vector<16xi32>], vector<16xf32>,
      }
      %scan3A_74 = arith.constant 20 : i32
      %mul3A_75 = arith.constant 320 : i32
      %mul3A_76 = arith.muli %add3A_57, %mul3A_75 : i32
      %add3A_77 = arith.addi %mul3A_2, %mul3A_76 : i32
      %mul3A_78 = arith.constant 16 : i32
      %mul3A_79 = arith.muli %add3A_77, %mul3A_78 : i32
      %jit3A = arith.constant 128 : i32
      %div3A = arith.divsi %mul3A_79, %jit3A : i32
      %sign3A = arith.constant 0 : i32
      %sign3A_80 = arith.cmpi sgt, %mul3A_79, %sign3A : i32
      %sign3A_81 = arith.extui %sign3A_80 : i1 to i32
      %sign3A_82 = arith.constant 0 : i32
      %sign3A_83 = arith.cmpi slt, %mul3A_79, %sign3A_82 : i32
      %sign3A_84 = arith.extui %sign3A_83 : i1 to i32
      %sign3A_85 = arith.subi %sign3A_81, %sign3A_84 : i32
      %sign3A_86 = arith.constant 0 : i32
      %sign3A_87 = arith.cmpi sgt, %jit3A, %sign3A_86 : i32
      %sign3A_88 = arith.extui %sign3A_87 : i1 to i32
      %sign3A_89 = arith.constant 0 : i32
      %sign3A_90 = arith.cmpi slt, %jit3A, %sign3A_89 : i32
      %sign3A_91 = arith.extui %sign3A_90 : i1 to i32
      %sign3A_92 = arith.subi %sign3A_88, %sign3A_91 : i32
      %ne3A = arith.cmpi ne, %sign3A_85, %sign3A_92 : i32
      %rem3A = arith.remsi %mul3A_79, %jit3A : i32
      %ne3A_93 = arith.constant 0 : i32
      %ne3A_94 = arith.cmpi ne, %rem3A, %ne3A_93 : i32
      %and3A = arith.andi %ne3A, %ne3A_94 : i1
      %sub3A = arith.constant 1 : i32
      %sub3A_95 = arith.subi %div3A, %sub3A : i32
      %select_n3A = arith.select %and3A, %sub3A_95, %div3A : i32
      %multiple_of3A = tpu.assume_multiple %select_n3A, 8 : i32
      "tpu.region"() ({
        %run_scoped3A = tpu.sem_alloc : memref<!tpu.dma_semaphore, #tpu.memory_space<semaphore_mem>>
        %dma_start3A_140 = arith.constant 0 : i32
        %dma_start3A_141 = tpu.memref_slice %arg11[%multiple_of3A, %dma_start3A_140] : memref<102400x128xf32, #tpu.memory_space<hbm>> -> memref<40x128xf32, #tpu.memory_space<hbm>>
        %dma_start3A_142 = arith.constant 0 : i32
        %dma_start3A_143 = tpu.memref_slice %arg11[%multiple_of3A, %dma_start3A_142] : memref<102400x128xf32, #tpu.memory_space<hbm>> -> memref<40x128xf32, #tpu.memory_space<hbm>>
        tpu.enqueue_dma source(%arg19 : memref<40x128xf32, #tpu.memory_space<vmem>>) target(%dma_start3A_143 : memref<40x128xf32, #tpu.memory_space<hbm>>) target_semaphore(%run_scoped3A : memref<!tpu.dma_semaphore, #tpu.memory_space<semaphore_mem>>)
        %dma_wait3A_144 = arith.constant 0 : i32
        %dma_wait3A_145 = tpu.memref_slice %arg11[%multiple_of3A, %dma_wait3A_144] : memref<102400x128xf32, #tpu.memory_space<hbm>> -> memref<40x128xf32, #tpu.memory_space<hbm>>
        %dma_wait3A_146 = arith.constant 0 : i32
        %dma_wait3A_147 = tpu.memref_slice %arg11[%multiple_of3A, %dma_wait3A_146] : memref<102400x128xf32, #tpu.memory_space<hbm>> -> memref<40x128xf32, #tpu.memory_space<hbm>>
        tpu.wait_dma2 semaphore(%run_scoped3A : memref<!tpu.dma_semaphore, #tpu.memory_space<semaphore_mem>>) src(%arg19 : memref<40x128xf32, #tpu.memory_space<vmem>>) dst(%dma_wait3A_147 : memref<40x128xf32, #tpu.memory_space<hbm>>)
        tpu.yield
      }) : () -> ()
      %add3A_96 = arith.constant 2 : i32
      %add3A_97 = arith.addi %add3A_57, %add3A_96 : i32
      %lt3A = arith.constant 80 : i32
      %lt3A_98 = arith.cmpi slt, %add3A_97, %lt3A : i32
      %convert_element_type3A = arith.extui %lt3A_98 : i1 to i32
      %cond3A = arith.constant 0 : i32
      %cond3A_99 = arith.cmpi ne, %convert_element_type3A, %cond3A : i32
      scf.if %cond3A_99 {
        %add3A_140 = arith.constant 2 : i32
        %add3A_141 = arith.addi %add3A_57, %add3A_140 : i32
        %scan3A_142 = arith.constant 0 : i32
        %scan3A_143 = arith.constant 20 : i32
        %scan3A_144 = arith.addi %scan3A_142, %scan3A_143 : i32
        %scan3A_145 = arith.constant 1 : i32
        scf.for %scan3A_150 = %scan3A_142 to %scan3A_144 step %scan3A_145  : i32 {
          %mul3A_151 = arith.constant 16 : i32
          %mul3A_152 = arith.muli %scan3A_150, %mul3A_151 : i32
          %add3A_153 = arith.constant 0 : i32
          %add3A_154 = arith.addi %add3A_153, %mul3A_152 : i32
          %mul3A_155 = arith.constant 320 : i32
          %mul3A_156 = arith.muli %add3A_141, %mul3A_155 : i32
          %add3A_157 = arith.addi %mul3A_156, %add3A_154 : i32
          %get3A = arith.index_cast %add3A_157 : i32 to index
          %get3A_158 = tpu.vector_load %arg14[%get3A] {strides = array<i32>} : memref<25600xi32, #tpu.memory_space<vmem>>, vector<16xi32>,
          %shift_right_arithmetic3A = arith.constant 3 : i32
          %shift_right_arithmetic3A_159 = vector.broadcast %shift_right_arithmetic3A : i32 to vector<16xi32>
          %shift_right_arithmetic3A_160 = arith.shrsi %get3A_158, %shift_right_arithmetic3A_159 : vector<16xi32>
          %swap3A = arith.index_cast %add3A_154 : i32 to index
          %swap3A_161 = tpu.vector_load %arg15[%swap3A] {strides = array<i32>} : memref<320xi32, #tpu.memory_space<vmem>>, vector<16xi32>,
          tpu.vector_store %arg15[%swap3A], %shift_right_arithmetic3A_160 {strides = array<i32>} : memref<320xi32, #tpu.memory_space<vmem>>, vector<16xi32>,
        }
        %scan3A_146 = arith.constant 20 : i32
        %dma_start3A_147 = arith.constant 0 : i32
        %dma_start3A_148 = arith.constant 0 : i32
        %dma_start3A_149 = tpu.memref_slice %arg3[%dma_start3A_147, %dma_start3A_148] : memref<12500x128xf32, #tpu.memory_space<hbm>> -> memref<12500x128xf32, #tpu.memory_space<hbm>>
        tpu.enqueue_indirect_dma source(%dma_start3A_149 : memref<12500x128xf32, #tpu.memory_space<hbm>>) target(%arg17 : memref<320x128xf32, #tpu.memory_space<vmem>>) offsets(%arg15 : memref<320xi32, #tpu.memory_space<vmem>>) semaphore(%arg20 : memref<!tpu.dma_semaphore, #tpu.memory_space<semaphore_mem>>)
      } else {
      }
      %add3A_100 = arith.constant 1 : i32
      %add3A_101 = arith.addi %add3A_57, %add3A_100 : i32
      %dma_wait3A_102 = arith.constant 0 : i32
      %dma_wait3A_103 = arith.constant 0 : i32
      %dma_wait3A_104 = tpu.memref_slice %arg3[%dma_wait3A_102, %dma_wait3A_103] : memref<12500x128xf32, #tpu.memory_space<hbm>> -> memref<12500x128xf32, #tpu.memory_space<hbm>>
      tpu.wait_indirect_dma semaphore(%arg21 : memref<!tpu.dma_semaphore, #tpu.memory_space<semaphore_mem>>) src(%dma_wait3A_104 : memref<12500x128xf32, #tpu.memory_space<hbm>>) dst(%arg18 : memref<320x128xf32, #tpu.memory_space<vmem>>)
      %scan3A_105 = arith.constant 0 : i32
      %scan3A_106 = arith.constant 20 : i32
      %scan3A_107 = arith.addi %scan3A_105, %scan3A_106 : i32
      %scan3A_108 = arith.constant 1 : i32
      scf.for %scan3A_140 = %scan3A_105 to %scan3A_107 step %scan3A_108  : i32 {
        %mul3A_141 = arith.constant 16 : i32
        %mul3A_142 = arith.muli %scan3A_140, %mul3A_141 : i32
        %add3A_143 = arith.constant 0 : i32
        %add3A_144 = arith.addi %add3A_143, %mul3A_142 : i32
        %mul3A_145 = arith.constant 320 : i32
        %mul3A_146 = arith.muli %add3A_101, %mul3A_145 : i32
        %add3A_147 = arith.addi %mul3A_146, %add3A_144 : i32
        %get3A = arith.index_cast %add3A_147 : i32 to index
        %get3A_148 = tpu.vector_load %arg14[%get3A] {strides = array<i32>} : memref<25600xi32, #tpu.memory_space<vmem>>, vector<16xi32>,
        %add3A_149 = vector.broadcast %add3A_144 : i32 to vector<16xi32>
        %add3A_150 = arith.addi %add3A_149, %iota3A : vector<16xi32>
        %and3A_151 = arith.constant 7 : i32
        %and3A_152 = vector.broadcast %and3A_151 : i32 to vector<16xi32>
        %and3A_153 = arith.andi %get3A_148, %and3A_152 : vector<16xi32>
        %mul3A_154 = arith.constant 16 : i32
        %mul3A_155 = vector.broadcast %mul3A_154 : i32 to vector<16xi32>
        %mul3A_156 = arith.muli %and3A_153, %mul3A_155 : vector<16xi32>
        %mul3A_157 = arith.constant 16 : i32
        %mul3A_158 = vector.broadcast %mul3A_157 : i32 to vector<16xi32>
        %mul3A_159 = arith.muli %add3A_150, %mul3A_158 : vector<16xi32>
        %add3A_160 = arith.constant 0 : i32
        %add3A_161 = vector.broadcast %add3A_160 : i32 to vector<16xi32>
        %add3A_162 = arith.addi %mul3A_156, %add3A_161 : vector<16xi32>
        %gather3A = tpu.vector_load_idx %arg18[%add3A_150, %add3A_162] : memref<320x128xf32, #tpu.memory_space<vmem>>[vector<16xi32>, vector<16xi32>], vector<16xf32>,
        %add3A_163 = arith.constant 0 : i32
        %add3A_164 = vector.broadcast %add3A_163 : i32 to vector<16xi32>
        %add3A_165 = arith.addi %mul3A_159, %add3A_164 : vector<16xi32>
        %shift_right_arithmetic3A = arith.constant 7 : i32
        %shift_right_arithmetic3A_166 = vector.broadcast %shift_right_arithmetic3A : i32 to vector<16xi32>
        %shift_right_arithmetic3A_167 = arith.shrsi %add3A_165, %shift_right_arithmetic3A_166 : vector<16xi32>
        %and3A_168 = arith.constant 127 : i32
        %and3A_169 = vector.broadcast %and3A_168 : i32 to vector<16xi32>
        %and3A_170 = arith.andi %add3A_165, %and3A_169 : vector<16xi32>
        tpu.vector_store_idx %arg19[%shift_right_arithmetic3A_167, %and3A_170], %gather3A : memref<40x128xf32, #tpu.memory_space<vmem>>[vector<16xi32>, vector<16xi32>], vector<16xf32>,
        %add3A_171 = arith.constant 1 : i32
        %add3A_172 = vector.broadcast %add3A_171 : i32 to vector<16xi32>
        %add3A_173 = arith.addi %mul3A_156, %add3A_172 : vector<16xi32>
        %gather3A_174 = tpu.vector_load_idx %arg18[%add3A_150, %add3A_173] : memref<320x128xf32, #tpu.memory_space<vmem>>[vector<16xi32>, vector<16xi32>], vector<16xf32>,
        %add3A_175 = arith.constant 1 : i32
        %add3A_176 = vector.broadcast %add3A_175 : i32 to vector<16xi32>
        %add3A_177 = arith.addi %mul3A_159, %add3A_176 : vector<16xi32>
        %shift_right_arithmetic3A_178 = arith.constant 7 : i32
        %shift_right_arithmetic3A_179 = vector.broadcast %shift_right_arithmetic3A_178 : i32 to vector<16xi32>
        %shift_right_arithmetic3A_180 = arith.shrsi %add3A_177, %shift_right_arithmetic3A_179 : vector<16xi32>
        %and3A_181 = arith.constant 127 : i32
        %and3A_182 = vector.broadcast %and3A_181 : i32 to vector<16xi32>
        %and3A_183 = arith.andi %add3A_177, %and3A_182 : vector<16xi32>
        tpu.vector_store_idx %arg19[%shift_right_arithmetic3A_180, %and3A_183], %gather3A_174 : memref<40x128xf32, #tpu.memory_space<vmem>>[vector<16xi32>, vector<16xi32>], vector<16xf32>,
        %add3A_184 = arith.constant 2 : i32
        %add3A_185 = vector.broadcast %add3A_184 : i32 to vector<16xi32>
        %add3A_186 = arith.addi %mul3A_156, %add3A_185 : vector<16xi32>
        %gather3A_187 = tpu.vector_load_idx %arg18[%add3A_150, %add3A_186] : memref<320x128xf32, #tpu.memory_space<vmem>>[vector<16xi32>, vector<16xi32>], vector<16xf32>,
        %add3A_188 = arith.constant 2 : i32
        %add3A_189 = vector.broadcast %add3A_188 : i32 to vector<16xi32>
        %add3A_190 = arith.addi %mul3A_159, %add3A_189 : vector<16xi32>
        %shift_right_arithmetic3A_191 = arith.constant 7 : i32
        %shift_right_arithmetic3A_192 = vector.broadcast %shift_right_arithmetic3A_191 : i32 to vector<16xi32>
        %shift_right_arithmetic3A_193 = arith.shrsi %add3A_190, %shift_right_arithmetic3A_192 : vector<16xi32>
        %and3A_194 = arith.constant 127 : i32
        %and3A_195 = vector.broadcast %and3A_194 : i32 to vector<16xi32>
        %and3A_196 = arith.andi %add3A_190, %and3A_195 : vector<16xi32>
        tpu.vector_store_idx %arg19[%shift_right_arithmetic3A_193, %and3A_196], %gather3A_187 : memref<40x128xf32, #tpu.memory_space<vmem>>[vector<16xi32>, vector<16xi32>], vector<16xf32>,
        %add3A_197 = arith.constant 3 : i32
        %add3A_198 = vector.broadcast %add3A_197 : i32 to vector<16xi32>
        %add3A_199 = arith.addi %mul3A_156, %add3A_198 : vector<16xi32>
        %gather3A_200 = tpu.vector_load_idx %arg18[%add3A_150, %add3A_199] : memref<320x128xf32, #tpu.memory_space<vmem>>[vector<16xi32>, vector<16xi32>], vector<16xf32>,
        %add3A_201 = arith.constant 3 : i32
        %add3A_202 = vector.broadcast %add3A_201 : i32 to vector<16xi32>
        %add3A_203 = arith.addi %mul3A_159, %add3A_202 : vector<16xi32>
        %shift_right_arithmetic3A_204 = arith.constant 7 : i32
        %shift_right_arithmetic3A_205 = vector.broadcast %shift_right_arithmetic3A_204 : i32 to vector<16xi32>
        %shift_right_arithmetic3A_206 = arith.shrsi %add3A_203, %shift_right_arithmetic3A_205 : vector<16xi32>
        %and3A_207 = arith.constant 127 : i32
        %and3A_208 = vector.broadcast %and3A_207 : i32 to vector<16xi32>
        %and3A_209 = arith.andi %add3A_203, %and3A_208 : vector<16xi32>
        tpu.vector_store_idx %arg19[%shift_right_arithmetic3A_206, %and3A_209], %gather3A_200 : memref<40x128xf32, #tpu.memory_space<vmem>>[vector<16xi32>, vector<16xi32>], vector<16xf32>,
        %add3A_210 = arith.constant 4 : i32
        %add3A_211 = vector.broadcast %add3A_210 : i32 to vector<16xi32>
        %add3A_212 = arith.addi %mul3A_156, %add3A_211 : vector<16xi32>
        %gather3A_213 = tpu.vector_load_idx %arg18[%add3A_150, %add3A_212] : memref<320x128xf32, #tpu.memory_space<vmem>>[vector<16xi32>, vector<16xi32>], vector<16xf32>,
        %add3A_214 = arith.constant 4 : i32
        %add3A_215 = vector.broadcast %add3A_214 : i32 to vector<16xi32>
        %add3A_216 = arith.addi %mul3A_159, %add3A_215 : vector<16xi32>
        %shift_right_arithmetic3A_217 = arith.constant 7 : i32
        %shift_right_arithmetic3A_218 = vector.broadcast %shift_right_arithmetic3A_217 : i32 to vector<16xi32>
        %shift_right_arithmetic3A_219 = arith.shrsi %add3A_216, %shift_right_arithmetic3A_218 : vector<16xi32>
        %and3A_220 = arith.constant 127 : i32
        %and3A_221 = vector.broadcast %and3A_220 : i32 to vector<16xi32>
        %and3A_222 = arith.andi %add3A_216, %and3A_221 : vector<16xi32>
        tpu.vector_store_idx %arg19[%shift_right_arithmetic3A_219, %and3A_222], %gather3A_213 : memref<40x128xf32, #tpu.memory_space<vmem>>[vector<16xi32>, vector<16xi32>], vector<16xf32>,
        %add3A_223 = arith.constant 5 : i32
        %add3A_224 = vector.broadcast %add3A_223 : i32 to vector<16xi32>
        %add3A_225 = arith.addi %mul3A_156, %add3A_224 : vector<16xi32>
        %gather3A_226 = tpu.vector_load_idx %arg18[%add3A_150, %add3A_225] : memref<320x128xf32, #tpu.memory_space<vmem>>[vector<16xi32>, vector<16xi32>], vector<16xf32>,
        %add3A_227 = arith.constant 5 : i32
        %add3A_228 = vector.broadcast %add3A_227 : i32 to vector<16xi32>
        %add3A_229 = arith.addi %mul3A_159, %add3A_228 : vector<16xi32>
        %shift_right_arithmetic3A_230 = arith.constant 7 : i32
        %shift_right_arithmetic3A_231 = vector.broadcast %shift_right_arithmetic3A_230 : i32 to vector<16xi32>
        %shift_right_arithmetic3A_232 = arith.shrsi %add3A_229, %shift_right_arithmetic3A_231 : vector<16xi32>
        %and3A_233 = arith.constant 127 : i32
        %and3A_234 = vector.broadcast %and3A_233 : i32 to vector<16xi32>
        %and3A_235 = arith.andi %add3A_229, %and3A_234 : vector<16xi32>
        tpu.vector_store_idx %arg19[%shift_right_arithmetic3A_232, %and3A_235], %gather3A_226 : memref<40x128xf32, #tpu.memory_space<vmem>>[vector<16xi32>, vector<16xi32>], vector<16xf32>,
        %add3A_236 = arith.constant 6 : i32
        %add3A_237 = vector.broadcast %add3A_236 : i32 to vector<16xi32>
        %add3A_238 = arith.addi %mul3A_156, %add3A_237 : vector<16xi32>
        %gather3A_239 = tpu.vector_load_idx %arg18[%add3A_150, %add3A_238] : memref<320x128xf32, #tpu.memory_space<vmem>>[vector<16xi32>, vector<16xi32>], vector<16xf32>,
        %add3A_240 = arith.constant 6 : i32
        %add3A_241 = vector.broadcast %add3A_240 : i32 to vector<16xi32>
        %add3A_242 = arith.addi %mul3A_159, %add3A_241 : vector<16xi32>
        %shift_right_arithmetic3A_243 = arith.constant 7 : i32
        %shift_right_arithmetic3A_244 = vector.broadcast %shift_right_arithmetic3A_243 : i32 to vector<16xi32>
        %shift_right_arithmetic3A_245 = arith.shrsi %add3A_242, %shift_right_arithmetic3A_244 : vector<16xi32>
        %and3A_246 = arith.constant 127 : i32
        %and3A_247 = vector.broadcast %and3A_246 : i32 to vector<16xi32>
        %and3A_248 = arith.andi %add3A_242, %and3A_247 : vector<16xi32>
        tpu.vector_store_idx %arg19[%shift_right_arithmetic3A_245, %and3A_248], %gather3A_239 : memref<40x128xf32, #tpu.memory_space<vmem>>[vector<16xi32>, vector<16xi32>], vector<16xf32>,
        %add3A_249 = arith.constant 7 : i32
        %add3A_250 = vector.broadcast %add3A_249 : i32 to vector<16xi32>
        %add3A_251 = arith.addi %mul3A_156, %add3A_250 : vector<16xi32>
        %gather3A_252 = tpu.vector_load_idx %arg18[%add3A_150, %add3A_251] : memref<320x128xf32, #tpu.memory_space<vmem>>[vector<16xi32>, vector<16xi32>], vector<16xf32>,
        %add3A_253 = arith.constant 7 : i32
        %add3A_254 = vector.broadcast %add3A_253 : i32 to vector<16xi32>
        %add3A_255 = arith.addi %mul3A_159, %add3A_254 : vector<16xi32>
        %shift_right_arithmetic3A_256 = arith.constant 7 : i32
        %shift_right_arithmetic3A_257 = vector.broadcast %shift_right_arithmetic3A_256 : i32 to vector<16xi32>
        %shift_right_arithmetic3A_258 = arith.shrsi %add3A_255, %shift_right_arithmetic3A_257 : vector<16xi32>
        %and3A_259 = arith.constant 127 : i32
        %and3A_260 = vector.broadcast %and3A_259 : i32 to vector<16xi32>
        %and3A_261 = arith.andi %add3A_255, %and3A_260 : vector<16xi32>
        tpu.vector_store_idx %arg19[%shift_right_arithmetic3A_258, %and3A_261], %gather3A_252 : memref<40x128xf32, #tpu.memory_space<vmem>>[vector<16xi32>, vector<16xi32>], vector<16xf32>,
        %add3A_262 = arith.constant 8 : i32
        %add3A_263 = vector.broadcast %add3A_262 : i32 to vector<16xi32>
        %add3A_264 = arith.addi %mul3A_156, %add3A_263 : vector<16xi32>
        %gather3A_265 = tpu.vector_load_idx %arg18[%add3A_150, %add3A_264] : memref<320x128xf32, #tpu.memory_space<vmem>>[vector<16xi32>, vector<16xi32>], vector<16xf32>,
        %add3A_266 = arith.constant 8 : i32
        %add3A_267 = vector.broadcast %add3A_266 : i32 to vector<16xi32>
        %add3A_268 = arith.addi %mul3A_159, %add3A_267 : vector<16xi32>
        %shift_right_arithmetic3A_269 = arith.constant 7 : i32
        %shift_right_arithmetic3A_270 = vector.broadcast %shift_right_arithmetic3A_269 : i32 to vector<16xi32>
        %shift_right_arithmetic3A_271 = arith.shrsi %add3A_268, %shift_right_arithmetic3A_270 : vector<16xi32>
        %and3A_272 = arith.constant 127 : i32
        %and3A_273 = vector.broadcast %and3A_272 : i32 to vector<16xi32>
        %and3A_274 = arith.andi %add3A_268, %and3A_273 : vector<16xi32>
        tpu.vector_store_idx %arg19[%shift_right_arithmetic3A_271, %and3A_274], %gather3A_265 : memref<40x128xf32, #tpu.memory_space<vmem>>[vector<16xi32>, vector<16xi32>], vector<16xf32>,
        %add3A_275 = arith.constant 9 : i32
        %add3A_276 = vector.broadcast %add3A_275 : i32 to vector<16xi32>
        %add3A_277 = arith.addi %mul3A_156, %add3A_276 : vector<16xi32>
        %gather3A_278 = tpu.vector_load_idx %arg18[%add3A_150, %add3A_277] : memref<320x128xf32, #tpu.memory_space<vmem>>[vector<16xi32>, vector<16xi32>], vector<16xf32>,
        %add3A_279 = arith.constant 9 : i32
        %add3A_280 = vector.broadcast %add3A_279 : i32 to vector<16xi32>
        %add3A_281 = arith.addi %mul3A_159, %add3A_280 : vector<16xi32>
        %shift_right_arithmetic3A_282 = arith.constant 7 : i32
        %shift_right_arithmetic3A_283 = vector.broadcast %shift_right_arithmetic3A_282 : i32 to vector<16xi32>
        %shift_right_arithmetic3A_284 = arith.shrsi %add3A_281, %shift_right_arithmetic3A_283 : vector<16xi32>
        %and3A_285 = arith.constant 127 : i32
        %and3A_286 = vector.broadcast %and3A_285 : i32 to vector<16xi32>
        %and3A_287 = arith.andi %add3A_281, %and3A_286 : vector<16xi32>
        tpu.vector_store_idx %arg19[%shift_right_arithmetic3A_284, %and3A_287], %gather3A_278 : memref<40x128xf32, #tpu.memory_space<vmem>>[vector<16xi32>, vector<16xi32>], vector<16xf32>,
        %add3A_288 = arith.constant 10 : i32
        %add3A_289 = vector.broadcast %add3A_288 : i32 to vector<16xi32>
        %add3A_290 = arith.addi %mul3A_156, %add3A_289 : vector<16xi32>
        %gather3A_291 = tpu.vector_load_idx %arg18[%add3A_150, %add3A_290] : memref<320x128xf32, #tpu.memory_space<vmem>>[vector<16xi32>, vector<16xi32>], vector<16xf32>,
        %add3A_292 = arith.constant 10 : i32
        %add3A_293 = vector.broadcast %add3A_292 : i32 to vector<16xi32>
        %add3A_294 = arith.addi %mul3A_159, %add3A_293 : vector<16xi32>
        %shift_right_arithmetic3A_295 = arith.constant 7 : i32
        %shift_right_arithmetic3A_296 = vector.broadcast %shift_right_arithmetic3A_295 : i32 to vector<16xi32>
        %shift_right_arithmetic3A_297 = arith.shrsi %add3A_294, %shift_right_arithmetic3A_296 : vector<16xi32>
        %and3A_298 = arith.constant 127 : i32
        %and3A_299 = vector.broadcast %and3A_298 : i32 to vector<16xi32>
        %and3A_300 = arith.andi %add3A_294, %and3A_299 : vector<16xi32>
        tpu.vector_store_idx %arg19[%shift_right_arithmetic3A_297, %and3A_300], %gather3A_291 : memref<40x128xf32, #tpu.memory_space<vmem>>[vector<16xi32>, vector<16xi32>], vector<16xf32>,
        %add3A_301 = arith.constant 11 : i32
        %add3A_302 = vector.broadcast %add3A_301 : i32 to vector<16xi32>
        %add3A_303 = arith.addi %mul3A_156, %add3A_302 : vector<16xi32>
        %gather3A_304 = tpu.vector_load_idx %arg18[%add3A_150, %add3A_303] : memref<320x128xf32, #tpu.memory_space<vmem>>[vector<16xi32>, vector<16xi32>], vector<16xf32>,
        %add3A_305 = arith.constant 11 : i32
        %add3A_306 = vector.broadcast %add3A_305 : i32 to vector<16xi32>
        %add3A_307 = arith.addi %mul3A_159, %add3A_306 : vector<16xi32>
        %shift_right_arithmetic3A_308 = arith.constant 7 : i32
        %shift_right_arithmetic3A_309 = vector.broadcast %shift_right_arithmetic3A_308 : i32 to vector<16xi32>
        %shift_right_arithmetic3A_310 = arith.shrsi %add3A_307, %shift_right_arithmetic3A_309 : vector<16xi32>
        %and3A_311 = arith.constant 127 : i32
        %and3A_312 = vector.broadcast %and3A_311 : i32 to vector<16xi32>
        %and3A_313 = arith.andi %add3A_307, %and3A_312 : vector<16xi32>
        tpu.vector_store_idx %arg19[%shift_right_arithmetic3A_310, %and3A_313], %gather3A_304 : memref<40x128xf32, #tpu.memory_space<vmem>>[vector<16xi32>, vector<16xi32>], vector<16xf32>,
        %add3A_314 = arith.constant 12 : i32
        %add3A_315 = vector.broadcast %add3A_314 : i32 to vector<16xi32>
        %add3A_316 = arith.addi %mul3A_156, %add3A_315 : vector<16xi32>
        %gather3A_317 = tpu.vector_load_idx %arg18[%add3A_150, %add3A_316] : memref<320x128xf32, #tpu.memory_space<vmem>>[vector<16xi32>, vector<16xi32>], vector<16xf32>,
        %add3A_318 = arith.constant 12 : i32
        %add3A_319 = vector.broadcast %add3A_318 : i32 to vector<16xi32>
        %add3A_320 = arith.addi %mul3A_159, %add3A_319 : vector<16xi32>
        %shift_right_arithmetic3A_321 = arith.constant 7 : i32
        %shift_right_arithmetic3A_322 = vector.broadcast %shift_right_arithmetic3A_321 : i32 to vector<16xi32>
        %shift_right_arithmetic3A_323 = arith.shrsi %add3A_320, %shift_right_arithmetic3A_322 : vector<16xi32>
        %and3A_324 = arith.constant 127 : i32
        %and3A_325 = vector.broadcast %and3A_324 : i32 to vector<16xi32>
        %and3A_326 = arith.andi %add3A_320, %and3A_325 : vector<16xi32>
        tpu.vector_store_idx %arg19[%shift_right_arithmetic3A_323, %and3A_326], %gather3A_317 : memref<40x128xf32, #tpu.memory_space<vmem>>[vector<16xi32>, vector<16xi32>], vector<16xf32>,
        %add3A_327 = arith.constant 13 : i32
        %add3A_328 = vector.broadcast %add3A_327 : i32 to vector<16xi32>
        %add3A_329 = arith.addi %mul3A_156, %add3A_328 : vector<16xi32>
        %gather3A_330 = tpu.vector_load_idx %arg18[%add3A_150, %add3A_329] : memref<320x128xf32, #tpu.memory_space<vmem>>[vector<16xi32>, vector<16xi32>], vector<16xf32>,
        %add3A_331 = arith.constant 13 : i32
        %add3A_332 = vector.broadcast %add3A_331 : i32 to vector<16xi32>
        %add3A_333 = arith.addi %mul3A_159, %add3A_332 : vector<16xi32>
        %shift_right_arithmetic3A_334 = arith.constant 7 : i32
        %shift_right_arithmetic3A_335 = vector.broadcast %shift_right_arithmetic3A_334 : i32 to vector<16xi32>
        %shift_right_arithmetic3A_336 = arith.shrsi %add3A_333, %shift_right_arithmetic3A_335 : vector<16xi32>
        %and3A_337 = arith.constant 127 : i32
        %and3A_338 = vector.broadcast %and3A_337 : i32 to vector<16xi32>
        %and3A_339 = arith.andi %add3A_333, %and3A_338 : vector<16xi32>
        tpu.vector_store_idx %arg19[%shift_right_arithmetic3A_336, %and3A_339], %gather3A_330 : memref<40x128xf32, #tpu.memory_space<vmem>>[vector<16xi32>, vector<16xi32>], vector<16xf32>,
        %add3A_340 = arith.constant 14 : i32
        %add3A_341 = vector.broadcast %add3A_340 : i32 to vector<16xi32>
        %add3A_342 = arith.addi %mul3A_156, %add3A_341 : vector<16xi32>
        %gather3A_343 = tpu.vector_load_idx %arg18[%add3A_150, %add3A_342] : memref<320x128xf32, #tpu.memory_space<vmem>>[vector<16xi32>, vector<16xi32>], vector<16xf32>,
        %add3A_344 = arith.constant 14 : i32
        %add3A_345 = vector.broadcast %add3A_344 : i32 to vector<16xi32>
        %add3A_346 = arith.addi %mul3A_159, %add3A_345 : vector<16xi32>
        %shift_right_arithmetic3A_347 = arith.constant 7 : i32
        %shift_right_arithmetic3A_348 = vector.broadcast %shift_right_arithmetic3A_347 : i32 to vector<16xi32>
        %shift_right_arithmetic3A_349 = arith.shrsi %add3A_346, %shift_right_arithmetic3A_348 : vector<16xi32>
        %and3A_350 = arith.constant 127 : i32
        %and3A_351 = vector.broadcast %and3A_350 : i32 to vector<16xi32>
        %and3A_352 = arith.andi %add3A_346, %and3A_351 : vector<16xi32>
        tpu.vector_store_idx %arg19[%shift_right_arithmetic3A_349, %and3A_352], %gather3A_343 : memref<40x128xf32, #tpu.memory_space<vmem>>[vector<16xi32>, vector<16xi32>], vector<16xf32>,
        %add3A_353 = arith.constant 15 : i32
        %add3A_354 = vector.broadcast %add3A_353 : i32 to vector<16xi32>
        %add3A_355 = arith.addi %mul3A_156, %add3A_354 : vector<16xi32>
        %gather3A_356 = tpu.vector_load_idx %arg18[%add3A_150, %add3A_355] : memref<320x128xf32, #tpu.memory_space<vmem>>[vector<16xi32>, vector<16xi32>], vector<16xf32>,
        %add3A_357 = arith.constant 15 : i32
        %add3A_358 = vector.broadcast %add3A_357 : i32 to vector<16xi32>
        %add3A_359 = arith.addi %mul3A_159, %add3A_358 : vector<16xi32>
        %shift_right_arithmetic3A_360 = arith.constant 7 : i32
        %shift_right_arithmetic3A_361 = vector.broadcast %shift_right_arithmetic3A_360 : i32 to vector<16xi32>
        %shift_right_arithmetic3A_362 = arith.shrsi %add3A_359, %shift_right_arithmetic3A_361 : vector<16xi32>
        %and3A_363 = arith.constant 127 : i32
        %and3A_364 = vector.broadcast %and3A_363 : i32 to vector<16xi32>
        %and3A_365 = arith.andi %add3A_359, %and3A_364 : vector<16xi32>
        tpu.vector_store_idx %arg19[%shift_right_arithmetic3A_362, %and3A_365], %gather3A_356 : memref<40x128xf32, #tpu.memory_space<vmem>>[vector<16xi32>, vector<16xi32>], vector<16xf32>,
      }
      %scan3A_109 = arith.constant 20 : i32
      %mul3A_110 = arith.constant 320 : i32
      %mul3A_111 = arith.muli %add3A_101, %mul3A_110 : i32
      %add3A_112 = arith.addi %mul3A_2, %mul3A_111 : i32
      %mul3A_113 = arith.constant 16 : i32
      %mul3A_114 = arith.muli %add3A_112, %mul3A_113 : i32
      %jit3A_115 = arith.constant 128 : i32
      %div3A_116 = arith.divsi %mul3A_114, %jit3A_115 : i32
      %sign3A_117 = arith.constant 0 : i32
      %sign3A_118 = arith.cmpi sgt, %mul3A_114, %sign3A_117 : i32
      %sign3A_119 = arith.extui %sign3A_118 : i1 to i32
      %sign3A_120 = arith.constant 0 : i32
      %sign3A_121 = arith.cmpi slt, %mul3A_114, %sign3A_120 : i32
      %sign3A_122 = arith.extui %sign3A_121 : i1 to i32
      %sign3A_123 = arith.subi %sign3A_119, %sign3A_122 : i32
      %sign3A_124 = arith.constant 0 : i32
      %sign3A_125 = arith.cmpi sgt, %jit3A_115, %sign3A_124 : i32
      %sign3A_126 = arith.extui %sign3A_125 : i1 to i32
      %sign3A_127 = arith.constant 0 : i32
      %sign3A_128 = arith.cmpi slt, %jit3A_115, %sign3A_127 : i32
      %sign3A_129 = arith.extui %sign3A_128 : i1 to i32
      %sign3A_130 = arith.subi %sign3A_126, %sign3A_129 : i32
      %ne3A_131 = arith.cmpi ne, %sign3A_123, %sign3A_130 : i32
      %rem3A_132 = arith.remsi %mul3A_114, %jit3A_115 : i32
      %ne3A_133 = arith.constant 0 : i32
      %ne3A_134 = arith.cmpi ne, %rem3A_132, %ne3A_133 : i32
      %and3A_135 = arith.andi %ne3A_131, %ne3A_134 : i1
      %sub3A_136 = arith.constant 1 : i32
      %sub3A_137 = arith.subi %div3A_116, %sub3A_136 : i32
      %select_n3A_138 = arith.select %and3A_135, %sub3A_137, %div3A_116 : i32
      %multiple_of3A_139 = tpu.assume_multiple %select_n3A_138, 8 : i32
      "tpu.region"() ({
        %run_scoped3A = tpu.sem_alloc : memref<!tpu.dma_semaphore, #tpu.memory_space<semaphore_mem>>
        %dma_start3A_140 = arith.constant 0 : i32
        %dma_start3A_141 = tpu.memref_slice %arg11[%multiple_of3A_139, %dma_start3A_140] : memref<102400x128xf32, #tpu.memory_space<hbm>> -> memref<40x128xf32, #tpu.memory_space<hbm>>
        %dma_start3A_142 = arith.constant 0 : i32
        %dma_start3A_143 = tpu.memref_slice %arg11[%multiple_of3A_139, %dma_start3A_142] : memref<102400x128xf32, #tpu.memory_space<hbm>> -> memref<40x128xf32, #tpu.memory_space<hbm>>
        tpu.enqueue_dma source(%arg19 : memref<40x128xf32, #tpu.memory_space<vmem>>) target(%dma_start3A_143 : memref<40x128xf32, #tpu.memory_space<hbm>>) target_semaphore(%run_scoped3A : memref<!tpu.dma_semaphore, #tpu.memory_space<semaphore_mem>>)
        %dma_wait3A_144 = arith.constant 0 : i32
        %dma_wait3A_145 = tpu.memref_slice %arg11[%multiple_of3A_139, %dma_wait3A_144] : memref<102400x128xf32, #tpu.memory_space<hbm>> -> memref<40x128xf32, #tpu.memory_space<hbm>>
        %dma_wait3A_146 = arith.constant 0 : i32
        %dma_wait3A_147 = tpu.memref_slice %arg11[%multiple_of3A_139, %dma_wait3A_146] : memref<102400x128xf32, #tpu.memory_space<hbm>> -> memref<40x128xf32, #tpu.memory_space<hbm>>
        tpu.wait_dma2 semaphore(%run_scoped3A : memref<!tpu.dma_semaphore, #tpu.memory_space<semaphore_mem>>) src(%arg19 : memref<40x128xf32, #tpu.memory_space<vmem>>) dst(%dma_wait3A_147 : memref<40x128xf32, #tpu.memory_space<hbm>>)
        tpu.yield
      }) : () -> ()
    }
    %scan3A_26 = arith.constant 40 : i32
    "tpu.region"() ({
      %run_scoped3A = tpu.sem_alloc : memref<!tpu.dma_semaphore, #tpu.memory_space<semaphore_mem>>
      %dma_start3A_53 = tpu.memref_slice %arg8[%mul3A_2] : memref<819200xi32, #tpu.memory_space<hbm>> -> memref<25600xi32, #tpu.memory_space<hbm>>
      %dma_start3A_54 = tpu.memref_slice %arg8[%mul3A_2] : memref<819200xi32, #tpu.memory_space<hbm>> -> memref<25600xi32, #tpu.memory_space<hbm>>
      tpu.enqueue_dma source(%dma_start3A_54 : memref<25600xi32, #tpu.memory_space<hbm>>) target(%arg14 : memref<25600xi32, #tpu.memory_space<vmem>>) target_semaphore(%run_scoped3A : memref<!tpu.dma_semaphore, #tpu.memory_space<semaphore_mem>>)
      %dma_wait3A = tpu.memref_slice %arg8[%mul3A_2] : memref<819200xi32, #tpu.memory_space<hbm>> -> memref<25600xi32, #tpu.memory_space<hbm>>
      %dma_wait3A_55 = tpu.memref_slice %arg8[%mul3A_2] : memref<819200xi32, #tpu.memory_space<hbm>> -> memref<25600xi32, #tpu.memory_space<hbm>>
      tpu.wait_dma2 semaphore(%run_scoped3A : memref<!tpu.dma_semaphore, #tpu.memory_space<semaphore_mem>>) src(%dma_wait3A_55 : memref<25600xi32, #tpu.memory_space<hbm>>) dst(%arg14 : memref<25600xi32, #tpu.memory_space<vmem>>)
      tpu.yield
    }) : () -> ()
    %scan3A_27 = arith.constant 0 : i32
    %scan3A_28 = arith.constant 20 : i32
    %scan3A_29 = arith.addi %scan3A_27, %scan3A_28 : i32
    %scan3A_30 = arith.constant 1 : i32
    scf.for %scan3A_53 = %scan3A_27 to %scan3A_29 step %scan3A_30  : i32 {
      %mul3A_54 = arith.constant 16 : i32
      %mul3A_55 = arith.muli %scan3A_53, %mul3A_54 : i32
      %add3A_56 = arith.constant 0 : i32
      %add3A_57 = arith.addi %add3A_56, %mul3A_55 : i32
      %add3A_58 = arith.constant 0 : i32
      %add3A_59 = arith.addi %add3A_58, %add3A_57 : i32
      %get3A = arith.index_cast %add3A_59 : i32 to index
      %get3A_60 = tpu.vector_load %arg14[%get3A] {strides = array<i32>} : memref<25600xi32, #tpu.memory_space<vmem>>, vector<16xi32>,
      %shift_right_arithmetic3A = arith.constant 3 : i32
      %shift_right_arithmetic3A_61 = vector.broadcast %shift_right_arithmetic3A : i32 to vector<16xi32>
      %shift_right_arithmetic3A_62 = arith.shrsi %get3A_60, %shift_right_arithmetic3A_61 : vector<16xi32>
      %swap3A = arith.index_cast %add3A_57 : i32 to index
      %swap3A_63 = tpu.vector_load %arg15[%swap3A] {strides = array<i32>} : memref<320xi32, #tpu.memory_space<vmem>>, vector<16xi32>,
      tpu.vector_store %arg15[%swap3A], %shift_right_arithmetic3A_62 {strides = array<i32>} : memref<320xi32, #tpu.memory_space<vmem>>, vector<16xi32>,
    }
    %scan3A_31 = arith.constant 20 : i32
    %dma_start3A_32 = arith.constant 0 : i32
    %dma_start3A_33 = arith.constant 0 : i32
    %dma_start3A_34 = tpu.memref_slice %arg4[%dma_start3A_32, %dma_start3A_33] : memref<12500x128xf32, #tpu.memory_space<hbm>> -> memref<12500x128xf32, #tpu.memory_space<hbm>>
    tpu.enqueue_indirect_dma source(%dma_start3A_34 : memref<12500x128xf32, #tpu.memory_space<hbm>>) target(%arg17 : memref<320x128xf32, #tpu.memory_space<vmem>>) offsets(%arg15 : memref<320xi32, #tpu.memory_space<vmem>>) semaphore(%arg20 : memref<!tpu.dma_semaphore, #tpu.memory_space<semaphore_mem>>)
    %scan3A_35 = arith.constant 0 : i32
    %scan3A_36 = arith.constant 40 : i32
    %scan3A_37 = arith.addi %scan3A_35, %scan3A_36 : i32
    %scan3A_38 = arith.constant 1 : i32
    scf.for %scan3A_53 = %scan3A_35 to %scan3A_37 step %scan3A_38  : i32 {
      %mul3A_54 = arith.constant 2 : i32
      %mul3A_55 = arith.muli %scan3A_53, %mul3A_54 : i32
      %add3A_56 = arith.constant 0 : i32
      %add3A_57 = arith.addi %add3A_56, %mul3A_55 : i32
      %add3A_58 = arith.constant 1 : i32
      %add3A_59 = arith.addi %add3A_57, %add3A_58 : i32
      %scan3A_60 = arith.constant 0 : i32
      %scan3A_61 = arith.constant 20 : i32
      %scan3A_62 = arith.addi %scan3A_60, %scan3A_61 : i32
      %scan3A_63 = arith.constant 1 : i32
      scf.for %scan3A_140 = %scan3A_60 to %scan3A_62 step %scan3A_63  : i32 {
        %mul3A_141 = arith.constant 16 : i32
        %mul3A_142 = arith.muli %scan3A_140, %mul3A_141 : i32
        %add3A_143 = arith.constant 0 : i32
        %add3A_144 = arith.addi %add3A_143, %mul3A_142 : i32
        %mul3A_145 = arith.constant 320 : i32
        %mul3A_146 = arith.muli %add3A_59, %mul3A_145 : i32
        %add3A_147 = arith.addi %mul3A_146, %add3A_144 : i32
        %get3A = arith.index_cast %add3A_147 : i32 to index
        %get3A_148 = tpu.vector_load %arg14[%get3A] {strides = array<i32>} : memref<25600xi32, #tpu.memory_space<vmem>>, vector<16xi32>,
        %shift_right_arithmetic3A = arith.constant 3 : i32
        %shift_right_arithmetic3A_149 = vector.broadcast %shift_right_arithmetic3A : i32 to vector<16xi32>
        %shift_right_arithmetic3A_150 = arith.shrsi %get3A_148, %shift_right_arithmetic3A_149 : vector<16xi32>
        %swap3A = arith.index_cast %add3A_144 : i32 to index
        %swap3A_151 = tpu.vector_load %arg16[%swap3A] {strides = array<i32>} : memref<320xi32, #tpu.memory_space<vmem>>, vector<16xi32>,
        tpu.vector_store %arg16[%swap3A], %shift_right_arithmetic3A_150 {strides = array<i32>} : memref<320xi32, #tpu.memory_space<vmem>>, vector<16xi32>,
      }
      %scan3A_64 = arith.constant 20 : i32
      %dma_start3A_65 = arith.constant 0 : i32
      %dma_start3A_66 = arith.constant 0 : i32
      %dma_start3A_67 = tpu.memref_slice %arg4[%dma_start3A_65, %dma_start3A_66] : memref<12500x128xf32, #tpu.memory_space<hbm>> -> memref<12500x128xf32, #tpu.memory_space<hbm>>
      tpu.enqueue_indirect_dma source(%dma_start3A_67 : memref<12500x128xf32, #tpu.memory_space<hbm>>) target(%arg18 : memref<320x128xf32, #tpu.memory_space<vmem>>) offsets(%arg16 : memref<320xi32, #tpu.memory_space<vmem>>) semaphore(%arg21 : memref<!tpu.dma_semaphore, #tpu.memory_space<semaphore_mem>>)
      %dma_wait3A = arith.constant 0 : i32
      %dma_wait3A_68 = arith.constant 0 : i32
      %dma_wait3A_69 = tpu.memref_slice %arg4[%dma_wait3A, %dma_wait3A_68] : memref<12500x128xf32, #tpu.memory_space<hbm>> -> memref<12500x128xf32, #tpu.memory_space<hbm>>
      tpu.wait_indirect_dma semaphore(%arg20 : memref<!tpu.dma_semaphore, #tpu.memory_space<semaphore_mem>>) src(%dma_wait3A_69 : memref<12500x128xf32, #tpu.memory_space<hbm>>) dst(%arg17 : memref<320x128xf32, #tpu.memory_space<vmem>>)
      %scan3A_70 = arith.constant 0 : i32
      %scan3A_71 = arith.constant 20 : i32
      %scan3A_72 = arith.addi %scan3A_70, %scan3A_71 : i32
      %scan3A_73 = arith.constant 1 : i32
      scf.for %scan3A_140 = %scan3A_70 to %scan3A_72 step %scan3A_73  : i32 {
        %mul3A_141 = arith.constant 16 : i32
        %mul3A_142 = arith.muli %scan3A_140, %mul3A_141 : i32
        %add3A_143 = arith.constant 0 : i32
        %add3A_144 = arith.addi %add3A_143, %mul3A_142 : i32
        %mul3A_145 = arith.constant 320 : i32
        %mul3A_146 = arith.muli %add3A_57, %mul3A_145 : i32
        %add3A_147 = arith.addi %mul3A_146, %add3A_144 : i32
        %get3A = arith.index_cast %add3A_147 : i32 to index
        %get3A_148 = tpu.vector_load %arg14[%get3A] {strides = array<i32>} : memref<25600xi32, #tpu.memory_space<vmem>>, vector<16xi32>,
        %add3A_149 = vector.broadcast %add3A_144 : i32 to vector<16xi32>
        %add3A_150 = arith.addi %add3A_149, %iota3A : vector<16xi32>
        %and3A_151 = arith.constant 7 : i32
        %and3A_152 = vector.broadcast %and3A_151 : i32 to vector<16xi32>
        %and3A_153 = arith.andi %get3A_148, %and3A_152 : vector<16xi32>
        %mul3A_154 = arith.constant 16 : i32
        %mul3A_155 = vector.broadcast %mul3A_154 : i32 to vector<16xi32>
        %mul3A_156 = arith.muli %and3A_153, %mul3A_155 : vector<16xi32>
        %mul3A_157 = arith.constant 16 : i32
        %mul3A_158 = vector.broadcast %mul3A_157 : i32 to vector<16xi32>
        %mul3A_159 = arith.muli %add3A_150, %mul3A_158 : vector<16xi32>
        %add3A_160 = arith.constant 0 : i32
        %add3A_161 = vector.broadcast %add3A_160 : i32 to vector<16xi32>
        %add3A_162 = arith.addi %mul3A_156, %add3A_161 : vector<16xi32>
        %gather3A = tpu.vector_load_idx %arg17[%add3A_150, %add3A_162] : memref<320x128xf32, #tpu.memory_space<vmem>>[vector<16xi32>, vector<16xi32>], vector<16xf32>,
        %add3A_163 = arith.constant 0 : i32
        %add3A_164 = vector.broadcast %add3A_163 : i32 to vector<16xi32>
        %add3A_165 = arith.addi %mul3A_159, %add3A_164 : vector<16xi32>
        %shift_right_arithmetic3A = arith.constant 7 : i32
        %shift_right_arithmetic3A_166 = vector.broadcast %shift_right_arithmetic3A : i32 to vector<16xi32>
        %shift_right_arithmetic3A_167 = arith.shrsi %add3A_165, %shift_right_arithmetic3A_166 : vector<16xi32>
        %and3A_168 = arith.constant 127 : i32
        %and3A_169 = vector.broadcast %and3A_168 : i32 to vector<16xi32>
        %and3A_170 = arith.andi %add3A_165, %and3A_169 : vector<16xi32>
        tpu.vector_store_idx %arg19[%shift_right_arithmetic3A_167, %and3A_170], %gather3A : memref<40x128xf32, #tpu.memory_space<vmem>>[vector<16xi32>, vector<16xi32>], vector<16xf32>,
        %add3A_171 = arith.constant 1 : i32
        %add3A_172 = vector.broadcast %add3A_171 : i32 to vector<16xi32>
        %add3A_173 = arith.addi %mul3A_156, %add3A_172 : vector<16xi32>
        %gather3A_174 = tpu.vector_load_idx %arg17[%add3A_150, %add3A_173] : memref<320x128xf32, #tpu.memory_space<vmem>>[vector<16xi32>, vector<16xi32>], vector<16xf32>,
        %add3A_175 = arith.constant 1 : i32
        %add3A_176 = vector.broadcast %add3A_175 : i32 to vector<16xi32>
        %add3A_177 = arith.addi %mul3A_159, %add3A_176 : vector<16xi32>
        %shift_right_arithmetic3A_178 = arith.constant 7 : i32
        %shift_right_arithmetic3A_179 = vector.broadcast %shift_right_arithmetic3A_178 : i32 to vector<16xi32>
        %shift_right_arithmetic3A_180 = arith.shrsi %add3A_177, %shift_right_arithmetic3A_179 : vector<16xi32>
        %and3A_181 = arith.constant 127 : i32
        %and3A_182 = vector.broadcast %and3A_181 : i32 to vector<16xi32>
        %and3A_183 = arith.andi %add3A_177, %and3A_182 : vector<16xi32>
        tpu.vector_store_idx %arg19[%shift_right_arithmetic3A_180, %and3A_183], %gather3A_174 : memref<40x128xf32, #tpu.memory_space<vmem>>[vector<16xi32>, vector<16xi32>], vector<16xf32>,
        %add3A_184 = arith.constant 2 : i32
        %add3A_185 = vector.broadcast %add3A_184 : i32 to vector<16xi32>
        %add3A_186 = arith.addi %mul3A_156, %add3A_185 : vector<16xi32>
        %gather3A_187 = tpu.vector_load_idx %arg17[%add3A_150, %add3A_186] : memref<320x128xf32, #tpu.memory_space<vmem>>[vector<16xi32>, vector<16xi32>], vector<16xf32>,
        %add3A_188 = arith.constant 2 : i32
        %add3A_189 = vector.broadcast %add3A_188 : i32 to vector<16xi32>
        %add3A_190 = arith.addi %mul3A_159, %add3A_189 : vector<16xi32>
        %shift_right_arithmetic3A_191 = arith.constant 7 : i32
        %shift_right_arithmetic3A_192 = vector.broadcast %shift_right_arithmetic3A_191 : i32 to vector<16xi32>
        %shift_right_arithmetic3A_193 = arith.shrsi %add3A_190, %shift_right_arithmetic3A_192 : vector<16xi32>
        %and3A_194 = arith.constant 127 : i32
        %and3A_195 = vector.broadcast %and3A_194 : i32 to vector<16xi32>
        %and3A_196 = arith.andi %add3A_190, %and3A_195 : vector<16xi32>
        tpu.vector_store_idx %arg19[%shift_right_arithmetic3A_193, %and3A_196], %gather3A_187 : memref<40x128xf32, #tpu.memory_space<vmem>>[vector<16xi32>, vector<16xi32>], vector<16xf32>,
        %add3A_197 = arith.constant 3 : i32
        %add3A_198 = vector.broadcast %add3A_197 : i32 to vector<16xi32>
        %add3A_199 = arith.addi %mul3A_156, %add3A_198 : vector<16xi32>
        %gather3A_200 = tpu.vector_load_idx %arg17[%add3A_150, %add3A_199] : memref<320x128xf32, #tpu.memory_space<vmem>>[vector<16xi32>, vector<16xi32>], vector<16xf32>,
        %add3A_201 = arith.constant 3 : i32
        %add3A_202 = vector.broadcast %add3A_201 : i32 to vector<16xi32>
        %add3A_203 = arith.addi %mul3A_159, %add3A_202 : vector<16xi32>
        %shift_right_arithmetic3A_204 = arith.constant 7 : i32
        %shift_right_arithmetic3A_205 = vector.broadcast %shift_right_arithmetic3A_204 : i32 to vector<16xi32>
        %shift_right_arithmetic3A_206 = arith.shrsi %add3A_203, %shift_right_arithmetic3A_205 : vector<16xi32>
        %and3A_207 = arith.constant 127 : i32
        %and3A_208 = vector.broadcast %and3A_207 : i32 to vector<16xi32>
        %and3A_209 = arith.andi %add3A_203, %and3A_208 : vector<16xi32>
        tpu.vector_store_idx %arg19[%shift_right_arithmetic3A_206, %and3A_209], %gather3A_200 : memref<40x128xf32, #tpu.memory_space<vmem>>[vector<16xi32>, vector<16xi32>], vector<16xf32>,
        %add3A_210 = arith.constant 4 : i32
        %add3A_211 = vector.broadcast %add3A_210 : i32 to vector<16xi32>
        %add3A_212 = arith.addi %mul3A_156, %add3A_211 : vector<16xi32>
        %gather3A_213 = tpu.vector_load_idx %arg17[%add3A_150, %add3A_212] : memref<320x128xf32, #tpu.memory_space<vmem>>[vector<16xi32>, vector<16xi32>], vector<16xf32>,
        %add3A_214 = arith.constant 4 : i32
        %add3A_215 = vector.broadcast %add3A_214 : i32 to vector<16xi32>
        %add3A_216 = arith.addi %mul3A_159, %add3A_215 : vector<16xi32>
        %shift_right_arithmetic3A_217 = arith.constant 7 : i32
        %shift_right_arithmetic3A_218 = vector.broadcast %shift_right_arithmetic3A_217 : i32 to vector<16xi32>
        %shift_right_arithmetic3A_219 = arith.shrsi %add3A_216, %shift_right_arithmetic3A_218 : vector<16xi32>
        %and3A_220 = arith.constant 127 : i32
        %and3A_221 = vector.broadcast %and3A_220 : i32 to vector<16xi32>
        %and3A_222 = arith.andi %add3A_216, %and3A_221 : vector<16xi32>
        tpu.vector_store_idx %arg19[%shift_right_arithmetic3A_219, %and3A_222], %gather3A_213 : memref<40x128xf32, #tpu.memory_space<vmem>>[vector<16xi32>, vector<16xi32>], vector<16xf32>,
        %add3A_223 = arith.constant 5 : i32
        %add3A_224 = vector.broadcast %add3A_223 : i32 to vector<16xi32>
        %add3A_225 = arith.addi %mul3A_156, %add3A_224 : vector<16xi32>
        %gather3A_226 = tpu.vector_load_idx %arg17[%add3A_150, %add3A_225] : memref<320x128xf32, #tpu.memory_space<vmem>>[vector<16xi32>, vector<16xi32>], vector<16xf32>,
        %add3A_227 = arith.constant 5 : i32
        %add3A_228 = vector.broadcast %add3A_227 : i32 to vector<16xi32>
        %add3A_229 = arith.addi %mul3A_159, %add3A_228 : vector<16xi32>
        %shift_right_arithmetic3A_230 = arith.constant 7 : i32
        %shift_right_arithmetic3A_231 = vector.broadcast %shift_right_arithmetic3A_230 : i32 to vector<16xi32>
        %shift_right_arithmetic3A_232 = arith.shrsi %add3A_229, %shift_right_arithmetic3A_231 : vector<16xi32>
        %and3A_233 = arith.constant 127 : i32
        %and3A_234 = vector.broadcast %and3A_233 : i32 to vector<16xi32>
        %and3A_235 = arith.andi %add3A_229, %and3A_234 : vector<16xi32>
        tpu.vector_store_idx %arg19[%shift_right_arithmetic3A_232, %and3A_235], %gather3A_226 : memref<40x128xf32, #tpu.memory_space<vmem>>[vector<16xi32>, vector<16xi32>], vector<16xf32>,
        %add3A_236 = arith.constant 6 : i32
        %add3A_237 = vector.broadcast %add3A_236 : i32 to vector<16xi32>
        %add3A_238 = arith.addi %mul3A_156, %add3A_237 : vector<16xi32>
        %gather3A_239 = tpu.vector_load_idx %arg17[%add3A_150, %add3A_238] : memref<320x128xf32, #tpu.memory_space<vmem>>[vector<16xi32>, vector<16xi32>], vector<16xf32>,
        %add3A_240 = arith.constant 6 : i32
        %add3A_241 = vector.broadcast %add3A_240 : i32 to vector<16xi32>
        %add3A_242 = arith.addi %mul3A_159, %add3A_241 : vector<16xi32>
        %shift_right_arithmetic3A_243 = arith.constant 7 : i32
        %shift_right_arithmetic3A_244 = vector.broadcast %shift_right_arithmetic3A_243 : i32 to vector<16xi32>
        %shift_right_arithmetic3A_245 = arith.shrsi %add3A_242, %shift_right_arithmetic3A_244 : vector<16xi32>
        %and3A_246 = arith.constant 127 : i32
        %and3A_247 = vector.broadcast %and3A_246 : i32 to vector<16xi32>
        %and3A_248 = arith.andi %add3A_242, %and3A_247 : vector<16xi32>
        tpu.vector_store_idx %arg19[%shift_right_arithmetic3A_245, %and3A_248], %gather3A_239 : memref<40x128xf32, #tpu.memory_space<vmem>>[vector<16xi32>, vector<16xi32>], vector<16xf32>,
        %add3A_249 = arith.constant 7 : i32
        %add3A_250 = vector.broadcast %add3A_249 : i32 to vector<16xi32>
        %add3A_251 = arith.addi %mul3A_156, %add3A_250 : vector<16xi32>
        %gather3A_252 = tpu.vector_load_idx %arg17[%add3A_150, %add3A_251] : memref<320x128xf32, #tpu.memory_space<vmem>>[vector<16xi32>, vector<16xi32>], vector<16xf32>,
        %add3A_253 = arith.constant 7 : i32
        %add3A_254 = vector.broadcast %add3A_253 : i32 to vector<16xi32>
        %add3A_255 = arith.addi %mul3A_159, %add3A_254 : vector<16xi32>
        %shift_right_arithmetic3A_256 = arith.constant 7 : i32
        %shift_right_arithmetic3A_257 = vector.broadcast %shift_right_arithmetic3A_256 : i32 to vector<16xi32>
        %shift_right_arithmetic3A_258 = arith.shrsi %add3A_255, %shift_right_arithmetic3A_257 : vector<16xi32>
        %and3A_259 = arith.constant 127 : i32
        %and3A_260 = vector.broadcast %and3A_259 : i32 to vector<16xi32>
        %and3A_261 = arith.andi %add3A_255, %and3A_260 : vector<16xi32>
        tpu.vector_store_idx %arg19[%shift_right_arithmetic3A_258, %and3A_261], %gather3A_252 : memref<40x128xf32, #tpu.memory_space<vmem>>[vector<16xi32>, vector<16xi32>], vector<16xf32>,
        %add3A_262 = arith.constant 8 : i32
        %add3A_263 = vector.broadcast %add3A_262 : i32 to vector<16xi32>
        %add3A_264 = arith.addi %mul3A_156, %add3A_263 : vector<16xi32>
        %gather3A_265 = tpu.vector_load_idx %arg17[%add3A_150, %add3A_264] : memref<320x128xf32, #tpu.memory_space<vmem>>[vector<16xi32>, vector<16xi32>], vector<16xf32>,
        %add3A_266 = arith.constant 8 : i32
        %add3A_267 = vector.broadcast %add3A_266 : i32 to vector<16xi32>
        %add3A_268 = arith.addi %mul3A_159, %add3A_267 : vector<16xi32>
        %shift_right_arithmetic3A_269 = arith.constant 7 : i32
        %shift_right_arithmetic3A_270 = vector.broadcast %shift_right_arithmetic3A_269 : i32 to vector<16xi32>
        %shift_right_arithmetic3A_271 = arith.shrsi %add3A_268, %shift_right_arithmetic3A_270 : vector<16xi32>
        %and3A_272 = arith.constant 127 : i32
        %and3A_273 = vector.broadcast %and3A_272 : i32 to vector<16xi32>
        %and3A_274 = arith.andi %add3A_268, %and3A_273 : vector<16xi32>
        tpu.vector_store_idx %arg19[%shift_right_arithmetic3A_271, %and3A_274], %gather3A_265 : memref<40x128xf32, #tpu.memory_space<vmem>>[vector<16xi32>, vector<16xi32>], vector<16xf32>,
        %add3A_275 = arith.constant 9 : i32
        %add3A_276 = vector.broadcast %add3A_275 : i32 to vector<16xi32>
        %add3A_277 = arith.addi %mul3A_156, %add3A_276 : vector<16xi32>
        %gather3A_278 = tpu.vector_load_idx %arg17[%add3A_150, %add3A_277] : memref<320x128xf32, #tpu.memory_space<vmem>>[vector<16xi32>, vector<16xi32>], vector<16xf32>,
        %add3A_279 = arith.constant 9 : i32
        %add3A_280 = vector.broadcast %add3A_279 : i32 to vector<16xi32>
        %add3A_281 = arith.addi %mul3A_159, %add3A_280 : vector<16xi32>
        %shift_right_arithmetic3A_282 = arith.constant 7 : i32
        %shift_right_arithmetic3A_283 = vector.broadcast %shift_right_arithmetic3A_282 : i32 to vector<16xi32>
        %shift_right_arithmetic3A_284 = arith.shrsi %add3A_281, %shift_right_arithmetic3A_283 : vector<16xi32>
        %and3A_285 = arith.constant 127 : i32
        %and3A_286 = vector.broadcast %and3A_285 : i32 to vector<16xi32>
        %and3A_287 = arith.andi %add3A_281, %and3A_286 : vector<16xi32>
        tpu.vector_store_idx %arg19[%shift_right_arithmetic3A_284, %and3A_287], %gather3A_278 : memref<40x128xf32, #tpu.memory_space<vmem>>[vector<16xi32>, vector<16xi32>], vector<16xf32>,
        %add3A_288 = arith.constant 10 : i32
        %add3A_289 = vector.broadcast %add3A_288 : i32 to vector<16xi32>
        %add3A_290 = arith.addi %mul3A_156, %add3A_289 : vector<16xi32>
        %gather3A_291 = tpu.vector_load_idx %arg17[%add3A_150, %add3A_290] : memref<320x128xf32, #tpu.memory_space<vmem>>[vector<16xi32>, vector<16xi32>], vector<16xf32>,
        %add3A_292 = arith.constant 10 : i32
        %add3A_293 = vector.broadcast %add3A_292 : i32 to vector<16xi32>
        %add3A_294 = arith.addi %mul3A_159, %add3A_293 : vector<16xi32>
        %shift_right_arithmetic3A_295 = arith.constant 7 : i32
        %shift_right_arithmetic3A_296 = vector.broadcast %shift_right_arithmetic3A_295 : i32 to vector<16xi32>
        %shift_right_arithmetic3A_297 = arith.shrsi %add3A_294, %shift_right_arithmetic3A_296 : vector<16xi32>
        %and3A_298 = arith.constant 127 : i32
        %and3A_299 = vector.broadcast %and3A_298 : i32 to vector<16xi32>
        %and3A_300 = arith.andi %add3A_294, %and3A_299 : vector<16xi32>
        tpu.vector_store_idx %arg19[%shift_right_arithmetic3A_297, %and3A_300], %gather3A_291 : memref<40x128xf32, #tpu.memory_space<vmem>>[vector<16xi32>, vector<16xi32>], vector<16xf32>,
        %add3A_301 = arith.constant 11 : i32
        %add3A_302 = vector.broadcast %add3A_301 : i32 to vector<16xi32>
        %add3A_303 = arith.addi %mul3A_156, %add3A_302 : vector<16xi32>
        %gather3A_304 = tpu.vector_load_idx %arg17[%add3A_150, %add3A_303] : memref<320x128xf32, #tpu.memory_space<vmem>>[vector<16xi32>, vector<16xi32>], vector<16xf32>,
        %add3A_305 = arith.constant 11 : i32
        %add3A_306 = vector.broadcast %add3A_305 : i32 to vector<16xi32>
        %add3A_307 = arith.addi %mul3A_159, %add3A_306 : vector<16xi32>
        %shift_right_arithmetic3A_308 = arith.constant 7 : i32
        %shift_right_arithmetic3A_309 = vector.broadcast %shift_right_arithmetic3A_308 : i32 to vector<16xi32>
        %shift_right_arithmetic3A_310 = arith.shrsi %add3A_307, %shift_right_arithmetic3A_309 : vector<16xi32>
        %and3A_311 = arith.constant 127 : i32
        %and3A_312 = vector.broadcast %and3A_311 : i32 to vector<16xi32>
        %and3A_313 = arith.andi %add3A_307, %and3A_312 : vector<16xi32>
        tpu.vector_store_idx %arg19[%shift_right_arithmetic3A_310, %and3A_313], %gather3A_304 : memref<40x128xf32, #tpu.memory_space<vmem>>[vector<16xi32>, vector<16xi32>], vector<16xf32>,
        %add3A_314 = arith.constant 12 : i32
        %add3A_315 = vector.broadcast %add3A_314 : i32 to vector<16xi32>
        %add3A_316 = arith.addi %mul3A_156, %add3A_315 : vector<16xi32>
        %gather3A_317 = tpu.vector_load_idx %arg17[%add3A_150, %add3A_316] : memref<320x128xf32, #tpu.memory_space<vmem>>[vector<16xi32>, vector<16xi32>], vector<16xf32>,
        %add3A_318 = arith.constant 12 : i32
        %add3A_319 = vector.broadcast %add3A_318 : i32 to vector<16xi32>
        %add3A_320 = arith.addi %mul3A_159, %add3A_319 : vector<16xi32>
        %shift_right_arithmetic3A_321 = arith.constant 7 : i32
        %shift_right_arithmetic3A_322 = vector.broadcast %shift_right_arithmetic3A_321 : i32 to vector<16xi32>
        %shift_right_arithmetic3A_323 = arith.shrsi %add3A_320, %shift_right_arithmetic3A_322 : vector<16xi32>
        %and3A_324 = arith.constant 127 : i32
        %and3A_325 = vector.broadcast %and3A_324 : i32 to vector<16xi32>
        %and3A_326 = arith.andi %add3A_320, %and3A_325 : vector<16xi32>
        tpu.vector_store_idx %arg19[%shift_right_arithmetic3A_323, %and3A_326], %gather3A_317 : memref<40x128xf32, #tpu.memory_space<vmem>>[vector<16xi32>, vector<16xi32>], vector<16xf32>,
        %add3A_327 = arith.constant 13 : i32
        %add3A_328 = vector.broadcast %add3A_327 : i32 to vector<16xi32>
        %add3A_329 = arith.addi %mul3A_156, %add3A_328 : vector<16xi32>
        %gather3A_330 = tpu.vector_load_idx %arg17[%add3A_150, %add3A_329] : memref<320x128xf32, #tpu.memory_space<vmem>>[vector<16xi32>, vector<16xi32>], vector<16xf32>,
        %add3A_331 = arith.constant 13 : i32
        %add3A_332 = vector.broadcast %add3A_331 : i32 to vector<16xi32>
        %add3A_333 = arith.addi %mul3A_159, %add3A_332 : vector<16xi32>
        %shift_right_arithmetic3A_334 = arith.constant 7 : i32
        %shift_right_arithmetic3A_335 = vector.broadcast %shift_right_arithmetic3A_334 : i32 to vector<16xi32>
        %shift_right_arithmetic3A_336 = arith.shrsi %add3A_333, %shift_right_arithmetic3A_335 : vector<16xi32>
        %and3A_337 = arith.constant 127 : i32
        %and3A_338 = vector.broadcast %and3A_337 : i32 to vector<16xi32>
        %and3A_339 = arith.andi %add3A_333, %and3A_338 : vector<16xi32>
        tpu.vector_store_idx %arg19[%shift_right_arithmetic3A_336, %and3A_339], %gather3A_330 : memref<40x128xf32, #tpu.memory_space<vmem>>[vector<16xi32>, vector<16xi32>], vector<16xf32>,
        %add3A_340 = arith.constant 14 : i32
        %add3A_341 = vector.broadcast %add3A_340 : i32 to vector<16xi32>
        %add3A_342 = arith.addi %mul3A_156, %add3A_341 : vector<16xi32>
        %gather3A_343 = tpu.vector_load_idx %arg17[%add3A_150, %add3A_342] : memref<320x128xf32, #tpu.memory_space<vmem>>[vector<16xi32>, vector<16xi32>], vector<16xf32>,
        %add3A_344 = arith.constant 14 : i32
        %add3A_345 = vector.broadcast %add3A_344 : i32 to vector<16xi32>
        %add3A_346 = arith.addi %mul3A_159, %add3A_345 : vector<16xi32>
        %shift_right_arithmetic3A_347 = arith.constant 7 : i32
        %shift_right_arithmetic3A_348 = vector.broadcast %shift_right_arithmetic3A_347 : i32 to vector<16xi32>
        %shift_right_arithmetic3A_349 = arith.shrsi %add3A_346, %shift_right_arithmetic3A_348 : vector<16xi32>
        %and3A_350 = arith.constant 127 : i32
        %and3A_351 = vector.broadcast %and3A_350 : i32 to vector<16xi32>
        %and3A_352 = arith.andi %add3A_346, %and3A_351 : vector<16xi32>
        tpu.vector_store_idx %arg19[%shift_right_arithmetic3A_349, %and3A_352], %gather3A_343 : memref<40x128xf32, #tpu.memory_space<vmem>>[vector<16xi32>, vector<16xi32>], vector<16xf32>,
        %add3A_353 = arith.constant 15 : i32
        %add3A_354 = vector.broadcast %add3A_353 : i32 to vector<16xi32>
        %add3A_355 = arith.addi %mul3A_156, %add3A_354 : vector<16xi32>
        %gather3A_356 = tpu.vector_load_idx %arg17[%add3A_150, %add3A_355] : memref<320x128xf32, #tpu.memory_space<vmem>>[vector<16xi32>, vector<16xi32>], vector<16xf32>,
        %add3A_357 = arith.constant 15 : i32
        %add3A_358 = vector.broadcast %add3A_357 : i32 to vector<16xi32>
        %add3A_359 = arith.addi %mul3A_159, %add3A_358 : vector<16xi32>
        %shift_right_arithmetic3A_360 = arith.constant 7 : i32
        %shift_right_arithmetic3A_361 = vector.broadcast %shift_right_arithmetic3A_360 : i32 to vector<16xi32>
        %shift_right_arithmetic3A_362 = arith.shrsi %add3A_359, %shift_right_arithmetic3A_361 : vector<16xi32>
        %and3A_363 = arith.constant 127 : i32
        %and3A_364 = vector.broadcast %and3A_363 : i32 to vector<16xi32>
        %and3A_365 = arith.andi %add3A_359, %and3A_364 : vector<16xi32>
        tpu.vector_store_idx %arg19[%shift_right_arithmetic3A_362, %and3A_365], %gather3A_356 : memref<40x128xf32, #tpu.memory_space<vmem>>[vector<16xi32>, vector<16xi32>], vector<16xf32>,
      }
      %scan3A_74 = arith.constant 20 : i32
      %mul3A_75 = arith.constant 320 : i32
      %mul3A_76 = arith.muli %add3A_57, %mul3A_75 : i32
      %add3A_77 = arith.addi %mul3A_2, %mul3A_76 : i32
      %mul3A_78 = arith.constant 16 : i32
      %mul3A_79 = arith.muli %add3A_77, %mul3A_78 : i32
      %jit3A = arith.constant 128 : i32
      %div3A = arith.divsi %mul3A_79, %jit3A : i32
      %sign3A = arith.constant 0 : i32
      %sign3A_80 = arith.cmpi sgt, %mul3A_79, %sign3A : i32
      %sign3A_81 = arith.extui %sign3A_80 : i1 to i32
      %sign3A_82 = arith.constant 0 : i32
      %sign3A_83 = arith.cmpi slt, %mul3A_79, %sign3A_82 : i32
      %sign3A_84 = arith.extui %sign3A_83 : i1 to i32
      %sign3A_85 = arith.subi %sign3A_81, %sign3A_84 : i32
      %sign3A_86 = arith.constant 0 : i32
      %sign3A_87 = arith.cmpi sgt, %jit3A, %sign3A_86 : i32
      %sign3A_88 = arith.extui %sign3A_87 : i1 to i32
      %sign3A_89 = arith.constant 0 : i32
      %sign3A_90 = arith.cmpi slt, %jit3A, %sign3A_89 : i32
      %sign3A_91 = arith.extui %sign3A_90 : i1 to i32
      %sign3A_92 = arith.subi %sign3A_88, %sign3A_91 : i32
      %ne3A = arith.cmpi ne, %sign3A_85, %sign3A_92 : i32
      %rem3A = arith.remsi %mul3A_79, %jit3A : i32
      %ne3A_93 = arith.constant 0 : i32
      %ne3A_94 = arith.cmpi ne, %rem3A, %ne3A_93 : i32
      %and3A = arith.andi %ne3A, %ne3A_94 : i1
      %sub3A = arith.constant 1 : i32
      %sub3A_95 = arith.subi %div3A, %sub3A : i32
      %select_n3A = arith.select %and3A, %sub3A_95, %div3A : i32
      %multiple_of3A = tpu.assume_multiple %select_n3A, 8 : i32
      "tpu.region"() ({
        %run_scoped3A = tpu.sem_alloc : memref<!tpu.dma_semaphore, #tpu.memory_space<semaphore_mem>>
        %dma_start3A_140 = arith.constant 0 : i32
        %dma_start3A_141 = tpu.memref_slice %arg12[%multiple_of3A, %dma_start3A_140] : memref<102400x128xf32, #tpu.memory_space<hbm>> -> memref<40x128xf32, #tpu.memory_space<hbm>>
        %dma_start3A_142 = arith.constant 0 : i32
        %dma_start3A_143 = tpu.memref_slice %arg12[%multiple_of3A, %dma_start3A_142] : memref<102400x128xf32, #tpu.memory_space<hbm>> -> memref<40x128xf32, #tpu.memory_space<hbm>>
        tpu.enqueue_dma source(%arg19 : memref<40x128xf32, #tpu.memory_space<vmem>>) target(%dma_start3A_143 : memref<40x128xf32, #tpu.memory_space<hbm>>) target_semaphore(%run_scoped3A : memref<!tpu.dma_semaphore, #tpu.memory_space<semaphore_mem>>)
        %dma_wait3A_144 = arith.constant 0 : i32
        %dma_wait3A_145 = tpu.memref_slice %arg12[%multiple_of3A, %dma_wait3A_144] : memref<102400x128xf32, #tpu.memory_space<hbm>> -> memref<40x128xf32, #tpu.memory_space<hbm>>
        %dma_wait3A_146 = arith.constant 0 : i32
        %dma_wait3A_147 = tpu.memref_slice %arg12[%multiple_of3A, %dma_wait3A_146] : memref<102400x128xf32, #tpu.memory_space<hbm>> -> memref<40x128xf32, #tpu.memory_space<hbm>>
        tpu.wait_dma2 semaphore(%run_scoped3A : memref<!tpu.dma_semaphore, #tpu.memory_space<semaphore_mem>>) src(%arg19 : memref<40x128xf32, #tpu.memory_space<vmem>>) dst(%dma_wait3A_147 : memref<40x128xf32, #tpu.memory_space<hbm>>)
        tpu.yield
      }) : () -> ()
      %add3A_96 = arith.constant 2 : i32
      %add3A_97 = arith.addi %add3A_57, %add3A_96 : i32
      %lt3A = arith.constant 80 : i32
      %lt3A_98 = arith.cmpi slt, %add3A_97, %lt3A : i32
      %convert_element_type3A = arith.extui %lt3A_98 : i1 to i32
      %cond3A = arith.constant 0 : i32
      %cond3A_99 = arith.cmpi ne, %convert_element_type3A, %cond3A : i32
      scf.if %cond3A_99 {
        %add3A_140 = arith.constant 2 : i32
        %add3A_141 = arith.addi %add3A_57, %add3A_140 : i32
        %scan3A_142 = arith.constant 0 : i32
        %scan3A_143 = arith.constant 20 : i32
        %scan3A_144 = arith.addi %scan3A_142, %scan3A_143 : i32
        %scan3A_145 = arith.constant 1 : i32
        scf.for %scan3A_150 = %scan3A_142 to %scan3A_144 step %scan3A_145  : i32 {
          %mul3A_151 = arith.constant 16 : i32
          %mul3A_152 = arith.muli %scan3A_150, %mul3A_151 : i32
          %add3A_153 = arith.constant 0 : i32
          %add3A_154 = arith.addi %add3A_153, %mul3A_152 : i32
          %mul3A_155 = arith.constant 320 : i32
          %mul3A_156 = arith.muli %add3A_141, %mul3A_155 : i32
          %add3A_157 = arith.addi %mul3A_156, %add3A_154 : i32
          %get3A = arith.index_cast %add3A_157 : i32 to index
          %get3A_158 = tpu.vector_load %arg14[%get3A] {strides = array<i32>} : memref<25600xi32, #tpu.memory_space<vmem>>, vector<16xi32>,
          %shift_right_arithmetic3A = arith.constant 3 : i32
          %shift_right_arithmetic3A_159 = vector.broadcast %shift_right_arithmetic3A : i32 to vector<16xi32>
          %shift_right_arithmetic3A_160 = arith.shrsi %get3A_158, %shift_right_arithmetic3A_159 : vector<16xi32>
          %swap3A = arith.index_cast %add3A_154 : i32 to index
          %swap3A_161 = tpu.vector_load %arg15[%swap3A] {strides = array<i32>} : memref<320xi32, #tpu.memory_space<vmem>>, vector<16xi32>,
          tpu.vector_store %arg15[%swap3A], %shift_right_arithmetic3A_160 {strides = array<i32>} : memref<320xi32, #tpu.memory_space<vmem>>, vector<16xi32>,
        }
        %scan3A_146 = arith.constant 20 : i32
        %dma_start3A_147 = arith.constant 0 : i32
        %dma_start3A_148 = arith.constant 0 : i32
        %dma_start3A_149 = tpu.memref_slice %arg4[%dma_start3A_147, %dma_start3A_148] : memref<12500x128xf32, #tpu.memory_space<hbm>> -> memref<12500x128xf32, #tpu.memory_space<hbm>>
        tpu.enqueue_indirect_dma source(%dma_start3A_149 : memref<12500x128xf32, #tpu.memory_space<hbm>>) target(%arg17 : memref<320x128xf32, #tpu.memory_space<vmem>>) offsets(%arg15 : memref<320xi32, #tpu.memory_space<vmem>>) semaphore(%arg20 : memref<!tpu.dma_semaphore, #tpu.memory_space<semaphore_mem>>)
      } else {
      }
      %add3A_100 = arith.constant 1 : i32
      %add3A_101 = arith.addi %add3A_57, %add3A_100 : i32
      %dma_wait3A_102 = arith.constant 0 : i32
      %dma_wait3A_103 = arith.constant 0 : i32
      %dma_wait3A_104 = tpu.memref_slice %arg4[%dma_wait3A_102, %dma_wait3A_103] : memref<12500x128xf32, #tpu.memory_space<hbm>> -> memref<12500x128xf32, #tpu.memory_space<hbm>>
      tpu.wait_indirect_dma semaphore(%arg21 : memref<!tpu.dma_semaphore, #tpu.memory_space<semaphore_mem>>) src(%dma_wait3A_104 : memref<12500x128xf32, #tpu.memory_space<hbm>>) dst(%arg18 : memref<320x128xf32, #tpu.memory_space<vmem>>)
      %scan3A_105 = arith.constant 0 : i32
      %scan3A_106 = arith.constant 20 : i32
      %scan3A_107 = arith.addi %scan3A_105, %scan3A_106 : i32
      %scan3A_108 = arith.constant 1 : i32
      scf.for %scan3A_140 = %scan3A_105 to %scan3A_107 step %scan3A_108  : i32 {
        %mul3A_141 = arith.constant 16 : i32
        %mul3A_142 = arith.muli %scan3A_140, %mul3A_141 : i32
        %add3A_143 = arith.constant 0 : i32
        %add3A_144 = arith.addi %add3A_143, %mul3A_142 : i32
        %mul3A_145 = arith.constant 320 : i32
        %mul3A_146 = arith.muli %add3A_101, %mul3A_145 : i32
        %add3A_147 = arith.addi %mul3A_146, %add3A_144 : i32
        %get3A = arith.index_cast %add3A_147 : i32 to index
        %get3A_148 = tpu.vector_load %arg14[%get3A] {strides = array<i32>} : memref<25600xi32, #tpu.memory_space<vmem>>, vector<16xi32>,
        %add3A_149 = vector.broadcast %add3A_144 : i32 to vector<16xi32>
        %add3A_150 = arith.addi %add3A_149, %iota3A : vector<16xi32>
        %and3A_151 = arith.constant 7 : i32
        %and3A_152 = vector.broadcast %and3A_151 : i32 to vector<16xi32>
        %and3A_153 = arith.andi %get3A_148, %and3A_152 : vector<16xi32>
        %mul3A_154 = arith.constant 16 : i32
        %mul3A_155 = vector.broadcast %mul3A_154 : i32 to vector<16xi32>
        %mul3A_156 = arith.muli %and3A_153, %mul3A_155 : vector<16xi32>
        %mul3A_157 = arith.constant 16 : i32
        %mul3A_158 = vector.broadcast %mul3A_157 : i32 to vector<16xi32>
        %mul3A_159 = arith.muli %add3A_150, %mul3A_158 : vector<16xi32>
        %add3A_160 = arith.constant 0 : i32
        %add3A_161 = vector.broadcast %add3A_160 : i32 to vector<16xi32>
        %add3A_162 = arith.addi %mul3A_156, %add3A_161 : vector<16xi32>
        %gather3A = tpu.vector_load_idx %arg18[%add3A_150, %add3A_162] : memref<320x128xf32, #tpu.memory_space<vmem>>[vector<16xi32>, vector<16xi32>], vector<16xf32>,
        %add3A_163 = arith.constant 0 : i32
        %add3A_164 = vector.broadcast %add3A_163 : i32 to vector<16xi32>
        %add3A_165 = arith.addi %mul3A_159, %add3A_164 : vector<16xi32>
        %shift_right_arithmetic3A = arith.constant 7 : i32
        %shift_right_arithmetic3A_166 = vector.broadcast %shift_right_arithmetic3A : i32 to vector<16xi32>
        %shift_right_arithmetic3A_167 = arith.shrsi %add3A_165, %shift_right_arithmetic3A_166 : vector<16xi32>
        %and3A_168 = arith.constant 127 : i32
        %and3A_169 = vector.broadcast %and3A_168 : i32 to vector<16xi32>
        %and3A_170 = arith.andi %add3A_165, %and3A_169 : vector<16xi32>
        tpu.vector_store_idx %arg19[%shift_right_arithmetic3A_167, %and3A_170], %gather3A : memref<40x128xf32, #tpu.memory_space<vmem>>[vector<16xi32>, vector<16xi32>], vector<16xf32>,
        %add3A_171 = arith.constant 1 : i32
        %add3A_172 = vector.broadcast %add3A_171 : i32 to vector<16xi32>
        %add3A_173 = arith.addi %mul3A_156, %add3A_172 : vector<16xi32>
        %gather3A_174 = tpu.vector_load_idx %arg18[%add3A_150, %add3A_173] : memref<320x128xf32, #tpu.memory_space<vmem>>[vector<16xi32>, vector<16xi32>], vector<16xf32>,
        %add3A_175 = arith.constant 1 : i32
        %add3A_176 = vector.broadcast %add3A_175 : i32 to vector<16xi32>
        %add3A_177 = arith.addi %mul3A_159, %add3A_176 : vector<16xi32>
        %shift_right_arithmetic3A_178 = arith.constant 7 : i32
        %shift_right_arithmetic3A_179 = vector.broadcast %shift_right_arithmetic3A_178 : i32 to vector<16xi32>
        %shift_right_arithmetic3A_180 = arith.shrsi %add3A_177, %shift_right_arithmetic3A_179 : vector<16xi32>
        %and3A_181 = arith.constant 127 : i32
        %and3A_182 = vector.broadcast %and3A_181 : i32 to vector<16xi32>
        %and3A_183 = arith.andi %add3A_177, %and3A_182 : vector<16xi32>
        tpu.vector_store_idx %arg19[%shift_right_arithmetic3A_180, %and3A_183], %gather3A_174 : memref<40x128xf32, #tpu.memory_space<vmem>>[vector<16xi32>, vector<16xi32>], vector<16xf32>,
        %add3A_184 = arith.constant 2 : i32
        %add3A_185 = vector.broadcast %add3A_184 : i32 to vector<16xi32>
        %add3A_186 = arith.addi %mul3A_156, %add3A_185 : vector<16xi32>
        %gather3A_187 = tpu.vector_load_idx %arg18[%add3A_150, %add3A_186] : memref<320x128xf32, #tpu.memory_space<vmem>>[vector<16xi32>, vector<16xi32>], vector<16xf32>,
        %add3A_188 = arith.constant 2 : i32
        %add3A_189 = vector.broadcast %add3A_188 : i32 to vector<16xi32>
        %add3A_190 = arith.addi %mul3A_159, %add3A_189 : vector<16xi32>
        %shift_right_arithmetic3A_191 = arith.constant 7 : i32
        %shift_right_arithmetic3A_192 = vector.broadcast %shift_right_arithmetic3A_191 : i32 to vector<16xi32>
        %shift_right_arithmetic3A_193 = arith.shrsi %add3A_190, %shift_right_arithmetic3A_192 : vector<16xi32>
        %and3A_194 = arith.constant 127 : i32
        %and3A_195 = vector.broadcast %and3A_194 : i32 to vector<16xi32>
        %and3A_196 = arith.andi %add3A_190, %and3A_195 : vector<16xi32>
        tpu.vector_store_idx %arg19[%shift_right_arithmetic3A_193, %and3A_196], %gather3A_187 : memref<40x128xf32, #tpu.memory_space<vmem>>[vector<16xi32>, vector<16xi32>], vector<16xf32>,
        %add3A_197 = arith.constant 3 : i32
        %add3A_198 = vector.broadcast %add3A_197 : i32 to vector<16xi32>
        %add3A_199 = arith.addi %mul3A_156, %add3A_198 : vector<16xi32>
        %gather3A_200 = tpu.vector_load_idx %arg18[%add3A_150, %add3A_199] : memref<320x128xf32, #tpu.memory_space<vmem>>[vector<16xi32>, vector<16xi32>], vector<16xf32>,
        %add3A_201 = arith.constant 3 : i32
        %add3A_202 = vector.broadcast %add3A_201 : i32 to vector<16xi32>
        %add3A_203 = arith.addi %mul3A_159, %add3A_202 : vector<16xi32>
        %shift_right_arithmetic3A_204 = arith.constant 7 : i32
        %shift_right_arithmetic3A_205 = vector.broadcast %shift_right_arithmetic3A_204 : i32 to vector<16xi32>
        %shift_right_arithmetic3A_206 = arith.shrsi %add3A_203, %shift_right_arithmetic3A_205 : vector<16xi32>
        %and3A_207 = arith.constant 127 : i32
        %and3A_208 = vector.broadcast %and3A_207 : i32 to vector<16xi32>
        %and3A_209 = arith.andi %add3A_203, %and3A_208 : vector<16xi32>
        tpu.vector_store_idx %arg19[%shift_right_arithmetic3A_206, %and3A_209], %gather3A_200 : memref<40x128xf32, #tpu.memory_space<vmem>>[vector<16xi32>, vector<16xi32>], vector<16xf32>,
        %add3A_210 = arith.constant 4 : i32
        %add3A_211 = vector.broadcast %add3A_210 : i32 to vector<16xi32>
        %add3A_212 = arith.addi %mul3A_156, %add3A_211 : vector<16xi32>
        %gather3A_213 = tpu.vector_load_idx %arg18[%add3A_150, %add3A_212] : memref<320x128xf32, #tpu.memory_space<vmem>>[vector<16xi32>, vector<16xi32>], vector<16xf32>,
        %add3A_214 = arith.constant 4 : i32
        %add3A_215 = vector.broadcast %add3A_214 : i32 to vector<16xi32>
        %add3A_216 = arith.addi %mul3A_159, %add3A_215 : vector<16xi32>
        %shift_right_arithmetic3A_217 = arith.constant 7 : i32
        %shift_right_arithmetic3A_218 = vector.broadcast %shift_right_arithmetic3A_217 : i32 to vector<16xi32>
        %shift_right_arithmetic3A_219 = arith.shrsi %add3A_216, %shift_right_arithmetic3A_218 : vector<16xi32>
        %and3A_220 = arith.constant 127 : i32
        %and3A_221 = vector.broadcast %and3A_220 : i32 to vector<16xi32>
        %and3A_222 = arith.andi %add3A_216, %and3A_221 : vector<16xi32>
        tpu.vector_store_idx %arg19[%shift_right_arithmetic3A_219, %and3A_222], %gather3A_213 : memref<40x128xf32, #tpu.memory_space<vmem>>[vector<16xi32>, vector<16xi32>], vector<16xf32>,
        %add3A_223 = arith.constant 5 : i32
        %add3A_224 = vector.broadcast %add3A_223 : i32 to vector<16xi32>
        %add3A_225 = arith.addi %mul3A_156, %add3A_224 : vector<16xi32>
        %gather3A_226 = tpu.vector_load_idx %arg18[%add3A_150, %add3A_225] : memref<320x128xf32, #tpu.memory_space<vmem>>[vector<16xi32>, vector<16xi32>], vector<16xf32>,
        %add3A_227 = arith.constant 5 : i32
        %add3A_228 = vector.broadcast %add3A_227 : i32 to vector<16xi32>
        %add3A_229 = arith.addi %mul3A_159, %add3A_228 : vector<16xi32>
        %shift_right_arithmetic3A_230 = arith.constant 7 : i32
        %shift_right_arithmetic3A_231 = vector.broadcast %shift_right_arithmetic3A_230 : i32 to vector<16xi32>
        %shift_right_arithmetic3A_232 = arith.shrsi %add3A_229, %shift_right_arithmetic3A_231 : vector<16xi32>
        %and3A_233 = arith.constant 127 : i32
        %and3A_234 = vector.broadcast %and3A_233 : i32 to vector<16xi32>
        %and3A_235 = arith.andi %add3A_229, %and3A_234 : vector<16xi32>
        tpu.vector_store_idx %arg19[%shift_right_arithmetic3A_232, %and3A_235], %gather3A_226 : memref<40x128xf32, #tpu.memory_space<vmem>>[vector<16xi32>, vector<16xi32>], vector<16xf32>,
        %add3A_236 = arith.constant 6 : i32
        %add3A_237 = vector.broadcast %add3A_236 : i32 to vector<16xi32>
        %add3A_238 = arith.addi %mul3A_156, %add3A_237 : vector<16xi32>
        %gather3A_239 = tpu.vector_load_idx %arg18[%add3A_150, %add3A_238] : memref<320x128xf32, #tpu.memory_space<vmem>>[vector<16xi32>, vector<16xi32>], vector<16xf32>,
        %add3A_240 = arith.constant 6 : i32
        %add3A_241 = vector.broadcast %add3A_240 : i32 to vector<16xi32>
        %add3A_242 = arith.addi %mul3A_159, %add3A_241 : vector<16xi32>
        %shift_right_arithmetic3A_243 = arith.constant 7 : i32
        %shift_right_arithmetic3A_244 = vector.broadcast %shift_right_arithmetic3A_243 : i32 to vector<16xi32>
        %shift_right_arithmetic3A_245 = arith.shrsi %add3A_242, %shift_right_arithmetic3A_244 : vector<16xi32>
        %and3A_246 = arith.constant 127 : i32
        %and3A_247 = vector.broadcast %and3A_246 : i32 to vector<16xi32>
        %and3A_248 = arith.andi %add3A_242, %and3A_247 : vector<16xi32>
        tpu.vector_store_idx %arg19[%shift_right_arithmetic3A_245, %and3A_248], %gather3A_239 : memref<40x128xf32, #tpu.memory_space<vmem>>[vector<16xi32>, vector<16xi32>], vector<16xf32>,
        %add3A_249 = arith.constant 7 : i32
        %add3A_250 = vector.broadcast %add3A_249 : i32 to vector<16xi32>
        %add3A_251 = arith.addi %mul3A_156, %add3A_250 : vector<16xi32>
        %gather3A_252 = tpu.vector_load_idx %arg18[%add3A_150, %add3A_251] : memref<320x128xf32, #tpu.memory_space<vmem>>[vector<16xi32>, vector<16xi32>], vector<16xf32>,
        %add3A_253 = arith.constant 7 : i32
        %add3A_254 = vector.broadcast %add3A_253 : i32 to vector<16xi32>
        %add3A_255 = arith.addi %mul3A_159, %add3A_254 : vector<16xi32>
        %shift_right_arithmetic3A_256 = arith.constant 7 : i32
        %shift_right_arithmetic3A_257 = vector.broadcast %shift_right_arithmetic3A_256 : i32 to vector<16xi32>
        %shift_right_arithmetic3A_258 = arith.shrsi %add3A_255, %shift_right_arithmetic3A_257 : vector<16xi32>
        %and3A_259 = arith.constant 127 : i32
        %and3A_260 = vector.broadcast %and3A_259 : i32 to vector<16xi32>
        %and3A_261 = arith.andi %add3A_255, %and3A_260 : vector<16xi32>
        tpu.vector_store_idx %arg19[%shift_right_arithmetic3A_258, %and3A_261], %gather3A_252 : memref<40x128xf32, #tpu.memory_space<vmem>>[vector<16xi32>, vector<16xi32>], vector<16xf32>,
        %add3A_262 = arith.constant 8 : i32
        %add3A_263 = vector.broadcast %add3A_262 : i32 to vector<16xi32>
        %add3A_264 = arith.addi %mul3A_156, %add3A_263 : vector<16xi32>
        %gather3A_265 = tpu.vector_load_idx %arg18[%add3A_150, %add3A_264] : memref<320x128xf32, #tpu.memory_space<vmem>>[vector<16xi32>, vector<16xi32>], vector<16xf32>,
        %add3A_266 = arith.constant 8 : i32
        %add3A_267 = vector.broadcast %add3A_266 : i32 to vector<16xi32>
        %add3A_268 = arith.addi %mul3A_159, %add3A_267 : vector<16xi32>
        %shift_right_arithmetic3A_269 = arith.constant 7 : i32
        %shift_right_arithmetic3A_270 = vector.broadcast %shift_right_arithmetic3A_269 : i32 to vector<16xi32>
        %shift_right_arithmetic3A_271 = arith.shrsi %add3A_268, %shift_right_arithmetic3A_270 : vector<16xi32>
        %and3A_272 = arith.constant 127 : i32
        %and3A_273 = vector.broadcast %and3A_272 : i32 to vector<16xi32>
        %and3A_274 = arith.andi %add3A_268, %and3A_273 : vector<16xi32>
        tpu.vector_store_idx %arg19[%shift_right_arithmetic3A_271, %and3A_274], %gather3A_265 : memref<40x128xf32, #tpu.memory_space<vmem>>[vector<16xi32>, vector<16xi32>], vector<16xf32>,
        %add3A_275 = arith.constant 9 : i32
        %add3A_276 = vector.broadcast %add3A_275 : i32 to vector<16xi32>
        %add3A_277 = arith.addi %mul3A_156, %add3A_276 : vector<16xi32>
        %gather3A_278 = tpu.vector_load_idx %arg18[%add3A_150, %add3A_277] : memref<320x128xf32, #tpu.memory_space<vmem>>[vector<16xi32>, vector<16xi32>], vector<16xf32>,
        %add3A_279 = arith.constant 9 : i32
        %add3A_280 = vector.broadcast %add3A_279 : i32 to vector<16xi32>
        %add3A_281 = arith.addi %mul3A_159, %add3A_280 : vector<16xi32>
        %shift_right_arithmetic3A_282 = arith.constant 7 : i32
        %shift_right_arithmetic3A_283 = vector.broadcast %shift_right_arithmetic3A_282 : i32 to vector<16xi32>
        %shift_right_arithmetic3A_284 = arith.shrsi %add3A_281, %shift_right_arithmetic3A_283 : vector<16xi32>
        %and3A_285 = arith.constant 127 : i32
        %and3A_286 = vector.broadcast %and3A_285 : i32 to vector<16xi32>
        %and3A_287 = arith.andi %add3A_281, %and3A_286 : vector<16xi32>
        tpu.vector_store_idx %arg19[%shift_right_arithmetic3A_284, %and3A_287], %gather3A_278 : memref<40x128xf32, #tpu.memory_space<vmem>>[vector<16xi32>, vector<16xi32>], vector<16xf32>,
        %add3A_288 = arith.constant 10 : i32
        %add3A_289 = vector.broadcast %add3A_288 : i32 to vector<16xi32>
        %add3A_290 = arith.addi %mul3A_156, %add3A_289 : vector<16xi32>
        %gather3A_291 = tpu.vector_load_idx %arg18[%add3A_150, %add3A_290] : memref<320x128xf32, #tpu.memory_space<vmem>>[vector<16xi32>, vector<16xi32>], vector<16xf32>,
        %add3A_292 = arith.constant 10 : i32
        %add3A_293 = vector.broadcast %add3A_292 : i32 to vector<16xi32>
        %add3A_294 = arith.addi %mul3A_159, %add3A_293 : vector<16xi32>
        %shift_right_arithmetic3A_295 = arith.constant 7 : i32
        %shift_right_arithmetic3A_296 = vector.broadcast %shift_right_arithmetic3A_295 : i32 to vector<16xi32>
        %shift_right_arithmetic3A_297 = arith.shrsi %add3A_294, %shift_right_arithmetic3A_296 : vector<16xi32>
        %and3A_298 = arith.constant 127 : i32
        %and3A_299 = vector.broadcast %and3A_298 : i32 to vector<16xi32>
        %and3A_300 = arith.andi %add3A_294, %and3A_299 : vector<16xi32>
        tpu.vector_store_idx %arg19[%shift_right_arithmetic3A_297, %and3A_300], %gather3A_291 : memref<40x128xf32, #tpu.memory_space<vmem>>[vector<16xi32>, vector<16xi32>], vector<16xf32>,
        %add3A_301 = arith.constant 11 : i32
        %add3A_302 = vector.broadcast %add3A_301 : i32 to vector<16xi32>
        %add3A_303 = arith.addi %mul3A_156, %add3A_302 : vector<16xi32>
        %gather3A_304 = tpu.vector_load_idx %arg18[%add3A_150, %add3A_303] : memref<320x128xf32, #tpu.memory_space<vmem>>[vector<16xi32>, vector<16xi32>], vector<16xf32>,
        %add3A_305 = arith.constant 11 : i32
        %add3A_306 = vector.broadcast %add3A_305 : i32 to vector<16xi32>
        %add3A_307 = arith.addi %mul3A_159, %add3A_306 : vector<16xi32>
        %shift_right_arithmetic3A_308 = arith.constant 7 : i32
        %shift_right_arithmetic3A_309 = vector.broadcast %shift_right_arithmetic3A_308 : i32 to vector<16xi32>
        %shift_right_arithmetic3A_310 = arith.shrsi %add3A_307, %shift_right_arithmetic3A_309 : vector<16xi32>
        %and3A_311 = arith.constant 127 : i32
        %and3A_312 = vector.broadcast %and3A_311 : i32 to vector<16xi32>
        %and3A_313 = arith.andi %add3A_307, %and3A_312 : vector<16xi32>
        tpu.vector_store_idx %arg19[%shift_right_arithmetic3A_310, %and3A_313], %gather3A_304 : memref<40x128xf32, #tpu.memory_space<vmem>>[vector<16xi32>, vector<16xi32>], vector<16xf32>,
        %add3A_314 = arith.constant 12 : i32
        %add3A_315 = vector.broadcast %add3A_314 : i32 to vector<16xi32>
        %add3A_316 = arith.addi %mul3A_156, %add3A_315 : vector<16xi32>
        %gather3A_317 = tpu.vector_load_idx %arg18[%add3A_150, %add3A_316] : memref<320x128xf32, #tpu.memory_space<vmem>>[vector<16xi32>, vector<16xi32>], vector<16xf32>,
        %add3A_318 = arith.constant 12 : i32
        %add3A_319 = vector.broadcast %add3A_318 : i32 to vector<16xi32>
        %add3A_320 = arith.addi %mul3A_159, %add3A_319 : vector<16xi32>
        %shift_right_arithmetic3A_321 = arith.constant 7 : i32
        %shift_right_arithmetic3A_322 = vector.broadcast %shift_right_arithmetic3A_321 : i32 to vector<16xi32>
        %shift_right_arithmetic3A_323 = arith.shrsi %add3A_320, %shift_right_arithmetic3A_322 : vector<16xi32>
        %and3A_324 = arith.constant 127 : i32
        %and3A_325 = vector.broadcast %and3A_324 : i32 to vector<16xi32>
        %and3A_326 = arith.andi %add3A_320, %and3A_325 : vector<16xi32>
        tpu.vector_store_idx %arg19[%shift_right_arithmetic3A_323, %and3A_326], %gather3A_317 : memref<40x128xf32, #tpu.memory_space<vmem>>[vector<16xi32>, vector<16xi32>], vector<16xf32>,
        %add3A_327 = arith.constant 13 : i32
        %add3A_328 = vector.broadcast %add3A_327 : i32 to vector<16xi32>
        %add3A_329 = arith.addi %mul3A_156, %add3A_328 : vector<16xi32>
        %gather3A_330 = tpu.vector_load_idx %arg18[%add3A_150, %add3A_329] : memref<320x128xf32, #tpu.memory_space<vmem>>[vector<16xi32>, vector<16xi32>], vector<16xf32>,
        %add3A_331 = arith.constant 13 : i32
        %add3A_332 = vector.broadcast %add3A_331 : i32 to vector<16xi32>
        %add3A_333 = arith.addi %mul3A_159, %add3A_332 : vector<16xi32>
        %shift_right_arithmetic3A_334 = arith.constant 7 : i32
        %shift_right_arithmetic3A_335 = vector.broadcast %shift_right_arithmetic3A_334 : i32 to vector<16xi32>
        %shift_right_arithmetic3A_336 = arith.shrsi %add3A_333, %shift_right_arithmetic3A_335 : vector<16xi32>
        %and3A_337 = arith.constant 127 : i32
        %and3A_338 = vector.broadcast %and3A_337 : i32 to vector<16xi32>
        %and3A_339 = arith.andi %add3A_333, %and3A_338 : vector<16xi32>
        tpu.vector_store_idx %arg19[%shift_right_arithmetic3A_336, %and3A_339], %gather3A_330 : memref<40x128xf32, #tpu.memory_space<vmem>>[vector<16xi32>, vector<16xi32>], vector<16xf32>,
        %add3A_340 = arith.constant 14 : i32
        %add3A_341 = vector.broadcast %add3A_340 : i32 to vector<16xi32>
        %add3A_342 = arith.addi %mul3A_156, %add3A_341 : vector<16xi32>
        %gather3A_343 = tpu.vector_load_idx %arg18[%add3A_150, %add3A_342] : memref<320x128xf32, #tpu.memory_space<vmem>>[vector<16xi32>, vector<16xi32>], vector<16xf32>,
        %add3A_344 = arith.constant 14 : i32
        %add3A_345 = vector.broadcast %add3A_344 : i32 to vector<16xi32>
        %add3A_346 = arith.addi %mul3A_159, %add3A_345 : vector<16xi32>
        %shift_right_arithmetic3A_347 = arith.constant 7 : i32
        %shift_right_arithmetic3A_348 = vector.broadcast %shift_right_arithmetic3A_347 : i32 to vector<16xi32>
        %shift_right_arithmetic3A_349 = arith.shrsi %add3A_346, %shift_right_arithmetic3A_348 : vector<16xi32>
        %and3A_350 = arith.constant 127 : i32
        %and3A_351 = vector.broadcast %and3A_350 : i32 to vector<16xi32>
        %and3A_352 = arith.andi %add3A_346, %and3A_351 : vector<16xi32>
        tpu.vector_store_idx %arg19[%shift_right_arithmetic3A_349, %and3A_352], %gather3A_343 : memref<40x128xf32, #tpu.memory_space<vmem>>[vector<16xi32>, vector<16xi32>], vector<16xf32>,
        %add3A_353 = arith.constant 15 : i32
        %add3A_354 = vector.broadcast %add3A_353 : i32 to vector<16xi32>
        %add3A_355 = arith.addi %mul3A_156, %add3A_354 : vector<16xi32>
        %gather3A_356 = tpu.vector_load_idx %arg18[%add3A_150, %add3A_355] : memref<320x128xf32, #tpu.memory_space<vmem>>[vector<16xi32>, vector<16xi32>], vector<16xf32>,
        %add3A_357 = arith.constant 15 : i32
        %add3A_358 = vector.broadcast %add3A_357 : i32 to vector<16xi32>
        %add3A_359 = arith.addi %mul3A_159, %add3A_358 : vector<16xi32>
        %shift_right_arithmetic3A_360 = arith.constant 7 : i32
        %shift_right_arithmetic3A_361 = vector.broadcast %shift_right_arithmetic3A_360 : i32 to vector<16xi32>
        %shift_right_arithmetic3A_362 = arith.shrsi %add3A_359, %shift_right_arithmetic3A_361 : vector<16xi32>
        %and3A_363 = arith.constant 127 : i32
        %and3A_364 = vector.broadcast %and3A_363 : i32 to vector<16xi32>
        %and3A_365 = arith.andi %add3A_359, %and3A_364 : vector<16xi32>
        tpu.vector_store_idx %arg19[%shift_right_arithmetic3A_362, %and3A_365], %gather3A_356 : memref<40x128xf32, #tpu.memory_space<vmem>>[vector<16xi32>, vector<16xi32>], vector<16xf32>,
      }
      %scan3A_109 = arith.constant 20 : i32
      %mul3A_110 = arith.constant 320 : i32
      %mul3A_111 = arith.muli %add3A_101, %mul3A_110 : i32
      %add3A_112 = arith.addi %mul3A_2, %mul3A_111 : i32
      %mul3A_113 = arith.constant 16 : i32
      %mul3A_114 = arith.muli %add3A_112, %mul3A_113 : i32
      %jit3A_115 = arith.constant 128 : i32
      %div3A_116 = arith.divsi %mul3A_114, %jit3A_115 : i32
      %sign3A_117 = arith.constant 0 : i32
      %sign3A_118 = arith.cmpi sgt, %mul3A_114, %sign3A_117 : i32
      %sign3A_119 = arith.extui %sign3A_118 : i1 to i32
      %sign3A_120 = arith.constant 0 : i32
      %sign3A_121 = arith.cmpi slt, %mul3A_114, %sign3A_120 : i32
      %sign3A_122 = arith.extui %sign3A_121 : i1 to i32
      %sign3A_123 = arith.subi %sign3A_119, %sign3A_122 : i32
      %sign3A_124 = arith.constant 0 : i32
      %sign3A_125 = arith.cmpi sgt, %jit3A_115, %sign3A_124 : i32
      %sign3A_126 = arith.extui %sign3A_125 : i1 to i32
      %sign3A_127 = arith.constant 0 : i32
      %sign3A_128 = arith.cmpi slt, %jit3A_115, %sign3A_127 : i32
      %sign3A_129 = arith.extui %sign3A_128 : i1 to i32
      %sign3A_130 = arith.subi %sign3A_126, %sign3A_129 : i32
      %ne3A_131 = arith.cmpi ne, %sign3A_123, %sign3A_130 : i32
      %rem3A_132 = arith.remsi %mul3A_114, %jit3A_115 : i32
      %ne3A_133 = arith.constant 0 : i32
      %ne3A_134 = arith.cmpi ne, %rem3A_132, %ne3A_133 : i32
      %and3A_135 = arith.andi %ne3A_131, %ne3A_134 : i1
      %sub3A_136 = arith.constant 1 : i32
      %sub3A_137 = arith.subi %div3A_116, %sub3A_136 : i32
      %select_n3A_138 = arith.select %and3A_135, %sub3A_137, %div3A_116 : i32
      %multiple_of3A_139 = tpu.assume_multiple %select_n3A_138, 8 : i32
      "tpu.region"() ({
        %run_scoped3A = tpu.sem_alloc : memref<!tpu.dma_semaphore, #tpu.memory_space<semaphore_mem>>
        %dma_start3A_140 = arith.constant 0 : i32
        %dma_start3A_141 = tpu.memref_slice %arg12[%multiple_of3A_139, %dma_start3A_140] : memref<102400x128xf32, #tpu.memory_space<hbm>> -> memref<40x128xf32, #tpu.memory_space<hbm>>
        %dma_start3A_142 = arith.constant 0 : i32
        %dma_start3A_143 = tpu.memref_slice %arg12[%multiple_of3A_139, %dma_start3A_142] : memref<102400x128xf32, #tpu.memory_space<hbm>> -> memref<40x128xf32, #tpu.memory_space<hbm>>
        tpu.enqueue_dma source(%arg19 : memref<40x128xf32, #tpu.memory_space<vmem>>) target(%dma_start3A_143 : memref<40x128xf32, #tpu.memory_space<hbm>>) target_semaphore(%run_scoped3A : memref<!tpu.dma_semaphore, #tpu.memory_space<semaphore_mem>>)
        %dma_wait3A_144 = arith.constant 0 : i32
        %dma_wait3A_145 = tpu.memref_slice %arg12[%multiple_of3A_139, %dma_wait3A_144] : memref<102400x128xf32, #tpu.memory_space<hbm>> -> memref<40x128xf32, #tpu.memory_space<hbm>>
        %dma_wait3A_146 = arith.constant 0 : i32
        %dma_wait3A_147 = tpu.memref_slice %arg12[%multiple_of3A_139, %dma_wait3A_146] : memref<102400x128xf32, #tpu.memory_space<hbm>> -> memref<40x128xf32, #tpu.memory_space<hbm>>
        tpu.wait_dma2 semaphore(%run_scoped3A : memref<!tpu.dma_semaphore, #tpu.memory_space<semaphore_mem>>) src(%arg19 : memref<40x128xf32, #tpu.memory_space<vmem>>) dst(%dma_wait3A_147 : memref<40x128xf32, #tpu.memory_space<hbm>>)
        tpu.yield
      }) : () -> ()
    }
    %scan3A_39 = arith.constant 40 : i32
    "tpu.region"() ({
      %run_scoped3A = tpu.sem_alloc : memref<!tpu.dma_semaphore, #tpu.memory_space<semaphore_mem>>
      %dma_start3A_53 = tpu.memref_slice %arg9[%mul3A_2] : memref<819200xi32, #tpu.memory_space<hbm>> -> memref<25600xi32, #tpu.memory_space<hbm>>
      %dma_start3A_54 = tpu.memref_slice %arg9[%mul3A_2] : memref<819200xi32, #tpu.memory_space<hbm>> -> memref<25600xi32, #tpu.memory_space<hbm>>
      tpu.enqueue_dma source(%dma_start3A_54 : memref<25600xi32, #tpu.memory_space<hbm>>) target(%arg14 : memref<25600xi32, #tpu.memory_space<vmem>>) target_semaphore(%run_scoped3A : memref<!tpu.dma_semaphore, #tpu.memory_space<semaphore_mem>>)
      %dma_wait3A = tpu.memref_slice %arg9[%mul3A_2] : memref<819200xi32, #tpu.memory_space<hbm>> -> memref<25600xi32, #tpu.memory_space<hbm>>
      %dma_wait3A_55 = tpu.memref_slice %arg9[%mul3A_2] : memref<819200xi32, #tpu.memory_space<hbm>> -> memref<25600xi32, #tpu.memory_space<hbm>>
      tpu.wait_dma2 semaphore(%run_scoped3A : memref<!tpu.dma_semaphore, #tpu.memory_space<semaphore_mem>>) src(%dma_wait3A_55 : memref<25600xi32, #tpu.memory_space<hbm>>) dst(%arg14 : memref<25600xi32, #tpu.memory_space<vmem>>)
      tpu.yield
    }) : () -> ()
    %scan3A_40 = arith.constant 0 : i32
    %scan3A_41 = arith.constant 20 : i32
    %scan3A_42 = arith.addi %scan3A_40, %scan3A_41 : i32
    %scan3A_43 = arith.constant 1 : i32
    scf.for %scan3A_53 = %scan3A_40 to %scan3A_42 step %scan3A_43  : i32 {
      %mul3A_54 = arith.constant 16 : i32
      %mul3A_55 = arith.muli %scan3A_53, %mul3A_54 : i32
      %add3A_56 = arith.constant 0 : i32
      %add3A_57 = arith.addi %add3A_56, %mul3A_55 : i32
      %add3A_58 = arith.constant 0 : i32
      %add3A_59 = arith.addi %add3A_58, %add3A_57 : i32
      %get3A = arith.index_cast %add3A_59 : i32 to index
      %get3A_60 = tpu.vector_load %arg14[%get3A] {strides = array<i32>} : memref<25600xi32, #tpu.memory_space<vmem>>, vector<16xi32>,
      %shift_right_arithmetic3A = arith.constant 3 : i32
      %shift_right_arithmetic3A_61 = vector.broadcast %shift_right_arithmetic3A : i32 to vector<16xi32>
      %shift_right_arithmetic3A_62 = arith.shrsi %get3A_60, %shift_right_arithmetic3A_61 : vector<16xi32>
      %swap3A = arith.index_cast %add3A_57 : i32 to index
      %swap3A_63 = tpu.vector_load %arg15[%swap3A] {strides = array<i32>} : memref<320xi32, #tpu.memory_space<vmem>>, vector<16xi32>,
      tpu.vector_store %arg15[%swap3A], %shift_right_arithmetic3A_62 {strides = array<i32>} : memref<320xi32, #tpu.memory_space<vmem>>, vector<16xi32>,
    }
    %scan3A_44 = arith.constant 20 : i32
    %dma_start3A_45 = arith.constant 0 : i32
    %dma_start3A_46 = arith.constant 0 : i32
    %dma_start3A_47 = tpu.memref_slice %arg5[%dma_start3A_45, %dma_start3A_46] : memref<12500x128xf32, #tpu.memory_space<hbm>> -> memref<12500x128xf32, #tpu.memory_space<hbm>>
    tpu.enqueue_indirect_dma source(%dma_start3A_47 : memref<12500x128xf32, #tpu.memory_space<hbm>>) target(%arg17 : memref<320x128xf32, #tpu.memory_space<vmem>>) offsets(%arg15 : memref<320xi32, #tpu.memory_space<vmem>>) semaphore(%arg20 : memref<!tpu.dma_semaphore, #tpu.memory_space<semaphore_mem>>)
    %scan3A_48 = arith.constant 0 : i32
    %scan3A_49 = arith.constant 40 : i32
    %scan3A_50 = arith.addi %scan3A_48, %scan3A_49 : i32
    %scan3A_51 = arith.constant 1 : i32
    scf.for %scan3A_53 = %scan3A_48 to %scan3A_50 step %scan3A_51  : i32 {
      %mul3A_54 = arith.constant 2 : i32
      %mul3A_55 = arith.muli %scan3A_53, %mul3A_54 : i32
      %add3A_56 = arith.constant 0 : i32
      %add3A_57 = arith.addi %add3A_56, %mul3A_55 : i32
      %add3A_58 = arith.constant 1 : i32
      %add3A_59 = arith.addi %add3A_57, %add3A_58 : i32
      %scan3A_60 = arith.constant 0 : i32
      %scan3A_61 = arith.constant 20 : i32
      %scan3A_62 = arith.addi %scan3A_60, %scan3A_61 : i32
      %scan3A_63 = arith.constant 1 : i32
      scf.for %scan3A_140 = %scan3A_60 to %scan3A_62 step %scan3A_63  : i32 {
        %mul3A_141 = arith.constant 16 : i32
        %mul3A_142 = arith.muli %scan3A_140, %mul3A_141 : i32
        %add3A_143 = arith.constant 0 : i32
        %add3A_144 = arith.addi %add3A_143, %mul3A_142 : i32
        %mul3A_145 = arith.constant 320 : i32
        %mul3A_146 = arith.muli %add3A_59, %mul3A_145 : i32
        %add3A_147 = arith.addi %mul3A_146, %add3A_144 : i32
        %get3A = arith.index_cast %add3A_147 : i32 to index
        %get3A_148 = tpu.vector_load %arg14[%get3A] {strides = array<i32>} : memref<25600xi32, #tpu.memory_space<vmem>>, vector<16xi32>,
        %shift_right_arithmetic3A = arith.constant 3 : i32
        %shift_right_arithmetic3A_149 = vector.broadcast %shift_right_arithmetic3A : i32 to vector<16xi32>
        %shift_right_arithmetic3A_150 = arith.shrsi %get3A_148, %shift_right_arithmetic3A_149 : vector<16xi32>
        %swap3A = arith.index_cast %add3A_144 : i32 to index
        %swap3A_151 = tpu.vector_load %arg16[%swap3A] {strides = array<i32>} : memref<320xi32, #tpu.memory_space<vmem>>, vector<16xi32>,
        tpu.vector_store %arg16[%swap3A], %shift_right_arithmetic3A_150 {strides = array<i32>} : memref<320xi32, #tpu.memory_space<vmem>>, vector<16xi32>,
      }
      %scan3A_64 = arith.constant 20 : i32
      %dma_start3A_65 = arith.constant 0 : i32
      %dma_start3A_66 = arith.constant 0 : i32
      %dma_start3A_67 = tpu.memref_slice %arg5[%dma_start3A_65, %dma_start3A_66] : memref<12500x128xf32, #tpu.memory_space<hbm>> -> memref<12500x128xf32, #tpu.memory_space<hbm>>
      tpu.enqueue_indirect_dma source(%dma_start3A_67 : memref<12500x128xf32, #tpu.memory_space<hbm>>) target(%arg18 : memref<320x128xf32, #tpu.memory_space<vmem>>) offsets(%arg16 : memref<320xi32, #tpu.memory_space<vmem>>) semaphore(%arg21 : memref<!tpu.dma_semaphore, #tpu.memory_space<semaphore_mem>>)
      %dma_wait3A = arith.constant 0 : i32
      %dma_wait3A_68 = arith.constant 0 : i32
      %dma_wait3A_69 = tpu.memref_slice %arg5[%dma_wait3A, %dma_wait3A_68] : memref<12500x128xf32, #tpu.memory_space<hbm>> -> memref<12500x128xf32, #tpu.memory_space<hbm>>
      tpu.wait_indirect_dma semaphore(%arg20 : memref<!tpu.dma_semaphore, #tpu.memory_space<semaphore_mem>>) src(%dma_wait3A_69 : memref<12500x128xf32, #tpu.memory_space<hbm>>) dst(%arg17 : memref<320x128xf32, #tpu.memory_space<vmem>>)
      %scan3A_70 = arith.constant 0 : i32
      %scan3A_71 = arith.constant 20 : i32
      %scan3A_72 = arith.addi %scan3A_70, %scan3A_71 : i32
      %scan3A_73 = arith.constant 1 : i32
      scf.for %scan3A_140 = %scan3A_70 to %scan3A_72 step %scan3A_73  : i32 {
        %mul3A_141 = arith.constant 16 : i32
        %mul3A_142 = arith.muli %scan3A_140, %mul3A_141 : i32
        %add3A_143 = arith.constant 0 : i32
        %add3A_144 = arith.addi %add3A_143, %mul3A_142 : i32
        %mul3A_145 = arith.constant 320 : i32
        %mul3A_146 = arith.muli %add3A_57, %mul3A_145 : i32
        %add3A_147 = arith.addi %mul3A_146, %add3A_144 : i32
        %get3A = arith.index_cast %add3A_147 : i32 to index
        %get3A_148 = tpu.vector_load %arg14[%get3A] {strides = array<i32>} : memref<25600xi32, #tpu.memory_space<vmem>>, vector<16xi32>,
        %add3A_149 = vector.broadcast %add3A_144 : i32 to vector<16xi32>
        %add3A_150 = arith.addi %add3A_149, %iota3A : vector<16xi32>
        %and3A_151 = arith.constant 7 : i32
        %and3A_152 = vector.broadcast %and3A_151 : i32 to vector<16xi32>
        %and3A_153 = arith.andi %get3A_148, %and3A_152 : vector<16xi32>
        %mul3A_154 = arith.constant 16 : i32
        %mul3A_155 = vector.broadcast %mul3A_154 : i32 to vector<16xi32>
        %mul3A_156 = arith.muli %and3A_153, %mul3A_155 : vector<16xi32>
        %mul3A_157 = arith.constant 16 : i32
        %mul3A_158 = vector.broadcast %mul3A_157 : i32 to vector<16xi32>
        %mul3A_159 = arith.muli %add3A_150, %mul3A_158 : vector<16xi32>
        %add3A_160 = arith.constant 0 : i32
        %add3A_161 = vector.broadcast %add3A_160 : i32 to vector<16xi32>
        %add3A_162 = arith.addi %mul3A_156, %add3A_161 : vector<16xi32>
        %gather3A = tpu.vector_load_idx %arg17[%add3A_150, %add3A_162] : memref<320x128xf32, #tpu.memory_space<vmem>>[vector<16xi32>, vector<16xi32>], vector<16xf32>,
        %add3A_163 = arith.constant 0 : i32
        %add3A_164 = vector.broadcast %add3A_163 : i32 to vector<16xi32>
        %add3A_165 = arith.addi %mul3A_159, %add3A_164 : vector<16xi32>
        %shift_right_arithmetic3A = arith.constant 7 : i32
        %shift_right_arithmetic3A_166 = vector.broadcast %shift_right_arithmetic3A : i32 to vector<16xi32>
        %shift_right_arithmetic3A_167 = arith.shrsi %add3A_165, %shift_right_arithmetic3A_166 : vector<16xi32>
        %and3A_168 = arith.constant 127 : i32
        %and3A_169 = vector.broadcast %and3A_168 : i32 to vector<16xi32>
        %and3A_170 = arith.andi %add3A_165, %and3A_169 : vector<16xi32>
        tpu.vector_store_idx %arg19[%shift_right_arithmetic3A_167, %and3A_170], %gather3A : memref<40x128xf32, #tpu.memory_space<vmem>>[vector<16xi32>, vector<16xi32>], vector<16xf32>,
        %add3A_171 = arith.constant 1 : i32
        %add3A_172 = vector.broadcast %add3A_171 : i32 to vector<16xi32>
        %add3A_173 = arith.addi %mul3A_156, %add3A_172 : vector<16xi32>
        %gather3A_174 = tpu.vector_load_idx %arg17[%add3A_150, %add3A_173] : memref<320x128xf32, #tpu.memory_space<vmem>>[vector<16xi32>, vector<16xi32>], vector<16xf32>,
        %add3A_175 = arith.constant 1 : i32
        %add3A_176 = vector.broadcast %add3A_175 : i32 to vector<16xi32>
        %add3A_177 = arith.addi %mul3A_159, %add3A_176 : vector<16xi32>
        %shift_right_arithmetic3A_178 = arith.constant 7 : i32
        %shift_right_arithmetic3A_179 = vector.broadcast %shift_right_arithmetic3A_178 : i32 to vector<16xi32>
        %shift_right_arithmetic3A_180 = arith.shrsi %add3A_177, %shift_right_arithmetic3A_179 : vector<16xi32>
        %and3A_181 = arith.constant 127 : i32
        %and3A_182 = vector.broadcast %and3A_181 : i32 to vector<16xi32>
        %and3A_183 = arith.andi %add3A_177, %and3A_182 : vector<16xi32>
        tpu.vector_store_idx %arg19[%shift_right_arithmetic3A_180, %and3A_183], %gather3A_174 : memref<40x128xf32, #tpu.memory_space<vmem>>[vector<16xi32>, vector<16xi32>], vector<16xf32>,
        %add3A_184 = arith.constant 2 : i32
        %add3A_185 = vector.broadcast %add3A_184 : i32 to vector<16xi32>
        %add3A_186 = arith.addi %mul3A_156, %add3A_185 : vector<16xi32>
        %gather3A_187 = tpu.vector_load_idx %arg17[%add3A_150, %add3A_186] : memref<320x128xf32, #tpu.memory_space<vmem>>[vector<16xi32>, vector<16xi32>], vector<16xf32>,
        %add3A_188 = arith.constant 2 : i32
        %add3A_189 = vector.broadcast %add3A_188 : i32 to vector<16xi32>
        %add3A_190 = arith.addi %mul3A_159, %add3A_189 : vector<16xi32>
        %shift_right_arithmetic3A_191 = arith.constant 7 : i32
        %shift_right_arithmetic3A_192 = vector.broadcast %shift_right_arithmetic3A_191 : i32 to vector<16xi32>
        %shift_right_arithmetic3A_193 = arith.shrsi %add3A_190, %shift_right_arithmetic3A_192 : vector<16xi32>
        %and3A_194 = arith.constant 127 : i32
        %and3A_195 = vector.broadcast %and3A_194 : i32 to vector<16xi32>
        %and3A_196 = arith.andi %add3A_190, %and3A_195 : vector<16xi32>
        tpu.vector_store_idx %arg19[%shift_right_arithmetic3A_193, %and3A_196], %gather3A_187 : memref<40x128xf32, #tpu.memory_space<vmem>>[vector<16xi32>, vector<16xi32>], vector<16xf32>,
        %add3A_197 = arith.constant 3 : i32
        %add3A_198 = vector.broadcast %add3A_197 : i32 to vector<16xi32>
        %add3A_199 = arith.addi %mul3A_156, %add3A_198 : vector<16xi32>
        %gather3A_200 = tpu.vector_load_idx %arg17[%add3A_150, %add3A_199] : memref<320x128xf32, #tpu.memory_space<vmem>>[vector<16xi32>, vector<16xi32>], vector<16xf32>,
        %add3A_201 = arith.constant 3 : i32
        %add3A_202 = vector.broadcast %add3A_201 : i32 to vector<16xi32>
        %add3A_203 = arith.addi %mul3A_159, %add3A_202 : vector<16xi32>
        %shift_right_arithmetic3A_204 = arith.constant 7 : i32
        %shift_right_arithmetic3A_205 = vector.broadcast %shift_right_arithmetic3A_204 : i32 to vector<16xi32>
        %shift_right_arithmetic3A_206 = arith.shrsi %add3A_203, %shift_right_arithmetic3A_205 : vector<16xi32>
        %and3A_207 = arith.constant 127 : i32
        %and3A_208 = vector.broadcast %and3A_207 : i32 to vector<16xi32>
        %and3A_209 = arith.andi %add3A_203, %and3A_208 : vector<16xi32>
        tpu.vector_store_idx %arg19[%shift_right_arithmetic3A_206, %and3A_209], %gather3A_200 : memref<40x128xf32, #tpu.memory_space<vmem>>[vector<16xi32>, vector<16xi32>], vector<16xf32>,
        %add3A_210 = arith.constant 4 : i32
        %add3A_211 = vector.broadcast %add3A_210 : i32 to vector<16xi32>
        %add3A_212 = arith.addi %mul3A_156, %add3A_211 : vector<16xi32>
        %gather3A_213 = tpu.vector_load_idx %arg17[%add3A_150, %add3A_212] : memref<320x128xf32, #tpu.memory_space<vmem>>[vector<16xi32>, vector<16xi32>], vector<16xf32>,
        %add3A_214 = arith.constant 4 : i32
        %add3A_215 = vector.broadcast %add3A_214 : i32 to vector<16xi32>
        %add3A_216 = arith.addi %mul3A_159, %add3A_215 : vector<16xi32>
        %shift_right_arithmetic3A_217 = arith.constant 7 : i32
        %shift_right_arithmetic3A_218 = vector.broadcast %shift_right_arithmetic3A_217 : i32 to vector<16xi32>
        %shift_right_arithmetic3A_219 = arith.shrsi %add3A_216, %shift_right_arithmetic3A_218 : vector<16xi32>
        %and3A_220 = arith.constant 127 : i32
        %and3A_221 = vector.broadcast %and3A_220 : i32 to vector<16xi32>
        %and3A_222 = arith.andi %add3A_216, %and3A_221 : vector<16xi32>
        tpu.vector_store_idx %arg19[%shift_right_arithmetic3A_219, %and3A_222], %gather3A_213 : memref<40x128xf32, #tpu.memory_space<vmem>>[vector<16xi32>, vector<16xi32>], vector<16xf32>,
        %add3A_223 = arith.constant 5 : i32
        %add3A_224 = vector.broadcast %add3A_223 : i32 to vector<16xi32>
        %add3A_225 = arith.addi %mul3A_156, %add3A_224 : vector<16xi32>
        %gather3A_226 = tpu.vector_load_idx %arg17[%add3A_150, %add3A_225] : memref<320x128xf32, #tpu.memory_space<vmem>>[vector<16xi32>, vector<16xi32>], vector<16xf32>,
        %add3A_227 = arith.constant 5 : i32
        %add3A_228 = vector.broadcast %add3A_227 : i32 to vector<16xi32>
        %add3A_229 = arith.addi %mul3A_159, %add3A_228 : vector<16xi32>
        %shift_right_arithmetic3A_230 = arith.constant 7 : i32
        %shift_right_arithmetic3A_231 = vector.broadcast %shift_right_arithmetic3A_230 : i32 to vector<16xi32>
        %shift_right_arithmetic3A_232 = arith.shrsi %add3A_229, %shift_right_arithmetic3A_231 : vector<16xi32>
        %and3A_233 = arith.constant 127 : i32
        %and3A_234 = vector.broadcast %and3A_233 : i32 to vector<16xi32>
        %and3A_235 = arith.andi %add3A_229, %and3A_234 : vector<16xi32>
        tpu.vector_store_idx %arg19[%shift_right_arithmetic3A_232, %and3A_235], %gather3A_226 : memref<40x128xf32, #tpu.memory_space<vmem>>[vector<16xi32>, vector<16xi32>], vector<16xf32>,
        %add3A_236 = arith.constant 6 : i32
        %add3A_237 = vector.broadcast %add3A_236 : i32 to vector<16xi32>
        %add3A_238 = arith.addi %mul3A_156, %add3A_237 : vector<16xi32>
        %gather3A_239 = tpu.vector_load_idx %arg17[%add3A_150, %add3A_238] : memref<320x128xf32, #tpu.memory_space<vmem>>[vector<16xi32>, vector<16xi32>], vector<16xf32>,
        %add3A_240 = arith.constant 6 : i32
        %add3A_241 = vector.broadcast %add3A_240 : i32 to vector<16xi32>
        %add3A_242 = arith.addi %mul3A_159, %add3A_241 : vector<16xi32>
        %shift_right_arithmetic3A_243 = arith.constant 7 : i32
        %shift_right_arithmetic3A_244 = vector.broadcast %shift_right_arithmetic3A_243 : i32 to vector<16xi32>
        %shift_right_arithmetic3A_245 = arith.shrsi %add3A_242, %shift_right_arithmetic3A_244 : vector<16xi32>
        %and3A_246 = arith.constant 127 : i32
        %and3A_247 = vector.broadcast %and3A_246 : i32 to vector<16xi32>
        %and3A_248 = arith.andi %add3A_242, %and3A_247 : vector<16xi32>
        tpu.vector_store_idx %arg19[%shift_right_arithmetic3A_245, %and3A_248], %gather3A_239 : memref<40x128xf32, #tpu.memory_space<vmem>>[vector<16xi32>, vector<16xi32>], vector<16xf32>,
        %add3A_249 = arith.constant 7 : i32
        %add3A_250 = vector.broadcast %add3A_249 : i32 to vector<16xi32>
        %add3A_251 = arith.addi %mul3A_156, %add3A_250 : vector<16xi32>
        %gather3A_252 = tpu.vector_load_idx %arg17[%add3A_150, %add3A_251] : memref<320x128xf32, #tpu.memory_space<vmem>>[vector<16xi32>, vector<16xi32>], vector<16xf32>,
        %add3A_253 = arith.constant 7 : i32
        %add3A_254 = vector.broadcast %add3A_253 : i32 to vector<16xi32>
        %add3A_255 = arith.addi %mul3A_159, %add3A_254 : vector<16xi32>
        %shift_right_arithmetic3A_256 = arith.constant 7 : i32
        %shift_right_arithmetic3A_257 = vector.broadcast %shift_right_arithmetic3A_256 : i32 to vector<16xi32>
        %shift_right_arithmetic3A_258 = arith.shrsi %add3A_255, %shift_right_arithmetic3A_257 : vector<16xi32>
        %and3A_259 = arith.constant 127 : i32
        %and3A_260 = vector.broadcast %and3A_259 : i32 to vector<16xi32>
        %and3A_261 = arith.andi %add3A_255, %and3A_260 : vector<16xi32>
        tpu.vector_store_idx %arg19[%shift_right_arithmetic3A_258, %and3A_261], %gather3A_252 : memref<40x128xf32, #tpu.memory_space<vmem>>[vector<16xi32>, vector<16xi32>], vector<16xf32>,
        %add3A_262 = arith.constant 8 : i32
        %add3A_263 = vector.broadcast %add3A_262 : i32 to vector<16xi32>
        %add3A_264 = arith.addi %mul3A_156, %add3A_263 : vector<16xi32>
        %gather3A_265 = tpu.vector_load_idx %arg17[%add3A_150, %add3A_264] : memref<320x128xf32, #tpu.memory_space<vmem>>[vector<16xi32>, vector<16xi32>], vector<16xf32>,
        %add3A_266 = arith.constant 8 : i32
        %add3A_267 = vector.broadcast %add3A_266 : i32 to vector<16xi32>
        %add3A_268 = arith.addi %mul3A_159, %add3A_267 : vector<16xi32>
        %shift_right_arithmetic3A_269 = arith.constant 7 : i32
        %shift_right_arithmetic3A_270 = vector.broadcast %shift_right_arithmetic3A_269 : i32 to vector<16xi32>
        %shift_right_arithmetic3A_271 = arith.shrsi %add3A_268, %shift_right_arithmetic3A_270 : vector<16xi32>
        %and3A_272 = arith.constant 127 : i32
        %and3A_273 = vector.broadcast %and3A_272 : i32 to vector<16xi32>
        %and3A_274 = arith.andi %add3A_268, %and3A_273 : vector<16xi32>
        tpu.vector_store_idx %arg19[%shift_right_arithmetic3A_271, %and3A_274], %gather3A_265 : memref<40x128xf32, #tpu.memory_space<vmem>>[vector<16xi32>, vector<16xi32>], vector<16xf32>,
        %add3A_275 = arith.constant 9 : i32
        %add3A_276 = vector.broadcast %add3A_275 : i32 to vector<16xi32>
        %add3A_277 = arith.addi %mul3A_156, %add3A_276 : vector<16xi32>
        %gather3A_278 = tpu.vector_load_idx %arg17[%add3A_150, %add3A_277] : memref<320x128xf32, #tpu.memory_space<vmem>>[vector<16xi32>, vector<16xi32>], vector<16xf32>,
        %add3A_279 = arith.constant 9 : i32
        %add3A_280 = vector.broadcast %add3A_279 : i32 to vector<16xi32>
        %add3A_281 = arith.addi %mul3A_159, %add3A_280 : vector<16xi32>
        %shift_right_arithmetic3A_282 = arith.constant 7 : i32
        %shift_right_arithmetic3A_283 = vector.broadcast %shift_right_arithmetic3A_282 : i32 to vector<16xi32>
        %shift_right_arithmetic3A_284 = arith.shrsi %add3A_281, %shift_right_arithmetic3A_283 : vector<16xi32>
        %and3A_285 = arith.constant 127 : i32
        %and3A_286 = vector.broadcast %and3A_285 : i32 to vector<16xi32>
        %and3A_287 = arith.andi %add3A_281, %and3A_286 : vector<16xi32>
        tpu.vector_store_idx %arg19[%shift_right_arithmetic3A_284, %and3A_287], %gather3A_278 : memref<40x128xf32, #tpu.memory_space<vmem>>[vector<16xi32>, vector<16xi32>], vector<16xf32>,
        %add3A_288 = arith.constant 10 : i32
        %add3A_289 = vector.broadcast %add3A_288 : i32 to vector<16xi32>
        %add3A_290 = arith.addi %mul3A_156, %add3A_289 : vector<16xi32>
        %gather3A_291 = tpu.vector_load_idx %arg17[%add3A_150, %add3A_290] : memref<320x128xf32, #tpu.memory_space<vmem>>[vector<16xi32>, vector<16xi32>], vector<16xf32>,
        %add3A_292 = arith.constant 10 : i32
        %add3A_293 = vector.broadcast %add3A_292 : i32 to vector<16xi32>
        %add3A_294 = arith.addi %mul3A_159, %add3A_293 : vector<16xi32>
        %shift_right_arithmetic3A_295 = arith.constant 7 : i32
        %shift_right_arithmetic3A_296 = vector.broadcast %shift_right_arithmetic3A_295 : i32 to vector<16xi32>
        %shift_right_arithmetic3A_297 = arith.shrsi %add3A_294, %shift_right_arithmetic3A_296 : vector<16xi32>
        %and3A_298 = arith.constant 127 : i32
        %and3A_299 = vector.broadcast %and3A_298 : i32 to vector<16xi32>
        %and3A_300 = arith.andi %add3A_294, %and3A_299 : vector<16xi32>
        tpu.vector_store_idx %arg19[%shift_right_arithmetic3A_297, %and3A_300], %gather3A_291 : memref<40x128xf32, #tpu.memory_space<vmem>>[vector<16xi32>, vector<16xi32>], vector<16xf32>,
        %add3A_301 = arith.constant 11 : i32
        %add3A_302 = vector.broadcast %add3A_301 : i32 to vector<16xi32>
        %add3A_303 = arith.addi %mul3A_156, %add3A_302 : vector<16xi32>
        %gather3A_304 = tpu.vector_load_idx %arg17[%add3A_150, %add3A_303] : memref<320x128xf32, #tpu.memory_space<vmem>>[vector<16xi32>, vector<16xi32>], vector<16xf32>,
        %add3A_305 = arith.constant 11 : i32
        %add3A_306 = vector.broadcast %add3A_305 : i32 to vector<16xi32>
        %add3A_307 = arith.addi %mul3A_159, %add3A_306 : vector<16xi32>
        %shift_right_arithmetic3A_308 = arith.constant 7 : i32
        %shift_right_arithmetic3A_309 = vector.broadcast %shift_right_arithmetic3A_308 : i32 to vector<16xi32>
        %shift_right_arithmetic3A_310 = arith.shrsi %add3A_307, %shift_right_arithmetic3A_309 : vector<16xi32>
        %and3A_311 = arith.constant 127 : i32
        %and3A_312 = vector.broadcast %and3A_311 : i32 to vector<16xi32>
        %and3A_313 = arith.andi %add3A_307, %and3A_312 : vector<16xi32>
        tpu.vector_store_idx %arg19[%shift_right_arithmetic3A_310, %and3A_313], %gather3A_304 : memref<40x128xf32, #tpu.memory_space<vmem>>[vector<16xi32>, vector<16xi32>], vector<16xf32>,
        %add3A_314 = arith.constant 12 : i32
        %add3A_315 = vector.broadcast %add3A_314 : i32 to vector<16xi32>
        %add3A_316 = arith.addi %mul3A_156, %add3A_315 : vector<16xi32>
        %gather3A_317 = tpu.vector_load_idx %arg17[%add3A_150, %add3A_316] : memref<320x128xf32, #tpu.memory_space<vmem>>[vector<16xi32>, vector<16xi32>], vector<16xf32>,
        %add3A_318 = arith.constant 12 : i32
        %add3A_319 = vector.broadcast %add3A_318 : i32 to vector<16xi32>
        %add3A_320 = arith.addi %mul3A_159, %add3A_319 : vector<16xi32>
        %shift_right_arithmetic3A_321 = arith.constant 7 : i32
        %shift_right_arithmetic3A_322 = vector.broadcast %shift_right_arithmetic3A_321 : i32 to vector<16xi32>
        %shift_right_arithmetic3A_323 = arith.shrsi %add3A_320, %shift_right_arithmetic3A_322 : vector<16xi32>
        %and3A_324 = arith.constant 127 : i32
        %and3A_325 = vector.broadcast %and3A_324 : i32 to vector<16xi32>
        %and3A_326 = arith.andi %add3A_320, %and3A_325 : vector<16xi32>
        tpu.vector_store_idx %arg19[%shift_right_arithmetic3A_323, %and3A_326], %gather3A_317 : memref<40x128xf32, #tpu.memory_space<vmem>>[vector<16xi32>, vector<16xi32>], vector<16xf32>,
        %add3A_327 = arith.constant 13 : i32
        %add3A_328 = vector.broadcast %add3A_327 : i32 to vector<16xi32>
        %add3A_329 = arith.addi %mul3A_156, %add3A_328 : vector<16xi32>
        %gather3A_330 = tpu.vector_load_idx %arg17[%add3A_150, %add3A_329] : memref<320x128xf32, #tpu.memory_space<vmem>>[vector<16xi32>, vector<16xi32>], vector<16xf32>,
        %add3A_331 = arith.constant 13 : i32
        %add3A_332 = vector.broadcast %add3A_331 : i32 to vector<16xi32>
        %add3A_333 = arith.addi %mul3A_159, %add3A_332 : vector<16xi32>
        %shift_right_arithmetic3A_334 = arith.constant 7 : i32
        %shift_right_arithmetic3A_335 = vector.broadcast %shift_right_arithmetic3A_334 : i32 to vector<16xi32>
        %shift_right_arithmetic3A_336 = arith.shrsi %add3A_333, %shift_right_arithmetic3A_335 : vector<16xi32>
        %and3A_337 = arith.constant 127 : i32
        %and3A_338 = vector.broadcast %and3A_337 : i32 to vector<16xi32>
        %and3A_339 = arith.andi %add3A_333, %and3A_338 : vector<16xi32>
        tpu.vector_store_idx %arg19[%shift_right_arithmetic3A_336, %and3A_339], %gather3A_330 : memref<40x128xf32, #tpu.memory_space<vmem>>[vector<16xi32>, vector<16xi32>], vector<16xf32>,
        %add3A_340 = arith.constant 14 : i32
        %add3A_341 = vector.broadcast %add3A_340 : i32 to vector<16xi32>
        %add3A_342 = arith.addi %mul3A_156, %add3A_341 : vector<16xi32>
        %gather3A_343 = tpu.vector_load_idx %arg17[%add3A_150, %add3A_342] : memref<320x128xf32, #tpu.memory_space<vmem>>[vector<16xi32>, vector<16xi32>], vector<16xf32>,
        %add3A_344 = arith.constant 14 : i32
        %add3A_345 = vector.broadcast %add3A_344 : i32 to vector<16xi32>
        %add3A_346 = arith.addi %mul3A_159, %add3A_345 : vector<16xi32>
        %shift_right_arithmetic3A_347 = arith.constant 7 : i32
        %shift_right_arithmetic3A_348 = vector.broadcast %shift_right_arithmetic3A_347 : i32 to vector<16xi32>
        %shift_right_arithmetic3A_349 = arith.shrsi %add3A_346, %shift_right_arithmetic3A_348 : vector<16xi32>
        %and3A_350 = arith.constant 127 : i32
        %and3A_351 = vector.broadcast %and3A_350 : i32 to vector<16xi32>
        %and3A_352 = arith.andi %add3A_346, %and3A_351 : vector<16xi32>
        tpu.vector_store_idx %arg19[%shift_right_arithmetic3A_349, %and3A_352], %gather3A_343 : memref<40x128xf32, #tpu.memory_space<vmem>>[vector<16xi32>, vector<16xi32>], vector<16xf32>,
        %add3A_353 = arith.constant 15 : i32
        %add3A_354 = vector.broadcast %add3A_353 : i32 to vector<16xi32>
        %add3A_355 = arith.addi %mul3A_156, %add3A_354 : vector<16xi32>
        %gather3A_356 = tpu.vector_load_idx %arg17[%add3A_150, %add3A_355] : memref<320x128xf32, #tpu.memory_space<vmem>>[vector<16xi32>, vector<16xi32>], vector<16xf32>,
        %add3A_357 = arith.constant 15 : i32
        %add3A_358 = vector.broadcast %add3A_357 : i32 to vector<16xi32>
        %add3A_359 = arith.addi %mul3A_159, %add3A_358 : vector<16xi32>
        %shift_right_arithmetic3A_360 = arith.constant 7 : i32
        %shift_right_arithmetic3A_361 = vector.broadcast %shift_right_arithmetic3A_360 : i32 to vector<16xi32>
        %shift_right_arithmetic3A_362 = arith.shrsi %add3A_359, %shift_right_arithmetic3A_361 : vector<16xi32>
        %and3A_363 = arith.constant 127 : i32
        %and3A_364 = vector.broadcast %and3A_363 : i32 to vector<16xi32>
        %and3A_365 = arith.andi %add3A_359, %and3A_364 : vector<16xi32>
        tpu.vector_store_idx %arg19[%shift_right_arithmetic3A_362, %and3A_365], %gather3A_356 : memref<40x128xf32, #tpu.memory_space<vmem>>[vector<16xi32>, vector<16xi32>], vector<16xf32>,
      }
      %scan3A_74 = arith.constant 20 : i32
      %mul3A_75 = arith.constant 320 : i32
      %mul3A_76 = arith.muli %add3A_57, %mul3A_75 : i32
      %add3A_77 = arith.addi %mul3A_2, %mul3A_76 : i32
      %mul3A_78 = arith.constant 16 : i32
      %mul3A_79 = arith.muli %add3A_77, %mul3A_78 : i32
      %jit3A = arith.constant 128 : i32
      %div3A = arith.divsi %mul3A_79, %jit3A : i32
      %sign3A = arith.constant 0 : i32
      %sign3A_80 = arith.cmpi sgt, %mul3A_79, %sign3A : i32
      %sign3A_81 = arith.extui %sign3A_80 : i1 to i32
      %sign3A_82 = arith.constant 0 : i32
      %sign3A_83 = arith.cmpi slt, %mul3A_79, %sign3A_82 : i32
      %sign3A_84 = arith.extui %sign3A_83 : i1 to i32
      %sign3A_85 = arith.subi %sign3A_81, %sign3A_84 : i32
      %sign3A_86 = arith.constant 0 : i32
      %sign3A_87 = arith.cmpi sgt, %jit3A, %sign3A_86 : i32
      %sign3A_88 = arith.extui %sign3A_87 : i1 to i32
      %sign3A_89 = arith.constant 0 : i32
      %sign3A_90 = arith.cmpi slt, %jit3A, %sign3A_89 : i32
      %sign3A_91 = arith.extui %sign3A_90 : i1 to i32
      %sign3A_92 = arith.subi %sign3A_88, %sign3A_91 : i32
      %ne3A = arith.cmpi ne, %sign3A_85, %sign3A_92 : i32
      %rem3A = arith.remsi %mul3A_79, %jit3A : i32
      %ne3A_93 = arith.constant 0 : i32
      %ne3A_94 = arith.cmpi ne, %rem3A, %ne3A_93 : i32
      %and3A = arith.andi %ne3A, %ne3A_94 : i1
      %sub3A = arith.constant 1 : i32
      %sub3A_95 = arith.subi %div3A, %sub3A : i32
      %select_n3A = arith.select %and3A, %sub3A_95, %div3A : i32
      %multiple_of3A = tpu.assume_multiple %select_n3A, 8 : i32
      "tpu.region"() ({
        %run_scoped3A = tpu.sem_alloc : memref<!tpu.dma_semaphore, #tpu.memory_space<semaphore_mem>>
        %dma_start3A_140 = arith.constant 0 : i32
        %dma_start3A_141 = tpu.memref_slice %arg13[%multiple_of3A, %dma_start3A_140] : memref<102400x128xf32, #tpu.memory_space<hbm>> -> memref<40x128xf32, #tpu.memory_space<hbm>>
        %dma_start3A_142 = arith.constant 0 : i32
        %dma_start3A_143 = tpu.memref_slice %arg13[%multiple_of3A, %dma_start3A_142] : memref<102400x128xf32, #tpu.memory_space<hbm>> -> memref<40x128xf32, #tpu.memory_space<hbm>>
        tpu.enqueue_dma source(%arg19 : memref<40x128xf32, #tpu.memory_space<vmem>>) target(%dma_start3A_143 : memref<40x128xf32, #tpu.memory_space<hbm>>) target_semaphore(%run_scoped3A : memref<!tpu.dma_semaphore, #tpu.memory_space<semaphore_mem>>)
        %dma_wait3A_144 = arith.constant 0 : i32
        %dma_wait3A_145 = tpu.memref_slice %arg13[%multiple_of3A, %dma_wait3A_144] : memref<102400x128xf32, #tpu.memory_space<hbm>> -> memref<40x128xf32, #tpu.memory_space<hbm>>
        %dma_wait3A_146 = arith.constant 0 : i32
        %dma_wait3A_147 = tpu.memref_slice %arg13[%multiple_of3A, %dma_wait3A_146] : memref<102400x128xf32, #tpu.memory_space<hbm>> -> memref<40x128xf32, #tpu.memory_space<hbm>>
        tpu.wait_dma2 semaphore(%run_scoped3A : memref<!tpu.dma_semaphore, #tpu.memory_space<semaphore_mem>>) src(%arg19 : memref<40x128xf32, #tpu.memory_space<vmem>>) dst(%dma_wait3A_147 : memref<40x128xf32, #tpu.memory_space<hbm>>)
        tpu.yield
      }) : () -> ()
      %add3A_96 = arith.constant 2 : i32
      %add3A_97 = arith.addi %add3A_57, %add3A_96 : i32
      %lt3A = arith.constant 80 : i32
      %lt3A_98 = arith.cmpi slt, %add3A_97, %lt3A : i32
      %convert_element_type3A = arith.extui %lt3A_98 : i1 to i32
      %cond3A = arith.constant 0 : i32
      %cond3A_99 = arith.cmpi ne, %convert_element_type3A, %cond3A : i32
      scf.if %cond3A_99 {
        %add3A_140 = arith.constant 2 : i32
        %add3A_141 = arith.addi %add3A_57, %add3A_140 : i32
        %scan3A_142 = arith.constant 0 : i32
        %scan3A_143 = arith.constant 20 : i32
        %scan3A_144 = arith.addi %scan3A_142, %scan3A_143 : i32
        %scan3A_145 = arith.constant 1 : i32
        scf.for %scan3A_150 = %scan3A_142 to %scan3A_144 step %scan3A_145  : i32 {
          %mul3A_151 = arith.constant 16 : i32
          %mul3A_152 = arith.muli %scan3A_150, %mul3A_151 : i32
          %add3A_153 = arith.constant 0 : i32
          %add3A_154 = arith.addi %add3A_153, %mul3A_152 : i32
          %mul3A_155 = arith.constant 320 : i32
          %mul3A_156 = arith.muli %add3A_141, %mul3A_155 : i32
          %add3A_157 = arith.addi %mul3A_156, %add3A_154 : i32
          %get3A = arith.index_cast %add3A_157 : i32 to index
          %get3A_158 = tpu.vector_load %arg14[%get3A] {strides = array<i32>} : memref<25600xi32, #tpu.memory_space<vmem>>, vector<16xi32>,
          %shift_right_arithmetic3A = arith.constant 3 : i32
          %shift_right_arithmetic3A_159 = vector.broadcast %shift_right_arithmetic3A : i32 to vector<16xi32>
          %shift_right_arithmetic3A_160 = arith.shrsi %get3A_158, %shift_right_arithmetic3A_159 : vector<16xi32>
          %swap3A = arith.index_cast %add3A_154 : i32 to index
          %swap3A_161 = tpu.vector_load %arg15[%swap3A] {strides = array<i32>} : memref<320xi32, #tpu.memory_space<vmem>>, vector<16xi32>,
          tpu.vector_store %arg15[%swap3A], %shift_right_arithmetic3A_160 {strides = array<i32>} : memref<320xi32, #tpu.memory_space<vmem>>, vector<16xi32>,
        }
        %scan3A_146 = arith.constant 20 : i32
        %dma_start3A_147 = arith.constant 0 : i32
        %dma_start3A_148 = arith.constant 0 : i32
        %dma_start3A_149 = tpu.memref_slice %arg5[%dma_start3A_147, %dma_start3A_148] : memref<12500x128xf32, #tpu.memory_space<hbm>> -> memref<12500x128xf32, #tpu.memory_space<hbm>>
        tpu.enqueue_indirect_dma source(%dma_start3A_149 : memref<12500x128xf32, #tpu.memory_space<hbm>>) target(%arg17 : memref<320x128xf32, #tpu.memory_space<vmem>>) offsets(%arg15 : memref<320xi32, #tpu.memory_space<vmem>>) semaphore(%arg20 : memref<!tpu.dma_semaphore, #tpu.memory_space<semaphore_mem>>)
      } else {
      }
      %add3A_100 = arith.constant 1 : i32
      %add3A_101 = arith.addi %add3A_57, %add3A_100 : i32
      %dma_wait3A_102 = arith.constant 0 : i32
      %dma_wait3A_103 = arith.constant 0 : i32
      %dma_wait3A_104 = tpu.memref_slice %arg5[%dma_wait3A_102, %dma_wait3A_103] : memref<12500x128xf32, #tpu.memory_space<hbm>> -> memref<12500x128xf32, #tpu.memory_space<hbm>>
      tpu.wait_indirect_dma semaphore(%arg21 : memref<!tpu.dma_semaphore, #tpu.memory_space<semaphore_mem>>) src(%dma_wait3A_104 : memref<12500x128xf32, #tpu.memory_space<hbm>>) dst(%arg18 : memref<320x128xf32, #tpu.memory_space<vmem>>)
      %scan3A_105 = arith.constant 0 : i32
      %scan3A_106 = arith.constant 20 : i32
      %scan3A_107 = arith.addi %scan3A_105, %scan3A_106 : i32
      %scan3A_108 = arith.constant 1 : i32
      scf.for %scan3A_140 = %scan3A_105 to %scan3A_107 step %scan3A_108  : i32 {
        %mul3A_141 = arith.constant 16 : i32
        %mul3A_142 = arith.muli %scan3A_140, %mul3A_141 : i32
        %add3A_143 = arith.constant 0 : i32
        %add3A_144 = arith.addi %add3A_143, %mul3A_142 : i32
        %mul3A_145 = arith.constant 320 : i32
        %mul3A_146 = arith.muli %add3A_101, %mul3A_145 : i32
        %add3A_147 = arith.addi %mul3A_146, %add3A_144 : i32
        %get3A = arith.index_cast %add3A_147 : i32 to index
        %get3A_148 = tpu.vector_load %arg14[%get3A] {strides = array<i32>} : memref<25600xi32, #tpu.memory_space<vmem>>, vector<16xi32>,
        %add3A_149 = vector.broadcast %add3A_144 : i32 to vector<16xi32>
        %add3A_150 = arith.addi %add3A_149, %iota3A : vector<16xi32>
        %and3A_151 = arith.constant 7 : i32
        %and3A_152 = vector.broadcast %and3A_151 : i32 to vector<16xi32>
        %and3A_153 = arith.andi %get3A_148, %and3A_152 : vector<16xi32>
        %mul3A_154 = arith.constant 16 : i32
        %mul3A_155 = vector.broadcast %mul3A_154 : i32 to vector<16xi32>
        %mul3A_156 = arith.muli %and3A_153, %mul3A_155 : vector<16xi32>
        %mul3A_157 = arith.constant 16 : i32
        %mul3A_158 = vector.broadcast %mul3A_157 : i32 to vector<16xi32>
        %mul3A_159 = arith.muli %add3A_150, %mul3A_158 : vector<16xi32>
        %add3A_160 = arith.constant 0 : i32
        %add3A_161 = vector.broadcast %add3A_160 : i32 to vector<16xi32>
        %add3A_162 = arith.addi %mul3A_156, %add3A_161 : vector<16xi32>
        %gather3A = tpu.vector_load_idx %arg18[%add3A_150, %add3A_162] : memref<320x128xf32, #tpu.memory_space<vmem>>[vector<16xi32>, vector<16xi32>], vector<16xf32>,
        %add3A_163 = arith.constant 0 : i32
        %add3A_164 = vector.broadcast %add3A_163 : i32 to vector<16xi32>
        %add3A_165 = arith.addi %mul3A_159, %add3A_164 : vector<16xi32>
        %shift_right_arithmetic3A = arith.constant 7 : i32
        %shift_right_arithmetic3A_166 = vector.broadcast %shift_right_arithmetic3A : i32 to vector<16xi32>
        %shift_right_arithmetic3A_167 = arith.shrsi %add3A_165, %shift_right_arithmetic3A_166 : vector<16xi32>
        %and3A_168 = arith.constant 127 : i32
        %and3A_169 = vector.broadcast %and3A_168 : i32 to vector<16xi32>
        %and3A_170 = arith.andi %add3A_165, %and3A_169 : vector<16xi32>
        tpu.vector_store_idx %arg19[%shift_right_arithmetic3A_167, %and3A_170], %gather3A : memref<40x128xf32, #tpu.memory_space<vmem>>[vector<16xi32>, vector<16xi32>], vector<16xf32>,
        %add3A_171 = arith.constant 1 : i32
        %add3A_172 = vector.broadcast %add3A_171 : i32 to vector<16xi32>
        %add3A_173 = arith.addi %mul3A_156, %add3A_172 : vector<16xi32>
        %gather3A_174 = tpu.vector_load_idx %arg18[%add3A_150, %add3A_173] : memref<320x128xf32, #tpu.memory_space<vmem>>[vector<16xi32>, vector<16xi32>], vector<16xf32>,
        %add3A_175 = arith.constant 1 : i32
        %add3A_176 = vector.broadcast %add3A_175 : i32 to vector<16xi32>
        %add3A_177 = arith.addi %mul3A_159, %add3A_176 : vector<16xi32>
        %shift_right_arithmetic3A_178 = arith.constant 7 : i32
        %shift_right_arithmetic3A_179 = vector.broadcast %shift_right_arithmetic3A_178 : i32 to vector<16xi32>
        %shift_right_arithmetic3A_180 = arith.shrsi %add3A_177, %shift_right_arithmetic3A_179 : vector<16xi32>
        %and3A_181 = arith.constant 127 : i32
        %and3A_182 = vector.broadcast %and3A_181 : i32 to vector<16xi32>
        %and3A_183 = arith.andi %add3A_177, %and3A_182 : vector<16xi32>
        tpu.vector_store_idx %arg19[%shift_right_arithmetic3A_180, %and3A_183], %gather3A_174 : memref<40x128xf32, #tpu.memory_space<vmem>>[vector<16xi32>, vector<16xi32>], vector<16xf32>,
        %add3A_184 = arith.constant 2 : i32
        %add3A_185 = vector.broadcast %add3A_184 : i32 to vector<16xi32>
        %add3A_186 = arith.addi %mul3A_156, %add3A_185 : vector<16xi32>
        %gather3A_187 = tpu.vector_load_idx %arg18[%add3A_150, %add3A_186] : memref<320x128xf32, #tpu.memory_space<vmem>>[vector<16xi32>, vector<16xi32>], vector<16xf32>,
        %add3A_188 = arith.constant 2 : i32
        %add3A_189 = vector.broadcast %add3A_188 : i32 to vector<16xi32>
        %add3A_190 = arith.addi %mul3A_159, %add3A_189 : vector<16xi32>
        %shift_right_arithmetic3A_191 = arith.constant 7 : i32
        %shift_right_arithmetic3A_192 = vector.broadcast %shift_right_arithmetic3A_191 : i32 to vector<16xi32>
        %shift_right_arithmetic3A_193 = arith.shrsi %add3A_190, %shift_right_arithmetic3A_192 : vector<16xi32>
        %and3A_194 = arith.constant 127 : i32
        %and3A_195 = vector.broadcast %and3A_194 : i32 to vector<16xi32>
        %and3A_196 = arith.andi %add3A_190, %and3A_195 : vector<16xi32>
        tpu.vector_store_idx %arg19[%shift_right_arithmetic3A_193, %and3A_196], %gather3A_187 : memref<40x128xf32, #tpu.memory_space<vmem>>[vector<16xi32>, vector<16xi32>], vector<16xf32>,
        %add3A_197 = arith.constant 3 : i32
        %add3A_198 = vector.broadcast %add3A_197 : i32 to vector<16xi32>
        %add3A_199 = arith.addi %mul3A_156, %add3A_198 : vector<16xi32>
        %gather3A_200 = tpu.vector_load_idx %arg18[%add3A_150, %add3A_199] : memref<320x128xf32, #tpu.memory_space<vmem>>[vector<16xi32>, vector<16xi32>], vector<16xf32>,
        %add3A_201 = arith.constant 3 : i32
        %add3A_202 = vector.broadcast %add3A_201 : i32 to vector<16xi32>
        %add3A_203 = arith.addi %mul3A_159, %add3A_202 : vector<16xi32>
        %shift_right_arithmetic3A_204 = arith.constant 7 : i32
        %shift_right_arithmetic3A_205 = vector.broadcast %shift_right_arithmetic3A_204 : i32 to vector<16xi32>
        %shift_right_arithmetic3A_206 = arith.shrsi %add3A_203, %shift_right_arithmetic3A_205 : vector<16xi32>
        %and3A_207 = arith.constant 127 : i32
        %and3A_208 = vector.broadcast %and3A_207 : i32 to vector<16xi32>
        %and3A_209 = arith.andi %add3A_203, %and3A_208 : vector<16xi32>
        tpu.vector_store_idx %arg19[%shift_right_arithmetic3A_206, %and3A_209], %gather3A_200 : memref<40x128xf32, #tpu.memory_space<vmem>>[vector<16xi32>, vector<16xi32>], vector<16xf32>,
        %add3A_210 = arith.constant 4 : i32
        %add3A_211 = vector.broadcast %add3A_210 : i32 to vector<16xi32>
        %add3A_212 = arith.addi %mul3A_156, %add3A_211 : vector<16xi32>
        %gather3A_213 = tpu.vector_load_idx %arg18[%add3A_150, %add3A_212] : memref<320x128xf32, #tpu.memory_space<vmem>>[vector<16xi32>, vector<16xi32>], vector<16xf32>,
        %add3A_214 = arith.constant 4 : i32
        %add3A_215 = vector.broadcast %add3A_214 : i32 to vector<16xi32>
        %add3A_216 = arith.addi %mul3A_159, %add3A_215 : vector<16xi32>
        %shift_right_arithmetic3A_217 = arith.constant 7 : i32
        %shift_right_arithmetic3A_218 = vector.broadcast %shift_right_arithmetic3A_217 : i32 to vector<16xi32>
        %shift_right_arithmetic3A_219 = arith.shrsi %add3A_216, %shift_right_arithmetic3A_218 : vector<16xi32>
        %and3A_220 = arith.constant 127 : i32
        %and3A_221 = vector.broadcast %and3A_220 : i32 to vector<16xi32>
        %and3A_222 = arith.andi %add3A_216, %and3A_221 : vector<16xi32>
        tpu.vector_store_idx %arg19[%shift_right_arithmetic3A_219, %and3A_222], %gather3A_213 : memref<40x128xf32, #tpu.memory_space<vmem>>[vector<16xi32>, vector<16xi32>], vector<16xf32>,
        %add3A_223 = arith.constant 5 : i32
        %add3A_224 = vector.broadcast %add3A_223 : i32 to vector<16xi32>
        %add3A_225 = arith.addi %mul3A_156, %add3A_224 : vector<16xi32>
        %gather3A_226 = tpu.vector_load_idx %arg18[%add3A_150, %add3A_225] : memref<320x128xf32, #tpu.memory_space<vmem>>[vector<16xi32>, vector<16xi32>], vector<16xf32>,
        %add3A_227 = arith.constant 5 : i32
        %add3A_228 = vector.broadcast %add3A_227 : i32 to vector<16xi32>
        %add3A_229 = arith.addi %mul3A_159, %add3A_228 : vector<16xi32>
        %shift_right_arithmetic3A_230 = arith.constant 7 : i32
        %shift_right_arithmetic3A_231 = vector.broadcast %shift_right_arithmetic3A_230 : i32 to vector<16xi32>
        %shift_right_arithmetic3A_232 = arith.shrsi %add3A_229, %shift_right_arithmetic3A_231 : vector<16xi32>
        %and3A_233 = arith.constant 127 : i32
        %and3A_234 = vector.broadcast %and3A_233 : i32 to vector<16xi32>
        %and3A_235 = arith.andi %add3A_229, %and3A_234 : vector<16xi32>
        tpu.vector_store_idx %arg19[%shift_right_arithmetic3A_232, %and3A_235], %gather3A_226 : memref<40x128xf32, #tpu.memory_space<vmem>>[vector<16xi32>, vector<16xi32>], vector<16xf32>,
        %add3A_236 = arith.constant 6 : i32
        %add3A_237 = vector.broadcast %add3A_236 : i32 to vector<16xi32>
        %add3A_238 = arith.addi %mul3A_156, %add3A_237 : vector<16xi32>
        %gather3A_239 = tpu.vector_load_idx %arg18[%add3A_150, %add3A_238] : memref<320x128xf32, #tpu.memory_space<vmem>>[vector<16xi32>, vector<16xi32>], vector<16xf32>,
        %add3A_240 = arith.constant 6 : i32
        %add3A_241 = vector.broadcast %add3A_240 : i32 to vector<16xi32>
        %add3A_242 = arith.addi %mul3A_159, %add3A_241 : vector<16xi32>
        %shift_right_arithmetic3A_243 = arith.constant 7 : i32
        %shift_right_arithmetic3A_244 = vector.broadcast %shift_right_arithmetic3A_243 : i32 to vector<16xi32>
        %shift_right_arithmetic3A_245 = arith.shrsi %add3A_242, %shift_right_arithmetic3A_244 : vector<16xi32>
        %and3A_246 = arith.constant 127 : i32
        %and3A_247 = vector.broadcast %and3A_246 : i32 to vector<16xi32>
        %and3A_248 = arith.andi %add3A_242, %and3A_247 : vector<16xi32>
        tpu.vector_store_idx %arg19[%shift_right_arithmetic3A_245, %and3A_248], %gather3A_239 : memref<40x128xf32, #tpu.memory_space<vmem>>[vector<16xi32>, vector<16xi32>], vector<16xf32>,
        %add3A_249 = arith.constant 7 : i32
        %add3A_250 = vector.broadcast %add3A_249 : i32 to vector<16xi32>
        %add3A_251 = arith.addi %mul3A_156, %add3A_250 : vector<16xi32>
        %gather3A_252 = tpu.vector_load_idx %arg18[%add3A_150, %add3A_251] : memref<320x128xf32, #tpu.memory_space<vmem>>[vector<16xi32>, vector<16xi32>], vector<16xf32>,
        %add3A_253 = arith.constant 7 : i32
        %add3A_254 = vector.broadcast %add3A_253 : i32 to vector<16xi32>
        %add3A_255 = arith.addi %mul3A_159, %add3A_254 : vector<16xi32>
        %shift_right_arithmetic3A_256 = arith.constant 7 : i32
        %shift_right_arithmetic3A_257 = vector.broadcast %shift_right_arithmetic3A_256 : i32 to vector<16xi32>
        %shift_right_arithmetic3A_258 = arith.shrsi %add3A_255, %shift_right_arithmetic3A_257 : vector<16xi32>
        %and3A_259 = arith.constant 127 : i32
        %and3A_260 = vector.broadcast %and3A_259 : i32 to vector<16xi32>
        %and3A_261 = arith.andi %add3A_255, %and3A_260 : vector<16xi32>
        tpu.vector_store_idx %arg19[%shift_right_arithmetic3A_258, %and3A_261], %gather3A_252 : memref<40x128xf32, #tpu.memory_space<vmem>>[vector<16xi32>, vector<16xi32>], vector<16xf32>,
        %add3A_262 = arith.constant 8 : i32
        %add3A_263 = vector.broadcast %add3A_262 : i32 to vector<16xi32>
        %add3A_264 = arith.addi %mul3A_156, %add3A_263 : vector<16xi32>
        %gather3A_265 = tpu.vector_load_idx %arg18[%add3A_150, %add3A_264] : memref<320x128xf32, #tpu.memory_space<vmem>>[vector<16xi32>, vector<16xi32>], vector<16xf32>,
        %add3A_266 = arith.constant 8 : i32
        %add3A_267 = vector.broadcast %add3A_266 : i32 to vector<16xi32>
        %add3A_268 = arith.addi %mul3A_159, %add3A_267 : vector<16xi32>
        %shift_right_arithmetic3A_269 = arith.constant 7 : i32
        %shift_right_arithmetic3A_270 = vector.broadcast %shift_right_arithmetic3A_269 : i32 to vector<16xi32>
        %shift_right_arithmetic3A_271 = arith.shrsi %add3A_268, %shift_right_arithmetic3A_270 : vector<16xi32>
        %and3A_272 = arith.constant 127 : i32
        %and3A_273 = vector.broadcast %and3A_272 : i32 to vector<16xi32>
        %and3A_274 = arith.andi %add3A_268, %and3A_273 : vector<16xi32>
        tpu.vector_store_idx %arg19[%shift_right_arithmetic3A_271, %and3A_274], %gather3A_265 : memref<40x128xf32, #tpu.memory_space<vmem>>[vector<16xi32>, vector<16xi32>], vector<16xf32>,
        %add3A_275 = arith.constant 9 : i32
        %add3A_276 = vector.broadcast %add3A_275 : i32 to vector<16xi32>
        %add3A_277 = arith.addi %mul3A_156, %add3A_276 : vector<16xi32>
        %gather3A_278 = tpu.vector_load_idx %arg18[%add3A_150, %add3A_277] : memref<320x128xf32, #tpu.memory_space<vmem>>[vector<16xi32>, vector<16xi32>], vector<16xf32>,
        %add3A_279 = arith.constant 9 : i32
        %add3A_280 = vector.broadcast %add3A_279 : i32 to vector<16xi32>
        %add3A_281 = arith.addi %mul3A_159, %add3A_280 : vector<16xi32>
        %shift_right_arithmetic3A_282 = arith.constant 7 : i32
        %shift_right_arithmetic3A_283 = vector.broadcast %shift_right_arithmetic3A_282 : i32 to vector<16xi32>
        %shift_right_arithmetic3A_284 = arith.shrsi %add3A_281, %shift_right_arithmetic3A_283 : vector<16xi32>
        %and3A_285 = arith.constant 127 : i32
        %and3A_286 = vector.broadcast %and3A_285 : i32 to vector<16xi32>
        %and3A_287 = arith.andi %add3A_281, %and3A_286 : vector<16xi32>
        tpu.vector_store_idx %arg19[%shift_right_arithmetic3A_284, %and3A_287], %gather3A_278 : memref<40x128xf32, #tpu.memory_space<vmem>>[vector<16xi32>, vector<16xi32>], vector<16xf32>,
        %add3A_288 = arith.constant 10 : i32
        %add3A_289 = vector.broadcast %add3A_288 : i32 to vector<16xi32>
        %add3A_290 = arith.addi %mul3A_156, %add3A_289 : vector<16xi32>
        %gather3A_291 = tpu.vector_load_idx %arg18[%add3A_150, %add3A_290] : memref<320x128xf32, #tpu.memory_space<vmem>>[vector<16xi32>, vector<16xi32>], vector<16xf32>,
        %add3A_292 = arith.constant 10 : i32
        %add3A_293 = vector.broadcast %add3A_292 : i32 to vector<16xi32>
        %add3A_294 = arith.addi %mul3A_159, %add3A_293 : vector<16xi32>
        %shift_right_arithmetic3A_295 = arith.constant 7 : i32
        %shift_right_arithmetic3A_296 = vector.broadcast %shift_right_arithmetic3A_295 : i32 to vector<16xi32>
        %shift_right_arithmetic3A_297 = arith.shrsi %add3A_294, %shift_right_arithmetic3A_296 : vector<16xi32>
        %and3A_298 = arith.constant 127 : i32
        %and3A_299 = vector.broadcast %and3A_298 : i32 to vector<16xi32>
        %and3A_300 = arith.andi %add3A_294, %and3A_299 : vector<16xi32>
        tpu.vector_store_idx %arg19[%shift_right_arithmetic3A_297, %and3A_300], %gather3A_291 : memref<40x128xf32, #tpu.memory_space<vmem>>[vector<16xi32>, vector<16xi32>], vector<16xf32>,
        %add3A_301 = arith.constant 11 : i32
        %add3A_302 = vector.broadcast %add3A_301 : i32 to vector<16xi32>
        %add3A_303 = arith.addi %mul3A_156, %add3A_302 : vector<16xi32>
        %gather3A_304 = tpu.vector_load_idx %arg18[%add3A_150, %add3A_303] : memref<320x128xf32, #tpu.memory_space<vmem>>[vector<16xi32>, vector<16xi32>], vector<16xf32>,
        %add3A_305 = arith.constant 11 : i32
        %add3A_306 = vector.broadcast %add3A_305 : i32 to vector<16xi32>
        %add3A_307 = arith.addi %mul3A_159, %add3A_306 : vector<16xi32>
        %shift_right_arithmetic3A_308 = arith.constant 7 : i32
        %shift_right_arithmetic3A_309 = vector.broadcast %shift_right_arithmetic3A_308 : i32 to vector<16xi32>
        %shift_right_arithmetic3A_310 = arith.shrsi %add3A_307, %shift_right_arithmetic3A_309 : vector<16xi32>
        %and3A_311 = arith.constant 127 : i32
        %and3A_312 = vector.broadcast %and3A_311 : i32 to vector<16xi32>
        %and3A_313 = arith.andi %add3A_307, %and3A_312 : vector<16xi32>
        tpu.vector_store_idx %arg19[%shift_right_arithmetic3A_310, %and3A_313], %gather3A_304 : memref<40x128xf32, #tpu.memory_space<vmem>>[vector<16xi32>, vector<16xi32>], vector<16xf32>,
        %add3A_314 = arith.constant 12 : i32
        %add3A_315 = vector.broadcast %add3A_314 : i32 to vector<16xi32>
        %add3A_316 = arith.addi %mul3A_156, %add3A_315 : vector<16xi32>
        %gather3A_317 = tpu.vector_load_idx %arg18[%add3A_150, %add3A_316] : memref<320x128xf32, #tpu.memory_space<vmem>>[vector<16xi32>, vector<16xi32>], vector<16xf32>,
        %add3A_318 = arith.constant 12 : i32
        %add3A_319 = vector.broadcast %add3A_318 : i32 to vector<16xi32>
        %add3A_320 = arith.addi %mul3A_159, %add3A_319 : vector<16xi32>
        %shift_right_arithmetic3A_321 = arith.constant 7 : i32
        %shift_right_arithmetic3A_322 = vector.broadcast %shift_right_arithmetic3A_321 : i32 to vector<16xi32>
        %shift_right_arithmetic3A_323 = arith.shrsi %add3A_320, %shift_right_arithmetic3A_322 : vector<16xi32>
        %and3A_324 = arith.constant 127 : i32
        %and3A_325 = vector.broadcast %and3A_324 : i32 to vector<16xi32>
        %and3A_326 = arith.andi %add3A_320, %and3A_325 : vector<16xi32>
        tpu.vector_store_idx %arg19[%shift_right_arithmetic3A_323, %and3A_326], %gather3A_317 : memref<40x128xf32, #tpu.memory_space<vmem>>[vector<16xi32>, vector<16xi32>], vector<16xf32>,
        %add3A_327 = arith.constant 13 : i32
        %add3A_328 = vector.broadcast %add3A_327 : i32 to vector<16xi32>
        %add3A_329 = arith.addi %mul3A_156, %add3A_328 : vector<16xi32>
        %gather3A_330 = tpu.vector_load_idx %arg18[%add3A_150, %add3A_329] : memref<320x128xf32, #tpu.memory_space<vmem>>[vector<16xi32>, vector<16xi32>], vector<16xf32>,
        %add3A_331 = arith.constant 13 : i32
        %add3A_332 = vector.broadcast %add3A_331 : i32 to vector<16xi32>
        %add3A_333 = arith.addi %mul3A_159, %add3A_332 : vector<16xi32>
        %shift_right_arithmetic3A_334 = arith.constant 7 : i32
        %shift_right_arithmetic3A_335 = vector.broadcast %shift_right_arithmetic3A_334 : i32 to vector<16xi32>
        %shift_right_arithmetic3A_336 = arith.shrsi %add3A_333, %shift_right_arithmetic3A_335 : vector<16xi32>
        %and3A_337 = arith.constant 127 : i32
        %and3A_338 = vector.broadcast %and3A_337 : i32 to vector<16xi32>
        %and3A_339 = arith.andi %add3A_333, %and3A_338 : vector<16xi32>
        tpu.vector_store_idx %arg19[%shift_right_arithmetic3A_336, %and3A_339], %gather3A_330 : memref<40x128xf32, #tpu.memory_space<vmem>>[vector<16xi32>, vector<16xi32>], vector<16xf32>,
        %add3A_340 = arith.constant 14 : i32
        %add3A_341 = vector.broadcast %add3A_340 : i32 to vector<16xi32>
        %add3A_342 = arith.addi %mul3A_156, %add3A_341 : vector<16xi32>
        %gather3A_343 = tpu.vector_load_idx %arg18[%add3A_150, %add3A_342] : memref<320x128xf32, #tpu.memory_space<vmem>>[vector<16xi32>, vector<16xi32>], vector<16xf32>,
        %add3A_344 = arith.constant 14 : i32
        %add3A_345 = vector.broadcast %add3A_344 : i32 to vector<16xi32>
        %add3A_346 = arith.addi %mul3A_159, %add3A_345 : vector<16xi32>
        %shift_right_arithmetic3A_347 = arith.constant 7 : i32
        %shift_right_arithmetic3A_348 = vector.broadcast %shift_right_arithmetic3A_347 : i32 to vector<16xi32>
        %shift_right_arithmetic3A_349 = arith.shrsi %add3A_346, %shift_right_arithmetic3A_348 : vector<16xi32>
        %and3A_350 = arith.constant 127 : i32
        %and3A_351 = vector.broadcast %and3A_350 : i32 to vector<16xi32>
        %and3A_352 = arith.andi %add3A_346, %and3A_351 : vector<16xi32>
        tpu.vector_store_idx %arg19[%shift_right_arithmetic3A_349, %and3A_352], %gather3A_343 : memref<40x128xf32, #tpu.memory_space<vmem>>[vector<16xi32>, vector<16xi32>], vector<16xf32>,
        %add3A_353 = arith.constant 15 : i32
        %add3A_354 = vector.broadcast %add3A_353 : i32 to vector<16xi32>
        %add3A_355 = arith.addi %mul3A_156, %add3A_354 : vector<16xi32>
        %gather3A_356 = tpu.vector_load_idx %arg18[%add3A_150, %add3A_355] : memref<320x128xf32, #tpu.memory_space<vmem>>[vector<16xi32>, vector<16xi32>], vector<16xf32>,
        %add3A_357 = arith.constant 15 : i32
        %add3A_358 = vector.broadcast %add3A_357 : i32 to vector<16xi32>
        %add3A_359 = arith.addi %mul3A_159, %add3A_358 : vector<16xi32>
        %shift_right_arithmetic3A_360 = arith.constant 7 : i32
        %shift_right_arithmetic3A_361 = vector.broadcast %shift_right_arithmetic3A_360 : i32 to vector<16xi32>
        %shift_right_arithmetic3A_362 = arith.shrsi %add3A_359, %shift_right_arithmetic3A_361 : vector<16xi32>
        %and3A_363 = arith.constant 127 : i32
        %and3A_364 = vector.broadcast %and3A_363 : i32 to vector<16xi32>
        %and3A_365 = arith.andi %add3A_359, %and3A_364 : vector<16xi32>
        tpu.vector_store_idx %arg19[%shift_right_arithmetic3A_362, %and3A_365], %gather3A_356 : memref<40x128xf32, #tpu.memory_space<vmem>>[vector<16xi32>, vector<16xi32>], vector<16xf32>,
      }
      %scan3A_109 = arith.constant 20 : i32
      %mul3A_110 = arith.constant 320 : i32
      %mul3A_111 = arith.muli %add3A_101, %mul3A_110 : i32
      %add3A_112 = arith.addi %mul3A_2, %mul3A_111 : i32
      %mul3A_113 = arith.constant 16 : i32
      %mul3A_114 = arith.muli %add3A_112, %mul3A_113 : i32
      %jit3A_115 = arith.constant 128 : i32
      %div3A_116 = arith.divsi %mul3A_114, %jit3A_115 : i32
      %sign3A_117 = arith.constant 0 : i32
      %sign3A_118 = arith.cmpi sgt, %mul3A_114, %sign3A_117 : i32
      %sign3A_119 = arith.extui %sign3A_118 : i1 to i32
      %sign3A_120 = arith.constant 0 : i32
      %sign3A_121 = arith.cmpi slt, %mul3A_114, %sign3A_120 : i32
      %sign3A_122 = arith.extui %sign3A_121 : i1 to i32
      %sign3A_123 = arith.subi %sign3A_119, %sign3A_122 : i32
      %sign3A_124 = arith.constant 0 : i32
      %sign3A_125 = arith.cmpi sgt, %jit3A_115, %sign3A_124 : i32
      %sign3A_126 = arith.extui %sign3A_125 : i1 to i32
      %sign3A_127 = arith.constant 0 : i32
      %sign3A_128 = arith.cmpi slt, %jit3A_115, %sign3A_127 : i32
      %sign3A_129 = arith.extui %sign3A_128 : i1 to i32
      %sign3A_130 = arith.subi %sign3A_126, %sign3A_129 : i32
      %ne3A_131 = arith.cmpi ne, %sign3A_123, %sign3A_130 : i32
      %rem3A_132 = arith.remsi %mul3A_114, %jit3A_115 : i32
      %ne3A_133 = arith.constant 0 : i32
      %ne3A_134 = arith.cmpi ne, %rem3A_132, %ne3A_133 : i32
      %and3A_135 = arith.andi %ne3A_131, %ne3A_134 : i1
      %sub3A_136 = arith.constant 1 : i32
      %sub3A_137 = arith.subi %div3A_116, %sub3A_136 : i32
      %select_n3A_138 = arith.select %and3A_135, %sub3A_137, %div3A_116 : i32
      %multiple_of3A_139 = tpu.assume_multiple %select_n3A_138, 8 : i32
      "tpu.region"() ({
        %run_scoped3A = tpu.sem_alloc : memref<!tpu.dma_semaphore, #tpu.memory_space<semaphore_mem>>
        %dma_start3A_140 = arith.constant 0 : i32
        %dma_start3A_141 = tpu.memref_slice %arg13[%multiple_of3A_139, %dma_start3A_140] : memref<102400x128xf32, #tpu.memory_space<hbm>> -> memref<40x128xf32, #tpu.memory_space<hbm>>
        %dma_start3A_142 = arith.constant 0 : i32
        %dma_start3A_143 = tpu.memref_slice %arg13[%multiple_of3A_139, %dma_start3A_142] : memref<102400x128xf32, #tpu.memory_space<hbm>> -> memref<40x128xf32, #tpu.memory_space<hbm>>
        tpu.enqueue_dma source(%arg19 : memref<40x128xf32, #tpu.memory_space<vmem>>) target(%dma_start3A_143 : memref<40x128xf32, #tpu.memory_space<hbm>>) target_semaphore(%run_scoped3A : memref<!tpu.dma_semaphore, #tpu.memory_space<semaphore_mem>>)
        %dma_wait3A_144 = arith.constant 0 : i32
        %dma_wait3A_145 = tpu.memref_slice %arg13[%multiple_of3A_139, %dma_wait3A_144] : memref<102400x128xf32, #tpu.memory_space<hbm>> -> memref<40x128xf32, #tpu.memory_space<hbm>>
        %dma_wait3A_146 = arith.constant 0 : i32
        %dma_wait3A_147 = tpu.memref_slice %arg13[%multiple_of3A_139, %dma_wait3A_146] : memref<102400x128xf32, #tpu.memory_space<hbm>> -> memref<40x128xf32, #tpu.memory_space<hbm>>
        tpu.wait_dma2 semaphore(%run_scoped3A : memref<!tpu.dma_semaphore, #tpu.memory_space<semaphore_mem>>) src(%arg19 : memref<40x128xf32, #tpu.memory_space<vmem>>) dst(%dma_wait3A_147 : memref<40x128xf32, #tpu.memory_space<hbm>>)
        tpu.yield
      }) : () -> ()
    }
    %scan3A_52 = arith.constant 40 : i32
    return
  }
}

module attributes {stable_mosaic.version = 14 : i64} {
  func.func @_scale_body(%arg0: memref<128x8xf32, #tpu.memory_space<vmem>>, %arg1: memref<8x128xf32, #tpu.memory_space<vmem>>, %arg2: memref<12500x128xf32, #tpu.memory_space<vmem>>, %arg3: memref<12500x128xf32, #tpu.memory_space<vmem>>) attributes {dimension_semantics = [], scalar_prefetch = 0 : i64, scratch_operands = 0 : i64, tpu.core_type = #tpu.core_type<tc>} {
    %get3A = arith.constant 0 : index
    %get3A_0 = arith.constant 0 : index
    %get3A_1 = vector.load %arg2[%get3A, %get3A_0] : memref<12500x128xf32, #tpu.memory_space<vmem>>, vector<12500x128xf32>
    %mul3A = arith.mulf %get3A_1, %get3A_1 : vector<12500x128xf32>
    %get3A_2 = arith.constant 0 : index
    %get3A_3 = arith.constant 0 : index
    %get3A_4 = vector.load %arg0[%get3A_2, %get3A_3] : memref<128x8xf32, #tpu.memory_space<vmem>>, vector<128x8xf32>
    %dot_general3A = arith.constant dense<0.000000e+00> : vector<12500x8xf32>
    %dot_general3A_5 = tpu.matmul %mul3A, %get3A_4, %dot_general3A {dimension_numbers = #tpu.dot_dimension_numbers<[1], [0], [0], [1], [0, 0, 1, 1], [], []>, transpose_lhs_hint = false} : vector<12500x128xf32>, vector<128x8xf32>, vector<12500x8xf32> -> vector<12500x8xf32>
    %sqrt3A = math.sqrt %dot_general3A_5 : vector<12500x8xf32>
    %max3A = arith.constant 9.99999996E-13 : f32
    %max3A_6 = vector.broadcast %max3A : f32 to vector<12500x8xf32>
    %max3A_7 = arith.maximumf %sqrt3A, %max3A_6 : vector<12500x8xf32>
    %div3A = arith.constant 5.000000e+00 : f32
    %div3A_8 = vector.broadcast %div3A : f32 to vector<12500x8xf32>
    %div3A_9 = arith.divf %div3A_8, %max3A_7 : vector<12500x8xf32>
    %min3A = arith.constant 1.000000e+00 : f32
    %min3A_10 = vector.broadcast %min3A : f32 to vector<12500x8xf32>
    %min3A_11 = arith.minimumf %min3A_10, %div3A_9 : vector<12500x8xf32>
    %get3A_12 = arith.constant 0 : index
    %get3A_13 = arith.constant 0 : index
    %get3A_14 = vector.load %arg1[%get3A_12, %get3A_13] : memref<8x128xf32, #tpu.memory_space<vmem>>, vector<8x128xf32>
    %dot_general3A_15 = arith.constant dense<0.000000e+00> : vector<12500x128xf32>
    %dot_general3A_16 = tpu.matmul %min3A_11, %get3A_14, %dot_general3A_15 {dimension_numbers = #tpu.dot_dimension_numbers<[1], [0], [0], [1], [0, 0, 1, 1], [], []>, transpose_lhs_hint = false} : vector<12500x8xf32>, vector<8x128xf32>, vector<12500x128xf32> -> vector<12500x128xf32>
    %mul3A_17 = arith.mulf %get3A_1, %dot_general3A_16 : vector<12500x128xf32>
    %swap3A = arith.constant 0 : index
    %swap3A_18 = arith.constant 0 : index
    %swap3A_19 = vector.load %arg3[%swap3A, %swap3A_18] : memref<12500x128xf32, #tpu.memory_space<vmem>>, vector<12500x128xf32>
    tpu.vector_store %arg3[%swap3A, %swap3A_18], %mul3A_17 {strides = array<i32>} : memref<12500x128xf32, #tpu.memory_space<vmem>>, vector<12500x128xf32>,
    return
  }
}

module attributes {stable_mosaic.version = 14 : i64} {
  func.func @_bn_body(%arg0: memref<16384x13xf32, #tpu.memory_space<vmem>>, %arg1: memref<1x13xf32, #tpu.memory_space<vmem>>, %arg2: memref<1x13xf32, #tpu.memory_space<vmem>>, %arg3: memref<16384x13xf32, #tpu.memory_space<vmem>>) attributes {dimension_semantics = [], scalar_prefetch = 0 : i64, scratch_operands = 0 : i64, tpu.core_type = #tpu.core_type<tc>} {
    %get3A = arith.constant 0 : index
    %get3A_0 = arith.constant 0 : index
    %get3A_1 = vector.load %arg0[%get3A, %get3A_0] : memref<16384x13xf32, #tpu.memory_space<vmem>>, vector<16384x13xf32>
    %reduce_sum3A = arith.constant dense<0.000000e+00> : vector<13xf32>
    %reduce_sum3A_2 = vector.multi_reduction <add>, %get3A_1, %reduce_sum3A [0] : vector<16384x13xf32> to vector<13xf32>
    %broadcast_in_dim3A = vector.shape_cast %reduce_sum3A_2 : vector<13xf32> to vector<1x13xf32>
    %div3A = arith.constant 1.638400e+04 : f32
    %div3A_3 = vector.broadcast %div3A : f32 to vector<1x13xf32>
    %div3A_4 = arith.divf %broadcast_in_dim3A, %div3A_3 : vector<1x13xf32>
    %sub3A = vector.broadcast %div3A_4 : vector<1x13xf32> to vector<16384x13xf32>
    %sub3A_5 = arith.subf %get3A_1, %sub3A : vector<16384x13xf32>
    %mul3A = arith.mulf %sub3A_5, %sub3A_5 : vector<16384x13xf32>
    %reduce_sum3A_6 = arith.constant dense<0.000000e+00> : vector<13xf32>
    %reduce_sum3A_7 = vector.multi_reduction <add>, %mul3A, %reduce_sum3A_6 [0] : vector<16384x13xf32> to vector<13xf32>
    %broadcast_in_dim3A_8 = vector.shape_cast %reduce_sum3A_7 : vector<13xf32> to vector<1x13xf32>
    %div3A_9 = arith.constant 1.638400e+04 : f32
    %div3A_10 = vector.broadcast %div3A_9 : f32 to vector<1x13xf32>
    %div3A_11 = arith.divf %broadcast_in_dim3A_8, %div3A_10 : vector<1x13xf32>
    %add3A = arith.constant 9.99999974E-6 : f32
    %add3A_12 = vector.broadcast %add3A : f32 to vector<1x13xf32>
    %add3A_13 = arith.addf %div3A_11, %add3A_12 : vector<1x13xf32>
    %rsqrt3A = math.rsqrt %add3A_13 : vector<1x13xf32>
    %mul3A_14 = vector.broadcast %rsqrt3A : vector<1x13xf32> to vector<16384x13xf32>
    %mul3A_15 = arith.mulf %sub3A_5, %mul3A_14 : vector<16384x13xf32>
    %get3A_16 = arith.constant 0 : index
    %get3A_17 = arith.constant 0 : index
    %get3A_18 = vector.load %arg1[%get3A_16, %get3A_17] : memref<1x13xf32, #tpu.memory_space<vmem>>, vector<1x13xf32>
    %mul3A_19 = vector.broadcast %get3A_18 : vector<1x13xf32> to vector<16384x13xf32>
    %mul3A_20 = arith.mulf %mul3A_15, %mul3A_19 : vector<16384x13xf32>
    %get3A_21 = arith.constant 0 : index
    %get3A_22 = arith.constant 0 : index
    %get3A_23 = vector.load %arg2[%get3A_21, %get3A_22] : memref<1x13xf32, #tpu.memory_space<vmem>>, vector<1x13xf32>
    %add3A_24 = vector.broadcast %get3A_23 : vector<1x13xf32> to vector<16384x13xf32>
    %add3A_25 = arith.addf %mul3A_20, %add3A_24 : vector<16384x13xf32>
    %swap3A = arith.constant 0 : index
    %swap3A_26 = arith.constant 0 : index
    %swap3A_27 = vector.load %arg3[%swap3A, %swap3A_26] : memref<16384x13xf32, #tpu.memory_space<vmem>>, vector<16384x13xf32>
    tpu.vector_store %arg3[%swap3A, %swap3A_26], %add3A_25 {strides = array<i32>} : memref<16384x13xf32, #tpu.memory_space<vmem>>, vector<16384x13xf32>,
    return
  }
}

</mosaic_0001>

<sc_bundles>
// kernel: kernel.8.cloned.1.call-start
scs
__scs_entry_jumppad:
0x0: {  	(pc) =	sbr.rel $0x88, $3  }
0x1: {  	(tag) =	ssettag $0x0;
	lr =	simm.s32 $0x1  }
0x2: {  	[smem:$0x3F95] =	sst lr;
	_ =	strace $0xD0000000  }
0x3: {  	_ = 	snop  }
0x4: {  	_ = 	snop  }
0x5: {  	_ = 	snop  }
0x6: {  	_ = 	snop  }
0x7: {  	_ = 	snop  }
__scs_overlays_trampoline_lowered:
0x8: {  	[smem:$0x3FA4] =	sst s0  }
0x9: {  	[smem:$0x3FA5] =	sst s1  }
0xa: {  	[smem:$0x3FA6] =	sst s2  }
0xb: {  	[smem:$0x3FA7] =	sst s3  }
0xc: {  	[smem:$0x3FA8] =	sst s4  }
0xd: {  	[smem:$0x3FA9] =	sst s5  }
0xe: {  	[smem:$0x3FAA] =	sst s6  }
0xf: {  	[smem:$0x3FAB] =	sst s7  }
0x10: {  	[smem:$0x3FAC] =	sst s8  }
0x11: {  	[smem:$0x3FAD] =	sst s9;
	s0 =	simm.s32 @!p0 $0x0  }
0x12: {  	s1 =	sld [smem:$0x3F93];
	s0 =	simm.s32 @p0 $0x1  }
0x13: {  	[smem:$0x3FAE] =	sst s0;
	s0 =	simm.s32 @!p1 $0x0  }
0x14: {  	s2 =	sld [smem:$0x3F92];
	s0 =	simm.s32 @p1 $0x1  }
0x15: {  	[smem:$0x3FAF] =	sst s0;
	s0 =	simm.s32 @!p2 $0x0  }
0x16: {  	s3 =	sld [smem:$0x3FDB];
	s0 =	simm.s32 @p2 $0x1  }
0x17: {  	s4 =	simm.s32 $0x1BF5;
	[smem:$0x3FB1] =	sst s0  }
0x18: {  	s0 =	sld [smem:$0x3F94];
	_ =	swait.ge [sflag:s4], $0x0  }
0x19: {  	s7 =	sld [smem:$0x3F95]  }
0x1a: {  	s8 =	sadd.s32 $0xFFFFE003, lr  }
0x1b: {  	s9 =	sadd.s32 $0xFFFFFEF7, lr;
	s5 =	simm.s32 $0xFFFFFFFF;
	p2 =	slt.u32 s8, $0xFFFFF086  }
0x1c: {  	p1 =	slt.u32 s9, $0xF7A;
	s5 =	simm.s32 @!p2 $0x0  }
0x1d: {  	s5 =	simm.s32 @p1 $0x1;
	p0 =	seq.s32 s7, s2  }
0x1e: {  	s7 =	smul.u32 @!p0 $0xF7A, s2;
	p2 =	seq.s32 @!p0 s5, $0x0  }
0x1f: {  	s9 =	smul.u32 $0xF7A, s1;
	s8 =	simm.s32 @!p0 $0x1BF5;
	p2 =	por !p2, p0  }
0x20: {  	[sflag:s8] =	ssyncset.s32 @!p0 $0xFFFFF086;
	s6 =	sadd.s32 @!p0 s3, s7;
	s7 =	simm.s32 @!p0 $0x108  }
0x21: {  	s3 =	sadd.s32 s3, s9;
	s6 =	sadd.s32 @!p0 $0x88, s6;
	s7 =	simm.s32 @p2 $0x1082  }
0x22: {  	[simem:s7], [sflag:s8] =	dma.local @!p0 [hbm:s6], $0xF7A  }
0x23: {  	s9 =	sor.u32 $0xD0000000, s2;
	s6 =	simm.s32 $0x108;
	_ =	swait.ge @!p0 [sflag:s8], $0x0  }
0x24: {  	s3 =	sadd.s32 $0x88, s3;
	s6 =	simm.s32 @!p1 $0x1082;
	[sflag:s4] =	ssyncset.s32 $0xFFFFF086  }
0x25: {  	[simem:s6], [sflag:s4] =	dma.local [hbm:s3], $0xF7A  }
0x26: {  	[smem:$0x3F95] =	sst s1;
	(tag) =	ssettag s2;
	_ =	strace s9  }
0x27: {  	s1 =	sld [smem:$0x3FA5]  }
0x28: {  	s2 =	sld [smem:$0x3FA6]  }
0x29: {  	s4 =	sld [smem:$0x3FA8]  }
0x2a: {  	p0 =	seq.s32 s5, $0x0;
	s5 =	sld [smem:$0x3FA9]  }
0x2b: {  	s6 =	sld [smem:$0x3FAA]  }
0x2c: {  	s7 =	sld [smem:$0x3FAB]  }
0x2d: {  	s3 =	simm.s32 $0x108;
	s8 =	sld [smem:$0x3FAC]  }
0x2e: {  	s3 =	simm.s32 @!p0 $0x1082;
	s9 =	sld [smem:$0x3FAD]  }
0x2f: {  	lr =	sadd.s32 s0, s3;
	s0 =	sld [smem:$0x3FA4]  }
0x30: {  	s3 =	sld [smem:$0x3FA7]  }
0x31: {  	[smem:$0x3FB0] =	sst s10  }
0x32: {  	s10 =	sld [smem:$0x3FAE];
	_ =	sdelay $0x3  }
0x33: {  	p0 =	seq.s32 s10, $0x1;
	s10 =	sld [smem:$0x3FB0];
	_ =	sdelay $0x3  }
0x34: {  	[smem:$0x3FB0] =	sst s10  }
0x35: {  	s10 =	sld [smem:$0x3FAF];
	_ =	sdelay $0x3  }
0x36: {  	p1 =	seq.s32 s10, $0x1;
	s10 =	sld [smem:$0x3FB0];
	_ =	sdelay $0x3  }
0x37: {  	[smem:$0x3FB0] =	sst s10  }
0x38: {  	s10 =	sld [smem:$0x3FB1]  }
0x39: {  	_ = 	snop;
	(pc) =	sbr.ind lr, $3  }
0x3a: {  	_ = 	snop  }
0x3b: {  	_ = 	snop  }
0x3c: {  	p2 =	seq.s32 s10, $0x1;
	s10 =	sld [smem:$0x3FB0]  }
0x3d: {  	_ =	shalt  }
0x3e: {  	_ =	shalt  }
0x3f: {  	_ =	shalt  }
0x40: {  	_ =	shalt  }
0x41: {  	_ =	shalt  }
0x42: {  	_ =	shalt  }
0x43: {  	_ =	shalt  }
0x44: {  	_ =	shalt  }
0x45: {  	_ =	shalt  }
0x46: {  	_ =	shalt  }
0x47: {  	_ =	shalt  }
0x48: {  	_ =	shalt  }
0x49: {  	_ =	shalt  }
0x4a: {  	_ =	shalt  }
0x4b: {  	_ =	shalt  }
0x4c: {  	_ =	shalt  }
0x4d: {  	_ =	shalt  }
0x4e: {  	_ =	shalt  }
0x4f: {  	_ =	shalt  }
0x50: {  	_ =	shalt  }
0x51: {  	_ =	shalt  }
0x52: {  	_ =	shalt  }
0x53: {  	_ =	shalt  }
0x54: {  	_ =	shalt  }
0x55: {  	_ =	shalt  }
0x56: {  	_ =	shalt  }
0x57: {  	_ =	shalt  }
0x58: {  	_ =	shalt  }
0x59: {  	_ =	shalt  }
0x5a: {  	_ =	shalt  }
0x5b: {  	_ =	shalt  }
0x5c: {  	_ =	shalt  }
0x5d: {  	_ =	shalt  }
0x5e: {  	_ =	shalt  }
0x5f: {  	_ =	shalt  }
0x60: {  	_ =	shalt  }
0x61: {  	_ =	shalt  }
0x62: {  	_ =	shalt  }
0x63: {  	_ =	shalt  }
0x64: {  	_ =	shalt  }
0x65: {  	_ =	shalt  }
0x66: {  	_ =	shalt  }
0x67: {  	_ =	shalt  }
0x68: {  	_ =	shalt  }
0x69: {  	_ =	shalt  }
0x6a: {  	_ =	shalt  }
0x6b: {  	_ =	shalt  }
0x6c: {  	_ =	shalt  }
0x6d: {  	_ =	shalt  }
0x6e: {  	_ =	shalt  }
0x6f: {  	_ =	shalt  }
0x70: {  	_ =	shalt  }
0x71: {  	_ =	shalt  }
0x72: {  	_ =	shalt  }
0x73: {  	_ =	shalt  }
0x74: {  	_ =	shalt  }
0x75: {  	_ =	shalt  }
0x76: {  	_ =	shalt  }
0x77: {  	_ =	shalt  }
0x78: {  	_ =	shalt  }
0x79: {  	_ =	shalt  }
0x7a: {  	_ =	shalt  }
0x7b: {  	_ =	shalt  }
0x7c: {  	_ =	shalt  }
0x7d: {  	_ =	shalt  }
0x7e: {  	_ =	shalt  }
0x7f: {  	_ =	shalt  }
0x80: {  	_ =	shalt  }
0x81: {  	_ =	shalt  }
0x82: {  	_ =	shalt  }
0x83: {  	_ =	shalt  }
0x84: {  	_ =	shalt  }
0x85: {  	_ =	shalt  }
0x86: {  	_ =	shalt  }
0x87: {  	_ =	shalt  }
.Lfunc_end0:
.L_simem_size_0:
called_computation.4_lowered:
.L_overlay_start_0:
0x88: {  	s2 =	sld [smem:$0x3FD9]  }
0x89: {  	s3 =	sld [smem:$0x3FFE];
	_ =	sdelay $0x1  }
0x8a: {  	s1 =	srdreg.scid  }
0x8b: {  	s0 =	sand.u32 $0x1, s1  }
0x8c: {  	s14 =	sshll.u32 s0, $0xA;
	s2 =	sadd.s32 s3, s2  }
0x8d: {  	s2 =	sadd.s32 s2, s14  }
0x8e: {  	[smem:$0x3FBC] =	sst s2  }
0x8f: {  	_ = 	snop  }
0x90: {  	s2 =	sld [smem:$0x3FD0];
	_ =	sdelay $0x2  }
0x91: {  	s15 =	simm.s32 $0xD;
	s4 =	simm.s32 $0x10  }
0x92: {  	[smem:s4], [sflag:s15] =	dma.local [hbm:s2], $0x1  }
0x93: {  	_ =	swait.eq [sflag:s15], $0x1  }
0x94: {  	s16 =	sld [smem:$0x12]  }
0x95: {  	s17 =	sld [smem:$0x13];
	[sflag:s15] =	ssyncset.done $0x0  }
0x96: {  	s5 =	sld [smem:$0x14];
	[sflag:s15] =	ssyncadd.s32 $0xFFFFFFFF  }
0x97: {  	s18 =	sld [smem:$0x15];
	(tm) =	ssettm $0x1  }
0x98: {  	s6 =	sld [smem:$0x3FFB];
	_ =	sdelay $0x3  }
0x99: {  	_ =	strace s6  }
0x9a: {  	s6 =	sld [smem:$0x3FFC];
	_ =	sdelay $0x3  }
0x9b: {  	_ =	strace s6  }
0x9c: {  	s6 =	sld [smem:$0x3FFD];
	_ =	sdelay $0x3  }
0x9d: {  	_ =	strace s6  }
0x9e: {  	_ =	strace $0x8FFFFFFF  }
0x9f: {  	s19 =	sld [smem:$0x3FDB];
	_ =	sdelay $0x1  }
0xa0: {  	s7 =	simm.s32 $_scs_section_size  }
0xa1: {  	s8 =	simm.s32 $_size__tile_overlayer_lowered;
	s9 =	simm.s32 $_tile_overlayer_lowered  }
0xa2: {  	s22 =	simm.s32 $0x1BFF;
	s21 =	sshll.u32 s9, $0x1;
	s6 =	sadd.s32 s7, s19  }
0xa3: {  	s10 =	simm.s32 $0x0;
	s20 =	sshll.u32 s8, $0x1;
	s8 =	sadd.s32 s21, s6  }
0xa4: {  	[timem:s10], [sflag:s22] =	dma.local [hbm:s8], s20  }
0xa5: {  	_ =	swait.ge [sflag:s22], s20  }
0xa6: {  	s7 =	ssub.s32 $0x0, s20;
	[sflag:s22] =	ssyncset.done $0x0  }
0xa7: {  	[sflag:s22] =	ssyncadd.s32 s7;
	_ =	sdelay $0x1  }
0xa8: {  	s23 =	simm.s32 $0x1B8B  }
0xa9: {  	_ =	swait.ge [sflag:s23], $0x1  }
0xaa: {  	[sflag:s23] =	ssyncset.done $0x0  }
0xab: {  	s25 =	simm.s32 $0x1B8E;
	s24 =	sld [smem:$0x3FFE];
	[sflag:s23] =	ssyncadd.s32 $0xFFFFFFFF  }
0xac: {  	s26 =	simm.s32 $execute0_lowered;
	[smem:$0x3FD2] =	sst s25  }
0xad: {  	s8 =	sshll.u32 s26, $0x1;
	_ =	strace $0x80000046;
	[dreg:$0x1] =	wrdreg $0xFFFFFFFF  }
0xae: {  	s28 =	simm.s32 $_size_execute0_lowered;
	s6 =	sadd.s32 s6, s8;
	[dreg:$0x0] =	wrdreg $0x0  }
0xaf: {  	s8 =	sshll.u32 s28, $0x1;
	[dreg:$0x2] =	wrdreg s6  }
0xb0: {  	[dreg:$0x3] =	wrdreg s8  }
0xb1: {  	[dreg:$0x4] =	wrdreg $0xC0  }
0xb2: {  	_ =	task [dreg:s10], $0x5FFFF  }
0xb3: {  	[dreg:$0x1] =	wrdreg $0xFFFFFFFF  }
0xb4: {  	[dreg:$0x0] =	wrdreg $0x60  }
0xb5: {  	[dreg:$0x2] =	wrdreg s24  }
0xb6: {  	[dreg:$0x3] =	wrdreg s16  }
0xb7: {  	[dreg:$0x4] =	wrdreg s17  }
0xb8: {  	[dreg:$0x5] =	wrdreg s5  }
0xb9: {  	[dreg:$0x6] =	wrdreg s18  }
0xba: {  	[dreg:$0x7] =	wrdreg $0x9  }
0xbb: {  	_ =	task.clear_ibuf [dreg:s10], $0x8FFFF;
	_ =	strace $0x90000046  }
0xbc: {  	s29 =	simm.s32 $0x9;
	_ =	strace $0x80000048  }
0xbd: {  	_ =	swait.ge [sflag:s29], $0x1  }
0xbe: {  	[sflag:s29] =	ssyncadd.s32 $0xFFFFFFFF  }
0xbf: {  	_ =	strace $0x90000048  }
0xc0: {  	_ =	sfence  }
0xc1: {  	s30 =	sld [smem:$0x0];
	_ =	sdelay $0x2  }
0xc2: {  	s31 =	sshll.u32 s1, $0xD;
	s1 =	sshrl.u32 s1, $0x2  }
0xc3: {  	s3 =	sand.u32 $0x4000, s31;
	s1 =	sadd.s32 s1, s30  }
0xc4: {  	s0 =	sor.u32 s3, s0;
	s1 =	sshll.u32 s1, $0x11  }
0xc5: {  	s0 =	sor.u32 s1, s0  }
0xc6: {  	s0 =	sadd.s32 $0x8F2B, s0  }
0xc7: {  	[sflag:s0] =	ssyncadd.remote.s32 $0x1  }
0xc8: {  	_ =	sfence.sel $0xFFFF  }
0xc9: {  	[dreg:$0x0] =	wrdreg $0xFFFFFFFF;
	(pc) =	sbr.abs _section_cstart, $3  }
0xca: {  	[dreg:$0x1] =	wrdreg $0xFFFFFFFF  }
0xcb: {  	_ =	task.clear_ibuf [dreg:s10], $0x2FFFF;
	_ =	strace $0x9FFFFFFF  }
0xcc: {  	(tm) =	ssettm $0x7FFFFFFF  }
0xcd: {  	_ =	shalt  }
tec
execute0_lowered:
.L_overlay_start_1:
0x0: {  	(tag) =	ssettag $0x1  }
0x1: {  	s0 =	rddreg [dreg:$0x0]  }
0x2: {  	s1 =	rddreg [dreg:$0x1]  }
0x3: {  	s2 =	rddreg [dreg:$0x2]  }
0x4: {  	s4 =	rddreg [dreg:$0x3]  }
0x5: {  	s5 =	rddreg [dreg:$0x4]  }
0x6: {  	s3 =	srdreg.scid;
	s7 =	stileid.u32  }
0x7: {  	s6 =	simm.s32 $0x0;
	s17 =	simm.s32 $0x3;
	s18 =	simm.s32 $0x6400  }
0x8: {  	s19 =	simm.s32 $0x6700;
	s3 =	sand.u32 $0x1, s3;
	s7 =	sshll.u32 s7, $0x1  }
0x9: {  	s20 =	simm.s32 $0x140;
	s21 =	simm.s32 $0x6580;
	s7 =	sor.u32 s3, s7  }
0xa: {  	[smem:$0x7FF] =	sst s6;
	s3 =	ssub.s32 $0x2, s3;
	s7 =	smul.u32 $0x6400, s7  }
0xb: {  	s8 =	sadd.s32 $0x4600, s0;
	s9 =	sadd.s32 $0x35400, s0;
	s13 =	sshrl.u32 s3, $0x1  }
0xc: {  	s10 =	sadd.s32 $0x66200, s0;
	s3 =	ssub.s32 s3, s13;
	s12 =	sshrl.u32 s7, $0x3  }
0xd: {  	s11 =	sadd.s32 $0x97000, s0;
	s31 =	smax.u32 s3, $0x1;
	s0 =	sadd.s32 s12, s0  }
0xe: {  	_ =	strace $0x80000047;
	[dreg:$0xa] =	wrdreg s31;
	s12 =	sadd.s32 $0xC7E00, s0  }
0xf: {  	s22 =	simm.s32 $0x10700;
	s29 =	sadd.s32 $0xE0E00, s0;
	[dreg:$0x6] =	wrdreg s12  }
0x10: {  	s23 =	simm.s32 $0x1;
	s30 =	sadd.s32 $0xF9E00, s0;
	[dreg:$0x7] =	wrdreg s29  }
0x11: {  	s24 =	simm.s32 $0x1A700;
	s0 =	sadd.s32 $0x112E00, s0;
	[dreg:$0x8] =	wrdreg s30  }
0x12: {  	v0 =	vlaneseq.u32;
	s25 =	simm.s32 $0x2;
	s26 =	simm.s32 $0x0;
	[dreg:$0x9] =	wrdreg s0  }
.LBB2_1:
0x13: {  	s0 =	rddreg [dreg:$0x6]  }
0x14: {  	[tilespmem:s6], [sflag:$0x3] =	stream.linear.gather [hbm4b:s0+s6], $0x6400, $0x38;
	[tilespmem:$0x1BB00] =	vst v63  }
0x15: {  	_ =	swait.ge [sflag:s17], $0x6400  }
0x16: {  	[sflag:s17] =	ssyncset.done $0x0  }
0x17: {  	[sflag:s17] =	ssyncadd.s32 $0xFFFF9C00  }
0x18: {  	v1 =	vld [tilespmem:$0x0]  }
0x19: {  	v2 =	vld [tilespmem:$0x10]  }
0x1a: {  	v3 =	vld [tilespmem:$0x20]  }
0x1b: {  	v4 =	vld [tilespmem:$0x30]  }
0x1c: {  	v5 =	vld [tilespmem:$0x40]  }
0x1d: {  	v6 =	vld [tilespmem:$0x50];
	v1 =	vshra.s32 v1, $0x3  }
0x1e: {  	[tilespmem:$0x6400] =	vst v1;
	v1 =	vshra.s32 v2, $0x3;
	v2 =	vld [tilespmem:$0x60]  }
0x1f: {  	[tilespmem:$0x6410] =	vst v1;
	v1 =	vshra.s32 v3, $0x3;
	v3 =	vld [tilespmem:$0x70]  }
0x20: {  	v56 =	vld [tilespmem:$0x80];
	[tilespmem:$0x6420] =	vst v1;
	v1 =	vshra.s32 v4, $0x3  }
0x21: {  	v57 =	vld [tilespmem:$0x90];
	[tilespmem:$0x6430] =	vst v1;
	v1 =	vshra.s32 v5, $0x3  }
0x22: {  	v58 =	vld [tilespmem:$0xA0];
	[tilespmem:$0x6440] =	vst v1;
	v1 =	vshra.s32 v6, $0x3  }
0x23: {  	[tilespmem:$0x6450] =	vst v1;
	v1 =	vshra.s32 v2, $0x3;
	v2 =	vld [tilespmem:$0xB0]  }
0x24: {  	[tilespmem:$0x6460] =	vst v1;
	v1 =	vshra.s32 v3, $0x3;
	v3 =	vld [tilespmem:$0xC0]  }
0x25: {  	v59 =	vld [tilespmem:$0xD0];
	[tilespmem:$0x6470] =	vst v1;
	v1 =	vshra.s32 v56, $0x3  }
0x26: {  	v60 =	vld [tilespmem:$0xE0];
	[tilespmem:$0x6480] =	vst v1;
	v1 =	vshra.s32 v57, $0x3  }
0x27: {  	v61 =	vld [tilespmem:$0xF0];
	[tilespmem:$0x6490] =	vst v1;
	v1 =	vshra.s32 v58, $0x3  }
0x28: {  	[tilespmem:$0x64A0] =	vst v1;
	v1 =	vshra.s32 v2, $0x3;
	v2 =	vld [tilespmem:$0x100]  }
0x29: {  	[tilespmem:$0x64B0] =	vst v1;
	v1 =	vshra.s32 v3, $0x3;
	v3 =	vld [tilespmem:$0x110]  }
0x2a: {  	v62 =	vld [tilespmem:$0x120];
	[tilespmem:$0x64C0] =	vst v1;
	v1 =	vshra.s32 v59, $0x3  }
0x2b: {  	v63 =	vld [tilespmem:$0x130];
	[tilespmem:$0x64D0] =	vst v1;
	v1 =	vshra.s32 v60, $0x3  }
0x2c: {  	[tilespmem:$0x64E0] =	vst v1;
	v1 =	vshra.s32 v61, $0x3  }
0x2d: {  	[tilespmem:$0x64F0] =	vst v1;
	v1 =	vshra.s32 v2, $0x3  }
0x2e: {  	[tilespmem:$0x6500] =	vst v1;
	v1 =	vshra.s32 v3, $0x3  }
0x2f: {  	[tilespmem:$0x6510] =	vst v1;
	v1 =	vshra.s32 v62, $0x3  }
0x30: {  	s28 =	simm.s32 $0x280;
	[tilespmem:$0x6520] =	vst v1;
	v1 =	vshra.s32 v63, $0x3  }
0x31: {  	s29 =	simm.s32 $0x140;
	s30 =	simm.s32 $0x0;
	s31 =	simm.s32 $0x0;
	[tilespmem:$0x6530] =	vst v1  }
0x32: {  	[tilespmem:s19], [sflag:$0x1] =	stream.indirect.gather [hbm4b:s8+s20], $0x80, s18, s20, $0xb8;
	[tilespmem:$0x1BB00] =	vst v63  }
.LBB2_2:
0x33: {  	s0 =	sshllo.u32 s31, $0x1  }
0x34: {  	s3 =	smul.u32 $0x500, s0;
	_ =	sdelay $0x1  }
0x35: {  	s3 =	sshra.s32 s3, $0x2  }
0x36: {  	v1 =	vld [tilespmem:s3+$0x0];
	_ =	sdelay $0x4  }
0x37: {  	v1 =	vshra.s32 v1, $0x3  }
0x38: {  	[tilespmem:$0x6580] =	vst v1  }
0x39: {  	v1 =	vld [tilespmem:s3+$0x10];
	_ =	sdelay $0x4  }
0x3a: {  	v1 =	vshra.s32 v1, $0x3  }
0x3b: {  	[tilespmem:$0x6590] =	vst v1  }
0x3c: {  	v1 =	vld [tilespmem:s3+$0x20];
	_ =	sdelay $0x4  }
0x3d: {  	v1 =	vshra.s32 v1, $0x3  }
0x3e: {  	[tilespmem:$0x65A0] =	vst v1  }
0x3f: {  	v1 =	vld [tilespmem:s3+$0x30];
	_ =	sdelay $0x4  }
0x40: {  	v1 =	vshra.s32 v1, $0x3  }
0x41: {  	[tilespmem:$0x65B0] =	vst v1  }
0x42: {  	v1 =	vld [tilespmem:s3+$0x40];
	_ =	sdelay $0x4  }
0x43: {  	v1 =	vshra.s32 v1, $0x3  }
0x44: {  	[tilespmem:$0x65C0] =	vst v1  }
0x45: {  	v1 =	vld [tilespmem:s3+$0x50];
	_ =	sdelay $0x4  }
0x46: {  	v1 =	vshra.s32 v1, $0x3  }
0x47: {  	[tilespmem:$0x65D0] =	vst v1  }
0x48: {  	v1 =	vld [tilespmem:s3+$0x60];
	_ =	sdelay $0x4  }
0x49: {  	v1 =	vshra.s32 v1, $0x3  }
0x4a: {  	[tilespmem:$0x65E0] =	vst v1  }
0x4b: {  	v1 =	vld [tilespmem:s3+$0x70];
	_ =	sdelay $0x4  }
0x4c: {  	v1 =	vshra.s32 v1, $0x3  }
0x4d: {  	[tilespmem:$0x65F0] =	vst v1  }
0x4e: {  	v1 =	vld [tilespmem:s3+$0x80];
	_ =	sdelay $0x4  }
0x4f: {  	v1 =	vshra.s32 v1, $0x3  }
0x50: {  	[tilespmem:$0x6600] =	vst v1  }
0x51: {  	v1 =	vld [tilespmem:s3+$0x90];
	_ =	sdelay $0x4  }
0x52: {  	v1 =	vshra.s32 v1, $0x3  }
0x53: {  	[tilespmem:$0x6610] =	vst v1  }
0x54: {  	v1 =	vld [tilespmem:s3+$0xA0];
	_ =	sdelay $0x4  }
0x55: {  	v1 =	vshra.s32 v1, $0x3  }
0x56: {  	[tilespmem:$0x6620] =	vst v1  }
0x57: {  	v1 =	vld [tilespmem:s3+$0xB0];
	_ =	sdelay $0x4  }
0x58: {  	v1 =	vshra.s32 v1, $0x3  }
0x59: {  	[tilespmem:$0x6630] =	vst v1  }
0x5a: {  	v1 =	vld [tilespmem:s3+$0xC0];
	_ =	sdelay $0x4  }
0x5b: {  	v1 =	vshra.s32 v1, $0x3  }
0x5c: {  	[tilespmem:$0x6640] =	vst v1  }
0x5d: {  	v1 =	vld [tilespmem:s3+$0xD0];
	_ =	sdelay $0x4  }
0x5e: {  	v1 =	vshra.s32 v1, $0x3  }
0x5f: {  	[tilespmem:$0x6650] =	vst v1  }
0x60: {  	v1 =	vld [tilespmem:s3+$0xE0];
	_ =	sdelay $0x4  }
0x61: {  	v1 =	vshra.s32 v1, $0x3  }
0x62: {  	[tilespmem:$0x6660] =	vst v1  }
0x63: {  	v1 =	vld [tilespmem:s3+$0xF0];
	_ =	sdelay $0x4  }
0x64: {  	v1 =	vshra.s32 v1, $0x3  }
0x65: {  	[tilespmem:$0x6670] =	vst v1  }
0x66: {  	v1 =	vld [tilespmem:s3+$0x100];
	_ =	sdelay $0x4  }
0x67: {  	v1 =	vshra.s32 v1, $0x3  }
0x68: {  	[tilespmem:$0x6680] =	vst v1  }
0x69: {  	v1 =	vld [tilespmem:s3+$0x110];
	_ =	sdelay $0x4  }
0x6a: {  	v1 =	vshra.s32 v1, $0x3  }
0x6b: {  	[tilespmem:$0x6690] =	vst v1  }
0x6c: {  	v1 =	vld [tilespmem:s3+$0x120];
	_ =	sdelay $0x4  }
0x6d: {  	v1 =	vshra.s32 v1, $0x3  }
0x6e: {  	[tilespmem:$0x66A0] =	vst v1  }
0x6f: {  	v1 =	vld [tilespmem:s3+$0x130];
	_ =	sdelay $0x4  }
0x70: {  	v1 =	vshra.s32 v1, $0x3  }
0x71: {  	[tilespmem:$0x66B0] =	vst v1  }
0x72: {  	[tilespmem:s22], [sflag:$0x2] =	stream.indirect.gather [hbm4b:s8+s20], $0x80, s21, s20, $0xb8;
	[tilespmem:$0x1BB00] =	vst v63  }
0x73: {  	s16 =	simm.s32 $0x0;
	s12 =	sadd.s32 $0x0, s30;
	_ =	swait.ge [sflag:s23], $0xA000  }
0x74: {  	s12 =	sand.u32 $0x1FF80, s12;
	s13 =	sand.u32 $0x70, s16;
	[sflag:s23] =	ssyncset.done $0x0  }
0x75: {  	s12 =	sor.u32 s13, s12;
	[sflag:s23] =	ssyncadd.s32 $0xFFFF6000  }
0x76: {  	v1 =	vld [tilespmem:s12+$0x0];
	_ =	sdelay $0x4  }
0x77: {  	v2 =	vor.u32 s16, v0;
	v1 =	vshll.u32 v1, $0x4  }
0x78: {  	v3 =	vshll.u32 v2, $0x7;
	v1 =	vand.u32 $0x70, v1  }
0x79: {  	v1 =	vor.u32 v3, v1;
	_ =	sdelay $0x4  }
0x7a: {  	v4 =	vshll.u32 v2, $0x4;
	v3 =	vld.idx.msk [tilespmem:v1+s19+$0x0], $0xffff  }
0x7b: {  	v2 =	vor.u32 $0x1, v1;
	_ =	sdelay $0x3  }
0x7c: {  	[tilespmem:v4+s24+$0x0] =	vst.idx.msk $0xffff, v3  }
0x7d: {  	v3 =	vor.u32 $0x1, v4;
	v2 =	vld.idx.msk [tilespmem:v2+s19+$0x0], $0xffff  }
0x7e: {  	v5 =	vor.u32 $0x2, v1;
	_ =	sdelay $0x3  }
0x7f: {  	[tilespmem:v3+s24+$0x0] =	vst.idx.msk $0xffff, v2  }
0x80: {  	v3 =	vor.u32 $0x2, v4;
	v2 =	vld.idx.msk [tilespmem:v5+s19+$0x0], $0xffff  }
0x81: {  	v52 =	vor.u32 $0x3, v1;
	_ =	sdelay $0x3  }
0x82: {  	[tilespmem:v3+s24+$0x0] =	vst.idx.msk $0xffff, v2  }
0x83: {  	v3 =	vor.u32 $0x3, v4;
	v2 =	vld.idx.msk [tilespmem:v52+s19+$0x0], $0xffff  }
0x84: {  	v53 =	vor.u32 $0x4, v1;
	_ =	sdelay $0x3  }
0x85: {  	[tilespmem:v3+s24+$0x0] =	vst.idx.msk $0xffff, v2  }
0x86: {  	v3 =	vor.u32 $0x4, v4;
	v2 =	vld.idx.msk [tilespmem:v53+s19+$0x0], $0xffff  }
0x87: {  	v54 =	vor.u32 $0x5, v1;
	_ =	sdelay $0x3  }
0x88: {  	[tilespmem:v3+s24+$0x0] =	vst.idx.msk $0xffff, v2  }
0x89: {  	v3 =	vor.u32 $0x5, v4;
	v2 =	vld.idx.msk [tilespmem:v54+s19+$0x0], $0xffff  }
0x8a: {  	v55 =	vor.u32 $0x6, v1;
	_ =	sdelay $0x3  }
0x8b: {  	[tilespmem:v3+s24+$0x0] =	vst.idx.msk $0xffff, v2  }
0x8c: {  	v3 =	vor.u32 $0x6, v4;
	v2 =	vld.idx.msk [tilespmem:v55+s19+$0x0], $0xffff  }
0x8d: {  	v56 =	vor.u32 $0x7, v1;
	_ =	sdelay $0x3  }
0x8e: {  	[tilespmem:v3+s24+$0x0] =	vst.idx.msk $0xffff, v2  }
0x8f: {  	v3 =	vor.u32 $0x7, v4;
	v2 =	vld.idx.msk [tilespmem:v56+s19+$0x0], $0xffff  }
0x90: {  	v57 =	vor.u32 $0x8, v1;
	_ =	sdelay $0x3  }
0x91: {  	[tilespmem:v3+s24+$0x0] =	vst.idx.msk $0xffff, v2  }
0x92: {  	v3 =	vor.u32 $0x8, v4;
	v2 =	vld.idx.msk [tilespmem:v57+s19+$0x0], $0xffff  }
0x93: {  	v58 =	vor.u32 $0x9, v1;
	_ =	sdelay $0x3  }
0x94: {  	[tilespmem:v3+s24+$0x0] =	vst.idx.msk $0xffff, v2  }
0x95: {  	v3 =	vor.u32 $0x9, v4;
	v2 =	vld.idx.msk [tilespmem:v58+s19+$0x0], $0xffff  }
0x96: {  	v59 =	vor.u32 $0xA, v1;
	_ =	sdelay $0x3  }
0x97: {  	[tilespmem:v3+s24+$0x0] =	vst.idx.msk $0xffff, v2  }
0x98: {  	v3 =	vor.u32 $0xA, v4;
	v2 =	vld.idx.msk [tilespmem:v59+s19+$0x0], $0xffff  }
0x99: {  	v60 =	vor.u32 $0xB, v1;
	_ =	sdelay $0x3  }
0x9a: {  	[tilespmem:v3+s24+$0x0] =	vst.idx.msk $0xffff, v2  }
0x9b: {  	v3 =	vor.u32 $0xB, v4;
	v2 =	vld.idx.msk [tilespmem:v60+s19+$0x0], $0xffff  }
0x9c: {  	v61 =	vor.u32 $0xC, v1;
	_ =	sdelay $0x3  }
0x9d: {  	[tilespmem:v3+s24+$0x0] =	vst.idx.msk $0xffff, v2  }
0x9e: {  	v3 =	vor.u32 $0xC, v4;
	v2 =	vld.idx.msk [tilespmem:v61+s19+$0x0], $0xffff  }
0x9f: {  	v62 =	vor.u32 $0xD, v1;
	_ =	sdelay $0x3  }
0xa0: {  	[tilespmem:v3+s24+$0x0] =	vst.idx.msk $0xffff, v2  }
0xa1: {  	v3 =	vor.u32 $0xD, v4;
	v2 =	vld.idx.msk [tilespmem:v62+s19+$0x0], $0xffff  }
0xa2: {  	v63 =	vor.u32 $0xE, v1;
	_ =	sdelay $0x3  }
0xa3: {  	[tilespmem:v3+s24+$0x0] =	vst.idx.msk $0xffff, v2  }
0xa4: {  	v3 =	vor.u32 $0xE, v4;
	v2 =	vld.idx.msk [tilespmem:v63+s19+$0x0], $0xffff  }
0xa5: {  	v1 =	vor.u32 $0xF, v1;
	_ =	sdelay $0x3  }
0xa6: {  	[tilespmem:v3+s24+$0x0] =	vst.idx.msk $0xffff, v2  }
0xa7: {  	v2 =	vld.idx.msk [tilespmem:v1+s19+$0x0], $0xffff;
	v1 =	vor.u32 $0xF, v4  }
0xa8: {  	s14 =	sadd.s32 $0x10, s30  }
0xa9: {  	s14 =	sand.u32 $0x1FF80, s14;
	s12 =	simm.s32 $0x10  }
0xaa: {  	s13 =	simm.s32 $0x20;
	s3 =	smul.u32 $0x280, s31;
	s15 =	sand.u32 $0x70, s12  }
.LBB2_3:
0xab: {  	p0 =	sne.s32 s13, $0x130  }
0xac: {  	s14 =	sor.u32 s15, s14;
	[tilespmem:v1+s24+$0x0] =	vst.idx.msk $0xffff, v2;
	s15 =	smov.u32 s13;
	s13 =	sadd.s32 $0x10, s13  }
0xad: {  	v1 =	vld [tilespmem:s14+$0x0];
	_ =	sdelay $0x4  }
0xae: {  	v3 =	vor.u32 s12, v0;
	s12 =	smov.u32 s15;
	v1 =	vshll.u32 v1, $0x4  }
0xaf: {  	v2 =	vshll.u32 v3, $0x7;
	v1 =	vand.u32 $0x70, v1  }
0xb0: {  	v2 =	vor.u32 v2, v1;
	_ =	sdelay $0x4  }
0xb1: {  	v4 =	vld.idx.msk [tilespmem:v2+s19+$0x0], $0xffff  }
0xb2: {  	v1 =	vshll.u32 v3, $0x4  }
0xb3: {  	v3 =	vor.u32 $0x1, v2;
	_ =	sdelay $0x3  }
0xb4: {  	[tilespmem:v1+s24+$0x0] =	vst.idx.msk $0xffff, v4  }
0xb5: {  	v3 =	vld.idx.msk [tilespmem:v3+s19+$0x0], $0xffff  }
0xb6: {  	v4 =	vor.u32 $0x1, v1  }
0xb7: {  	v5 =	vor.u32 $0x2, v2;
	_ =	sdelay $0x3  }
0xb8: {  	[tilespmem:v4+s24+$0x0] =	vst.idx.msk $0xffff, v3  }
0xb9: {  	v3 =	vld.idx.msk [tilespmem:v5+s19+$0x0], $0xffff  }
0xba: {  	v4 =	vor.u32 $0x2, v1  }
0xbb: {  	v5 =	vor.u32 $0x3, v2;
	_ =	sdelay $0x3  }
0xbc: {  	[tilespmem:v4+s24+$0x0] =	vst.idx.msk $0xffff, v3  }
0xbd: {  	v3 =	vld.idx.msk [tilespmem:v5+s19+$0x0], $0xffff  }
0xbe: {  	v4 =	vor.u32 $0x3, v1  }
0xbf: {  	v5 =	vor.u32 $0x4, v2;
	_ =	sdelay $0x3  }
0xc0: {  	[tilespmem:v4+s24+$0x0] =	vst.idx.msk $0xffff, v3  }
0xc1: {  	v3 =	vld.idx.msk [tilespmem:v5+s19+$0x0], $0xffff  }
0xc2: {  	v4 =	vor.u32 $0x4, v1  }
0xc3: {  	v5 =	vor.u32 $0x5, v2;
	_ =	sdelay $0x3  }
0xc4: {  	[tilespmem:v4+s24+$0x0] =	vst.idx.msk $0xffff, v3  }
0xc5: {  	v3 =	vld.idx.msk [tilespmem:v5+s19+$0x0], $0xffff  }
0xc6: {  	v4 =	vor.u32 $0x5, v1  }
0xc7: {  	v5 =	vor.u32 $0x6, v2;
	_ =	sdelay $0x3  }
0xc8: {  	[tilespmem:v4+s24+$0x0] =	vst.idx.msk $0xffff, v3  }
0xc9: {  	v3 =	vld.idx.msk [tilespmem:v5+s19+$0x0], $0xffff  }
0xca: {  	v4 =	vor.u32 $0x6, v1  }
0xcb: {  	v5 =	vor.u32 $0x7, v2;
	_ =	sdelay $0x3  }
0xcc: {  	[tilespmem:v4+s24+$0x0] =	vst.idx.msk $0xffff, v3  }
0xcd: {  	v3 =	vld.idx.msk [tilespmem:v5+s19+$0x0], $0xffff  }
0xce: {  	v4 =	vor.u32 $0x7, v1  }
0xcf: {  	v5 =	vor.u32 $0x8, v2;
	_ =	sdelay $0x3  }
0xd0: {  	[tilespmem:v4+s24+$0x0] =	vst.idx.msk $0xffff, v3  }
0xd1: {  	v3 =	vld.idx.msk [tilespmem:v5+s19+$0x0], $0xffff  }
0xd2: {  	v4 =	vor.u32 $0x8, v1  }
0xd3: {  	v5 =	vor.u32 $0x9, v2;
	_ =	sdelay $0x3  }
0xd4: {  	[tilespmem:v4+s24+$0x0] =	vst.idx.msk $0xffff, v3  }
0xd5: {  	v3 =	vld.idx.msk [tilespmem:v5+s19+$0x0], $0xffff  }
0xd6: {  	v4 =	vor.u32 $0x9, v1  }
0xd7: {  	v5 =	vor.u32 $0xA, v2;
	_ =	sdelay $0x3  }
0xd8: {  	[tilespmem:v4+s24+$0x0] =	vst.idx.msk $0xffff, v3  }
0xd9: {  	v3 =	vld.idx.msk [tilespmem:v5+s19+$0x0], $0xffff  }
0xda: {  	v4 =	vor.u32 $0xA, v1  }
0xdb: {  	v5 =	vor.u32 $0xB, v2;
	_ =	sdelay $0x3  }
0xdc: {  	[tilespmem:v4+s24+$0x0] =	vst.idx.msk $0xffff, v3  }
0xdd: {  	v3 =	vld.idx.msk [tilespmem:v5+s19+$0x0], $0xffff  }
0xde: {  	v4 =	vor.u32 $0xB, v1  }
0xdf: {  	v5 =	vor.u32 $0xC, v2;
	_ =	sdelay $0x3  }
0xe0: {  	[tilespmem:v4+s24+$0x0] =	vst.idx.msk $0xffff, v3  }
0xe1: {  	v3 =	vld.idx.msk [tilespmem:v5+s19+$0x0], $0xffff  }
0xe2: {  	v4 =	vor.u32 $0xC, v1  }
0xe3: {  	v5 =	vor.u32 $0xD, v2;
	_ =	sdelay $0x3  }
0xe4: {  	[tilespmem:v4+s24+$0x0] =	vst.idx.msk $0xffff, v3  }
0xe5: {  	v3 =	vld.idx.msk [tilespmem:v5+s19+$0x0], $0xffff  }
0xe6: {  	v4 =	vor.u32 $0xD, v1  }
0xe7: {  	v5 =	vor.u32 $0xE, v2;
	_ =	sdelay $0x3  }
0xe8: {  	[tilespmem:v4+s24+$0x0] =	vst.idx.msk $0xffff, v3  }
0xe9: {  	v3 =	vld.idx.msk [tilespmem:v5+s19+$0x0], $0xffff  }
0xea: {  	v4 =	vor.u32 $0xE, v1  }
0xeb: {  	v2 =	vor.u32 $0xF, v2;
	_ =	sdelay $0x3  }
0xec: {  	[tilespmem:v4+s24+$0x0] =	vst.idx.msk $0xffff, v3  }
0xed: {  	v2 =	vld.idx.msk [tilespmem:v2+s19+$0x0], $0xffff  }
.Ltmp0:
0xee: {  	v1 =	vor.u32 $0xF, v1;
	(pc) =	sbr.rel @p0 .LBB2_3-.Ltmp0, $3  }
0xef: {  	_ =	sdelay $0x1  }
0xf0: {  	s14 =	sadd.s32 s12, s30  }
0xf1: {  	s15 =	sand.u32 $0x70, s12;
	s14 =	sand.u32 $0x1FF80, s14  }
0xf2: {  	_ =	sdelay $0x3  }
0xf3: {  	s13 =	sor.u32 s15, s14;
	[tilespmem:v1+s24+$0x0] =	vst.idx.msk $0xffff, v2  }
0xf4: {  	v1 =	vld [tilespmem:s13+$0x0];
	_ =	sdelay $0x4  }
0xf5: {  	v2 =	vor.u32 s12, v0;
	v1 =	vshll.u32 v1, $0x4  }
0xf6: {  	v3 =	vshll.u32 v2, $0x7;
	v1 =	vand.u32 $0x70, v1  }
0xf7: {  	v1 =	vor.u32 v3, v1;
	_ =	sdelay $0x4  }
0xf8: {  	v2 =	vshll.u32 v2, $0x4;
	v3 =	vld.idx.msk [tilespmem:v1+s19+$0x0], $0xffff  }
0xf9: {  	v4 =	vor.u32 $0x1, v1;
	_ =	sdelay $0x3  }
0xfa: {  	[tilespmem:v2+s24+$0x0] =	vst.idx.msk $0xffff, v3  }
0xfb: {  	v38 =	vor.u32 $0x1, v2;
	v3 =	vld.idx.msk [tilespmem:v4+s19+$0x0], $0xffff  }
0xfc: {  	v5 =	vor.u32 $0x2, v1;
	_ =	sdelay $0x3  }
0xfd: {  	[tilespmem:v38+s24+$0x0] =	vst.idx.msk $0xffff, v3  }
0xfe: {  	v39 =	vor.u32 $0x2, v2;
	v3 =	vld.idx.msk [tilespmem:v5+s19+$0x0], $0xffff  }
0xff: {  	v40 =	vor.u32 $0x3, v1;
	_ =	sdelay $0x3  }
0x100: {  	[tilespmem:v39+s24+$0x0] =	vst.idx.msk $0xffff, v3  }
0x101: {  	v41 =	vor.u32 $0x3, v2;
	v3 =	vld.idx.msk [tilespmem:v40+s19+$0x0], $0xffff  }
0x102: {  	v42 =	vor.u32 $0x4, v1;
	_ =	sdelay $0x3  }
0x103: {  	[tilespmem:v41+s24+$0x0] =	vst.idx.msk $0xffff, v3  }
0x104: {  	v43 =	vor.u32 $0x4, v2;
	v3 =	vld.idx.msk [tilespmem:v42+s19+$0x0], $0xffff  }
0x105: {  	v44 =	vor.u32 $0x5, v1;
	_ =	sdelay $0x3  }
0x106: {  	[tilespmem:v43+s24+$0x0] =	vst.idx.msk $0xffff, v3  }
0x107: {  	v45 =	vor.u32 $0x5, v2;
	v3 =	vld.idx.msk [tilespmem:v44+s19+$0x0], $0xffff  }
0x108: {  	v46 =	vor.u32 $0x6, v1;
	_ =	sdelay $0x3  }
0x109: {  	[tilespmem:v45+s24+$0x0] =	vst.idx.msk $0xffff, v3  }
0x10a: {  	v47 =	vor.u32 $0x6, v2;
	v3 =	vld.idx.msk [tilespmem:v46+s19+$0x0], $0xffff  }
0x10b: {  	v48 =	vor.u32 $0x7, v1;
	_ =	sdelay $0x3  }
0x10c: {  	[tilespmem:v47+s24+$0x0] =	vst.idx.msk $0xffff, v3  }
0x10d: {  	v49 =	vor.u32 $0x7, v2;
	v3 =	vld.idx.msk [tilespmem:v48+s19+$0x0], $0xffff  }
0x10e: {  	v50 =	vor.u32 $0x8, v1;
	_ =	sdelay $0x3  }
0x10f: {  	[tilespmem:v49+s24+$0x0] =	vst.idx.msk $0xffff, v3  }
0x110: {  	v51 =	vor.u32 $0x8, v2;
	v3 =	vld.idx.msk [tilespmem:v50+s19+$0x0], $0xffff  }
0x111: {  	v52 =	vor.u32 $0x9, v1;
	_ =	sdelay $0x3  }
0x112: {  	[tilespmem:v51+s24+$0x0] =	vst.idx.msk $0xffff, v3  }
0x113: {  	v53 =	vor.u32 $0x9, v2;
	v3 =	vld.idx.msk [tilespmem:v52+s19+$0x0], $0xffff  }
0x114: {  	v54 =	vor.u32 $0xA, v1;
	_ =	sdelay $0x3  }
0x115: {  	[tilespmem:v53+s24+$0x0] =	vst.idx.msk $0xffff, v3  }
0x116: {  	v55 =	vor.u32 $0xA, v2;
	v3 =	vld.idx.msk [tilespmem:v54+s19+$0x0], $0xffff  }
0x117: {  	v56 =	vor.u32 $0xB, v1;
	_ =	sdelay $0x3  }
0x118: {  	[tilespmem:v55+s24+$0x0] =	vst.idx.msk $0xffff, v3  }
0x119: {  	v57 =	vor.u32 $0xB, v2;
	v3 =	vld.idx.msk [tilespmem:v56+s19+$0x0], $0xffff  }
0x11a: {  	v58 =	vor.u32 $0xC, v1;
	_ =	sdelay $0x3  }
0x11b: {  	[tilespmem:v57+s24+$0x0] =	vst.idx.msk $0xffff, v3  }
0x11c: {  	v59 =	vor.u32 $0xC, v2;
	v3 =	vld.idx.msk [tilespmem:v58+s19+$0x0], $0xffff  }
0x11d: {  	v60 =	vor.u32 $0xD, v1;
	_ =	sdelay $0x3  }
0x11e: {  	[tilespmem:v59+s24+$0x0] =	vst.idx.msk $0xffff, v3  }
0x11f: {  	v61 =	vor.u32 $0xD, v2;
	v3 =	vld.idx.msk [tilespmem:v60+s19+$0x0], $0xffff  }
0x120: {  	v62 =	vor.u32 $0xE, v1;
	_ =	sdelay $0x3  }
0x121: {  	[tilespmem:v61+s24+$0x0] =	vst.idx.msk $0xffff, v3  }
0x122: {  	v63 =	vor.u32 $0xE, v2;
	v3 =	vld.idx.msk [tilespmem:v62+s19+$0x0], $0xffff  }
0x123: {  	v1 =	vor.u32 $0xF, v1;
	_ =	sdelay $0x3  }
0x124: {  	[tilespmem:v63+s24+$0x0] =	vst.idx.msk $0xffff, v3  }
0x125: {  	v2 =	vor.u32 $0xF, v2;
	v1 =	vld.idx.msk [tilespmem:v1+s19+$0x0], $0xffff;
	_ =	sdelay $0x2  }
0x126: {  	s3 =	sadd.s32 s7, s3  }
0x127: {  	p0 =	seq.s32 s31, $0x27;
	s3 =	sshll.u32 s3, $0x1  }
.Ltmp1:
0x128: {  	s16 =	sadd.s32 s1, s3;
	s3 =	simm.s32 $0x0;
	[tilespmem:v2+s24+$0x0] =	vst.idx.msk $0xffff, v1;
	(pc) =	sbr.rel @p0 .LBB2_8-.Ltmp1, $4  }
0x129: {  	[hbm4b:s16+s3] =	stream.linear.scatter [tilespmem:s24], [sflag:$0x3], $0x1400, $0x38;
	[tilespmem:$0x1BB00] =	vst v63  }
0x12a: {  	_ =	swait.ge [sflag:s17], $0x1400  }
0x12b: {  	[sflag:s17] =	ssyncset.done $0x0  }
0x12c: {  	s12 =	simm.s32 $0x6400;
	[sflag:s17] =	ssyncadd.s32 $0xFFFFEC00  }
0x12d: {  	s13 =	sadd.s32 $0x0, s28  }
0x12e: {  	s14 =	sand.u32 $0x70, s3;
	s13 =	sand.u32 $0x3FF80, s13  }
0x12f: {  	s14 =	sor.u32 s14, s13  }
0x130: {  	v1 =	vld [tilespmem:s14+$0x0];
	_ =	sdelay $0x3  }
0x131: {  	s15 =	sadd.s32 $0x10, s28;
	s13 =	simm.s32 $0x10;
	s14 =	simm.s32 $0x20  }
.LBB2_6:
0x132: {  	p0 =	sne.s32 s14, $0x130;
	s15 =	sand.u32 $0x3FF80, s15;
	s13 =	sand.u32 $0x70, s13;
	v1 =	vshra.s32 v1, $0x3  }
0x133: {  	s15 =	sor.u32 s13, s15;
	[tilespmem:s12+$0x0] =	vst v1;
	s13 =	smov.u32 s14  }
.Ltmp2:
0x134: {  	v1 =	vld [tilespmem:s15+$0x0];
	(pc) =	sbr.rel @p0 .LBB2_6-.Ltmp2, $2  }
0x135: {  	_ =	sdelay $0x2  }
0x136: {  	s14 =	sadd.s32 $0x10, s14;
	s12 =	sadd.s32 $0x10, s12;
	s15 =	sadd.s32 s13, s28  }
0x137: {  	s14 =	sand.u32 $0x3FF80, s15;
	s13 =	sand.u32 $0x70, s13;
	v1 =	vshra.s32 v1, $0x3  }
0x138: {  	s13 =	sor.u32 s13, s14;
	[tilespmem:s12+$0x0] =	vst v1  }
0x139: {  	v1 =	vld [tilespmem:s13+$0x0];
	_ =	sdelay $0x4  }
0x13a: {  	s16 =	sadd.s32 $0x10, s12;
	v1 =	vshra.s32 v1, $0x3  }
0x13b: {  	[tilespmem:s16+$0x0] =	vst v1  }
0x13c: {  	[tilespmem:s19], [sflag:$0x1] =	stream.indirect.gather [hbm4b:s8+s20], $0x80, s18, s20, $0xb8;
	[tilespmem:$0x1BB00] =	vst v63  }
.LBB2_8:
0x13d: {  	_ =	swait.ge [sflag:s25], $0xA000  }
0x13e: {  	[sflag:s25] =	ssyncset.done $0x0  }
0x13f: {  	[sflag:s25] =	ssyncadd.s32 $0xFFFF6000  }
0x140: {  	v1 =	vld [tilespmem:s29+$0x0];
	_ =	sdelay $0x4  }
0x141: {  	v2 =	vor.u32 s3, v0;
	v1 =	vshll.u32 v1, $0x4  }
0x142: {  	v3 =	vshll.u32 v2, $0x7;
	v1 =	vand.u32 $0x70, v1  }
0x143: {  	v1 =	vor.u32 v3, v1;
	_ =	sdelay $0x4  }
0x144: {  	v4 =	vshll.u32 v2, $0x4;
	v3 =	vld.idx.msk [tilespmem:v1+s22+$0x0], $0xffff  }
0x145: {  	v2 =	vor.u32 $0x1, v1;
	_ =	sdelay $0x3  }
0x146: {  	[tilespmem:v4+s24+$0x0] =	vst.idx.msk $0xffff, v3  }
0x147: {  	v3 =	vor.u32 $0x1, v4;
	v2 =	vld.idx.msk [tilespmem:v2+s22+$0x0], $0xffff  }
0x148: {  	v5 =	vor.u32 $0x2, v1;
	_ =	sdelay $0x3  }
0x149: {  	[tilespmem:v3+s24+$0x0] =	vst.idx.msk $0xffff, v2  }
0x14a: {  	v3 =	vor.u32 $0x2, v4;
	v2 =	vld.idx.msk [tilespmem:v5+s22+$0x0], $0xffff  }
0x14b: {  	v52 =	vor.u32 $0x3, v1;
	_ =	sdelay $0x3  }
0x14c: {  	[tilespmem:v3+s24+$0x0] =	vst.idx.msk $0xffff, v2  }
0x14d: {  	v3 =	vor.u32 $0x3, v4;
	v2 =	vld.idx.msk [tilespmem:v52+s22+$0x0], $0xffff  }
0x14e: {  	v53 =	vor.u32 $0x4, v1;
	_ =	sdelay $0x3  }
0x14f: {  	[tilespmem:v3+s24+$0x0] =	vst.idx.msk $0xffff, v2  }
0x150: {  	v3 =	vor.u32 $0x4, v4;
	v2 =	vld.idx.msk [tilespmem:v53+s22+$0x0], $0xffff  }
0x151: {  	v54 =	vor.u32 $0x5, v1;
	_ =	sdelay $0x3  }
0x152: {  	[tilespmem:v3+s24+$0x0] =	vst.idx.msk $0xffff, v2  }
0x153: {  	v3 =	vor.u32 $0x5, v4;
	v2 =	vld.idx.msk [tilespmem:v54+s22+$0x0], $0xffff  }
0x154: {  	v55 =	vor.u32 $0x6, v1;
	_ =	sdelay $0x3  }
0x155: {  	[tilespmem:v3+s24+$0x0] =	vst.idx.msk $0xffff, v2  }
0x156: {  	v3 =	vor.u32 $0x6, v4;
	v2 =	vld.idx.msk [tilespmem:v55+s22+$0x0], $0xffff  }
0x157: {  	v56 =	vor.u32 $0x7, v1;
	_ =	sdelay $0x3  }
0x158: {  	[tilespmem:v3+s24+$0x0] =	vst.idx.msk $0xffff, v2  }
0x159: {  	v3 =	vor.u32 $0x7, v4;
	v2 =	vld.idx.msk [tilespmem:v56+s22+$0x0], $0xffff  }
0x15a: {  	v57 =	vor.u32 $0x8, v1;
	_ =	sdelay $0x3  }
0x15b: {  	[tilespmem:v3+s24+$0x0] =	vst.idx.msk $0xffff, v2  }
0x15c: {  	v3 =	vor.u32 $0x8, v4;
	v2 =	vld.idx.msk [tilespmem:v57+s22+$0x0], $0xffff  }
0x15d: {  	v58 =	vor.u32 $0x9, v1;
	_ =	sdelay $0x3  }
0x15e: {  	[tilespmem:v3+s24+$0x0] =	vst.idx.msk $0xffff, v2  }
0x15f: {  	v3 =	vor.u32 $0x9, v4;
	v2 =	vld.idx.msk [tilespmem:v58+s22+$0x0], $0xffff  }
0x160: {  	v59 =	vor.u32 $0xA, v1;
	_ =	sdelay $0x3  }
0x161: {  	[tilespmem:v3+s24+$0x0] =	vst.idx.msk $0xffff, v2  }
0x162: {  	v3 =	vor.u32 $0xA, v4;
	v2 =	vld.idx.msk [tilespmem:v59+s22+$0x0], $0xffff  }
0x163: {  	v60 =	vor.u32 $0xB, v1;
	_ =	sdelay $0x3  }
0x164: {  	[tilespmem:v3+s24+$0x0] =	vst.idx.msk $0xffff, v2  }
0x165: {  	v3 =	vor.u32 $0xB, v4;
	v2 =	vld.idx.msk [tilespmem:v60+s22+$0x0], $0xffff  }
0x166: {  	v61 =	vor.u32 $0xC, v1;
	_ =	sdelay $0x3  }
0x167: {  	[tilespmem:v3+s24+$0x0] =	vst.idx.msk $0xffff, v2  }
0x168: {  	v3 =	vor.u32 $0xC, v4;
	v2 =	vld.idx.msk [tilespmem:v61+s22+$0x0], $0xffff  }
0x169: {  	v62 =	vor.u32 $0xD, v1;
	_ =	sdelay $0x3  }
0x16a: {  	[tilespmem:v3+s24+$0x0] =	vst.idx.msk $0xffff, v2  }
0x16b: {  	v3 =	vor.u32 $0xD, v4;
	v2 =	vld.idx.msk [tilespmem:v62+s22+$0x0], $0xffff  }
0x16c: {  	v63 =	vor.u32 $0xE, v1;
	_ =	sdelay $0x3  }
0x16d: {  	[tilespmem:v3+s24+$0x0] =	vst.idx.msk $0xffff, v2  }
0x16e: {  	v3 =	vor.u32 $0xE, v4;
	v2 =	vld.idx.msk [tilespmem:v63+s22+$0x0], $0xffff  }
0x16f: {  	v1 =	vor.u32 $0xF, v1;
	_ =	sdelay $0x3  }
0x170: {  	[tilespmem:v3+s24+$0x0] =	vst.idx.msk $0xffff, v2  }
0x171: {  	s3 =	simm.s32 $0x10;
	s12 =	smov.u32 s29;
	v2 =	vld.idx.msk [tilespmem:v1+s22+$0x0], $0xffff;
	v1 =	vor.u32 $0xF, v4  }
.LBB2_9:
0x172: {  	_ =	sdelay $0x2  }
0x173: {  	p0 =	sne.s32 s3, $0x130  }
0x174: {  	s12 =	sadd.s32 $0x10, s12;
	s13 =	smov.u32 s3;
	s3 =	sadd.s32 $0x10, s3;
	[tilespmem:v1+s24+$0x0] =	vst.idx.msk $0xffff, v2  }
0x175: {  	v1 =	vld [tilespmem:s12+$0x0];
	_ =	sdelay $0x4  }
0x176: {  	v3 =	vor.u32 s13, v0;
	v1 =	vshll.u32 v1, $0x4  }
0x177: {  	v2 =	vshll.u32 v3, $0x7;
	v1 =	vand.u32 $0x70, v1  }
0x178: {  	v2 =	vor.u32 v2, v1;
	_ =	sdelay $0x4  }
0x179: {  	v4 =	vld.idx.msk [tilespmem:v2+s22+$0x0], $0xffff  }
0x17a: {  	v1 =	vshll.u32 v3, $0x4  }
0x17b: {  	v3 =	vor.u32 $0x1, v2;
	_ =	sdelay $0x3  }
0x17c: {  	[tilespmem:v1+s24+$0x0] =	vst.idx.msk $0xffff, v4  }
0x17d: {  	v3 =	vld.idx.msk [tilespmem:v3+s22+$0x0], $0xffff  }
0x17e: {  	v4 =	vor.u32 $0x1, v1  }
0x17f: {  	v5 =	vor.u32 $0x2, v2;
	_ =	sdelay $0x3  }
0x180: {  	[tilespmem:v4+s24+$0x0] =	vst.idx.msk $0xffff, v3  }
0x181: {  	v3 =	vld.idx.msk [tilespmem:v5+s22+$0x0], $0xffff  }
0x182: {  	v4 =	vor.u32 $0x2, v1  }
0x183: {  	v5 =	vor.u32 $0x3, v2;
	_ =	sdelay $0x3  }
0x184: {  	[tilespmem:v4+s24+$0x0] =	vst.idx.msk $0xffff, v3  }
0x185: {  	v3 =	vld.idx.msk [tilespmem:v5+s22+$0x0], $0xffff  }
0x186: {  	v4 =	vor.u32 $0x3, v1  }
0x187: {  	v5 =	vor.u32 $0x4, v2;
	_ =	sdelay $0x3  }
0x188: {  	[tilespmem:v4+s24+$0x0] =	vst.idx.msk $0xffff, v3  }
0x189: {  	v3 =	vld.idx.msk [tilespmem:v5+s22+$0x0], $0xffff  }
0x18a: {  	v4 =	vor.u32 $0x4, v1  }
0x18b: {  	v5 =	vor.u32 $0x5, v2;
	_ =	sdelay $0x3  }
0x18c: {  	[tilespmem:v4+s24+$0x0] =	vst.idx.msk $0xffff, v3  }
0x18d: {  	v3 =	vld.idx.msk [tilespmem:v5+s22+$0x0], $0xffff  }
0x18e: {  	v4 =	vor.u32 $0x5, v1  }
0x18f: {  	v5 =	vor.u32 $0x6, v2;
	_ =	sdelay $0x3  }
0x190: {  	[tilespmem:v4+s24+$0x0] =	vst.idx.msk $0xffff, v3  }
0x191: {  	v3 =	vld.idx.msk [tilespmem:v5+s22+$0x0], $0xffff  }
0x192: {  	v4 =	vor.u32 $0x6, v1  }
0x193: {  	v5 =	vor.u32 $0x7, v2;
	_ =	sdelay $0x3  }
0x194: {  	[tilespmem:v4+s24+$0x0] =	vst.idx.msk $0xffff, v3  }
0x195: {  	v3 =	vld.idx.msk [tilespmem:v5+s22+$0x0], $0xffff  }
0x196: {  	v4 =	vor.u32 $0x7, v1  }
0x197: {  	v5 =	vor.u32 $0x8, v2;
	_ =	sdelay $0x3  }
0x198: {  	[tilespmem:v4+s24+$0x0] =	vst.idx.msk $0xffff, v3  }
0x199: {  	v3 =	vld.idx.msk [tilespmem:v5+s22+$0x0], $0xffff  }
0x19a: {  	v4 =	vor.u32 $0x8, v1  }
0x19b: {  	v5 =	vor.u32 $0x9, v2;
	_ =	sdelay $0x3  }
0x19c: {  	[tilespmem:v4+s24+$0x0] =	vst.idx.msk $0xffff, v3  }
0x19d: {  	v3 =	vld.idx.msk [tilespmem:v5+s22+$0x0], $0xffff  }
0x19e: {  	v4 =	vor.u32 $0x9, v1  }
0x19f: {  	v5 =	vor.u32 $0xA, v2;
	_ =	sdelay $0x3  }
0x1a0: {  	[tilespmem:v4+s24+$0x0] =	vst.idx.msk $0xffff, v3  }
0x1a1: {  	v3 =	vld.idx.msk [tilespmem:v5+s22+$0x0], $0xffff  }
0x1a2: {  	v4 =	vor.u32 $0xA, v1  }
0x1a3: {  	v5 =	vor.u32 $0xB, v2;
	_ =	sdelay $0x3  }
0x1a4: {  	[tilespmem:v4+s24+$0x0] =	vst.idx.msk $0xffff, v3  }
0x1a5: {  	v3 =	vld.idx.msk [tilespmem:v5+s22+$0x0], $0xffff  }
0x1a6: {  	v4 =	vor.u32 $0xB, v1  }
0x1a7: {  	v5 =	vor.u32 $0xC, v2;
	_ =	sdelay $0x3  }
0x1a8: {  	[tilespmem:v4+s24+$0x0] =	vst.idx.msk $0xffff, v3  }
0x1a9: {  	v3 =	vld.idx.msk [tilespmem:v5+s22+$0x0], $0xffff  }
0x1aa: {  	v4 =	vor.u32 $0xC, v1  }
0x1ab: {  	v5 =	vor.u32 $0xD, v2;
	_ =	sdelay $0x3  }
0x1ac: {  	[tilespmem:v4+s24+$0x0] =	vst.idx.msk $0xffff, v3  }
0x1ad: {  	v3 =	vld.idx.msk [tilespmem:v5+s22+$0x0], $0xffff  }
0x1ae: {  	v4 =	vor.u32 $0xD, v1  }
0x1af: {  	v5 =	vor.u32 $0xE, v2;
	_ =	sdelay $0x3  }
0x1b0: {  	[tilespmem:v4+s24+$0x0] =	vst.idx.msk $0xffff, v3  }
0x1b1: {  	v3 =	vld.idx.msk [tilespmem:v5+s22+$0x0], $0xffff  }
0x1b2: {  	v4 =	vor.u32 $0xE, v1  }
0x1b3: {  	v2 =	vor.u32 $0xF, v2;
	_ =	sdelay $0x1  }
.Ltmp3:
0x1b4: {  	(pc) =	sbr.rel @p0 .LBB2_9-.Ltmp3, $4  }
0x1b5: {  	_ = 	snop  }
0x1b6: {  	[tilespmem:v4+s24+$0x0] =	vst.idx.msk $0xffff, v3  }
0x1b7: {  	v2 =	vld.idx.msk [tilespmem:v2+s22+$0x0], $0xffff  }
0x1b8: {  	v1 =	vor.u32 $0xF, v1  }
0x1b9: {  	s0 =	smul.u32 $0x140, s0;
	_ =	sdelay $0x1  }
0x1ba: {  	s0 =	sadd.s32 s7, s0  }
0x1bb: {  	s31 =	sadd.s32 $0x1, s31;
	s0 =	sshll.u32 s0, $0x1  }
0x1bc: {  	p0 =	sne.s32 s31, $0x28;
	s0 =	sand.u32 $0x1FFFFF80, s0  }
.Ltmp4:
0x1bd: {  	[tilespmem:v1+s24+$0x0] =	vst.idx.msk $0xffff, v2;
	s0 =	sadd.s32 s1, s0;
	(pc) =	sbr.rel @p0 .LBB2_2-.Ltmp4, $4  }
0x1be: {  	[hbm4b:s0+s6] =	stream.linear.scatter [tilespmem:s24], [sflag:$0x3], $0x1400, $0x38;
	[tilespmem:$0x1BB00] =	vst v63  }
0x1bf: {  	_ =	swait.ge [sflag:s17], $0x1400  }
0x1c0: {  	s30 =	sadd.s32 $0x280, s30;
	[sflag:s17] =	ssyncset.done $0x0  }
0x1c1: {  	s28 =	sadd.s32 $0x280, s28;
	s29 =	sadd.s32 $0x280, s29;
	[sflag:s17] =	ssyncadd.s32 $0xFFFFEC00  }
0x1c2: {  	s28 =	simm.s32 $0x0;
	s0 =	rddreg [dreg:$0x7]  }
0x1c3: {  	[tilespmem:s28], [sflag:$0x3] =	stream.linear.gather [hbm4b:s0+s28], $0x6400, $0x38;
	[tilespmem:$0x1BB00] =	vst v63  }
0x1c4: {  	_ =	swait.ge [sflag:s17], $0x6400  }
0x1c5: {  	[sflag:s17] =	ssyncset.done $0x0  }
0x1c6: {  	[sflag:s17] =	ssyncadd.s32 $0xFFFF9C00  }
0x1c7: {  	v1 =	vld [tilespmem:$0x0]  }
0x1c8: {  	v2 =	vld [tilespmem:$0x10]  }
0x1c9: {  	v3 =	vld [tilespmem:$0x20]  }
0x1ca: {  	v4 =	vld [tilespmem:$0x30]  }
0x1cb: {  	v5 =	vld [tilespmem:$0x40]  }
0x1cc: {  	v6 =	vld [tilespmem:$0x50];
	v1 =	vshra.s32 v1, $0x3  }
0x1cd: {  	[tilespmem:$0x6400] =	vst v1;
	v1 =	vshra.s32 v2, $0x3;
	v2 =	vld [tilespmem:$0x60]  }
0x1ce: {  	[tilespmem:$0x6410] =	vst v1;
	v1 =	vshra.s32 v3, $0x3;
	v3 =	vld [tilespmem:$0x70]  }
0x1cf: {  	v56 =	vld [tilespmem:$0x80];
	[tilespmem:$0x6420] =	vst v1;
	v1 =	vshra.s32 v4, $0x3  }
0x1d0: {  	v57 =	vld [tilespmem:$0x90];
	[tilespmem:$0x6430] =	vst v1;
	v1 =	vshra.s32 v5, $0x3  }
0x1d1: {  	v58 =	vld [tilespmem:$0xA0];
	[tilespmem:$0x6440] =	vst v1;
	v1 =	vshra.s32 v6, $0x3  }
0x1d2: {  	[tilespmem:$0x6450] =	vst v1;
	v1 =	vshra.s32 v2, $0x3;
	v2 =	vld [tilespmem:$0xB0]  }
0x1d3: {  	[tilespmem:$0x6460] =	vst v1;
	v1 =	vshra.s32 v3, $0x3;
	v3 =	vld [tilespmem:$0xC0]  }
0x1d4: {  	v59 =	vld [tilespmem:$0xD0];
	[tilespmem:$0x6470] =	vst v1;
	v1 =	vshra.s32 v56, $0x3  }
0x1d5: {  	v60 =	vld [tilespmem:$0xE0];
	[tilespmem:$0x6480] =	vst v1;
	v1 =	vshra.s32 v57, $0x3  }
0x1d6: {  	v61 =	vld [tilespmem:$0xF0];
	[tilespmem:$0x6490] =	vst v1;
	v1 =	vshra.s32 v58, $0x3  }
0x1d7: {  	[tilespmem:$0x64A0] =	vst v1;
	v1 =	vshra.s32 v2, $0x3;
	v2 =	vld [tilespmem:$0x100]  }
0x1d8: {  	[tilespmem:$0x64B0] =	vst v1;
	v1 =	vshra.s32 v3, $0x3;
	v3 =	vld [tilespmem:$0x110]  }
0x1d9: {  	v62 =	vld [tilespmem:$0x120];
	[tilespmem:$0x64C0] =	vst v1;
	v1 =	vshra.s32 v59, $0x3  }
0x1da: {  	v63 =	vld [tilespmem:$0x130];
	[tilespmem:$0x64D0] =	vst v1;
	v1 =	vshra.s32 v60, $0x3  }
0x1db: {  	[tilespmem:$0x64E0] =	vst v1;
	v1 =	vshra.s32 v61, $0x3  }
0x1dc: {  	[tilespmem:$0x64F0] =	vst v1;
	v1 =	vshra.s32 v2, $0x3  }
0x1dd: {  	[tilespmem:$0x6500] =	vst v1;
	v1 =	vshra.s32 v3, $0x3  }
0x1de: {  	[tilespmem:$0x6510] =	vst v1;
	v1 =	vshra.s32 v62, $0x3  }
0x1df: {  	s29 =	simm.s32 $0x140;
	[tilespmem:$0x6520] =	vst v1;
	v1 =	vshra.s32 v63, $0x3  }
0x1e0: {  	s30 =	simm.s32 $0x280;
	s31 =	simm.s32 $0x0;
	s0 =	simm.s32 $0x0;
	[tilespmem:$0x6530] =	vst v1  }
0x1e1: {  	[tilespmem:s19], [sflag:$0x1] =	stream.indirect.gather [hbm4b:s9+s29], $0x80, s18, s29, $0xb8;
	[tilespmem:$0x1BB00] =	vst v63  }
.LBB2_12:
0x1e2: {  	s3 =	sshllo.u32 s0, $0x1  }
0x1e3: {  	s12 =	smul.u32 $0x500, s3;
	_ =	sdelay $0x1  }
0x1e4: {  	s12 =	sshra.s32 s12, $0x2  }
0x1e5: {  	v1 =	vld [tilespmem:s12+$0x0];
	_ =	sdelay $0x4  }
0x1e6: {  	v1 =	vshra.s32 v1, $0x3  }
0x1e7: {  	[tilespmem:$0x6580] =	vst v1  }
0x1e8: {  	v1 =	vld [tilespmem:s12+$0x10];
	_ =	sdelay $0x4  }
0x1e9: {  	v1 =	vshra.s32 v1, $0x3  }
0x1ea: {  	[tilespmem:$0x6590] =	vst v1  }
0x1eb: {  	v1 =	vld [tilespmem:s12+$0x20];
	_ =	sdelay $0x4  }
0x1ec: {  	v1 =	vshra.s32 v1, $0x3  }
0x1ed: {  	[tilespmem:$0x65A0] =	vst v1  }
0x1ee: {  	v1 =	vld [tilespmem:s12+$0x30];
	_ =	sdelay $0x4  }
0x1ef: {  	v1 =	vshra.s32 v1, $0x3  }
0x1f0: {  	[tilespmem:$0x65B0] =	vst v1  }
0x1f1: {  	v1 =	vld [tilespmem:s12+$0x40];
	_ =	sdelay $0x4  }
0x1f2: {  	v1 =	vshra.s32 v1, $0x3  }
0x1f3: {  	[tilespmem:$0x65C0] =	vst v1  }
0x1f4: {  	v1 =	vld [tilespmem:s12+$0x50];
	_ =	sdelay $0x4  }
0x1f5: {  	v1 =	vshra.s32 v1, $0x3  }
0x1f6: {  	[tilespmem:$0x65D0] =	vst v1  }
0x1f7: {  	v1 =	vld [tilespmem:s12+$0x60];
	_ =	sdelay $0x4  }
0x1f8: {  	v1 =	vshra.s32 v1, $0x3  }
0x1f9: {  	[tilespmem:$0x65E0] =	vst v1  }
0x1fa: {  	v1 =	vld [tilespmem:s12+$0x70];
	_ =	sdelay $0x4  }
0x1fb: {  	v1 =	vshra.s32 v1, $0x3  }
0x1fc: {  	[tilespmem:$0x65F0] =	vst v1  }
0x1fd: {  	v1 =	vld [tilespmem:s12+$0x80];
	_ =	sdelay $0x4  }
0x1fe: {  	v1 =	vshra.s32 v1, $0x3  }
0x1ff: {  	[tilespmem:$0x6600] =	vst v1  }
0x200: {  	v1 =	vld [tilespmem:s12+$0x90];
	_ =	sdelay $0x4  }
0x201: {  	v1 =	vshra.s32 v1, $0x3  }
0x202: {  	[tilespmem:$0x6610] =	vst v1  }
0x203: {  	v1 =	vld [tilespmem:s12+$0xA0];
	_ =	sdelay $0x4  }
0x204: {  	v1 =	vshra.s32 v1, $0x3  }
0x205: {  	[tilespmem:$0x6620] =	vst v1  }
0x206: {  	v1 =	vld [tilespmem:s12+$0xB0];
	_ =	sdelay $0x4  }
0x207: {  	v1 =	vshra.s32 v1, $0x3  }
0x208: {  	[tilespmem:$0x6630] =	vst v1  }
0x209: {  	v1 =	vld [tilespmem:s12+$0xC0];
	_ =	sdelay $0x4  }
0x20a: {  	v1 =	vshra.s32 v1, $0x3  }
0x20b: {  	[tilespmem:$0x6640] =	vst v1  }
0x20c: {  	v1 =	vld [tilespmem:s12+$0xD0];
	_ =	sdelay $0x4  }
0x20d: {  	v1 =	vshra.s32 v1, $0x3  }
0x20e: {  	[tilespmem:$0x6650] =	vst v1  }
0x20f: {  	v1 =	vld [tilespmem:s12+$0xE0];
	_ =	sdelay $0x4  }
0x210: {  	v1 =	vshra.s32 v1, $0x3  }
0x211: {  	[tilespmem:$0x6660] =	vst v1  }
0x212: {  	v1 =	vld [tilespmem:s12+$0xF0];
	_ =	sdelay $0x4  }
0x213: {  	v1 =	vshra.s32 v1, $0x3  }
0x214: {  	[tilespmem:$0x6670] =	vst v1  }
0x215: {  	v1 =	vld [tilespmem:s12+$0x100];
	_ =	sdelay $0x4  }
0x216: {  	v1 =	vshra.s32 v1, $0x3  }
0x217: {  	[tilespmem:$0x6680] =	vst v1  }
0x218: {  	v1 =	vld [tilespmem:s12+$0x110];
	_ =	sdelay $0x4  }
0x219: {  	v1 =	vshra.s32 v1, $0x3  }
0x21a: {  	[tilespmem:$0x6690] =	vst v1  }
0x21b: {  	v1 =	vld [tilespmem:s12+$0x120];
	_ =	sdelay $0x4  }
0x21c: {  	v1 =	vshra.s32 v1, $0x3  }
0x21d: {  	[tilespmem:$0x66A0] =	vst v1  }
0x21e: {  	v1 =	vld [tilespmem:s12+$0x130];
	_ =	sdelay $0x4  }
0x21f: {  	v1 =	vshra.s32 v1, $0x3  }
0x220: {  	[tilespmem:$0x66B0] =	vst v1  }
0x221: {  	[tilespmem:s22], [sflag:$0x2] =	stream.indirect.gather [hbm4b:s9+s20], $0x80, s21, s20, $0xb8;
	[tilespmem:$0x1BB00] =	vst v63  }
0x222: {  	s16 =	sadd.s32 $0x0, s31;
	_ =	swait.ge [sflag:s23], $0xA000  }
0x223: {  	s13 =	sand.u32 $0x70, s28;
	s12 =	sand.u32 $0x1FF80, s16;
	[sflag:s23] =	ssyncset.done $0x0  }
0x224: {  	s12 =	sor.u32 s13, s12;
	[sflag:s23] =	ssyncadd.s32 $0xFFFF6000  }
0x225: {  	v1 =	vld [tilespmem:s12+$0x0];
	_ =	sdelay $0x4  }
0x226: {  	v2 =	vor.u32 s28, v0;
	v1 =	vshll.u32 v1, $0x4  }
0x227: {  	v3 =	vshll.u32 v2, $0x7;
	v1 =	vand.u32 $0x70, v1  }
0x228: {  	v1 =	vor.u32 v3, v1;
	_ =	sdelay $0x4  }
0x229: {  	v4 =	vshll.u32 v2, $0x4;
	v3 =	vld.idx.msk [tilespmem:v1+s19+$0x0], $0xffff  }
0x22a: {  	v2 =	vor.u32 $0x1, v1;
	_ =	sdelay $0x3  }
0x22b: {  	[tilespmem:v4+s24+$0x0] =	vst.idx.msk $0xffff, v3  }
0x22c: {  	v3 =	vor.u32 $0x1, v4;
	v2 =	vld.idx.msk [tilespmem:v2+s19+$0x0], $0xffff  }
0x22d: {  	v5 =	vor.u32 $0x2, v1;
	_ =	sdelay $0x3  }
0x22e: {  	[tilespmem:v3+s24+$0x0] =	vst.idx.msk $0xffff, v2  }
0x22f: {  	v3 =	vor.u32 $0x2, v4;
	v2 =	vld.idx.msk [tilespmem:v5+s19+$0x0], $0xffff  }
0x230: {  	v52 =	vor.u32 $0x3, v1;
	_ =	sdelay $0x3  }
0x231: {  	[tilespmem:v3+s24+$0x0] =	vst.idx.msk $0xffff, v2  }
0x232: {  	v3 =	vor.u32 $0x3, v4;
	v2 =	vld.idx.msk [tilespmem:v52+s19+$0x0], $0xffff  }
0x233: {  	v53 =	vor.u32 $0x4, v1;
	_ =	sdelay $0x3  }
0x234: {  	[tilespmem:v3+s24+$0x0] =	vst.idx.msk $0xffff, v2  }
0x235: {  	v3 =	vor.u32 $0x4, v4;
	v2 =	vld.idx.msk [tilespmem:v53+s19+$0x0], $0xffff  }
0x236: {  	v54 =	vor.u32 $0x5, v1;
	_ =	sdelay $0x3  }
0x237: {  	[tilespmem:v3+s24+$0x0] =	vst.idx.msk $0xffff, v2  }
0x238: {  	v3 =	vor.u32 $0x5, v4;
	v2 =	vld.idx.msk [tilespmem:v54+s19+$0x0], $0xffff  }
0x239: {  	v55 =	vor.u32 $0x6, v1;
	_ =	sdelay $0x3  }
0x23a: {  	[tilespmem:v3+s24+$0x0] =	vst.idx.msk $0xffff, v2  }
0x23b: {  	v3 =	vor.u32 $0x6, v4;
	v2 =	vld.idx.msk [tilespmem:v55+s19+$0x0], $0xffff  }
0x23c: {  	v56 =	vor.u32 $0x7, v1;
	_ =	sdelay $0x3  }
0x23d: {  	[tilespmem:v3+s24+$0x0] =	vst.idx.msk $0xffff, v2  }
0x23e: {  	v3 =	vor.u32 $0x7, v4;
	v2 =	vld.idx.msk [tilespmem:v56+s19+$0x0], $0xffff  }
0x23f: {  	v57 =	vor.u32 $0x8, v1;
	_ =	sdelay $0x3  }
0x240: {  	[tilespmem:v3+s24+$0x0] =	vst.idx.msk $0xffff, v2  }
0x241: {  	v3 =	vor.u32 $0x8, v4;
	v2 =	vld.idx.msk [tilespmem:v57+s19+$0x0], $0xffff  }
0x242: {  	v58 =	vor.u32 $0x9, v1;
	_ =	sdelay $0x3  }
0x243: {  	[tilespmem:v3+s24+$0x0] =	vst.idx.msk $0xffff, v2  }
0x244: {  	v3 =	vor.u32 $0x9, v4;
	v2 =	vld.idx.msk [tilespmem:v58+s19+$0x0], $0xffff  }
0x245: {  	v59 =	vor.u32 $0xA, v1;
	_ =	sdelay $0x3  }
0x246: {  	[tilespmem:v3+s24+$0x0] =	vst.idx.msk $0xffff, v2  }
0x247: {  	v3 =	vor.u32 $0xA, v4;
	v2 =	vld.idx.msk [tilespmem:v59+s19+$0x0], $0xffff  }
0x248: {  	v60 =	vor.u32 $0xB, v1;
	_ =	sdelay $0x3  }
0x249: {  	[tilespmem:v3+s24+$0x0] =	vst.idx.msk $0xffff, v2  }
0x24a: {  	v3 =	vor.u32 $0xB, v4;
	v2 =	vld.idx.msk [tilespmem:v60+s19+$0x0], $0xffff  }
0x24b: {  	v61 =	vor.u32 $0xC, v1;
	_ =	sdelay $0x3  }
0x24c: {  	[tilespmem:v3+s24+$0x0] =	vst.idx.msk $0xffff, v2  }
0x24d: {  	v3 =	vor.u32 $0xC, v4;
	v2 =	vld.idx.msk [tilespmem:v61+s19+$0x0], $0xffff  }
0x24e: {  	v62 =	vor.u32 $0xD, v1;
	_ =	sdelay $0x3  }
0x24f: {  	[tilespmem:v3+s24+$0x0] =	vst.idx.msk $0xffff, v2  }
0x250: {  	v3 =	vor.u32 $0xD, v4;
	v2 =	vld.idx.msk [tilespmem:v62+s19+$0x0], $0xffff  }
0x251: {  	v63 =	vor.u32 $0xE, v1;
	_ =	sdelay $0x3  }
0x252: {  	[tilespmem:v3+s24+$0x0] =	vst.idx.msk $0xffff, v2  }
0x253: {  	v3 =	vor.u32 $0xE, v4;
	v2 =	vld.idx.msk [tilespmem:v63+s19+$0x0], $0xffff  }
0x254: {  	v1 =	vor.u32 $0xF, v1;
	_ =	sdelay $0x3  }
0x255: {  	[tilespmem:v3+s24+$0x0] =	vst.idx.msk $0xffff, v2  }
0x256: {  	v2 =	vld.idx.msk [tilespmem:v1+s19+$0x0], $0xffff;
	v1 =	vor.u32 $0xF, v4;
	_ =	sdelay $0x1  }
0x257: {  	s15 =	sadd.s32 $0x10, s31;
	s14 =	simm.s32 $0x20;
	s13 =	simm.s32 $0x10  }
0x258: {  	s15 =	sand.u32 $0x1FF80, s15;
	s16 =	sand.u32 $0x70, s13;
	s12 =	smul.u32 $0x280, s0  }
.LBB2_13:
0x259: {  	p0 =	sne.s32 s14, $0x130  }
0x25a: {  	s15 =	sor.u32 s16, s15;
	[tilespmem:v1+s24+$0x0] =	vst.idx.msk $0xffff, v2;
	s16 =	smov.u32 s14;
	s14 =	sadd.s32 $0x10, s14  }
0x25b: {  	v1 =	vld [tilespmem:s15+$0x0];
	_ =	sdelay $0x4  }
0x25c: {  	v3 =	vor.u32 s13, v0;
	s13 =	smov.u32 s16;
	v1 =	vshll.u32 v1, $0x4  }
0x25d: {  	v2 =	vshll.u32 v3, $0x7;
	v1 =	vand.u32 $0x70, v1  }
0x25e: {  	v2 =	vor.u32 v2, v1;
	_ =	sdelay $0x4  }
0x25f: {  	v4 =	vld.idx.msk [tilespmem:v2+s19+$0x0], $0xffff  }
0x260: {  	v1 =	vshll.u32 v3, $0x4  }
0x261: {  	v3 =	vor.u32 $0x1, v2;
	_ =	sdelay $0x3  }
0x262: {  	[tilespmem:v1+s24+$0x0] =	vst.idx.msk $0xffff, v4  }
0x263: {  	v3 =	vld.idx.msk [tilespmem:v3+s19+$0x0], $0xffff  }
0x264: {  	v4 =	vor.u32 $0x1, v1  }
0x265: {  	v5 =	vor.u32 $0x2, v2;
	_ =	sdelay $0x3  }
0x266: {  	[tilespmem:v4+s24+$0x0] =	vst.idx.msk $0xffff, v3  }
0x267: {  	v3 =	vld.idx.msk [tilespmem:v5+s19+$0x0], $0xffff  }
0x268: {  	v4 =	vor.u32 $0x2, v1  }
0x269: {  	v5 =	vor.u32 $0x3, v2;
	_ =	sdelay $0x3  }
0x26a: {  	[tilespmem:v4+s24+$0x0] =	vst.idx.msk $0xffff, v3  }
0x26b: {  	v3 =	vld.idx.msk [tilespmem:v5+s19+$0x0], $0xffff  }
0x26c: {  	v4 =	vor.u32 $0x3, v1  }
0x26d: {  	v5 =	vor.u32 $0x4, v2;
	_ =	sdelay $0x3  }
0x26e: {  	[tilespmem:v4+s24+$0x0] =	vst.idx.msk $0xffff, v3  }
0x26f: {  	v3 =	vld.idx.msk [tilespmem:v5+s19+$0x0], $0xffff  }
0x270: {  	v4 =	vor.u32 $0x4, v1  }
0x271: {  	v5 =	vor.u32 $0x5, v2;
	_ =	sdelay $0x3  }
0x272: {  	[tilespmem:v4+s24+$0x0] =	vst.idx.msk $0xffff, v3  }
0x273: {  	v3 =	vld.idx.msk [tilespmem:v5+s19+$0x0], $0xffff  }
0x274: {  	v4 =	vor.u32 $0x5, v1  }
0x275: {  	v5 =	vor.u32 $0x6, v2;
	_ =	sdelay $0x3  }
0x276: {  	[tilespmem:v4+s24+$0x0] =	vst.idx.msk $0xffff, v3  }
0x277: {  	v3 =	vld.idx.msk [tilespmem:v5+s19+$0x0], $0xffff  }
0x278: {  	v4 =	vor.u32 $0x6, v1  }
0x279: {  	v5 =	vor.u32 $0x7, v2;
	_ =	sdelay $0x3  }
0x27a: {  	[tilespmem:v4+s24+$0x0] =	vst.idx.msk $0xffff, v3  }
0x27b: {  	v3 =	vld.idx.msk [tilespmem:v5+s19+$0x0], $0xffff  }
0x27c: {  	v4 =	vor.u32 $0x7, v1  }
0x27d: {  	v5 =	vor.u32 $0x8, v2;
	_ =	sdelay $0x3  }
0x27e: {  	[tilespmem:v4+s24+$0x0] =	vst.idx.msk $0xffff, v3  }
0x27f: {  	v3 =	vld.idx.msk [tilespmem:v5+s19+$0x0], $0xffff  }
0x280: {  	v4 =	vor.u32 $0x8, v1  }
0x281: {  	v5 =	vor.u32 $0x9, v2;
	_ =	sdelay $0x3  }
0x282: {  	[tilespmem:v4+s24+$0x0] =	vst.idx.msk $0xffff, v3  }
0x283: {  	v3 =	vld.idx.msk [tilespmem:v5+s19+$0x0], $0xffff  }
0x284: {  	v4 =	vor.u32 $0x9, v1  }
0x285: {  	v5 =	vor.u32 $0xA, v2;
	_ =	sdelay $0x3  }
0x286: {  	[tilespmem:v4+s24+$0x0] =	vst.idx.msk $0xffff, v3  }
0x287: {  	v3 =	vld.idx.msk [tilespmem:v5+s19+$0x0], $0xffff  }
0x288: {  	v4 =	vor.u32 $0xA, v1  }
0x289: {  	v5 =	vor.u32 $0xB, v2;
	_ =	sdelay $0x3  }
0x28a: {  	[tilespmem:v4+s24+$0x0] =	vst.idx.msk $0xffff, v3  }
0x28b: {  	v3 =	vld.idx.msk [tilespmem:v5+s19+$0x0], $0xffff  }
0x28c: {  	v4 =	vor.u32 $0xB, v1  }
0x28d: {  	v5 =	vor.u32 $0xC, v2;
	_ =	sdelay $0x3  }
0x28e: {  	[tilespmem:v4+s24+$0x0] =	vst.idx.msk $0xffff, v3  }
0x28f: {  	v3 =	vld.idx.msk [tilespmem:v5+s19+$0x0], $0xffff  }
0x290: {  	v4 =	vor.u32 $0xC, v1  }
0x291: {  	v5 =	vor.u32 $0xD, v2;
	_ =	sdelay $0x3  }
0x292: {  	[tilespmem:v4+s24+$0x0] =	vst.idx.msk $0xffff, v3  }
0x293: {  	v3 =	vld.idx.msk [tilespmem:v5+s19+$0x0], $0xffff  }
0x294: {  	v4 =	vor.u32 $0xD, v1  }
0x295: {  	v5 =	vor.u32 $0xE, v2;
	_ =	sdelay $0x3  }
0x296: {  	[tilespmem:v4+s24+$0x0] =	vst.idx.msk $0xffff, v3  }
0x297: {  	v3 =	vld.idx.msk [tilespmem:v5+s19+$0x0], $0xffff  }
0x298: {  	v4 =	vor.u32 $0xE, v1  }
0x299: {  	v2 =	vor.u32 $0xF, v2;
	_ =	sdelay $0x3  }
0x29a: {  	[tilespmem:v4+s24+$0x0] =	vst.idx.msk $0xffff, v3  }
0x29b: {  	v2 =	vld.idx.msk [tilespmem:v2+s19+$0x0], $0xffff  }
.Ltmp5:
0x29c: {  	v1 =	vor.u32 $0xF, v1;
	(pc) =	sbr.rel @p0 .LBB2_13-.Ltmp5, $3  }
0x29d: {  	_ =	sdelay $0x1  }
0x29e: {  	s15 =	sadd.s32 s13, s31  }
0x29f: {  	s16 =	sand.u32 $0x70, s13;
	s15 =	sand.u32 $0x1FF80, s15  }
0x2a0: {  	_ =	sdelay $0x3  }
0x2a1: {  	s14 =	sor.u32 s16, s15;
	[tilespmem:v1+s24+$0x0] =	vst.idx.msk $0xffff, v2  }
0x2a2: {  	v1 =	vld [tilespmem:s14+$0x0];
	_ =	sdelay $0x4  }
0x2a3: {  	v2 =	vor.u32 s13, v0;
	v1 =	vshll.u32 v1, $0x4  }
0x2a4: {  	v3 =	vshll.u32 v2, $0x7;
	v1 =	vand.u32 $0x70, v1  }
0x2a5: {  	v1 =	vor.u32 v3, v1;
	_ =	sdelay $0x4  }
0x2a6: {  	v2 =	vshll.u32 v2, $0x4;
	v3 =	vld.idx.msk [tilespmem:v1+s19+$0x0], $0xffff  }
0x2a7: {  	v4 =	vor.u32 $0x1, v1;
	_ =	sdelay $0x3  }
0x2a8: {  	[tilespmem:v2+s24+$0x0] =	vst.idx.msk $0xffff, v3  }
0x2a9: {  	v38 =	vor.u32 $0x1, v2;
	v3 =	vld.idx.msk [tilespmem:v4+s19+$0x0], $0xffff  }
0x2aa: {  	v5 =	vor.u32 $0x2, v1;
	_ =	sdelay $0x3  }
0x2ab: {  	[tilespmem:v38+s24+$0x0] =	vst.idx.msk $0xffff, v3  }
0x2ac: {  	v39 =	vor.u32 $0x2, v2;
	v3 =	vld.idx.msk [tilespmem:v5+s19+$0x0], $0xffff  }
0x2ad: {  	v40 =	vor.u32 $0x3, v1;
	_ =	sdelay $0x3  }
0x2ae: {  	[tilespmem:v39+s24+$0x0] =	vst.idx.msk $0xffff, v3  }
0x2af: {  	v41 =	vor.u32 $0x3, v2;
	v3 =	vld.idx.msk [tilespmem:v40+s19+$0x0], $0xffff  }
0x2b0: {  	v42 =	vor.u32 $0x4, v1;
	_ =	sdelay $0x3  }
0x2b1: {  	[tilespmem:v41+s24+$0x0] =	vst.idx.msk $0xffff, v3  }
0x2b2: {  	v43 =	vor.u32 $0x4, v2;
	v3 =	vld.idx.msk [tilespmem:v42+s19+$0x0], $0xffff  }
0x2b3: {  	v44 =	vor.u32 $0x5, v1;
	_ =	sdelay $0x3  }
0x2b4: {  	[tilespmem:v43+s24+$0x0] =	vst.idx.msk $0xffff, v3  }
0x2b5: {  	v45 =	vor.u32 $0x5, v2;
	v3 =	vld.idx.msk [tilespmem:v44+s19+$0x0], $0xffff  }
0x2b6: {  	v46 =	vor.u32 $0x6, v1;
	_ =	sdelay $0x3  }
0x2b7: {  	[tilespmem:v45+s24+$0x0] =	vst.idx.msk $0xffff, v3  }
0x2b8: {  	v47 =	vor.u32 $0x6, v2;
	v3 =	vld.idx.msk [tilespmem:v46+s19+$0x0], $0xffff  }
0x2b9: {  	v48 =	vor.u32 $0x7, v1;
	_ =	sdelay $0x3  }
0x2ba: {  	[tilespmem:v47+s24+$0x0] =	vst.idx.msk $0xffff, v3  }
0x2bb: {  	v49 =	vor.u32 $0x7, v2;
	v3 =	vld.idx.msk [tilespmem:v48+s19+$0x0], $0xffff  }
0x2bc: {  	v50 =	vor.u32 $0x8, v1;
	_ =	sdelay $0x3  }
0x2bd: {  	[tilespmem:v49+s24+$0x0] =	vst.idx.msk $0xffff, v3  }
0x2be: {  	v51 =	vor.u32 $0x8, v2;
	v3 =	vld.idx.msk [tilespmem:v50+s19+$0x0], $0xffff  }
0x2bf: {  	v52 =	vor.u32 $0x9, v1;
	_ =	sdelay $0x3  }
0x2c0: {  	[tilespmem:v51+s24+$0x0] =	vst.idx.msk $0xffff, v3  }
0x2c1: {  	v53 =	vor.u32 $0x9, v2;
	v3 =	vld.idx.msk [tilespmem:v52+s19+$0x0], $0xffff  }
0x2c2: {  	v54 =	vor.u32 $0xA, v1;
	_ =	sdelay $0x3  }
0x2c3: {  	[tilespmem:v53+s24+$0x0] =	vst.idx.msk $0xffff, v3  }
0x2c4: {  	v55 =	vor.u32 $0xA, v2;
	v3 =	vld.idx.msk [tilespmem:v54+s19+$0x0], $0xffff  }
0x2c5: {  	v56 =	vor.u32 $0xB, v1;
	_ =	sdelay $0x3  }
0x2c6: {  	[tilespmem:v55+s24+$0x0] =	vst.idx.msk $0xffff, v3  }
0x2c7: {  	v57 =	vor.u32 $0xB, v2;
	v3 =	vld.idx.msk [tilespmem:v56+s19+$0x0], $0xffff  }
0x2c8: {  	v58 =	vor.u32 $0xC, v1;
	_ =	sdelay $0x3  }
0x2c9: {  	[tilespmem:v57+s24+$0x0] =	vst.idx.msk $0xffff, v3  }
0x2ca: {  	v59 =	vor.u32 $0xC, v2;
	v3 =	vld.idx.msk [tilespmem:v58+s19+$0x0], $0xffff  }
0x2cb: {  	v60 =	vor.u32 $0xD, v1;
	_ =	sdelay $0x3  }
0x2cc: {  	[tilespmem:v59+s24+$0x0] =	vst.idx.msk $0xffff, v3  }
0x2cd: {  	v61 =	vor.u32 $0xD, v2;
	v3 =	vld.idx.msk [tilespmem:v60+s19+$0x0], $0xffff  }
0x2ce: {  	v62 =	vor.u32 $0xE, v1;
	_ =	sdelay $0x3  }
0x2cf: {  	[tilespmem:v61+s24+$0x0] =	vst.idx.msk $0xffff, v3  }
0x2d0: {  	v63 =	vor.u32 $0xE, v2;
	v3 =	vld.idx.msk [tilespmem:v62+s19+$0x0], $0xffff  }
0x2d1: {  	v1 =	vor.u32 $0xF, v1;
	_ =	sdelay $0x3  }
0x2d2: {  	[tilespmem:v63+s24+$0x0] =	vst.idx.msk $0xffff, v3  }
0x2d3: {  	v2 =	vor.u32 $0xF, v2;
	v1 =	vld.idx.msk [tilespmem:v1+s19+$0x0], $0xffff;
	_ =	sdelay $0x2  }
0x2d4: {  	s12 =	sadd.s32 s7, s12  }
0x2d5: {  	p0 =	seq.s32 s0, $0x27;
	s12 =	sshll.u32 s12, $0x1  }
.Ltmp6:
0x2d6: {  	s16 =	sadd.s32 s2, s12;
	s12 =	simm.s32 $0x0;
	[tilespmem:v2+s24+$0x0] =	vst.idx.msk $0xffff, v1;
	(pc) =	sbr.rel @p0 .LBB2_18-.Ltmp6, $4  }
0x2d7: {  	[hbm4b:s16+s12] =	stream.linear.scatter [tilespmem:s24], [sflag:$0x3], $0x1400, $0x38;
	[tilespmem:$0x1BB00] =	vst v63  }
0x2d8: {  	_ =	swait.ge [sflag:s17], $0x1400  }
0x2d9: {  	[sflag:s17] =	ssyncset.done $0x0  }
0x2da: {  	s13 =	simm.s32 $0x6400;
	[sflag:s17] =	ssyncadd.s32 $0xFFFFEC00  }
0x2db: {  	s14 =	sadd.s32 $0x0, s30  }
0x2dc: {  	s15 =	sand.u32 $0x70, s12;
	s14 =	sand.u32 $0x3FF80, s14  }
0x2dd: {  	s15 =	sor.u32 s15, s14  }
0x2de: {  	v1 =	vld [tilespmem:s15+$0x0];
	_ =	sdelay $0x3  }
0x2df: {  	s16 =	sadd.s32 $0x10, s30;
	s14 =	simm.s32 $0x10;
	s15 =	simm.s32 $0x20  }
.LBB2_16:
0x2e0: {  	p0 =	sne.s32 s15, $0x130;
	s16 =	sand.u32 $0x3FF80, s16;
	s14 =	sand.u32 $0x70, s14;
	v1 =	vshra.s32 v1, $0x3  }
0x2e1: {  	s16 =	sor.u32 s14, s16;
	[tilespmem:s13+$0x0] =	vst v1;
	s14 =	smov.u32 s15  }
.Ltmp7:
0x2e2: {  	v1 =	vld [tilespmem:s16+$0x0];
	(pc) =	sbr.rel @p0 .LBB2_16-.Ltmp7, $2  }
0x2e3: {  	_ =	sdelay $0x2  }
0x2e4: {  	s15 =	sadd.s32 $0x10, s15;
	s13 =	sadd.s32 $0x10, s13;
	s16 =	sadd.s32 s14, s30  }
0x2e5: {  	s15 =	sand.u32 $0x3FF80, s16;
	s14 =	sand.u32 $0x70, s14;
	v1 =	vshra.s32 v1, $0x3  }
0x2e6: {  	s14 =	sor.u32 s14, s15;
	[tilespmem:s13+$0x0] =	vst v1  }
0x2e7: {  	v1 =	vld [tilespmem:s14+$0x0];
	_ =	sdelay $0x4  }
0x2e8: {  	s16 =	sadd.s32 $0x10, s13;
	v1 =	vshra.s32 v1, $0x3  }
0x2e9: {  	[tilespmem:s16+$0x0] =	vst v1  }
0x2ea: {  	[tilespmem:s19], [sflag:$0x1] =	stream.indirect.gather [hbm4b:s9+s20], $0x80, s18, s20, $0xb8;
	[tilespmem:$0x1BB00] =	vst v63  }
.LBB2_18:
0x2eb: {  	_ =	swait.ge [sflag:s25], $0xA000  }
0x2ec: {  	[sflag:s25] =	ssyncset.done $0x0  }
0x2ed: {  	[sflag:s25] =	ssyncadd.s32 $0xFFFF6000  }
0x2ee: {  	v1 =	vld [tilespmem:s29+$0x0];
	_ =	sdelay $0x4  }
0x2ef: {  	v2 =	vor.u32 s12, v0;
	v1 =	vshll.u32 v1, $0x4  }
0x2f0: {  	v3 =	vshll.u32 v2, $0x7;
	v1 =	vand.u32 $0x70, v1  }
0x2f1: {  	v1 =	vor.u32 v3, v1;
	_ =	sdelay $0x4  }
0x2f2: {  	v4 =	vshll.u32 v2, $0x4;
	v3 =	vld.idx.msk [tilespmem:v1+s22+$0x0], $0xffff  }
0x2f3: {  	v2 =	vor.u32 $0x1, v1;
	_ =	sdelay $0x3  }
0x2f4: {  	[tilespmem:v4+s24+$0x0] =	vst.idx.msk $0xffff, v3  }
0x2f5: {  	v3 =	vor.u32 $0x1, v4;
	v2 =	vld.idx.msk [tilespmem:v2+s22+$0x0], $0xffff  }
0x2f6: {  	v5 =	vor.u32 $0x2, v1;
	_ =	sdelay $0x3  }
0x2f7: {  	[tilespmem:v3+s24+$0x0] =	vst.idx.msk $0xffff, v2  }
0x2f8: {  	v3 =	vor.u32 $0x2, v4;
	v2 =	vld.idx.msk [tilespmem:v5+s22+$0x0], $0xffff  }
0x2f9: {  	v52 =	vor.u32 $0x3, v1;
	_ =	sdelay $0x3  }
0x2fa: {  	[tilespmem:v3+s24+$0x0] =	vst.idx.msk $0xffff, v2  }
0x2fb: {  	v3 =	vor.u32 $0x3, v4;
	v2 =	vld.idx.msk [tilespmem:v52+s22+$0x0], $0xffff  }
0x2fc: {  	v53 =	vor.u32 $0x4, v1;
	_ =	sdelay $0x3  }
0x2fd: {  	[tilespmem:v3+s24+$0x0] =	vst.idx.msk $0xffff, v2  }
0x2fe: {  	v3 =	vor.u32 $0x4, v4;
	v2 =	vld.idx.msk [tilespmem:v53+s22+$0x0], $0xffff  }
0x2ff: {  	v54 =	vor.u32 $0x5, v1;
	_ =	sdelay $0x3  }
0x300: {  	[tilespmem:v3+s24+$0x0] =	vst.idx.msk $0xffff, v2  }
0x301: {  	v3 =	vor.u32 $0x5, v4;
	v2 =	vld.idx.msk [tilespmem:v54+s22+$0x0], $0xffff  }
0x302: {  	v55 =	vor.u32 $0x6, v1;
	_ =	sdelay $0x3  }
0x303: {  	[tilespmem:v3+s24+$0x0] =	vst.idx.msk $0xffff, v2  }
0x304: {  	v3 =	vor.u32 $0x6, v4;
	v2 =	vld.idx.msk [tilespmem:v55+s22+$0x0], $0xffff  }
0x305: {  	v56 =	vor.u32 $0x7, v1;
	_ =	sdelay $0x3  }
0x306: {  	[tilespmem:v3+s24+$0x0] =	vst.idx.msk $0xffff, v2  }
0x307: {  	v3 =	vor.u32 $0x7, v4;
	v2 =	vld.idx.msk [tilespmem:v56+s22+$0x0], $0xffff  }
0x308: {  	v57 =	vor.u32 $0x8, v1;
	_ =	sdelay $0x3  }
0x309: {  	[tilespmem:v3+s24+$0x0] =	vst.idx.msk $0xffff, v2  }
0x30a: {  	v3 =	vor.u32 $0x8, v4;
	v2 =	vld.idx.msk [tilespmem:v57+s22+$0x0], $0xffff  }
0x30b: {  	v58 =	vor.u32 $0x9, v1;
	_ =	sdelay $0x3  }
0x30c: {  	[tilespmem:v3+s24+$0x0] =	vst.idx.msk $0xffff, v2  }
0x30d: {  	v3 =	vor.u32 $0x9, v4;
	v2 =	vld.idx.msk [tilespmem:v58+s22+$0x0], $0xffff  }
0x30e: {  	v59 =	vor.u32 $0xA, v1;
	_ =	sdelay $0x3  }
0x30f: {  	[tilespmem:v3+s24+$0x0] =	vst.idx.msk $0xffff, v2  }
0x310: {  	v3 =	vor.u32 $0xA, v4;
	v2 =	vld.idx.msk [tilespmem:v59+s22+$0x0], $0xffff  }
0x311: {  	v60 =	vor.u32 $0xB, v1;
	_ =	sdelay $0x3  }
0x312: {  	[tilespmem:v3+s24+$0x0] =	vst.idx.msk $0xffff, v2  }
0x313: {  	v3 =	vor.u32 $0xB, v4;
	v2 =	vld.idx.msk [tilespmem:v60+s22+$0x0], $0xffff  }
0x314: {  	v61 =	vor.u32 $0xC, v1;
	_ =	sdelay $0x3  }
0x315: {  	[tilespmem:v3+s24+$0x0] =	vst.idx.msk $0xffff, v2  }
0x316: {  	v3 =	vor.u32 $0xC, v4;
	v2 =	vld.idx.msk [tilespmem:v61+s22+$0x0], $0xffff  }
0x317: {  	v62 =	vor.u32 $0xD, v1;
	_ =	sdelay $0x3  }
0x318: {  	[tilespmem:v3+s24+$0x0] =	vst.idx.msk $0xffff, v2  }
0x319: {  	v3 =	vor.u32 $0xD, v4;
	v2 =	vld.idx.msk [tilespmem:v62+s22+$0x0], $0xffff  }
0x31a: {  	v63 =	vor.u32 $0xE, v1;
	_ =	sdelay $0x3  }
0x31b: {  	[tilespmem:v3+s24+$0x0] =	vst.idx.msk $0xffff, v2  }
0x31c: {  	v3 =	vor.u32 $0xE, v4;
	v2 =	vld.idx.msk [tilespmem:v63+s22+$0x0], $0xffff  }
0x31d: {  	v1 =	vor.u32 $0xF, v1;
	_ =	sdelay $0x3  }
0x31e: {  	[tilespmem:v3+s24+$0x0] =	vst.idx.msk $0xffff, v2  }
0x31f: {  	s12 =	simm.s32 $0x10;
	s13 =	smov.u32 s29;
	v2 =	vld.idx.msk [tilespmem:v1+s22+$0x0], $0xffff;
	v1 =	vor.u32 $0xF, v4  }
.LBB2_19:
0x320: {  	_ =	sdelay $0x2  }
0x321: {  	p0 =	sne.s32 s12, $0x130  }
0x322: {  	s13 =	sadd.s32 $0x10, s13;
	s14 =	smov.u32 s12;
	s12 =	sadd.s32 $0x10, s12;
	[tilespmem:v1+s24+$0x0] =	vst.idx.msk $0xffff, v2  }
0x323: {  	v1 =	vld [tilespmem:s13+$0x0];
	_ =	sdelay $0x4  }
0x324: {  	v3 =	vor.u32 s14, v0;
	v1 =	vshll.u32 v1, $0x4  }
0x325: {  	v2 =	vshll.u32 v3, $0x7;
	v1 =	vand.u32 $0x70, v1  }
0x326: {  	v2 =	vor.u32 v2, v1;
	_ =	sdelay $0x4  }
0x327: {  	v4 =	vld.idx.msk [tilespmem:v2+s22+$0x0], $0xffff  }
0x328: {  	v1 =	vshll.u32 v3, $0x4  }
0x329: {  	v3 =	vor.u32 $0x1, v2;
	_ =	sdelay $0x3  }
0x32a: {  	[tilespmem:v1+s24+$0x0] =	vst.idx.msk $0xffff, v4  }
0x32b: {  	v3 =	vld.idx.msk [tilespmem:v3+s22+$0x0], $0xffff  }
0x32c: {  	v4 =	vor.u32 $0x1, v1  }
0x32d: {  	v5 =	vor.u32 $0x2, v2;
	_ =	sdelay $0x3  }
0x32e: {  	[tilespmem:v4+s24+$0x0] =	vst.idx.msk $0xffff, v3  }
0x32f: {  	v3 =	vld.idx.msk [tilespmem:v5+s22+$0x0], $0xffff  }
0x330: {  	v4 =	vor.u32 $0x2, v1  }
0x331: {  	v5 =	vor.u32 $0x3, v2;
	_ =	sdelay $0x3  }
0x332: {  	[tilespmem:v4+s24+$0x0] =	vst.idx.msk $0xffff, v3  }
0x333: {  	v3 =	vld.idx.msk [tilespmem:v5+s22+$0x0], $0xffff  }
0x334: {  	v4 =	vor.u32 $0x3, v1  }
0x335: {  	v5 =	vor.u32 $0x4, v2;
	_ =	sdelay $0x3  }
0x336: {  	[tilespmem:v4+s24+$0x0] =	vst.idx.msk $0xffff, v3  }
0x337: {  	v3 =	vld.idx.msk [tilespmem:v5+s22+$0x0], $0xffff  }
0x338: {  	v4 =	vor.u32 $0x4, v1  }
0x339: {  	v5 =	vor.u32 $0x5, v2;
	_ =	sdelay $0x3  }
0x33a: {  	[tilespmem:v4+s24+$0x0] =	vst.idx.msk $0xffff, v3  }
0x33b: {  	v3 =	vld.idx.msk [tilespmem:v5+s22+$0x0], $0xffff  }
0x33c: {  	v4 =	vor.u32 $0x5, v1  }
0x33d: {  	v5 =	vor.u32 $0x6, v2;
	_ =	sdelay $0x3  }
0x33e: {  	[tilespmem:v4+s24+$0x0] =	vst.idx.msk $0xffff, v3  }
0x33f: {  	v3 =	vld.idx.msk [tilespmem:v5+s22+$0x0], $0xffff  }
0x340: {  	v4 =	vor.u32 $0x6, v1  }
0x341: {  	v5 =	vor.u32 $0x7, v2;
	_ =	sdelay $0x3  }
0x342: {  	[tilespmem:v4+s24+$0x0] =	vst.idx.msk $0xffff, v3  }
0x343: {  	v3 =	vld.idx.msk [tilespmem:v5+s22+$0x0], $0xffff  }
0x344: {  	v4 =	vor.u32 $0x7, v1  }
0x345: {  	v5 =	vor.u32 $0x8, v2;
	_ =	sdelay $0x3  }
0x346: {  	[tilespmem:v4+s24+$0x0] =	vst.idx.msk $0xffff, v3  }
0x347: {  	v3 =	vld.idx.msk [tilespmem:v5+s22+$0x0], $0xffff  }
0x348: {  	v4 =	vor.u32 $0x8, v1  }
0x349: {  	v5 =	vor.u32 $0x9, v2;
	_ =	sdelay $0x3  }
0x34a: {  	[tilespmem:v4+s24+$0x0] =	vst.idx.msk $0xffff, v3  }
0x34b: {  	v3 =	vld.idx.msk [tilespmem:v5+s22+$0x0], $0xffff  }
0x34c: {  	v4 =	vor.u32 $0x9, v1  }
0x34d: {  	v5 =	vor.u32 $0xA, v2;
	_ =	sdelay $0x3  }
0x34e: {  	[tilespmem:v4+s24+$0x0] =	vst.idx.msk $0xffff, v3  }
0x34f: {  	v3 =	vld.idx.msk [tilespmem:v5+s22+$0x0], $0xffff  }
0x350: {  	v4 =	vor.u32 $0xA, v1  }
0x351: {  	v5 =	vor.u32 $0xB, v2;
	_ =	sdelay $0x3  }
0x352: {  	[tilespmem:v4+s24+$0x0] =	vst.idx.msk $0xffff, v3  }
0x353: {  	v3 =	vld.idx.msk [tilespmem:v5+s22+$0x0], $0xffff  }
0x354: {  	v4 =	vor.u32 $0xB, v1  }
0x355: {  	v5 =	vor.u32 $0xC, v2;
	_ =	sdelay $0x3  }
0x356: {  	[tilespmem:v4+s24+$0x0] =	vst.idx.msk $0xffff, v3  }
0x357: {  	v3 =	vld.idx.msk [tilespmem:v5+s22+$0x0], $0xffff  }
0x358: {  	v4 =	vor.u32 $0xC, v1  }
0x359: {  	v5 =	vor.u32 $0xD, v2;
	_ =	sdelay $0x3  }
0x35a: {  	[tilespmem:v4+s24+$0x0] =	vst.idx.msk $0xffff, v3  }
0x35b: {  	v3 =	vld.idx.msk [tilespmem:v5+s22+$0x0], $0xffff  }
0x35c: {  	v4 =	vor.u32 $0xD, v1  }
0x35d: {  	v5 =	vor.u32 $0xE, v2;
	_ =	sdelay $0x3  }
0x35e: {  	[tilespmem:v4+s24+$0x0] =	vst.idx.msk $0xffff, v3  }
0x35f: {  	v3 =	vld.idx.msk [tilespmem:v5+s22+$0x0], $0xffff  }
0x360: {  	v4 =	vor.u32 $0xE, v1  }
0x361: {  	v2 =	vor.u32 $0xF, v2;
	_ =	sdelay $0x1  }
.Ltmp8:
0x362: {  	(pc) =	sbr.rel @p0 .LBB2_19-.Ltmp8, $4  }
0x363: {  	_ = 	snop  }
0x364: {  	[tilespmem:v4+s24+$0x0] =	vst.idx.msk $0xffff, v3  }
0x365: {  	v2 =	vld.idx.msk [tilespmem:v2+s22+$0x0], $0xffff  }
0x366: {  	v1 =	vor.u32 $0xF, v1  }
0x367: {  	s3 =	smul.u32 $0x140, s3;
	_ =	sdelay $0x1  }
0x368: {  	s3 =	sadd.s32 s7, s3  }
0x369: {  	s0 =	sadd.s32 $0x1, s0;
	s3 =	sshll.u32 s3, $0x1  }
0x36a: {  	p0 =	sne.s32 s0, $0x28;
	s3 =	sand.u32 $0x1FFFFF80, s3  }
.Ltmp9:
0x36b: {  	[tilespmem:v1+s24+$0x0] =	vst.idx.msk $0xffff, v2;
	s3 =	sadd.s32 s2, s3;
	(pc) =	sbr.rel @p0 .LBB2_12-.Ltmp9, $4  }
0x36c: {  	[hbm4b:s3+s6] =	stream.linear.scatter [tilespmem:s24], [sflag:$0x3], $0x1400, $0x38;
	[tilespmem:$0x1BB00] =	vst v63  }
0x36d: {  	_ =	swait.ge [sflag:s17], $0x1400  }
0x36e: {  	s31 =	sadd.s32 $0x280, s31;
	[sflag:s17] =	ssyncset.done $0x0  }
0x36f: {  	s30 =	sadd.s32 $0x280, s30;
	s29 =	sadd.s32 $0x280, s29;
	[sflag:s17] =	ssyncadd.s32 $0xFFFFEC00  }
0x370: {  	s28 =	simm.s32 $0x0;
	s0 =	rddreg [dreg:$0x8]  }
0x371: {  	[tilespmem:s28], [sflag:$0x3] =	stream.linear.gather [hbm4b:s0+s28], $0x6400, $0x38;
	[tilespmem:$0x1BB00] =	vst v63  }
0x372: {  	_ =	swait.ge [sflag:s17], $0x6400  }
0x373: {  	[sflag:s17] =	ssyncset.done $0x0  }
0x374: {  	[sflag:s17] =	ssyncadd.s32 $0xFFFF9C00  }
0x375: {  	v1 =	vld [tilespmem:$0x0]  }
0x376: {  	v2 =	vld [tilespmem:$0x10]  }
0x377: {  	v3 =	vld [tilespmem:$0x20]  }
0x378: {  	v4 =	vld [tilespmem:$0x30]  }
0x379: {  	v5 =	vld [tilespmem:$0x40]  }
0x37a: {  	v6 =	vld [tilespmem:$0x50];
	v1 =	vshra.s32 v1, $0x3  }
0x37b: {  	[tilespmem:$0x6400] =	vst v1;
	v1 =	vshra.s32 v2, $0x3;
	v2 =	vld [tilespmem:$0x60]  }
0x37c: {  	[tilespmem:$0x6410] =	vst v1;
	v1 =	vshra.s32 v3, $0x3;
	v3 =	vld [tilespmem:$0x70]  }
0x37d: {  	v56 =	vld [tilespmem:$0x80];
	[tilespmem:$0x6420] =	vst v1;
	v1 =	vshra.s32 v4, $0x3  }
0x37e: {  	v57 =	vld [tilespmem:$0x90];
	[tilespmem:$0x6430] =	vst v1;
	v1 =	vshra.s32 v5, $0x3  }
0x37f: {  	v58 =	vld [tilespmem:$0xA0];
	[tilespmem:$0x6440] =	vst v1;
	v1 =	vshra.s32 v6, $0x3  }
0x380: {  	[tilespmem:$0x6450] =	vst v1;
	v1 =	vshra.s32 v2, $0x3;
	v2 =	vld [tilespmem:$0xB0]  }
0x381: {  	[tilespmem:$0x6460] =	vst v1;
	v1 =	vshra.s32 v3, $0x3;
	v3 =	vld [tilespmem:$0xC0]  }
0x382: {  	v59 =	vld [tilespmem:$0xD0];
	[tilespmem:$0x6470] =	vst v1;
	v1 =	vshra.s32 v56, $0x3  }
0x383: {  	v60 =	vld [tilespmem:$0xE0];
	[tilespmem:$0x6480] =	vst v1;
	v1 =	vshra.s32 v57, $0x3  }
0x384: {  	v61 =	vld [tilespmem:$0xF0];
	[tilespmem:$0x6490] =	vst v1;
	v1 =	vshra.s32 v58, $0x3  }
0x385: {  	[tilespmem:$0x64A0] =	vst v1;
	v1 =	vshra.s32 v2, $0x3;
	v2 =	vld [tilespmem:$0x100]  }
0x386: {  	[tilespmem:$0x64B0] =	vst v1;
	v1 =	vshra.s32 v3, $0x3;
	v3 =	vld [tilespmem:$0x110]  }
0x387: {  	v62 =	vld [tilespmem:$0x120];
	[tilespmem:$0x64C0] =	vst v1;
	v1 =	vshra.s32 v59, $0x3  }
0x388: {  	v63 =	vld [tilespmem:$0x130];
	[tilespmem:$0x64D0] =	vst v1;
	v1 =	vshra.s32 v60, $0x3  }
0x389: {  	[tilespmem:$0x64E0] =	vst v1;
	v1 =	vshra.s32 v61, $0x3  }
0x38a: {  	[tilespmem:$0x64F0] =	vst v1;
	v1 =	vshra.s32 v2, $0x3  }
0x38b: {  	[tilespmem:$0x6500] =	vst v1;
	v1 =	vshra.s32 v3, $0x3  }
0x38c: {  	[tilespmem:$0x6510] =	vst v1;
	v1 =	vshra.s32 v62, $0x3  }
0x38d: {  	s29 =	simm.s32 $0x140;
	[tilespmem:$0x6520] =	vst v1;
	v1 =	vshra.s32 v63, $0x3  }
0x38e: {  	s30 =	simm.s32 $0x280;
	s31 =	simm.s32 $0x0;
	s0 =	simm.s32 $0x0;
	[tilespmem:$0x6530] =	vst v1  }
0x38f: {  	[tilespmem:s19], [sflag:$0x1] =	stream.indirect.gather [hbm4b:s10+s29], $0x80, s18, s29, $0xb8;
	[tilespmem:$0x1BB00] =	vst v63  }
.LBB2_22:
0x390: {  	s3 =	sshllo.u32 s0, $0x1  }
0x391: {  	s12 =	smul.u32 $0x500, s3;
	_ =	sdelay $0x1  }
0x392: {  	s12 =	sshra.s32 s12, $0x2  }
0x393: {  	v1 =	vld [tilespmem:s12+$0x0];
	_ =	sdelay $0x4  }
0x394: {  	v1 =	vshra.s32 v1, $0x3  }
0x395: {  	[tilespmem:$0x6580] =	vst v1  }
0x396: {  	v1 =	vld [tilespmem:s12+$0x10];
	_ =	sdelay $0x4  }
0x397: {  	v1 =	vshra.s32 v1, $0x3  }
0x398: {  	[tilespmem:$0x6590] =	vst v1  }
0x399: {  	v1 =	vld [tilespmem:s12+$0x20];
	_ =	sdelay $0x4  }
0x39a: {  	v1 =	vshra.s32 v1, $0x3  }
0x39b: {  	[tilespmem:$0x65A0] =	vst v1  }
0x39c: {  	v1 =	vld [tilespmem:s12+$0x30];
	_ =	sdelay $0x4  }
0x39d: {  	v1 =	vshra.s32 v1, $0x3  }
0x39e: {  	[tilespmem:$0x65B0] =	vst v1  }
0x39f: {  	v1 =	vld [tilespmem:s12+$0x40];
	_ =	sdelay $0x4  }
0x3a0: {  	v1 =	vshra.s32 v1, $0x3  }
0x3a1: {  	[tilespmem:$0x65C0] =	vst v1  }
0x3a2: {  	v1 =	vld [tilespmem:s12+$0x50];
	_ =	sdelay $0x4  }
0x3a3: {  	v1 =	vshra.s32 v1, $0x3  }
0x3a4: {  	[tilespmem:$0x65D0] =	vst v1  }
0x3a5: {  	v1 =	vld [tilespmem:s12+$0x60];
	_ =	sdelay $0x4  }
0x3a6: {  	v1 =	vshra.s32 v1, $0x3  }
0x3a7: {  	[tilespmem:$0x65E0] =	vst v1  }
0x3a8: {  	v1 =	vld [tilespmem:s12+$0x70];
	_ =	sdelay $0x4  }
0x3a9: {  	v1 =	vshra.s32 v1, $0x3  }
0x3aa: {  	[tilespmem:$0x65F0] =	vst v1  }
0x3ab: {  	v1 =	vld [tilespmem:s12+$0x80];
	_ =	sdelay $0x4  }
0x3ac: {  	v1 =	vshra.s32 v1, $0x3  }
0x3ad: {  	[tilespmem:$0x6600] =	vst v1  }
0x3ae: {  	v1 =	vld [tilespmem:s12+$0x90];
	_ =	sdelay $0x4  }
0x3af: {  	v1 =	vshra.s32 v1, $0x3  }
0x3b0: {  	[tilespmem:$0x6610] =	vst v1  }
0x3b1: {  	v1 =	vld [tilespmem:s12+$0xA0];
	_ =	sdelay $0x4  }
0x3b2: {  	v1 =	vshra.s32 v1, $0x3  }
0x3b3: {  	[tilespmem:$0x6620] =	vst v1  }
0x3b4: {  	v1 =	vld [tilespmem:s12+$0xB0];
	_ =	sdelay $0x4  }
0x3b5: {  	v1 =	vshra.s32 v1, $0x3  }
0x3b6: {  	[tilespmem:$0x6630] =	vst v1  }
0x3b7: {  	v1 =	vld [tilespmem:s12+$0xC0];
	_ =	sdelay $0x4  }
0x3b8: {  	v1 =	vshra.s32 v1, $0x3  }
0x3b9: {  	[tilespmem:$0x6640] =	vst v1  }
0x3ba: {  	v1 =	vld [tilespmem:s12+$0xD0];
	_ =	sdelay $0x4  }
0x3bb: {  	v1 =	vshra.s32 v1, $0x3  }
0x3bc: {  	[tilespmem:$0x6650] =	vst v1  }
0x3bd: {  	v1 =	vld [tilespmem:s12+$0xE0];
	_ =	sdelay $0x4  }
0x3be: {  	v1 =	vshra.s32 v1, $0x3  }
0x3bf: {  	[tilespmem:$0x6660] =	vst v1  }
0x3c0: {  	v1 =	vld [tilespmem:s12+$0xF0];
	_ =	sdelay $0x4  }
0x3c1: {  	v1 =	vshra.s32 v1, $0x3  }
0x3c2: {  	[tilespmem:$0x6670] =	vst v1  }
0x3c3: {  	v1 =	vld [tilespmem:s12+$0x100];
	_ =	sdelay $0x4  }
0x3c4: {  	v1 =	vshra.s32 v1, $0x3  }
0x3c5: {  	[tilespmem:$0x6680] =	vst v1  }
0x3c6: {  	v1 =	vld [tilespmem:s12+$0x110];
	_ =	sdelay $0x4  }
0x3c7: {  	v1 =	vshra.s32 v1, $0x3  }
0x3c8: {  	[tilespmem:$0x6690] =	vst v1  }
0x3c9: {  	v1 =	vld [tilespmem:s12+$0x120];
	_ =	sdelay $0x4  }
0x3ca: {  	v1 =	vshra.s32 v1, $0x3  }
0x3cb: {  	[tilespmem:$0x66A0] =	vst v1  }
0x3cc: {  	v1 =	vld [tilespmem:s12+$0x130];
	_ =	sdelay $0x4  }
0x3cd: {  	v1 =	vshra.s32 v1, $0x3  }
0x3ce: {  	[tilespmem:$0x66B0] =	vst v1  }
0x3cf: {  	[tilespmem:s22], [sflag:$0x2] =	stream.indirect.gather [hbm4b:s10+s20], $0x80, s21, s20, $0xb8;
	[tilespmem:$0x1BB00] =	vst v63  }
0x3d0: {  	s16 =	sadd.s32 $0x0, s31;
	_ =	swait.ge [sflag:s23], $0xA000  }
0x3d1: {  	s13 =	sand.u32 $0x70, s28;
	s12 =	sand.u32 $0x1FF80, s16;
	[sflag:s23] =	ssyncset.done $0x0  }
0x3d2: {  	s12 =	sor.u32 s13, s12;
	[sflag:s23] =	ssyncadd.s32 $0xFFFF6000  }
0x3d3: {  	v1 =	vld [tilespmem:s12+$0x0];
	_ =	sdelay $0x4  }
0x3d4: {  	v2 =	vor.u32 s28, v0;
	v1 =	vshll.u32 v1, $0x4  }
0x3d5: {  	v3 =	vshll.u32 v2, $0x7;
	v1 =	vand.u32 $0x70, v1  }
0x3d6: {  	v1 =	vor.u32 v3, v1;
	_ =	sdelay $0x4  }
0x3d7: {  	v4 =	vshll.u32 v2, $0x4;
	v3 =	vld.idx.msk [tilespmem:v1+s19+$0x0], $0xffff  }
0x3d8: {  	v2 =	vor.u32 $0x1, v1;
	_ =	sdelay $0x3  }
0x3d9: {  	[tilespmem:v4+s24+$0x0] =	vst.idx.msk $0xffff, v3  }
0x3da: {  	v3 =	vor.u32 $0x1, v4;
	v2 =	vld.idx.msk [tilespmem:v2+s19+$0x0], $0xffff  }
0x3db: {  	v5 =	vor.u32 $0x2, v1;
	_ =	sdelay $0x3  }
0x3dc: {  	[tilespmem:v3+s24+$0x0] =	vst.idx.msk $0xffff, v2  }
0x3dd: {  	v3 =	vor.u32 $0x2, v4;
	v2 =	vld.idx.msk [tilespmem:v5+s19+$0x0], $0xffff  }
0x3de: {  	v52 =	vor.u32 $0x3, v1;
	_ =	sdelay $0x3  }
0x3df: {  	[tilespmem:v3+s24+$0x0] =	vst.idx.msk $0xffff, v2  }
0x3e0: {  	v3 =	vor.u32 $0x3, v4;
	v2 =	vld.idx.msk [tilespmem:v52+s19+$0x0], $0xffff  }
0x3e1: {  	v53 =	vor.u32 $0x4, v1;
	_ =	sdelay $0x3  }
0x3e2: {  	[tilespmem:v3+s24+$0x0] =	vst.idx.msk $0xffff, v2  }
0x3e3: {  	v3 =	vor.u32 $0x4, v4;
	v2 =	vld.idx.msk [tilespmem:v53+s19+$0x0], $0xffff  }
0x3e4: {  	v54 =	vor.u32 $0x5, v1;
	_ =	sdelay $0x3  }
0x3e5: {  	[tilespmem:v3+s24+$0x0] =	vst.idx.msk $0xffff, v2  }
0x3e6: {  	v3 =	vor.u32 $0x5, v4;
	v2 =	vld.idx.msk [tilespmem:v54+s19+$0x0], $0xffff  }
0x3e7: {  	v55 =	vor.u32 $0x6, v1;
	_ =	sdelay $0x3  }
0x3e8: {  	[tilespmem:v3+s24+$0x0] =	vst.idx.msk $0xffff, v2  }
0x3e9: {  	v3 =	vor.u32 $0x6, v4;
	v2 =	vld.idx.msk [tilespmem:v55+s19+$0x0], $0xffff  }
0x3ea: {  	v56 =	vor.u32 $0x7, v1;
	_ =	sdelay $0x3  }
0x3eb: {  	[tilespmem:v3+s24+$0x0] =	vst.idx.msk $0xffff, v2  }
0x3ec: {  	v3 =	vor.u32 $0x7, v4;
	v2 =	vld.idx.msk [tilespmem:v56+s19+$0x0], $0xffff  }
0x3ed: {  	v57 =	vor.u32 $0x8, v1;
	_ =	sdelay $0x3  }
0x3ee: {  	[tilespmem:v3+s24+$0x0] =	vst.idx.msk $0xffff, v2  }
0x3ef: {  	v3 =	vor.u32 $0x8, v4;
	v2 =	vld.idx.msk [tilespmem:v57+s19+$0x0], $0xffff  }
0x3f0: {  	v58 =	vor.u32 $0x9, v1;
	_ =	sdelay $0x3  }
0x3f1: {  	[tilespmem:v3+s24+$0x0] =	vst.idx.msk $0xffff, v2  }
0x3f2: {  	v3 =	vor.u32 $0x9, v4;
	v2 =	vld.idx.msk [tilespmem:v58+s19+$0x0], $0xffff  }
0x3f3: {  	v59 =	vor.u32 $0xA, v1;
	_ =	sdelay $0x3  }
0x3f4: {  	[tilespmem:v3+s24+$0x0] =	vst.idx.msk $0xffff, v2  }
0x3f5: {  	v3 =	vor.u32 $0xA, v4;
	v2 =	vld.idx.msk [tilespmem:v59+s19+$0x0], $0xffff  }
0x3f6: {  	v60 =	vor.u32 $0xB, v1;
	_ =	sdelay $0x3  }
0x3f7: {  	[tilespmem:v3+s24+$0x0] =	vst.idx.msk $0xffff, v2  }
0x3f8: {  	v3 =	vor.u32 $0xB, v4;
	v2 =	vld.idx.msk [tilespmem:v60+s19+$0x0], $0xffff  }
0x3f9: {  	v61 =	vor.u32 $0xC, v1;
	_ =	sdelay $0x3  }
0x3fa: {  	[tilespmem:v3+s24+$0x0] =	vst.idx.msk $0xffff, v2  }
0x3fb: {  	v3 =	vor.u32 $0xC, v4;
	v2 =	vld.idx.msk [tilespmem:v61+s19+$0x0], $0xffff  }
0x3fc: {  	v62 =	vor.u32 $0xD, v1;
	_ =	sdelay $0x3  }
0x3fd: {  	[tilespmem:v3+s24+$0x0] =	vst.idx.msk $0xffff, v2  }
0x3fe: {  	v3 =	vor.u32 $0xD, v4;
	v2 =	vld.idx.msk [tilespmem:v62+s19+$0x0], $0xffff  }
0x3ff: {  	v63 =	vor.u32 $0xE, v1;
	_ =	sdelay $0x3  }
0x400: {  	[tilespmem:v3+s24+$0x0] =	vst.idx.msk $0xffff, v2  }
0x401: {  	v3 =	vor.u32 $0xE, v4;
	v2 =	vld.idx.msk [tilespmem:v63+s19+$0x0], $0xffff  }
0x402: {  	v1 =	vor.u32 $0xF, v1;
	_ =	sdelay $0x3  }
0x403: {  	[tilespmem:v3+s24+$0x0] =	vst.idx.msk $0xffff, v2  }
0x404: {  	v2 =	vld.idx.msk [tilespmem:v1+s19+$0x0], $0xffff;
	v1 =	vor.u32 $0xF, v4;
	_ =	sdelay $0x1  }
0x405: {  	s15 =	sadd.s32 $0x10, s31;
	s14 =	simm.s32 $0x20;
	s13 =	simm.s32 $0x10  }
0x406: {  	s15 =	sand.u32 $0x1FF80, s15;
	s16 =	sand.u32 $0x70, s13;
	s12 =	smul.u32 $0x280, s0  }
.LBB2_23:
0x407: {  	p0 =	sne.s32 s14, $0x130  }
0x408: {  	s15 =	sor.u32 s16, s15;
	[tilespmem:v1+s24+$0x0] =	vst.idx.msk $0xffff, v2;
	s16 =	smov.u32 s14;
	s14 =	sadd.s32 $0x10, s14  }
0x409: {  	v1 =	vld [tilespmem:s15+$0x0];
	_ =	sdelay $0x4  }
0x40a: {  	v3 =	vor.u32 s13, v0;
	s13 =	smov.u32 s16;
	v1 =	vshll.u32 v1, $0x4  }
0x40b: {  	v2 =	vshll.u32 v3, $0x7;
	v1 =	vand.u32 $0x70, v1  }
0x40c: {  	v2 =	vor.u32 v2, v1;
	_ =	sdelay $0x4  }
0x40d: {  	v4 =	vld.idx.msk [tilespmem:v2+s19+$0x0], $0xffff  }
0x40e: {  	v1 =	vshll.u32 v3, $0x4  }
0x40f: {  	v3 =	vor.u32 $0x1, v2;
	_ =	sdelay $0x3  }
0x410: {  	[tilespmem:v1+s24+$0x0] =	vst.idx.msk $0xffff, v4  }
0x411: {  	v3 =	vld.idx.msk [tilespmem:v3+s19+$0x0], $0xffff  }
0x412: {  	v4 =	vor.u32 $0x1, v1  }
0x413: {  	v5 =	vor.u32 $0x2, v2;
	_ =	sdelay $0x3  }
0x414: {  	[tilespmem:v4+s24+$0x0] =	vst.idx.msk $0xffff, v3  }
0x415: {  	v3 =	vld.idx.msk [tilespmem:v5+s19+$0x0], $0xffff  }
0x416: {  	v4 =	vor.u32 $0x2, v1  }
0x417: {  	v5 =	vor.u32 $0x3, v2;
	_ =	sdelay $0x3  }
0x418: {  	[tilespmem:v4+s24+$0x0] =	vst.idx.msk $0xffff, v3  }
0x419: {  	v3 =	vld.idx.msk [tilespmem:v5+s19+$0x0], $0xffff  }
0x41a: {  	v4 =	vor.u32 $0x3, v1  }
0x41b: {  	v5 =	vor.u32 $0x4, v2;
	_ =	sdelay $0x3  }
0x41c: {  	[tilespmem:v4+s24+$0x0] =	vst.idx.msk $0xffff, v3  }
0x41d: {  	v3 =	vld.idx.msk [tilespmem:v5+s19+$0x0], $0xffff  }
0x41e: {  	v4 =	vor.u32 $0x4, v1  }
0x41f: {  	v5 =	vor.u32 $0x5, v2;
	_ =	sdelay $0x3  }
0x420: {  	[tilespmem:v4+s24+$0x0] =	vst.idx.msk $0xffff, v3  }
0x421: {  	v3 =	vld.idx.msk [tilespmem:v5+s19+$0x0], $0xffff  }
0x422: {  	v4 =	vor.u32 $0x5, v1  }
0x423: {  	v5 =	vor.u32 $0x6, v2;
	_ =	sdelay $0x3  }
0x424: {  	[tilespmem:v4+s24+$0x0] =	vst.idx.msk $0xffff, v3  }
0x425: {  	v3 =	vld.idx.msk [tilespmem:v5+s19+$0x0], $0xffff  }
0x426: {  	v4 =	vor.u32 $0x6, v1  }
0x427: {  	v5 =	vor.u32 $0x7, v2;
	_ =	sdelay $0x3  }
0x428: {  	[tilespmem:v4+s24+$0x0] =	vst.idx.msk $0xffff, v3  }
0x429: {  	v3 =	vld.idx.msk [tilespmem:v5+s19+$0x0], $0xffff  }
0x42a: {  	v4 =	vor.u32 $0x7, v1  }
0x42b: {  	v5 =	vor.u32 $0x8, v2;
	_ =	sdelay $0x3  }
0x42c: {  	[tilespmem:v4+s24+$0x0] =	vst.idx.msk $0xffff, v3  }
0x42d: {  	v3 =	vld.idx.msk [tilespmem:v5+s19+$0x0], $0xffff  }
0x42e: {  	v4 =	vor.u32 $0x8, v1  }
0x42f: {  	v5 =	vor.u32 $0x9, v2;
	_ =	sdelay $0x3  }
0x430: {  	[tilespmem:v4+s24+$0x0] =	vst.idx.msk $0xffff, v3  }
0x431: {  	v3 =	vld.idx.msk [tilespmem:v5+s19+$0x0], $0xffff  }
0x432: {  	v4 =	vor.u32 $0x9, v1  }
0x433: {  	v5 =	vor.u32 $0xA, v2;
	_ =	sdelay $0x3  }
0x434: {  	[tilespmem:v4+s24+$0x0] =	vst.idx.msk $0xffff, v3  }
0x435: {  	v3 =	vld.idx.msk [tilespmem:v5+s19+$0x0], $0xffff  }
0x436: {  	v4 =	vor.u32 $0xA, v1  }
0x437: {  	v5 =	vor.u32 $0xB, v2;
	_ =	sdelay $0x3  }
0x438: {  	[tilespmem:v4+s24+$0x0] =	vst.idx.msk $0xffff, v3  }
0x439: {  	v3 =	vld.idx.msk [tilespmem:v5+s19+$0x0], $0xffff  }
0x43a: {  	v4 =	vor.u32 $0xB, v1  }
0x43b: {  	v5 =	vor.u32 $0xC, v2;
	_ =	sdelay $0x3  }
0x43c: {  	[tilespmem:v4+s24+$0x0] =	vst.idx.msk $0xffff, v3  }
0x43d: {  	v3 =	vld.idx.msk [tilespmem:v5+s19+$0x0], $0xffff  }
0x43e: {  	v4 =	vor.u32 $0xC, v1  }
0x43f: {  	v5 =	vor.u32 $0xD, v2;
	_ =	sdelay $0x3  }
0x440: {  	[tilespmem:v4+s24+$0x0] =	vst.idx.msk $0xffff, v3  }
0x441: {  	v3 =	vld.idx.msk [tilespmem:v5+s19+$0x0], $0xffff  }
0x442: {  	v4 =	vor.u32 $0xD, v1  }
0x443: {  	v5 =	vor.u32 $0xE, v2;
	_ =	sdelay $0x3  }
0x444: {  	[tilespmem:v4+s24+$0x0] =	vst.idx.msk $0xffff, v3  }
0x445: {  	v3 =	vld.idx.msk [tilespmem:v5+s19+$0x0], $0xffff  }
0x446: {  	v4 =	vor.u32 $0xE, v1  }
0x447: {  	v2 =	vor.u32 $0xF, v2;
	_ =	sdelay $0x3  }
0x448: {  	[tilespmem:v4+s24+$0x0] =	vst.idx.msk $0xffff, v3  }
0x449: {  	v2 =	vld.idx.msk [tilespmem:v2+s19+$0x0], $0xffff  }
.Ltmp10:
0x44a: {  	v1 =	vor.u32 $0xF, v1;
	(pc) =	sbr.rel @p0 .LBB2_23-.Ltmp10, $3  }
0x44b: {  	_ =	sdelay $0x1  }
0x44c: {  	s15 =	sadd.s32 s13, s31  }
0x44d: {  	s16 =	sand.u32 $0x70, s13;
	s15 =	sand.u32 $0x1FF80, s15  }
0x44e: {  	_ =	sdelay $0x3  }
0x44f: {  	s14 =	sor.u32 s16, s15;
	[tilespmem:v1+s24+$0x0] =	vst.idx.msk $0xffff, v2  }
0x450: {  	v1 =	vld [tilespmem:s14+$0x0];
	_ =	sdelay $0x4  }
0x451: {  	v2 =	vor.u32 s13, v0;
	v1 =	vshll.u32 v1, $0x4  }
0x452: {  	v3 =	vshll.u32 v2, $0x7;
	v1 =	vand.u32 $0x70, v1  }
0x453: {  	v1 =	vor.u32 v3, v1;
	_ =	sdelay $0x4  }
0x454: {  	v2 =	vshll.u32 v2, $0x4;
	v3 =	vld.idx.msk [tilespmem:v1+s19+$0x0], $0xffff  }
0x455: {  	v4 =	vor.u32 $0x1, v1;
	_ =	sdelay $0x3  }
0x456: {  	[tilespmem:v2+s24+$0x0] =	vst.idx.msk $0xffff, v3  }
0x457: {  	v38 =	vor.u32 $0x1, v2;
	v3 =	vld.idx.msk [tilespmem:v4+s19+$0x0], $0xffff  }
0x458: {  	v5 =	vor.u32 $0x2, v1;
	_ =	sdelay $0x3  }
0x459: {  	[tilespmem:v38+s24+$0x0] =	vst.idx.msk $0xffff, v3  }
0x45a: {  	v39 =	vor.u32 $0x2, v2;
	v3 =	vld.idx.msk [tilespmem:v5+s19+$0x0], $0xffff  }
0x45b: {  	v40 =	vor.u32 $0x3, v1;
	_ =	sdelay $0x3  }
0x45c: {  	[tilespmem:v39+s24+$0x0] =	vst.idx.msk $0xffff, v3  }
0x45d: {  	v41 =	vor.u32 $0x3, v2;
	v3 =	vld.idx.msk [tilespmem:v40+s19+$0x0], $0xffff  }
0x45e: {  	v42 =	vor.u32 $0x4, v1;
	_ =	sdelay $0x3  }
0x45f: {  	[tilespmem:v41+s24+$0x0] =	vst.idx.msk $0xffff, v3  }
0x460: {  	v43 =	vor.u32 $0x4, v2;
	v3 =	vld.idx.msk [tilespmem:v42+s19+$0x0], $0xffff  }
0x461: {  	v44 =	vor.u32 $0x5, v1;
	_ =	sdelay $0x3  }
0x462: {  	[tilespmem:v43+s24+$0x0] =	vst.idx.msk $0xffff, v3  }
0x463: {  	v45 =	vor.u32 $0x5, v2;
	v3 =	vld.idx.msk [tilespmem:v44+s19+$0x0], $0xffff  }
0x464: {  	v46 =	vor.u32 $0x6, v1;
	_ =	sdelay $0x3  }
0x465: {  	[tilespmem:v45+s24+$0x0] =	vst.idx.msk $0xffff, v3  }
0x466: {  	v47 =	vor.u32 $0x6, v2;
	v3 =	vld.idx.msk [tilespmem:v46+s19+$0x0], $0xffff  }
0x467: {  	v48 =	vor.u32 $0x7, v1;
	_ =	sdelay $0x3  }
0x468: {  	[tilespmem:v47+s24+$0x0] =	vst.idx.msk $0xffff, v3  }
0x469: {  	v49 =	vor.u32 $0x7, v2;
	v3 =	vld.idx.msk [tilespmem:v48+s19+$0x0], $0xffff  }
0x46a: {  	v50 =	vor.u32 $0x8, v1;
	_ =	sdelay $0x3  }
0x46b: {  	[tilespmem:v49+s24+$0x0] =	vst.idx.msk $0xffff, v3  }
0x46c: {  	v51 =	vor.u32 $0x8, v2;
	v3 =	vld.idx.msk [tilespmem:v50+s19+$0x0], $0xffff  }
0x46d: {  	v52 =	vor.u32 $0x9, v1;
	_ =	sdelay $0x3  }
0x46e: {  	[tilespmem:v51+s24+$0x0] =	vst.idx.msk $0xffff, v3  }
0x46f: {  	v53 =	vor.u32 $0x9, v2;
	v3 =	vld.idx.msk [tilespmem:v52+s19+$0x0], $0xffff  }
0x470: {  	v54 =	vor.u32 $0xA, v1;
	_ =	sdelay $0x3  }
0x471: {  	[tilespmem:v53+s24+$0x0] =	vst.idx.msk $0xffff, v3  }
0x472: {  	v55 =	vor.u32 $0xA, v2;
	v3 =	vld.idx.msk [tilespmem:v54+s19+$0x0], $0xffff  }
0x473: {  	v56 =	vor.u32 $0xB, v1;
	_ =	sdelay $0x3  }
0x474: {  	[tilespmem:v55+s24+$0x0] =	vst.idx.msk $0xffff, v3  }
0x475: {  	v57 =	vor.u32 $0xB, v2;
	v3 =	vld.idx.msk [tilespmem:v56+s19+$0x0], $0xffff  }
0x476: {  	v58 =	vor.u32 $0xC, v1;
	_ =	sdelay $0x3  }
0x477: {  	[tilespmem:v57+s24+$0x0] =	vst.idx.msk $0xffff, v3  }
0x478: {  	v59 =	vor.u32 $0xC, v2;
	v3 =	vld.idx.msk [tilespmem:v58+s19+$0x0], $0xffff  }
0x479: {  	v60 =	vor.u32 $0xD, v1;
	_ =	sdelay $0x3  }
0x47a: {  	[tilespmem:v59+s24+$0x0] =	vst.idx.msk $0xffff, v3  }
0x47b: {  	v61 =	vor.u32 $0xD, v2;
	v3 =	vld.idx.msk [tilespmem:v60+s19+$0x0], $0xffff  }
0x47c: {  	v62 =	vor.u32 $0xE, v1;
	_ =	sdelay $0x3  }
0x47d: {  	[tilespmem:v61+s24+$0x0] =	vst.idx.msk $0xffff, v3  }
0x47e: {  	v63 =	vor.u32 $0xE, v2;
	v3 =	vld.idx.msk [tilespmem:v62+s19+$0x0], $0xffff  }
0x47f: {  	v1 =	vor.u32 $0xF, v1;
	_ =	sdelay $0x3  }
0x480: {  	[tilespmem:v63+s24+$0x0] =	vst.idx.msk $0xffff, v3  }
0x481: {  	v2 =	vor.u32 $0xF, v2;
	v1 =	vld.idx.msk [tilespmem:v1+s19+$0x0], $0xffff;
	_ =	sdelay $0x2  }
0x482: {  	s12 =	sadd.s32 s7, s12  }
0x483: {  	p0 =	seq.s32 s0, $0x27;
	s12 =	sshll.u32 s12, $0x1  }
.Ltmp11:
0x484: {  	s16 =	sadd.s32 s4, s12;
	s12 =	simm.s32 $0x0;
	[tilespmem:v2+s24+$0x0] =	vst.idx.msk $0xffff, v1;
	(pc) =	sbr.rel @p0 .LBB2_28-.Ltmp11, $4  }
0x485: {  	[hbm4b:s16+s12] =	stream.linear.scatter [tilespmem:s24], [sflag:$0x3], $0x1400, $0x38;
	[tilespmem:$0x1BB00] =	vst v63  }
0x486: {  	_ =	swait.ge [sflag:s17], $0x1400  }
0x487: {  	[sflag:s17] =	ssyncset.done $0x0  }
0x488: {  	s13 =	simm.s32 $0x6400;
	[sflag:s17] =	ssyncadd.s32 $0xFFFFEC00  }
0x489: {  	s14 =	sadd.s32 $0x0, s30  }
0x48a: {  	s15 =	sand.u32 $0x70, s12;
	s14 =	sand.u32 $0x3FF80, s14  }
0x48b: {  	s15 =	sor.u32 s15, s14  }
0x48c: {  	v1 =	vld [tilespmem:s15+$0x0];
	_ =	sdelay $0x3  }
0x48d: {  	s16 =	sadd.s32 $0x10, s30;
	s14 =	simm.s32 $0x10;
	s15 =	simm.s32 $0x20  }
.LBB2_26:
0x48e: {  	p0 =	sne.s32 s15, $0x130;
	s16 =	sand.u32 $0x3FF80, s16;
	s14 =	sand.u32 $0x70, s14;
	v1 =	vshra.s32 v1, $0x3  }
0x48f: {  	s16 =	sor.u32 s14, s16;
	[tilespmem:s13+$0x0] =	vst v1;
	s14 =	smov.u32 s15  }
.Ltmp12:
0x490: {  	v1 =	vld [tilespmem:s16+$0x0];
	(pc) =	sbr.rel @p0 .LBB2_26-.Ltmp12, $2  }
0x491: {  	_ =	sdelay $0x2  }
0x492: {  	s15 =	sadd.s32 $0x10, s15;
	s13 =	sadd.s32 $0x10, s13;
	s16 =	sadd.s32 s14, s30  }
0x493: {  	s15 =	sand.u32 $0x3FF80, s16;
	s14 =	sand.u32 $0x70, s14;
	v1 =	vshra.s32 v1, $0x3  }
0x494: {  	s14 =	sor.u32 s14, s15;
	[tilespmem:s13+$0x0] =	vst v1  }
0x495: {  	v1 =	vld [tilespmem:s14+$0x0];
	_ =	sdelay $0x4  }
0x496: {  	s16 =	sadd.s32 $0x10, s13;
	v1 =	vshra.s32 v1, $0x3  }
0x497: {  	[tilespmem:s16+$0x0] =	vst v1  }
0x498: {  	[tilespmem:s19], [sflag:$0x1] =	stream.indirect.gather [hbm4b:s10+s20], $0x80, s18, s20, $0xb8;
	[tilespmem:$0x1BB00] =	vst v63  }
.LBB2_28:
0x499: {  	_ =	swait.ge [sflag:s25], $0xA000  }
0x49a: {  	[sflag:s25] =	ssyncset.done $0x0  }
0x49b: {  	[sflag:s25] =	ssyncadd.s32 $0xFFFF6000  }
0x49c: {  	v1 =	vld [tilespmem:s29+$0x0];
	_ =	sdelay $0x4  }
0x49d: {  	v2 =	vor.u32 s12, v0;
	v1 =	vshll.u32 v1, $0x4  }
0x49e: {  	v3 =	vshll.u32 v2, $0x7;
	v1 =	vand.u32 $0x70, v1  }
0x49f: {  	v1 =	vor.u32 v3, v1;
	_ =	sdelay $0x4  }
0x4a0: {  	v4 =	vshll.u32 v2, $0x4;
	v3 =	vld.idx.msk [tilespmem:v1+s22+$0x0], $0xffff  }
0x4a1: {  	v2 =	vor.u32 $0x1, v1;
	_ =	sdelay $0x3  }
0x4a2: {  	[tilespmem:v4+s24+$0x0] =	vst.idx.msk $0xffff, v3  }
0x4a3: {  	v3 =	vor.u32 $0x1, v4;
	v2 =	vld.idx.msk [tilespmem:v2+s22+$0x0], $0xffff  }
0x4a4: {  	v5 =	vor.u32 $0x2, v1;
	_ =	sdelay $0x3  }
0x4a5: {  	[tilespmem:v3+s24+$0x0] =	vst.idx.msk $0xffff, v2  }
0x4a6: {  	v3 =	vor.u32 $0x2, v4;
	v2 =	vld.idx.msk [tilespmem:v5+s22+$0x0], $0xffff  }
0x4a7: {  	v52 =	vor.u32 $0x3, v1;
	_ =	sdelay $0x3  }
0x4a8: {  	[tilespmem:v3+s24+$0x0] =	vst.idx.msk $0xffff, v2  }
0x4a9: {  	v3 =	vor.u32 $0x3, v4;
	v2 =	vld.idx.msk [tilespmem:v52+s22+$0x0], $0xffff  }
0x4aa: {  	v53 =	vor.u32 $0x4, v1;
	_ =	sdelay $0x3  }
0x4ab: {  	[tilespmem:v3+s24+$0x0] =	vst.idx.msk $0xffff, v2  }
0x4ac: {  	v3 =	vor.u32 $0x4, v4;
	v2 =	vld.idx.msk [tilespmem:v53+s22+$0x0], $0xffff  }
0x4ad: {  	v54 =	vor.u32 $0x5, v1;
	_ =	sdelay $0x3  }
0x4ae: {  	[tilespmem:v3+s24+$0x0] =	vst.idx.msk $0xffff, v2  }
0x4af: {  	v3 =	vor.u32 $0x5, v4;
	v2 =	vld.idx.msk [tilespmem:v54+s22+$0x0], $0xffff  }
0x4b0: {  	v55 =	vor.u32 $0x6, v1;
	_ =	sdelay $0x3  }
0x4b1: {  	[tilespmem:v3+s24+$0x0] =	vst.idx.msk $0xffff, v2  }
0x4b2: {  	v3 =	vor.u32 $0x6, v4;
	v2 =	vld.idx.msk [tilespmem:v55+s22+$0x0], $0xffff  }
0x4b3: {  	v56 =	vor.u32 $0x7, v1;
	_ =	sdelay $0x3  }
0x4b4: {  	[tilespmem:v3+s24+$0x0] =	vst.idx.msk $0xffff, v2  }
0x4b5: {  	v3 =	vor.u32 $0x7, v4;
	v2 =	vld.idx.msk [tilespmem:v56+s22+$0x0], $0xffff  }
0x4b6: {  	v57 =	vor.u32 $0x8, v1;
	_ =	sdelay $0x3  }
0x4b7: {  	[tilespmem:v3+s24+$0x0] =	vst.idx.msk $0xffff, v2  }
0x4b8: {  	v3 =	vor.u32 $0x8, v4;
	v2 =	vld.idx.msk [tilespmem:v57+s22+$0x0], $0xffff  }
0x4b9: {  	v58 =	vor.u32 $0x9, v1;
	_ =	sdelay $0x3  }
0x4ba: {  	[tilespmem:v3+s24+$0x0] =	vst.idx.msk $0xffff, v2  }
0x4bb: {  	v3 =	vor.u32 $0x9, v4;
	v2 =	vld.idx.msk [tilespmem:v58+s22+$0x0], $0xffff  }
0x4bc: {  	v59 =	vor.u32 $0xA, v1;
	_ =	sdelay $0x3  }
0x4bd: {  	[tilespmem:v3+s24+$0x0] =	vst.idx.msk $0xffff, v2  }
0x4be: {  	v3 =	vor.u32 $0xA, v4;
	v2 =	vld.idx.msk [tilespmem:v59+s22+$0x0], $0xffff  }
0x4bf: {  	v60 =	vor.u32 $0xB, v1;
	_ =	sdelay $0x3  }
0x4c0: {  	[tilespmem:v3+s24+$0x0] =	vst.idx.msk $0xffff, v2  }
0x4c1: {  	v3 =	vor.u32 $0xB, v4;
	v2 =	vld.idx.msk [tilespmem:v60+s22+$0x0], $0xffff  }
0x4c2: {  	v61 =	vor.u32 $0xC, v1;
	_ =	sdelay $0x3  }
0x4c3: {  	[tilespmem:v3+s24+$0x0] =	vst.idx.msk $0xffff, v2  }
0x4c4: {  	v3 =	vor.u32 $0xC, v4;
	v2 =	vld.idx.msk [tilespmem:v61+s22+$0x0], $0xffff  }
0x4c5: {  	v62 =	vor.u32 $0xD, v1;
	_ =	sdelay $0x3  }
0x4c6: {  	[tilespmem:v3+s24+$0x0] =	vst.idx.msk $0xffff, v2  }
0x4c7: {  	v3 =	vor.u32 $0xD, v4;
	v2 =	vld.idx.msk [tilespmem:v62+s22+$0x0], $0xffff  }
0x4c8: {  	v63 =	vor.u32 $0xE, v1;
	_ =	sdelay $0x3  }
0x4c9: {  	[tilespmem:v3+s24+$0x0] =	vst.idx.msk $0xffff, v2  }
0x4ca: {  	v3 =	vor.u32 $0xE, v4;
	v2 =	vld.idx.msk [tilespmem:v63+s22+$0x0], $0xffff  }
0x4cb: {  	v1 =	vor.u32 $0xF, v1;
	_ =	sdelay $0x3  }
0x4cc: {  	[tilespmem:v3+s24+$0x0] =	vst.idx.msk $0xffff, v2  }
0x4cd: {  	s12 =	simm.s32 $0x10;
	s13 =	smov.u32 s29;
	v2 =	vld.idx.msk [tilespmem:v1+s22+$0x0], $0xffff;
	v1 =	vor.u32 $0xF, v4  }
.LBB2_29:
0x4ce: {  	_ =	sdelay $0x2  }
0x4cf: {  	p0 =	sne.s32 s12, $0x130  }
0x4d0: {  	s13 =	sadd.s32 $0x10, s13;
	s14 =	smov.u32 s12;
	s12 =	sadd.s32 $0x10, s12;
	[tilespmem:v1+s24+$0x0] =	vst.idx.msk $0xffff, v2  }
0x4d1: {  	v1 =	vld [tilespmem:s13+$0x0];
	_ =	sdelay $0x4  }
0x4d2: {  	v3 =	vor.u32 s14, v0;
	v1 =	vshll.u32 v1, $0x4  }
0x4d3: {  	v2 =	vshll.u32 v3, $0x7;
	v1 =	vand.u32 $0x70, v1  }
0x4d4: {  	v2 =	vor.u32 v2, v1;
	_ =	sdelay $0x4  }
0x4d5: {  	v4 =	vld.idx.msk [tilespmem:v2+s22+$0x0], $0xffff  }
0x4d6: {  	v1 =	vshll.u32 v3, $0x4  }
0x4d7: {  	v3 =	vor.u32 $0x1, v2;
	_ =	sdelay $0x3  }
0x4d8: {  	[tilespmem:v1+s24+$0x0] =	vst.idx.msk $0xffff, v4  }
0x4d9: {  	v3 =	vld.idx.msk [tilespmem:v3+s22+$0x0], $0xffff  }
0x4da: {  	v4 =	vor.u32 $0x1, v1  }
0x4db: {  	v5 =	vor.u32 $0x2, v2;
	_ =	sdelay $0x3  }
0x4dc: {  	[tilespmem:v4+s24+$0x0] =	vst.idx.msk $0xffff, v3  }
0x4dd: {  	v3 =	vld.idx.msk [tilespmem:v5+s22+$0x0], $0xffff  }
0x4de: {  	v4 =	vor.u32 $0x2, v1  }
0x4df: {  	v5 =	vor.u32 $0x3, v2;
	_ =	sdelay $0x3  }
0x4e0: {  	[tilespmem:v4+s24+$0x0] =	vst.idx.msk $0xffff, v3  }
0x4e1: {  	v3 =	vld.idx.msk [tilespmem:v5+s22+$0x0], $0xffff  }
0x4e2: {  	v4 =	vor.u32 $0x3, v1  }
0x4e3: {  	v5 =	vor.u32 $0x4, v2;
	_ =	sdelay $0x3  }
0x4e4: {  	[tilespmem:v4+s24+$0x0] =	vst.idx.msk $0xffff, v3  }
0x4e5: {  	v3 =	vld.idx.msk [tilespmem:v5+s22+$0x0], $0xffff  }
0x4e6: {  	v4 =	vor.u32 $0x4, v1  }
0x4e7: {  	v5 =	vor.u32 $0x5, v2;
	_ =	sdelay $0x3  }
0x4e8: {  	[tilespmem:v4+s24+$0x0] =	vst.idx.msk $0xffff, v3  }
0x4e9: {  	v3 =	vld.idx.msk [tilespmem:v5+s22+$0x0], $0xffff  }
0x4ea: {  	v4 =	vor.u32 $0x5, v1  }
0x4eb: {  	v5 =	vor.u32 $0x6, v2;
	_ =	sdelay $0x3  }
0x4ec: {  	[tilespmem:v4+s24+$0x0] =	vst.idx.msk $0xffff, v3  }
0x4ed: {  	v3 =	vld.idx.msk [tilespmem:v5+s22+$0x0], $0xffff  }
0x4ee: {  	v4 =	vor.u32 $0x6, v1  }
0x4ef: {  	v5 =	vor.u32 $0x7, v2;
	_ =	sdelay $0x3  }
0x4f0: {  	[tilespmem:v4+s24+$0x0] =	vst.idx.msk $0xffff, v3  }
0x4f1: {  	v3 =	vld.idx.msk [tilespmem:v5+s22+$0x0], $0xffff  }
0x4f2: {  	v4 =	vor.u32 $0x7, v1  }
0x4f3: {  	v5 =	vor.u32 $0x8, v2;
	_ =	sdelay $0x3  }
0x4f4: {  	[tilespmem:v4+s24+$0x0] =	vst.idx.msk $0xffff, v3  }
0x4f5: {  	v3 =	vld.idx.msk [tilespmem:v5+s22+$0x0], $0xffff  }
0x4f6: {  	v4 =	vor.u32 $0x8, v1  }
0x4f7: {  	v5 =	vor.u32 $0x9, v2;
	_ =	sdelay $0x3  }
0x4f8: {  	[tilespmem:v4+s24+$0x0] =	vst.idx.msk $0xffff, v3  }
0x4f9: {  	v3 =	vld.idx.msk [tilespmem:v5+s22+$0x0], $0xffff  }
0x4fa: {  	v4 =	vor.u32 $0x9, v1  }
0x4fb: {  	v5 =	vor.u32 $0xA, v2;
	_ =	sdelay $0x3  }
0x4fc: {  	[tilespmem:v4+s24+$0x0] =	vst.idx.msk $0xffff, v3  }
0x4fd: {  	v3 =	vld.idx.msk [tilespmem:v5+s22+$0x0], $0xffff  }
0x4fe: {  	v4 =	vor.u32 $0xA, v1  }
0x4ff: {  	v5 =	vor.u32 $0xB, v2;
	_ =	sdelay $0x3  }
0x500: {  	[tilespmem:v4+s24+$0x0] =	vst.idx.msk $0xffff, v3  }
0x501: {  	v3 =	vld.idx.msk [tilespmem:v5+s22+$0x0], $0xffff  }
0x502: {  	v4 =	vor.u32 $0xB, v1  }
0x503: {  	v5 =	vor.u32 $0xC, v2;
	_ =	sdelay $0x3  }
0x504: {  	[tilespmem:v4+s24+$0x0] =	vst.idx.msk $0xffff, v3  }
0x505: {  	v3 =	vld.idx.msk [tilespmem:v5+s22+$0x0], $0xffff  }
0x506: {  	v4 =	vor.u32 $0xC, v1  }
0x507: {  	v5 =	vor.u32 $0xD, v2;
	_ =	sdelay $0x3  }
0x508: {  	[tilespmem:v4+s24+$0x0] =	vst.idx.msk $0xffff, v3  }
0x509: {  	v3 =	vld.idx.msk [tilespmem:v5+s22+$0x0], $0xffff  }
0x50a: {  	v4 =	vor.u32 $0xD, v1  }
0x50b: {  	v5 =	vor.u32 $0xE, v2;
	_ =	sdelay $0x3  }
0x50c: {  	[tilespmem:v4+s24+$0x0] =	vst.idx.msk $0xffff, v3  }
0x50d: {  	v3 =	vld.idx.msk [tilespmem:v5+s22+$0x0], $0xffff  }
0x50e: {  	v4 =	vor.u32 $0xE, v1  }
0x50f: {  	v2 =	vor.u32 $0xF, v2;
	_ =	sdelay $0x1  }
.Ltmp13:
0x510: {  	(pc) =	sbr.rel @p0 .LBB2_29-.Ltmp13, $4  }
0x511: {  	_ = 	snop  }
0x512: {  	[tilespmem:v4+s24+$0x0] =	vst.idx.msk $0xffff, v3  }
0x513: {  	v2 =	vld.idx.msk [tilespmem:v2+s22+$0x0], $0xffff  }
0x514: {  	v1 =	vor.u32 $0xF, v1  }
0x515: {  	s3 =	smul.u32 $0x140, s3;
	_ =	sdelay $0x1  }
0x516: {  	s3 =	sadd.s32 s7, s3  }
0x517: {  	s0 =	sadd.s32 $0x1, s0;
	s3 =	sshll.u32 s3, $0x1  }
0x518: {  	p0 =	sne.s32 s0, $0x28;
	s3 =	sand.u32 $0x1FFFFF80, s3  }
.Ltmp14:
0x519: {  	[tilespmem:v1+s24+$0x0] =	vst.idx.msk $0xffff, v2;
	s3 =	sadd.s32 s4, s3;
	(pc) =	sbr.rel @p0 .LBB2_22-.Ltmp14, $4  }
0x51a: {  	[hbm4b:s3+s6] =	stream.linear.scatter [tilespmem:s24], [sflag:$0x3], $0x1400, $0x38;
	[tilespmem:$0x1BB00] =	vst v63  }
0x51b: {  	_ =	swait.ge [sflag:s17], $0x1400  }
0x51c: {  	s31 =	sadd.s32 $0x280, s31;
	[sflag:s17] =	ssyncset.done $0x0  }
0x51d: {  	s30 =	sadd.s32 $0x280, s30;
	s29 =	sadd.s32 $0x280, s29;
	[sflag:s17] =	ssyncadd.s32 $0xFFFFEC00  }
0x51e: {  	s28 =	simm.s32 $0x0;
	s0 =	rddreg [dreg:$0x9]  }
0x51f: {  	[tilespmem:s28], [sflag:$0x3] =	stream.linear.gather [hbm4b:s0+s28], $0x6400, $0x38;
	[tilespmem:$0x1BB00] =	vst v63  }
0x520: {  	_ =	swait.ge [sflag:s17], $0x6400  }
0x521: {  	[sflag:s17] =	ssyncset.done $0x0  }
0x522: {  	[sflag:s17] =	ssyncadd.s32 $0xFFFF9C00  }
0x523: {  	v1 =	vld [tilespmem:$0x0]  }
0x524: {  	v2 =	vld [tilespmem:$0x10]  }
0x525: {  	v3 =	vld [tilespmem:$0x20]  }
0x526: {  	v4 =	vld [tilespmem:$0x30]  }
0x527: {  	v5 =	vld [tilespmem:$0x40]  }
0x528: {  	v6 =	vld [tilespmem:$0x50];
	v1 =	vshra.s32 v1, $0x3  }
0x529: {  	[tilespmem:$0x6400] =	vst v1;
	v1 =	vshra.s32 v2, $0x3;
	v2 =	vld [tilespmem:$0x60]  }
0x52a: {  	[tilespmem:$0x6410] =	vst v1;
	v1 =	vshra.s32 v3, $0x3;
	v3 =	vld [tilespmem:$0x70]  }
0x52b: {  	v56 =	vld [tilespmem:$0x80];
	[tilespmem:$0x6420] =	vst v1;
	v1 =	vshra.s32 v4, $0x3  }
0x52c: {  	v57 =	vld [tilespmem:$0x90];
	[tilespmem:$0x6430] =	vst v1;
	v1 =	vshra.s32 v5, $0x3  }
0x52d: {  	v58 =	vld [tilespmem:$0xA0];
	[tilespmem:$0x6440] =	vst v1;
	v1 =	vshra.s32 v6, $0x3  }
0x52e: {  	[tilespmem:$0x6450] =	vst v1;
	v1 =	vshra.s32 v2, $0x3;
	v2 =	vld [tilespmem:$0xB0]  }
0x52f: {  	[tilespmem:$0x6460] =	vst v1;
	v1 =	vshra.s32 v3, $0x3;
	v3 =	vld [tilespmem:$0xC0]  }
0x530: {  	v59 =	vld [tilespmem:$0xD0];
	[tilespmem:$0x6470] =	vst v1;
	v1 =	vshra.s32 v56, $0x3  }
0x531: {  	v60 =	vld [tilespmem:$0xE0];
	[tilespmem:$0x6480] =	vst v1;
	v1 =	vshra.s32 v57, $0x3  }
0x532: {  	v61 =	vld [tilespmem:$0xF0];
	[tilespmem:$0x6490] =	vst v1;
	v1 =	vshra.s32 v58, $0x3  }
0x533: {  	[tilespmem:$0x64A0] =	vst v1;
	v1 =	vshra.s32 v2, $0x3;
	v2 =	vld [tilespmem:$0x100]  }
0x534: {  	[tilespmem:$0x64B0] =	vst v1;
	v1 =	vshra.s32 v3, $0x3;
	v3 =	vld [tilespmem:$0x110]  }
0x535: {  	v62 =	vld [tilespmem:$0x120];
	[tilespmem:$0x64C0] =	vst v1;
	v1 =	vshra.s32 v59, $0x3  }
0x536: {  	v63 =	vld [tilespmem:$0x130];
	[tilespmem:$0x64D0] =	vst v1;
	v1 =	vshra.s32 v60, $0x3  }
0x537: {  	[tilespmem:$0x64E0] =	vst v1;
	v1 =	vshra.s32 v61, $0x3  }
0x538: {  	[tilespmem:$0x64F0] =	vst v1;
	v1 =	vshra.s32 v2, $0x3  }
0x539: {  	[tilespmem:$0x6500] =	vst v1;
	v1 =	vshra.s32 v3, $0x3  }
0x53a: {  	[tilespmem:$0x6510] =	vst v1;
	v1 =	vshra.s32 v62, $0x3  }
0x53b: {  	s29 =	simm.s32 $0x140;
	[tilespmem:$0x6520] =	vst v1;
	v1 =	vshra.s32 v63, $0x3  }
0x53c: {  	s30 =	simm.s32 $0x280;
	s31 =	simm.s32 $0x0;
	s0 =	simm.s32 $0x0;
	[tilespmem:$0x6530] =	vst v1  }
0x53d: {  	[tilespmem:s19], [sflag:$0x1] =	stream.indirect.gather [hbm4b:s11+s29], $0x80, s18, s29, $0xb8;
	[tilespmem:$0x1BB00] =	vst v63  }
.LBB2_32:
0x53e: {  	s3 =	sshllo.u32 s0, $0x1  }
0x53f: {  	s12 =	smul.u32 $0x500, s3;
	_ =	sdelay $0x1  }
0x540: {  	s12 =	sshra.s32 s12, $0x2  }
0x541: {  	v1 =	vld [tilespmem:s12+$0x0];
	_ =	sdelay $0x4  }
0x542: {  	v1 =	vshra.s32 v1, $0x3  }
0x543: {  	[tilespmem:$0x6580] =	vst v1  }
0x544: {  	v1 =	vld [tilespmem:s12+$0x10];
	_ =	sdelay $0x4  }
0x545: {  	v1 =	vshra.s32 v1, $0x3  }
0x546: {  	[tilespmem:$0x6590] =	vst v1  }
0x547: {  	v1 =	vld [tilespmem:s12+$0x20];
	_ =	sdelay $0x4  }
0x548: {  	v1 =	vshra.s32 v1, $0x3  }
0x549: {  	[tilespmem:$0x65A0] =	vst v1  }
0x54a: {  	v1 =	vld [tilespmem:s12+$0x30];
	_ =	sdelay $0x4  }
0x54b: {  	v1 =	vshra.s32 v1, $0x3  }
0x54c: {  	[tilespmem:$0x65B0] =	vst v1  }
0x54d: {  	v1 =	vld [tilespmem:s12+$0x40];
	_ =	sdelay $0x4  }
0x54e: {  	v1 =	vshra.s32 v1, $0x3  }
0x54f: {  	[tilespmem:$0x65C0] =	vst v1  }
0x550: {  	v1 =	vld [tilespmem:s12+$0x50];
	_ =	sdelay $0x4  }
0x551: {  	v1 =	vshra.s32 v1, $0x3  }
0x552: {  	[tilespmem:$0x65D0] =	vst v1  }
0x553: {  	v1 =	vld [tilespmem:s12+$0x60];
	_ =	sdelay $0x4  }
0x554: {  	v1 =	vshra.s32 v1, $0x3  }
0x555: {  	[tilespmem:$0x65E0] =	vst v1  }
0x556: {  	v1 =	vld [tilespmem:s12+$0x70];
	_ =	sdelay $0x4  }
0x557: {  	v1 =	vshra.s32 v1, $0x3  }
0x558: {  	[tilespmem:$0x65F0] =	vst v1  }
0x559: {  	v1 =	vld [tilespmem:s12+$0x80];
	_ =	sdelay $0x4  }
0x55a: {  	v1 =	vshra.s32 v1, $0x3  }
0x55b: {  	[tilespmem:$0x6600] =	vst v1  }
0x55c: {  	v1 =	vld [tilespmem:s12+$0x90];
	_ =	sdelay $0x4  }
0x55d: {  	v1 =	vshra.s32 v1, $0x3  }
0x55e: {  	[tilespmem:$0x6610] =	vst v1  }
0x55f: {  	v1 =	vld [tilespmem:s12+$0xA0];
	_ =	sdelay $0x4  }
0x560: {  	v1 =	vshra.s32 v1, $0x3  }
0x561: {  	[tilespmem:$0x6620] =	vst v1  }
0x562: {  	v1 =	vld [tilespmem:s12+$0xB0];
	_ =	sdelay $0x4  }
0x563: {  	v1 =	vshra.s32 v1, $0x3  }
0x564: {  	[tilespmem:$0x6630] =	vst v1  }
0x565: {  	v1 =	vld [tilespmem:s12+$0xC0];
	_ =	sdelay $0x4  }
0x566: {  	v1 =	vshra.s32 v1, $0x3  }
0x567: {  	[tilespmem:$0x6640] =	vst v1  }
0x568: {  	v1 =	vld [tilespmem:s12+$0xD0];
	_ =	sdelay $0x4  }
0x569: {  	v1 =	vshra.s32 v1, $0x3  }
0x56a: {  	[tilespmem:$0x6650] =	vst v1  }
0x56b: {  	v1 =	vld [tilespmem:s12+$0xE0];
	_ =	sdelay $0x4  }
0x56c: {  	v1 =	vshra.s32 v1, $0x3  }
0x56d: {  	[tilespmem:$0x6660] =	vst v1  }
0x56e: {  	v1 =	vld [tilespmem:s12+$0xF0];
	_ =	sdelay $0x4  }
0x56f: {  	v1 =	vshra.s32 v1, $0x3  }
0x570: {  	[tilespmem:$0x6670] =	vst v1  }
0x571: {  	v1 =	vld [tilespmem:s12+$0x100];
	_ =	sdelay $0x4  }
0x572: {  	v1 =	vshra.s32 v1, $0x3  }
0x573: {  	[tilespmem:$0x6680] =	vst v1  }
0x574: {  	v1 =	vld [tilespmem:s12+$0x110];
	_ =	sdelay $0x4  }
0x575: {  	v1 =	vshra.s32 v1, $0x3  }
0x576: {  	[tilespmem:$0x6690] =	vst v1  }
0x577: {  	v1 =	vld [tilespmem:s12+$0x120];
	_ =	sdelay $0x4  }
0x578: {  	v1 =	vshra.s32 v1, $0x3  }
0x579: {  	[tilespmem:$0x66A0] =	vst v1  }
0x57a: {  	v1 =	vld [tilespmem:s12+$0x130];
	_ =	sdelay $0x4  }
0x57b: {  	v1 =	vshra.s32 v1, $0x3  }
0x57c: {  	[tilespmem:$0x66B0] =	vst v1  }
0x57d: {  	[tilespmem:s22], [sflag:$0x2] =	stream.indirect.gather [hbm4b:s11+s20], $0x80, s21, s20, $0xb8;
	[tilespmem:$0x1BB00] =	vst v63  }
0x57e: {  	s16 =	sadd.s32 $0x0, s31;
	_ =	swait.ge [sflag:s23], $0xA000  }
0x57f: {  	s13 =	sand.u32 $0x70, s28;
	s12 =	sand.u32 $0x1FF80, s16;
	[sflag:s23] =	ssyncset.done $0x0  }
0x580: {  	s12 =	sor.u32 s13, s12;
	[sflag:s23] =	ssyncadd.s32 $0xFFFF6000  }
0x581: {  	v1 =	vld [tilespmem:s12+$0x0];
	_ =	sdelay $0x4  }
0x582: {  	v2 =	vor.u32 s28, v0;
	v1 =	vshll.u32 v1, $0x4  }
0x583: {  	v3 =	vshll.u32 v2, $0x7;
	v1 =	vand.u32 $0x70, v1  }
0x584: {  	v1 =	vor.u32 v3, v1;
	_ =	sdelay $0x4  }
0x585: {  	v4 =	vshll.u32 v2, $0x4;
	v3 =	vld.idx.msk [tilespmem:v1+s19+$0x0], $0xffff  }
0x586: {  	v2 =	vor.u32 $0x1, v1;
	_ =	sdelay $0x3  }
0x587: {  	[tilespmem:v4+s24+$0x0] =	vst.idx.msk $0xffff, v3  }
0x588: {  	v3 =	vor.u32 $0x1, v4;
	v2 =	vld.idx.msk [tilespmem:v2+s19+$0x0], $0xffff  }
0x589: {  	v5 =	vor.u32 $0x2, v1;
	_ =	sdelay $0x3  }
0x58a: {  	[tilespmem:v3+s24+$0x0] =	vst.idx.msk $0xffff, v2  }
0x58b: {  	v3 =	vor.u32 $0x2, v4;
	v2 =	vld.idx.msk [tilespmem:v5+s19+$0x0], $0xffff  }
0x58c: {  	v52 =	vor.u32 $0x3, v1;
	_ =	sdelay $0x3  }
0x58d: {  	[tilespmem:v3+s24+$0x0] =	vst.idx.msk $0xffff, v2  }
0x58e: {  	v3 =	vor.u32 $0x3, v4;
	v2 =	vld.idx.msk [tilespmem:v52+s19+$0x0], $0xffff  }
0x58f: {  	v53 =	vor.u32 $0x4, v1;
	_ =	sdelay $0x3  }
0x590: {  	[tilespmem:v3+s24+$0x0] =	vst.idx.msk $0xffff, v2  }
0x591: {  	v3 =	vor.u32 $0x4, v4;
	v2 =	vld.idx.msk [tilespmem:v53+s19+$0x0], $0xffff  }
0x592: {  	v54 =	vor.u32 $0x5, v1;
	_ =	sdelay $0x3  }
0x593: {  	[tilespmem:v3+s24+$0x0] =	vst.idx.msk $0xffff, v2  }
0x594: {  	v3 =	vor.u32 $0x5, v4;
	v2 =	vld.idx.msk [tilespmem:v54+s19+$0x0], $0xffff  }
0x595: {  	v55 =	vor.u32 $0x6, v1;
	_ =	sdelay $0x3  }
0x596: {  	[tilespmem:v3+s24+$0x0] =	vst.idx.msk $0xffff, v2  }
0x597: {  	v3 =	vor.u32 $0x6, v4;
	v2 =	vld.idx.msk [tilespmem:v55+s19+$0x0], $0xffff  }
0x598: {  	v56 =	vor.u32 $0x7, v1;
	_ =	sdelay $0x3  }
0x599: {  	[tilespmem:v3+s24+$0x0] =	vst.idx.msk $0xffff, v2  }
0x59a: {  	v3 =	vor.u32 $0x7, v4;
	v2 =	vld.idx.msk [tilespmem:v56+s19+$0x0], $0xffff  }
0x59b: {  	v57 =	vor.u32 $0x8, v1;
	_ =	sdelay $0x3  }
0x59c: {  	[tilespmem:v3+s24+$0x0] =	vst.idx.msk $0xffff, v2  }
0x59d: {  	v3 =	vor.u32 $0x8, v4;
	v2 =	vld.idx.msk [tilespmem:v57+s19+$0x0], $0xffff  }
0x59e: {  	v58 =	vor.u32 $0x9, v1;
	_ =	sdelay $0x3  }
0x59f: {  	[tilespmem:v3+s24+$0x0] =	vst.idx.msk $0xffff, v2  }
0x5a0: {  	v3 =	vor.u32 $0x9, v4;
	v2 =	vld.idx.msk [tilespmem:v58+s19+$0x0], $0xffff  }
0x5a1: {  	v59 =	vor.u32 $0xA, v1;
	_ =	sdelay $0x3  }
0x5a2: {  	[tilespmem:v3+s24+$0x0] =	vst.idx.msk $0xffff, v2  }
0x5a3: {  	v3 =	vor.u32 $0xA, v4;
	v2 =	vld.idx.msk [tilespmem:v59+s19+$0x0], $0xffff  }
0x5a4: {  	v60 =	vor.u32 $0xB, v1;
	_ =	sdelay $0x3  }
0x5a5: {  	[tilespmem:v3+s24+$0x0] =	vst.idx.msk $0xffff, v2  }
0x5a6: {  	v3 =	vor.u32 $0xB, v4;
	v2 =	vld.idx.msk [tilespmem:v60+s19+$0x0], $0xffff  }
0x5a7: {  	v61 =	vor.u32 $0xC, v1;
	_ =	sdelay $0x3  }
0x5a8: {  	[tilespmem:v3+s24+$0x0] =	vst.idx.msk $0xffff, v2  }
0x5a9: {  	v3 =	vor.u32 $0xC, v4;
	v2 =	vld.idx.msk [tilespmem:v61+s19+$0x0], $0xffff  }
0x5aa: {  	v62 =	vor.u32 $0xD, v1;
	_ =	sdelay $0x3  }
0x5ab: {  	[tilespmem:v3+s24+$0x0] =	vst.idx.msk $0xffff, v2  }
0x5ac: {  	v3 =	vor.u32 $0xD, v4;
	v2 =	vld.idx.msk [tilespmem:v62+s19+$0x0], $0xffff  }
0x5ad: {  	v63 =	vor.u32 $0xE, v1;
	_ =	sdelay $0x3  }
0x5ae: {  	[tilespmem:v3+s24+$0x0] =	vst.idx.msk $0xffff, v2  }
0x5af: {  	v3 =	vor.u32 $0xE, v4;
	v2 =	vld.idx.msk [tilespmem:v63+s19+$0x0], $0xffff  }
0x5b0: {  	v1 =	vor.u32 $0xF, v1;
	_ =	sdelay $0x3  }
0x5b1: {  	[tilespmem:v3+s24+$0x0] =	vst.idx.msk $0xffff, v2  }
0x5b2: {  	v2 =	vld.idx.msk [tilespmem:v1+s19+$0x0], $0xffff;
	v1 =	vor.u32 $0xF, v4;
	_ =	sdelay $0x1  }
0x5b3: {  	s15 =	sadd.s32 $0x10, s31;
	s14 =	simm.s32 $0x20;
	s13 =	simm.s32 $0x10  }
0x5b4: {  	s15 =	sand.u32 $0x1FF80, s15;
	s16 =	sand.u32 $0x70, s13;
	s12 =	smul.u32 $0x280, s0  }
.LBB2_33:
0x5b5: {  	p0 =	sne.s32 s14, $0x130  }
0x5b6: {  	s15 =	sor.u32 s16, s15;
	[tilespmem:v1+s24+$0x0] =	vst.idx.msk $0xffff, v2;
	s16 =	smov.u32 s14;
	s14 =	sadd.s32 $0x10, s14  }
0x5b7: {  	v1 =	vld [tilespmem:s15+$0x0];
	_ =	sdelay $0x4  }
0x5b8: {  	v3 =	vor.u32 s13, v0;
	s13 =	smov.u32 s16;
	v1 =	vshll.u32 v1, $0x4  }
0x5b9: {  	v2 =	vshll.u32 v3, $0x7;
	v1 =	vand.u32 $0x70, v1  }
0x5ba: {  	v2 =	vor.u32 v2, v1;
	_ =	sdelay $0x4  }
0x5bb: {  	v4 =	vld.idx.msk [tilespmem:v2+s19+$0x0], $0xffff  }
0x5bc: {  	v1 =	vshll.u32 v3, $0x4  }
0x5bd: {  	v3 =	vor.u32 $0x1, v2;
	_ =	sdelay $0x3  }
0x5be: {  	[tilespmem:v1+s24+$0x0] =	vst.idx.msk $0xffff, v4  }
0x5bf: {  	v3 =	vld.idx.msk [tilespmem:v3+s19+$0x0], $0xffff  }
0x5c0: {  	v4 =	vor.u32 $0x1, v1  }
0x5c1: {  	v5 =	vor.u32 $0x2, v2;
	_ =	sdelay $0x3  }
0x5c2: {  	[tilespmem:v4+s24+$0x0] =	vst.idx.msk $0xffff, v3  }
0x5c3: {  	v3 =	vld.idx.msk [tilespmem:v5+s19+$0x0], $0xffff  }
0x5c4: {  	v4 =	vor.u32 $0x2, v1  }
0x5c5: {  	v5 =	vor.u32 $0x3, v2;
	_ =	sdelay $0x3  }
0x5c6: {  	[tilespmem:v4+s24+$0x0] =	vst.idx.msk $0xffff, v3  }
0x5c7: {  	v3 =	vld.idx.msk [tilespmem:v5+s19+$0x0], $0xffff  }
0x5c8: {  	v4 =	vor.u32 $0x3, v1  }
0x5c9: {  	v5 =	vor.u32 $0x4, v2;
	_ =	sdelay $0x3  }
0x5ca: {  	[tilespmem:v4+s24+$0x0] =	vst.idx.msk $0xffff, v3  }
0x5cb: {  	v3 =	vld.idx.msk [tilespmem:v5+s19+$0x0], $0xffff  }
0x5cc: {  	v4 =	vor.u32 $0x4, v1  }
0x5cd: {  	v5 =	vor.u32 $0x5, v2;
	_ =	sdelay $0x3  }
0x5ce: {  	[tilespmem:v4+s24+$0x0] =	vst.idx.msk $0xffff, v3  }
0x5cf: {  	v3 =	vld.idx.msk [tilespmem:v5+s19+$0x0], $0xffff  }
0x5d0: {  	v4 =	vor.u32 $0x5, v1  }
0x5d1: {  	v5 =	vor.u32 $0x6, v2;
	_ =	sdelay $0x3  }
0x5d2: {  	[tilespmem:v4+s24+$0x0] =	vst.idx.msk $0xffff, v3  }
0x5d3: {  	v3 =	vld.idx.msk [tilespmem:v5+s19+$0x0], $0xffff  }
0x5d4: {  	v4 =	vor.u32 $0x6, v1  }
0x5d5: {  	v5 =	vor.u32 $0x7, v2;
	_ =	sdelay $0x3  }
0x5d6: {  	[tilespmem:v4+s24+$0x0] =	vst.idx.msk $0xffff, v3  }
0x5d7: {  	v3 =	vld.idx.msk [tilespmem:v5+s19+$0x0], $0xffff  }
0x5d8: {  	v4 =	vor.u32 $0x7, v1  }
0x5d9: {  	v5 =	vor.u32 $0x8, v2;
	_ =	sdelay $0x3  }
0x5da: {  	[tilespmem:v4+s24+$0x0] =	vst.idx.msk $0xffff, v3  }
0x5db: {  	v3 =	vld.idx.msk [tilespmem:v5+s19+$0x0], $0xffff  }
0x5dc: {  	v4 =	vor.u32 $0x8, v1  }
0x5dd: {  	v5 =	vor.u32 $0x9, v2;
	_ =	sdelay $0x3  }
0x5de: {  	[tilespmem:v4+s24+$0x0] =	vst.idx.msk $0xffff, v3  }
0x5df: {  	v3 =	vld.idx.msk [tilespmem:v5+s19+$0x0], $0xffff  }
0x5e0: {  	v4 =	vor.u32 $0x9, v1  }
0x5e1: {  	v5 =	vor.u32 $0xA, v2;
	_ =	sdelay $0x3  }
0x5e2: {  	[tilespmem:v4+s24+$0x0] =	vst.idx.msk $0xffff, v3  }
0x5e3: {  	v3 =	vld.idx.msk [tilespmem:v5+s19+$0x0], $0xffff  }
0x5e4: {  	v4 =	vor.u32 $0xA, v1  }
0x5e5: {  	v5 =	vor.u32 $0xB, v2;
	_ =	sdelay $0x3  }
0x5e6: {  	[tilespmem:v4+s24+$0x0] =	vst.idx.msk $0xffff, v3  }
0x5e7: {  	v3 =	vld.idx.msk [tilespmem:v5+s19+$0x0], $0xffff  }
0x5e8: {  	v4 =	vor.u32 $0xB, v1  }
0x5e9: {  	v5 =	vor.u32 $0xC, v2;
	_ =	sdelay $0x3  }
0x5ea: {  	[tilespmem:v4+s24+$0x0] =	vst.idx.msk $0xffff, v3  }
0x5eb: {  	v3 =	vld.idx.msk [tilespmem:v5+s19+$0x0], $0xffff  }
0x5ec: {  	v4 =	vor.u32 $0xC, v1  }
0x5ed: {  	v5 =	vor.u32 $0xD, v2;
	_ =	sdelay $0x3  }
0x5ee: {  	[tilespmem:v4+s24+$0x0] =	vst.idx.msk $0xffff, v3  }
0x5ef: {  	v3 =	vld.idx.msk [tilespmem:v5+s19+$0x0], $0xffff  }
0x5f0: {  	v4 =	vor.u32 $0xD, v1  }
0x5f1: {  	v5 =	vor.u32 $0xE, v2;
	_ =	sdelay $0x3  }
0x5f2: {  	[tilespmem:v4+s24+$0x0] =	vst.idx.msk $0xffff, v3  }
0x5f3: {  	v3 =	vld.idx.msk [tilespmem:v5+s19+$0x0], $0xffff  }
0x5f4: {  	v4 =	vor.u32 $0xE, v1  }
0x5f5: {  	v2 =	vor.u32 $0xF, v2;
	_ =	sdelay $0x3  }
0x5f6: {  	[tilespmem:v4+s24+$0x0] =	vst.idx.msk $0xffff, v3  }
0x5f7: {  	v2 =	vld.idx.msk [tilespmem:v2+s19+$0x0], $0xffff  }
.Ltmp15:
0x5f8: {  	v1 =	vor.u32 $0xF, v1;
	(pc) =	sbr.rel @p0 .LBB2_33-.Ltmp15, $3  }
0x5f9: {  	_ =	sdelay $0x1  }
0x5fa: {  	s15 =	sadd.s32 s13, s31  }
0x5fb: {  	s16 =	sand.u32 $0x70, s13;
	s15 =	sand.u32 $0x1FF80, s15  }
0x5fc: {  	_ =	sdelay $0x3  }
0x5fd: {  	s14 =	sor.u32 s16, s15;
	[tilespmem:v1+s24+$0x0] =	vst.idx.msk $0xffff, v2  }
0x5fe: {  	v1 =	vld [tilespmem:s14+$0x0];
	_ =	sdelay $0x4  }
0x5ff: {  	v2 =	vor.u32 s13, v0;
	v1 =	vshll.u32 v1, $0x4  }
0x600: {  	v3 =	vshll.u32 v2, $0x7;
	v1 =	vand.u32 $0x70, v1  }
0x601: {  	v1 =	vor.u32 v3, v1;
	_ =	sdelay $0x4  }
0x602: {  	v2 =	vshll.u32 v2, $0x4;
	v3 =	vld.idx.msk [tilespmem:v1+s19+$0x0], $0xffff  }
0x603: {  	v4 =	vor.u32 $0x1, v1;
	_ =	sdelay $0x3  }
0x604: {  	[tilespmem:v2+s24+$0x0] =	vst.idx.msk $0xffff, v3  }
0x605: {  	v38 =	vor.u32 $0x1, v2;
	v3 =	vld.idx.msk [tilespmem:v4+s19+$0x0], $0xffff  }
0x606: {  	v5 =	vor.u32 $0x2, v1;
	_ =	sdelay $0x3  }
0x607: {  	[tilespmem:v38+s24+$0x0] =	vst.idx.msk $0xffff, v3  }
0x608: {  	v39 =	vor.u32 $0x2, v2;
	v3 =	vld.idx.msk [tilespmem:v5+s19+$0x0], $0xffff  }
0x609: {  	v40 =	vor.u32 $0x3, v1;
	_ =	sdelay $0x3  }
0x60a: {  	[tilespmem:v39+s24+$0x0] =	vst.idx.msk $0xffff, v3  }
0x60b: {  	v41 =	vor.u32 $0x3, v2;
	v3 =	vld.idx.msk [tilespmem:v40+s19+$0x0], $0xffff  }
0x60c: {  	v42 =	vor.u32 $0x4, v1;
	_ =	sdelay $0x3  }
0x60d: {  	[tilespmem:v41+s24+$0x0] =	vst.idx.msk $0xffff, v3  }
0x60e: {  	v43 =	vor.u32 $0x4, v2;
	v3 =	vld.idx.msk [tilespmem:v42+s19+$0x0], $0xffff  }
0x60f: {  	v44 =	vor.u32 $0x5, v1;
	_ =	sdelay $0x3  }
0x610: {  	[tilespmem:v43+s24+$0x0] =	vst.idx.msk $0xffff, v3  }
0x611: {  	v45 =	vor.u32 $0x5, v2;
	v3 =	vld.idx.msk [tilespmem:v44+s19+$0x0], $0xffff  }
0x612: {  	v46 =	vor.u32 $0x6, v1;
	_ =	sdelay $0x3  }
0x613: {  	[tilespmem:v45+s24+$0x0] =	vst.idx.msk $0xffff, v3  }
0x614: {  	v47 =	vor.u32 $0x6, v2;
	v3 =	vld.idx.msk [tilespmem:v46+s19+$0x0], $0xffff  }
0x615: {  	v48 =	vor.u32 $0x7, v1;
	_ =	sdelay $0x3  }
0x616: {  	[tilespmem:v47+s24+$0x0] =	vst.idx.msk $0xffff, v3  }
0x617: {  	v49 =	vor.u32 $0x7, v2;
	v3 =	vld.idx.msk [tilespmem:v48+s19+$0x0], $0xffff  }
0x618: {  	v50 =	vor.u32 $0x8, v1;
	_ =	sdelay $0x3  }
0x619: {  	[tilespmem:v49+s24+$0x0] =	vst.idx.msk $0xffff, v3  }
0x61a: {  	v51 =	vor.u32 $0x8, v2;
	v3 =	vld.idx.msk [tilespmem:v50+s19+$0x0], $0xffff  }
0x61b: {  	v52 =	vor.u32 $0x9, v1;
	_ =	sdelay $0x3  }
0x61c: {  	[tilespmem:v51+s24+$0x0] =	vst.idx.msk $0xffff, v3  }
0x61d: {  	v53 =	vor.u32 $0x9, v2;
	v3 =	vld.idx.msk [tilespmem:v52+s19+$0x0], $0xffff  }
0x61e: {  	v54 =	vor.u32 $0xA, v1;
	_ =	sdelay $0x3  }
0x61f: {  	[tilespmem:v53+s24+$0x0] =	vst.idx.msk $0xffff, v3  }
0x620: {  	v55 =	vor.u32 $0xA, v2;
	v3 =	vld.idx.msk [tilespmem:v54+s19+$0x0], $0xffff  }
0x621: {  	v56 =	vor.u32 $0xB, v1;
	_ =	sdelay $0x3  }
0x622: {  	[tilespmem:v55+s24+$0x0] =	vst.idx.msk $0xffff, v3  }
0x623: {  	v57 =	vor.u32 $0xB, v2;
	v3 =	vld.idx.msk [tilespmem:v56+s19+$0x0], $0xffff  }
0x624: {  	v58 =	vor.u32 $0xC, v1;
	_ =	sdelay $0x3  }
0x625: {  	[tilespmem:v57+s24+$0x0] =	vst.idx.msk $0xffff, v3  }
0x626: {  	v59 =	vor.u32 $0xC, v2;
	v3 =	vld.idx.msk [tilespmem:v58+s19+$0x0], $0xffff  }
0x627: {  	v60 =	vor.u32 $0xD, v1;
	_ =	sdelay $0x3  }
0x628: {  	[tilespmem:v59+s24+$0x0] =	vst.idx.msk $0xffff, v3  }
0x629: {  	v61 =	vor.u32 $0xD, v2;
	v3 =	vld.idx.msk [tilespmem:v60+s19+$0x0], $0xffff  }
0x62a: {  	v62 =	vor.u32 $0xE, v1;
	_ =	sdelay $0x3  }
0x62b: {  	[tilespmem:v61+s24+$0x0] =	vst.idx.msk $0xffff, v3  }
0x62c: {  	v63 =	vor.u32 $0xE, v2;
	v3 =	vld.idx.msk [tilespmem:v62+s19+$0x0], $0xffff  }
0x62d: {  	v1 =	vor.u32 $0xF, v1;
	_ =	sdelay $0x3  }
0x62e: {  	[tilespmem:v63+s24+$0x0] =	vst.idx.msk $0xffff, v3  }
0x62f: {  	v2 =	vor.u32 $0xF, v2;
	v1 =	vld.idx.msk [tilespmem:v1+s19+$0x0], $0xffff;
	_ =	sdelay $0x2  }
0x630: {  	s12 =	sadd.s32 s7, s12  }
0x631: {  	p0 =	seq.s32 s0, $0x27;
	s12 =	sshll.u32 s12, $0x1  }
.Ltmp16:
0x632: {  	s16 =	sadd.s32 s5, s12;
	s12 =	simm.s32 $0x0;
	[tilespmem:v2+s24+$0x0] =	vst.idx.msk $0xffff, v1;
	(pc) =	sbr.rel @p0 .LBB2_38-.Ltmp16, $4  }
0x633: {  	[hbm4b:s16+s12] =	stream.linear.scatter [tilespmem:s24], [sflag:$0x3], $0x1400, $0x38;
	[tilespmem:$0x1BB00] =	vst v63  }
0x634: {  	_ =	swait.ge [sflag:s17], $0x1400  }
0x635: {  	[sflag:s17] =	ssyncset.done $0x0  }
0x636: {  	s13 =	simm.s32 $0x6400;
	[sflag:s17] =	ssyncadd.s32 $0xFFFFEC00  }
0x637: {  	s14 =	sadd.s32 $0x0, s30  }
0x638: {  	s15 =	sand.u32 $0x70, s12;
	s14 =	sand.u32 $0x3FF80, s14  }
0x639: {  	s15 =	sor.u32 s15, s14  }
0x63a: {  	v1 =	vld [tilespmem:s15+$0x0];
	_ =	sdelay $0x3  }
0x63b: {  	s16 =	sadd.s32 $0x10, s30;
	s14 =	simm.s32 $0x10;
	s15 =	simm.s32 $0x20  }
.LBB2_36:
0x63c: {  	p0 =	sne.s32 s15, $0x130;
	s16 =	sand.u32 $0x3FF80, s16;
	s14 =	sand.u32 $0x70, s14;
	v1 =	vshra.s32 v1, $0x3  }
0x63d: {  	s16 =	sor.u32 s14, s16;
	[tilespmem:s13+$0x0] =	vst v1;
	s14 =	smov.u32 s15  }
.Ltmp17:
0x63e: {  	v1 =	vld [tilespmem:s16+$0x0];
	(pc) =	sbr.rel @p0 .LBB2_36-.Ltmp17, $2  }
0x63f: {  	_ =	sdelay $0x2  }
0x640: {  	s15 =	sadd.s32 $0x10, s15;
	s13 =	sadd.s32 $0x10, s13;
	s16 =	sadd.s32 s14, s30  }
0x641: {  	s15 =	sand.u32 $0x3FF80, s16;
	s14 =	sand.u32 $0x70, s14;
	v1 =	vshra.s32 v1, $0x3  }
0x642: {  	s14 =	sor.u32 s14, s15;
	[tilespmem:s13+$0x0] =	vst v1  }
0x643: {  	v1 =	vld [tilespmem:s14+$0x0];
	_ =	sdelay $0x4  }
0x644: {  	s16 =	sadd.s32 $0x10, s13;
	v1 =	vshra.s32 v1, $0x3  }
0x645: {  	[tilespmem:s16+$0x0] =	vst v1  }
0x646: {  	[tilespmem:s19], [sflag:$0x1] =	stream.indirect.gather [hbm4b:s11+s20], $0x80, s18, s20, $0xb8;
	[tilespmem:$0x1BB00] =	vst v63  }
.LBB2_38:
0x647: {  	_ =	swait.ge [sflag:s25], $0xA000  }
0x648: {  	[sflag:s25] =	ssyncset.done $0x0  }
0x649: {  	[sflag:s25] =	ssyncadd.s32 $0xFFFF6000  }
0x64a: {  	v1 =	vld [tilespmem:s29+$0x0];
	_ =	sdelay $0x4  }
0x64b: {  	v2 =	vor.u32 s12, v0;
	v1 =	vshll.u32 v1, $0x4  }
0x64c: {  	v3 =	vshll.u32 v2, $0x7;
	v1 =	vand.u32 $0x70, v1  }
0x64d: {  	v1 =	vor.u32 v3, v1;
	_ =	sdelay $0x4  }
0x64e: {  	v4 =	vshll.u32 v2, $0x4;
	v3 =	vld.idx.msk [tilespmem:v1+s22+$0x0], $0xffff  }
0x64f: {  	v2 =	vor.u32 $0x1, v1;
	_ =	sdelay $0x3  }
0x650: {  	[tilespmem:v4+s24+$0x0] =	vst.idx.msk $0xffff, v3  }
0x651: {  	v3 =	vor.u32 $0x1, v4;
	v2 =	vld.idx.msk [tilespmem:v2+s22+$0x0], $0xffff  }
0x652: {  	v5 =	vor.u32 $0x2, v1;
	_ =	sdelay $0x3  }
0x653: {  	[tilespmem:v3+s24+$0x0] =	vst.idx.msk $0xffff, v2  }
0x654: {  	v3 =	vor.u32 $0x2, v4;
	v2 =	vld.idx.msk [tilespmem:v5+s22+$0x0], $0xffff  }
0x655: {  	v52 =	vor.u32 $0x3, v1;
	_ =	sdelay $0x3  }
0x656: {  	[tilespmem:v3+s24+$0x0] =	vst.idx.msk $0xffff, v2  }
0x657: {  	v3 =	vor.u32 $0x3, v4;
	v2 =	vld.idx.msk [tilespmem:v52+s22+$0x0], $0xffff  }
0x658: {  	v53 =	vor.u32 $0x4, v1;
	_ =	sdelay $0x3  }
0x659: {  	[tilespmem:v3+s24+$0x0] =	vst.idx.msk $0xffff, v2  }
0x65a: {  	v3 =	vor.u32 $0x4, v4;
	v2 =	vld.idx.msk [tilespmem:v53+s22+$0x0], $0xffff  }
0x65b: {  	v54 =	vor.u32 $0x5, v1;
	_ =	sdelay $0x3  }
0x65c: {  	[tilespmem:v3+s24+$0x0] =	vst.idx.msk $0xffff, v2  }
0x65d: {  	v3 =	vor.u32 $0x5, v4;
	v2 =	vld.idx.msk [tilespmem:v54+s22+$0x0], $0xffff  }
0x65e: {  	v55 =	vor.u32 $0x6, v1;
	_ =	sdelay $0x3  }
0x65f: {  	[tilespmem:v3+s24+$0x0] =	vst.idx.msk $0xffff, v2  }
0x660: {  	v3 =	vor.u32 $0x6, v4;
	v2 =	vld.idx.msk [tilespmem:v55+s22+$0x0], $0xffff  }
0x661: {  	v56 =	vor.u32 $0x7, v1;
	_ =	sdelay $0x3  }
0x662: {  	[tilespmem:v3+s24+$0x0] =	vst.idx.msk $0xffff, v2  }
0x663: {  	v3 =	vor.u32 $0x7, v4;
	v2 =	vld.idx.msk [tilespmem:v56+s22+$0x0], $0xffff  }
0x664: {  	v57 =	vor.u32 $0x8, v1;
	_ =	sdelay $0x3  }
0x665: {  	[tilespmem:v3+s24+$0x0] =	vst.idx.msk $0xffff, v2  }
0x666: {  	v3 =	vor.u32 $0x8, v4;
	v2 =	vld.idx.msk [tilespmem:v57+s22+$0x0], $0xffff  }
0x667: {  	v58 =	vor.u32 $0x9, v1;
	_ =	sdelay $0x3  }
0x668: {  	[tilespmem:v3+s24+$0x0] =	vst.idx.msk $0xffff, v2  }
0x669: {  	v3 =	vor.u32 $0x9, v4;
	v2 =	vld.idx.msk [tilespmem:v58+s22+$0x0], $0xffff  }
0x66a: {  	v59 =	vor.u32 $0xA, v1;
	_ =	sdelay $0x3  }
0x66b: {  	[tilespmem:v3+s24+$0x0] =	vst.idx.msk $0xffff, v2  }
0x66c: {  	v3 =	vor.u32 $0xA, v4;
	v2 =	vld.idx.msk [tilespmem:v59+s22+$0x0], $0xffff  }
0x66d: {  	v60 =	vor.u32 $0xB, v1;
	_ =	sdelay $0x3  }
0x66e: {  	[tilespmem:v3+s24+$0x0] =	vst.idx.msk $0xffff, v2  }
0x66f: {  	v3 =	vor.u32 $0xB, v4;
	v2 =	vld.idx.msk [tilespmem:v60+s22+$0x0], $0xffff  }
0x670: {  	v61 =	vor.u32 $0xC, v1;
	_ =	sdelay $0x3  }
0x671: {  	[tilespmem:v3+s24+$0x0] =	vst.idx.msk $0xffff, v2  }
0x672: {  	v3 =	vor.u32 $0xC, v4;
	v2 =	vld.idx.msk [tilespmem:v61+s22+$0x0], $0xffff  }
0x673: {  	v62 =	vor.u32 $0xD, v1;
	_ =	sdelay $0x3  }
0x674: {  	[tilespmem:v3+s24+$0x0] =	vst.idx.msk $0xffff, v2  }
0x675: {  	v3 =	vor.u32 $0xD, v4;
	v2 =	vld.idx.msk [tilespmem:v62+s22+$0x0], $0xffff  }
0x676: {  	v63 =	vor.u32 $0xE, v1;
	_ =	sdelay $0x3  }
0x677: {  	[tilespmem:v3+s24+$0x0] =	vst.idx.msk $0xffff, v2  }
0x678: {  	v3 =	vor.u32 $0xE, v4;
	v2 =	vld.idx.msk [tilespmem:v63+s22+$0x0], $0xffff  }
0x679: {  	v1 =	vor.u32 $0xF, v1;
	_ =	sdelay $0x3  }
0x67a: {  	[tilespmem:v3+s24+$0x0] =	vst.idx.msk $0xffff, v2  }
0x67b: {  	s12 =	simm.s32 $0x10;
	s13 =	smov.u32 s29;
	v2 =	vld.idx.msk [tilespmem:v1+s22+$0x0], $0xffff;
	v1 =	vor.u32 $0xF, v4  }
.LBB2_39:
0x67c: {  	_ =	sdelay $0x2  }
0x67d: {  	p0 =	sne.s32 s12, $0x130  }
0x67e: {  	s13 =	sadd.s32 $0x10, s13;
	s14 =	smov.u32 s12;
	s12 =	sadd.s32 $0x10, s12;
	[tilespmem:v1+s24+$0x0] =	vst.idx.msk $0xffff, v2  }
0x67f: {  	v1 =	vld [tilespmem:s13+$0x0];
	_ =	sdelay $0x4  }
0x680: {  	v3 =	vor.u32 s14, v0;
	v1 =	vshll.u32 v1, $0x4  }
0x681: {  	v2 =	vshll.u32 v3, $0x7;
	v1 =	vand.u32 $0x70, v1  }
0x682: {  	v2 =	vor.u32 v2, v1;
	_ =	sdelay $0x4  }
0x683: {  	v4 =	vld.idx.msk [tilespmem:v2+s22+$0x0], $0xffff  }
0x684: {  	v1 =	vshll.u32 v3, $0x4  }
0x685: {  	v3 =	vor.u32 $0x1, v2;
	_ =	sdelay $0x3  }
0x686: {  	[tilespmem:v1+s24+$0x0] =	vst.idx.msk $0xffff, v4  }
0x687: {  	v3 =	vld.idx.msk [tilespmem:v3+s22+$0x0], $0xffff  }
0x688: {  	v4 =	vor.u32 $0x1, v1  }
0x689: {  	v5 =	vor.u32 $0x2, v2;
	_ =	sdelay $0x3  }
0x68a: {  	[tilespmem:v4+s24+$0x0] =	vst.idx.msk $0xffff, v3  }
0x68b: {  	v3 =	vld.idx.msk [tilespmem:v5+s22+$0x0], $0xffff  }
0x68c: {  	v4 =	vor.u32 $0x2, v1  }
0x68d: {  	v5 =	vor.u32 $0x3, v2;
	_ =	sdelay $0x3  }
0x68e: {  	[tilespmem:v4+s24+$0x0] =	vst.idx.msk $0xffff, v3  }
0x68f: {  	v3 =	vld.idx.msk [tilespmem:v5+s22+$0x0], $0xffff  }
0x690: {  	v4 =	vor.u32 $0x3, v1  }
0x691: {  	v5 =	vor.u32 $0x4, v2;
	_ =	sdelay $0x3  }
0x692: {  	[tilespmem:v4+s24+$0x0] =	vst.idx.msk $0xffff, v3  }
0x693: {  	v3 =	vld.idx.msk [tilespmem:v5+s22+$0x0], $0xffff  }
0x694: {  	v4 =	vor.u32 $0x4, v1  }
0x695: {  	v5 =	vor.u32 $0x5, v2;
	_ =	sdelay $0x3  }
0x696: {  	[tilespmem:v4+s24+$0x0] =	vst.idx.msk $0xffff, v3  }
0x697: {  	v3 =	vld.idx.msk [tilespmem:v5+s22+$0x0], $0xffff  }
0x698: {  	v4 =	vor.u32 $0x5, v1  }
0x699: {  	v5 =	vor.u32 $0x6, v2;
	_ =	sdelay $0x3  }
0x69a: {  	[tilespmem:v4+s24+$0x0] =	vst.idx.msk $0xffff, v3  }
0x69b: {  	v3 =	vld.idx.msk [tilespmem:v5+s22+$0x0], $0xffff  }
0x69c: {  	v4 =	vor.u32 $0x6, v1  }
0x69d: {  	v5 =	vor.u32 $0x7, v2;
	_ =	sdelay $0x3  }
0x69e: {  	[tilespmem:v4+s24+$0x0] =	vst.idx.msk $0xffff, v3  }
0x69f: {  	v3 =	vld.idx.msk [tilespmem:v5+s22+$0x0], $0xffff  }
0x6a0: {  	v4 =	vor.u32 $0x7, v1  }
0x6a1: {  	v5 =	vor.u32 $0x8, v2;
	_ =	sdelay $0x3  }
0x6a2: {  	[tilespmem:v4+s24+$0x0] =	vst.idx.msk $0xffff, v3  }
0x6a3: {  	v3 =	vld.idx.msk [tilespmem:v5+s22+$0x0], $0xffff  }
0x6a4: {  	v4 =	vor.u32 $0x8, v1  }
0x6a5: {  	v5 =	vor.u32 $0x9, v2;
	_ =	sdelay $0x3  }
0x6a6: {  	[tilespmem:v4+s24+$0x0] =	vst.idx.msk $0xffff, v3  }
0x6a7: {  	v3 =	vld.idx.msk [tilespmem:v5+s22+$0x0], $0xffff  }
0x6a8: {  	v4 =	vor.u32 $0x9, v1  }
0x6a9: {  	v5 =	vor.u32 $0xA, v2;
	_ =	sdelay $0x3  }
0x6aa: {  	[tilespmem:v4+s24+$0x0] =	vst.idx.msk $0xffff, v3  }
0x6ab: {  	v3 =	vld.idx.msk [tilespmem:v5+s22+$0x0], $0xffff  }
0x6ac: {  	v4 =	vor.u32 $0xA, v1  }
0x6ad: {  	v5 =	vor.u32 $0xB, v2;
	_ =	sdelay $0x3  }
0x6ae: {  	[tilespmem:v4+s24+$0x0] =	vst.idx.msk $0xffff, v3  }
0x6af: {  	v3 =	vld.idx.msk [tilespmem:v5+s22+$0x0], $0xffff  }
0x6b0: {  	v4 =	vor.u32 $0xB, v1  }
0x6b1: {  	v5 =	vor.u32 $0xC, v2;
	_ =	sdelay $0x3  }
0x6b2: {  	[tilespmem:v4+s24+$0x0] =	vst.idx.msk $0xffff, v3  }
0x6b3: {  	v3 =	vld.idx.msk [tilespmem:v5+s22+$0x0], $0xffff  }
0x6b4: {  	v4 =	vor.u32 $0xC, v1  }
0x6b5: {  	v5 =	vor.u32 $0xD, v2;
	_ =	sdelay $0x3  }
0x6b6: {  	[tilespmem:v4+s24+$0x0] =	vst.idx.msk $0xffff, v3  }
0x6b7: {  	v3 =	vld.idx.msk [tilespmem:v5+s22+$0x0], $0xffff  }
0x6b8: {  	v4 =	vor.u32 $0xD, v1  }
0x6b9: {  	v5 =	vor.u32 $0xE, v2;
	_ =	sdelay $0x3  }
0x6ba: {  	[tilespmem:v4+s24+$0x0] =	vst.idx.msk $0xffff, v3  }
0x6bb: {  	v3 =	vld.idx.msk [tilespmem:v5+s22+$0x0], $0xffff  }
0x6bc: {  	v4 =	vor.u32 $0xE, v1  }
0x6bd: {  	v2 =	vor.u32 $0xF, v2;
	_ =	sdelay $0x1  }
.Ltmp18:
0x6be: {  	(pc) =	sbr.rel @p0 .LBB2_39-.Ltmp18, $4  }
0x6bf: {  	_ = 	snop  }
0x6c0: {  	[tilespmem:v4+s24+$0x0] =	vst.idx.msk $0xffff, v3  }
0x6c1: {  	v2 =	vld.idx.msk [tilespmem:v2+s22+$0x0], $0xffff  }
0x6c2: {  	v1 =	vor.u32 $0xF, v1  }
0x6c3: {  	s3 =	smul.u32 $0x140, s3;
	_ =	sdelay $0x1  }
0x6c4: {  	s3 =	sadd.s32 s7, s3  }
0x6c5: {  	s0 =	sadd.s32 $0x1, s0;
	s3 =	sshll.u32 s3, $0x1  }
0x6c6: {  	p0 =	sne.s32 s0, $0x28;
	s3 =	sand.u32 $0x1FFFFF80, s3  }
.Ltmp19:
0x6c7: {  	[tilespmem:v1+s24+$0x0] =	vst.idx.msk $0xffff, v2;
	s3 =	sadd.s32 s5, s3;
	(pc) =	sbr.rel @p0 .LBB2_32-.Ltmp19, $4  }
0x6c8: {  	[hbm4b:s3+s6] =	stream.linear.scatter [tilespmem:s24], [sflag:$0x3], $0x1400, $0x38;
	[tilespmem:$0x1BB00] =	vst v63  }
0x6c9: {  	_ =	swait.ge [sflag:s17], $0x1400  }
0x6ca: {  	s31 =	sadd.s32 $0x280, s31;
	[sflag:s17] =	ssyncset.done $0x0  }
0x6cb: {  	s30 =	sadd.s32 $0x280, s30;
	s29 =	sadd.s32 $0x280, s29;
	[sflag:s17] =	ssyncadd.s32 $0xFFFFEC00  }
0x6cc: {  	s26 =	sadd.s32 $0x1, s26;
	s0 =	rddreg [dreg:$0xa]  }
0x6cd: {  	p0 =	sne.s32 s26, s0  }
.Ltmp20:
0x6ce: {  	_ = 	snop;
	(pc) =	sbr.rel @p0 .LBB2_1-.Ltmp20, $1  }
0x6cf: {  	_ =	sdelay $0x3  }
0x6d0: {  	_ =	sfence.sel $0x180000  }
0x6d1: {  	[bflag:$0x0] =	sbarrier.arrive $0xFFFF  }
0x6d2: {  	_ =	strace $0x90000047  }
0x6d3: {  	s0 =	stileid.u32;
	[bflag:$0x2] =	sbarrier.arrive $0xFFFF  }
0x6d4: {  	p0 =	sne.s32 s0, $0x0;
	s0 =	rddreg [dreg:$0x5]  }
0x6d5: {  	s0 =	sadd.s32 @!p0 $0x100000, s0  }
0x6d6: {  	[sflag:s0] =	ssyncadd.tile.s32 @!p0 $0x1;
	_ =	shalt  }
.Lfunc_end2:
_tile_overlayer_lowered:
.L_overlay_start_2:
0x6d7: {  	(tag) =	ssettag $0x2  }
0x6d8: {  	s0 =	rddreg [dreg:$0x0];
	s2 =	stileid.u32  }
0x6d9: {  	s1 =	rddreg [dreg:$0x1];
	p0 =	sne.s32 s2, $0x0  }
0x6da: {  	s3 =	rddreg [dreg:$0x2];
	[bflag:$0x3] =	sbarrier.arrive $0xFFFF;
	s2 =	simm.s32 @!p0 $0x1C03  }
0x6db: {  	[timem:s3], [sflag:s2] =	dma.local @!p0 [hbm:s0], s1  }
0x6dc: {  	s0 =	simm.s32 @!p0 $0x3  }
0x6dd: {  	_ =	swait.ge @!p0 [sflag:s0], s1  }
0x6de: {  	s1 =	ssub.s32 @!p0 $0x0, s1;
	[sflag:s0] =	ssyncset.done @!p0 $0x0  }
0x6df: {  	[sflag:s0] =	ssyncadd.s32 @!p0 s1  }
0x6e0: {  	[bflag:$0x3] =	sbarrier.arrive $0xFFFF  }
0x6e1: {  	_ =	shalt  }

// kernel: sparse-core-data-format-call.1.cloned.1.call-start
scs
called_computation.1_lowered:
.L_overlay_start_0:
0x0: {  	s2 =	sld [smem:$0x3FD9]  }
0x1: {  	s3 =	sld [smem:$0x3FFE];
	_ =	sdelay $0x1  }
0x2: {  	s1 =	srdreg.scid  }
0x3: {  	s0 =	sand.u32 $0x1, s1  }
0x4: {  	s15 =	sshll.u32 s0, $0xA;
	s2 =	sadd.s32 s3, s2  }
0x5: {  	s2 =	sadd.s32 s2, s15  }
0x6: {  	[smem:$0x3FBC] =	sst s2  }
0x7: {  	_ = 	snop  }
0x8: {  	s2 =	sld [smem:$0x3FD0];
	_ =	sdelay $0x2  }
0x9: {  	s16 =	simm.s32 $0xD;
	s4 =	simm.s32 $0x10  }
0xa: {  	[smem:s4], [sflag:s16] =	dma.local [hbm:s2], $0x1  }
0xb: {  	_ =	swait.eq [sflag:s16], $0x1  }
0xc: {  	[sflag:s16] =	ssyncset.done $0x0  }
0xd: {  	[sflag:s16] =	ssyncadd.s32 $0xFFFFFFFF  }
0xe: {  	s17 =	sld [smem:$0x14];
	(tm) =	ssettm $0x1  }
0xf: {  	s18 =	sld [smem:$0x3FFB];
	_ =	sdelay $0x3  }
0x10: {  	_ =	strace s18  }
0x11: {  	s3 =	sld [smem:$0x3FFC];
	_ =	sdelay $0x3  }
0x12: {  	_ =	strace s3  }
0x13: {  	s3 =	sld [smem:$0x3FFD];
	_ =	sdelay $0x3  }
0x14: {  	_ =	strace s3  }
0x15: {  	_ =	strace $0x8FFFFFFF  }
0x16: {  	s19 =	sld [smem:$0x3FDB];
	_ =	sdelay $0x1  }
0x17: {  	s20 =	simm.s32 $_scs_section_size  }
0x18: {  	s5 =	simm.s32 $_size__tile_overlayer_lowered;
	s6 =	simm.s32 $_tile_overlayer_lowered  }
0x19: {  	s23 =	simm.s32 $0x1BFF;
	s22 =	sshll.u32 s6, $0x1;
	s3 =	sadd.s32 s20, s19  }
0x1a: {  	s7 =	simm.s32 $0x0;
	s21 =	sshll.u32 s5, $0x1;
	s5 =	sadd.s32 s22, s3  }
0x1b: {  	[timem:s7], [sflag:s23] =	dma.local [hbm:s5], s21  }
0x1c: {  	_ =	swait.ge [sflag:s23], s21  }
0x1d: {  	s4 =	ssub.s32 $0x0, s21;
	[sflag:s23] =	ssyncset.done $0x0  }
0x1e: {  	[sflag:s23] =	ssyncadd.s32 s4;
	_ =	sdelay $0x1  }
0x1f: {  	s24 =	simm.s32 $0x1B8B  }
0x20: {  	_ =	swait.ge [sflag:s24], $0x1  }
0x21: {  	[sflag:s24] =	ssyncset.done $0x0  }
0x22: {  	s26 =	simm.s32 $0x1B8E;
	s25 =	sld [smem:$0x3FFE];
	[sflag:s24] =	ssyncadd.s32 $0xFFFFFFFF  }
0x23: {  	s27 =	simm.s32 $execute0_lowered;
	[smem:$0x3FD2] =	sst s26  }
0x24: {  	s5 =	sshll.u32 s27, $0x1;
	_ =	strace $0x80000049;
	[dreg:$0x1] =	wrdreg $0xFFFFFFFF  }
0x25: {  	s28 =	simm.s32 $_size_execute0_lowered;
	s3 =	sadd.s32 s3, s5;
	[dreg:$0x0] =	wrdreg $0x0  }
0x26: {  	s5 =	sshll.u32 s28, $0x1;
	[dreg:$0x2] =	wrdreg s3  }
0x27: {  	[dreg:$0x3] =	wrdreg s5  }
0x28: {  	[dreg:$0x4] =	wrdreg $0xC0  }
0x29: {  	_ =	task [dreg:s7], $0x5FFFF  }
0x2a: {  	[dreg:$0x1] =	wrdreg $0xFFFFFFFF  }
0x2b: {  	[dreg:$0x0] =	wrdreg $0x60  }
0x2c: {  	[dreg:$0x2] =	wrdreg s25  }
0x2d: {  	[dreg:$0x3] =	wrdreg s17  }
0x2e: {  	[dreg:$0x4] =	wrdreg $0xA  }
0x2f: {  	_ =	task.clear_ibuf [dreg:s7], $0x5FFFF;
	_ =	strace $0x90000049  }
0x30: {  	s29 =	simm.s32 $0xA;
	_ =	strace $0x8000004B  }
0x31: {  	_ =	swait.ge [sflag:s29], $0x1  }
0x32: {  	[sflag:s29] =	ssyncadd.s32 $0xFFFFFFFF  }
0x33: {  	_ =	strace $0x9000004B  }
0x34: {  	_ =	sfence  }
0x35: {  	s30 =	sld [smem:$0x0];
	_ =	sdelay $0x2  }
0x36: {  	s31 =	sshll.u32 s1, $0xD;
	s1 =	sshrl.u32 s1, $0x2  }
0x37: {  	s3 =	sand.u32 $0x4000, s31;
	s1 =	sadd.s32 s1, s30  }
0x38: {  	s0 =	sor.u32 s3, s0;
	s1 =	sshll.u32 s1, $0x11  }
0x39: {  	s0 =	sor.u32 s1, s0  }
0x3a: {  	s0 =	sadd.s32 $0x8F2B, s0  }
0x3b: {  	[sflag:s0] =	ssyncadd.remote.s32 $0x1  }
0x3c: {  	_ =	sfence.sel $0xFFFF  }
0x3d: {  	[dreg:$0x0] =	wrdreg $0xFFFFFFFF;
	(pc) =	sbr.abs _section_cstart, $3  }
0x3e: {  	[dreg:$0x1] =	wrdreg $0xFFFFFFFF  }
0x3f: {  	_ =	task.clear_ibuf [dreg:s7], $0x2FFFF;
	_ =	strace $0x9FFFFFFF  }
0x40: {  	(tm) =	ssettm $0x7FFFFFFF  }
0x41: {  	_ =	shalt  }
tec
execute0_lowered:
.L_overlay_start_1:
0x0: {  	(tag) =	ssettag $0x1  }
0x1: {  	s0 =	srdreg.scid  }
0x2: {  	s1 =	sshll.u32 s0, $0x4  }
0x3: {  	s0 =	stileid.u32;
	s1 =	sand.u32 $0x10, s1  }
0x4: {  	s1 =	sor.u32 s0, s1  }
0x5: {  	s6 =	rddreg [dreg:$0x0];
	s4 =	simm.s32 $0x1;
	s2 =	sshll.u32 s1, $0x7  }
0x6: {  	s7 =	simm.s32 $0x2;
	s12 =	simm.s32 $0x0;
	s1 =	ssub.s32 $0x4000, s2  }
0x7: {  	s8 =	simm.s32 $0x20000;
	s13 =	simm.s32 $0x0;
	s3 =	sand.u32 $0xF80, s1  }
0x8: {  	s9 =	simm.s32 $0x0;
	s5 =	sshrl.u32 s1, $0xC;
	p0 =	sne.s32 s3, $0x0  }
.Ltmp0:
0x9: {  	s1 =	rddreg [dreg:$0x2];
	s4 =	simm.s32 @!p0 $0x0;
	(pc) =	sbr.rel .LBB1_1-.Ltmp0, $4  }
0xa: {  	s11 =	simm.s32 $0x0;
	s3 =	rddreg [dreg:$0x1];
	s5 =	sadd.s32 s4, s5  }
0xb: {  	_ =	strace $0x8000004A;
	s4 =	simm.s32 $0x1;
	s5 =	smul.u32 $0x32, s5  }
0xc: {  	s6 =	sadd.s32 $0x4600, s6;
	s10 =	smov.u32 s2;
	[sflag:s4] =	ssyncpa.u1 $0x0  }
0xd: {  	p0 =	por $0x0, $0x0;
	[sflag:s7] =	ssyncpa.u1 $0x0;
	s7 =	sor.u32 $0x1, s5  }
.LBB1_4:
0xe: {  	s16 =	sshll.u32 s13, $0x3;
	s17 =	sand.u32 $0x78, s13  }
0xf: {  	s30 =	sand.u32 $0x7800, s13;
	s12 =	sshll.u32 s12, $0xF;
	s16 =	sand.u32 $0x3C00, s16  }
0x10: {  	s31 =	sand.u32 $0x7, s13;
	s16 =	sor.u32 s17, s16;
	s17 =	sadd.s32 s3, s30  }
0x11: {  	s13 =	sshll.u32 s31, $0x12;
	s16 =	sshrl.u32 s16, $0x3;
	s12 =	sadd.s32 s12, s17  }
0x12: {  	[tilespmem:s15+$0x0 ss:$0x81] =	vst.msk $0xffff, v1;
	s13 =	sor.u32 $0x400, s13;
	s12 =	sadd.s32 s16, s12  }
0x13: {  	[hbm4b:s12+s13] =	stream.strided.scatter [tilespmem:s14], [sflag:$0x2], $0x800, s8, s13, $0x20;
	[tilespmem:$0x2020] =	vst v63  }
.LBB1_5:
0x14: {  	s14 =	sadd.s32 $0x1, s9  }
0x15: {  	s12 =	sadd.s32 $0x1000, s10;
	s16 =	smov.u32 s10;
	p2 =	sgt.s32 s14, $0x31  }
0x16: {  	s16 =	smov.u32 @p2 s12  }
0x17: {  	s14 =	simm.s32 @p2 $0x0;
	p2 =	sgt.s32 s16, $0x3FFF  }
0x18: {  	s16 =	smov.u32 @p2 s2;
	p2 =	sne.s32 s11, s7  }
.Ltmp1:
0x19: {  	p1 =	slt.u32 s11, $0x2;
	(pc) =	sbr.rel @!p2 .LBB1_6-.Ltmp1, $4  }
0x1a: {  	s15 =	simm.s32 @!p1 $0x2  }
0x1b: {  	s13 =	smov.u32 s10;
	p0 =	por !p0, !p0;
	_ =	swait.ge @!p1 [sflag:s15], $0x800  }
0x1c: {  	s12 =	smov.u32 s9;
	[sflag:s15] =	ssyncset.done @!p1 $0x0;
	s9 =	smov.u32 s14  }
0x1d: {  	s11 =	sadd.s32 $0x1, s11;
	[sflag:s15] =	ssyncadd.s32 @!p1 $0xFFFFF800;
	s10 =	smov.u32 s16  }
.LBB1_1:
0x1e: {  	p1 =	sge.u32 s11, s5  }
0x1f: {  	s14 =	sand.u32 @!p1 $0x1FFFFFF, s9  }
0x20: {  	s15 =	smulhi.u32 @!p1 $0x4924925, s14;
	_ =	sdelay $0x1  }
0x21: {  	s15 =	smul.u32 @!p1 $0x38, s15  }
0x22: {  	s16 =	sxor.u32 @!p1 $0xFFFFFFFF, s11;
	s17 =	smul.u32 @!p1 $0x380, s10  }
0x23: {  	s31 =	sadd.s32 $0xFFFFFFFF, s11;
	s16 =	sshll.u32 @!p1 s16, $0xB;
	s14 =	ssub.s32 @!p1 s14, s15  }
0x24: {  	s15 =	sand.u32 @!p1 $0x800, s16;
	s16 =	sadd.s32 @!p1 s6, s17;
	s14 =	sshll.u32 @!p1 s14, $0x4  }
0x25: {  	s17 =	simm.s32 @!p1 $0x1C00;
	s14 =	sadd.s32 @!p1 s14, s16;
	s16 =	simm.s32 @!p1 $0x10  }
0x26: {  	[tilespmem:s15], [sflag:$0x1] =	stream.strided.gather @!p1 [hbm4b:s14+s16], $0x800, s17, s16, $0x38;
	[tilespmem:$0x2020] =	vst v63  }
0x27: {  	p1 =	sge.u32 s31, s5  }
.Ltmp2:
0x28: {  	_ = 	snop;
	(pc) =	sbr.rel @p1 .LBB1_5-.Ltmp2, $1  }
0x29: {  	_ =	sdelay $0x3  }
0x2a: {  	s14 =	simm.s32 $0x1  }
0x2b: {  	s14 =	simm.s32 @!p0 $0x0  }
0x2c: {  	s15 =	sshll.u32 s14, $0xB  }
0x2d: {  	v0 =	vmov s15;
	_ =	sdelay $0x1  }
0x2e: {  	_ =	swait.ge [sflag:s4], $0x800  }
0x2f: {  	s31 =	sand.u32 $0x1, s11;
	[sflag:s4] =	ssyncset.done $0x0  }
0x30: {  	s17 =	simm.s32 $0x0;
	s14 =	smul.u32 $0x2040, s14;
	[sflag:s4] =	ssyncadd.s32 $0xFFFFF800  }
0x31: {  	s15 =	smul.u32 $0x2040, s31;
	v1 =	vld.idx.msk [tilespmem:v0+s17+$0x0 ss:$0x1], $0xffff;
	_ =	sdelay $0x1  }
0x32: {  	s14 =	sshrl.u32 s14, $0x2;
	s16 =	sshrl.u32 s15, $0x2  }
0x33: {  	s15 =	sor.u32 $0x1000, s14;
	s14 =	sor.u32 $0x1000, s16;
	s16 =	simm.s32 $0x40  }
.LBB1_3:
0x34: {  	s17 =	sshra.s32 s16, $0x2;
	p1 =	sne.s32 s16, $0x1FC0;
	s16 =	sadd.s32 $0x40, s16  }
.Ltmp3:
0x35: {  	[tilespmem:s15+$0x0 ss:$0x81] =	vst.msk $0xffff, v1;
	v1 =	vld.idx.msk [tilespmem:v0+s17+$0x0 ss:$0x1], $0xffff;
	(pc) =	sbr.rel @p1 .LBB1_3-.Ltmp3, $2  }
0x36: {  	_ =	sdelay $0x2  }
0x37: {  	s15 =	sadd.s32 $0x1, s15  }
.Ltmp4:
0x38: {  	_ = 	snop;
	(pc) =	sbr.rel .LBB1_4-.Ltmp4, $1  }
0x39: {  	_ =	sdelay $0x3  }
.LBB1_6:
0x3a: {  	_ =	sfence.sel $0x180000  }
0x3b: {  	s2 =	simm.s32 $0x1;
	[bflag:$0x0] =	sbarrier.arrive $0xFFFF  }
0x3c: {  	s31 =	simm.s32 $0x2;
	[sflag:s2] =	ssyncpa.u1 $0x1  }
0x3d: {  	[sflag:s31] =	ssyncpa.u1 $0x1  }
0x3e: {  	p0 =	sne.s32 s0, $0x0;
	_ =	strace $0x9000004A  }
0x3f: {  	s0 =	sadd.s32 @!p0 $0x100000, s1;
	[bflag:$0x2] =	sbarrier.arrive $0xFFFF  }
0x40: {  	[sflag:s0] =	ssyncadd.tile.s32 @!p0 $0x1;
	_ =	shalt  }
.Lfunc_end1:
_tile_overlayer_lowered:
.L_overlay_start_2:
0x41: {  	(tag) =	ssettag $0x2  }
0x42: {  	s0 =	rddreg [dreg:$0x0];
	s2 =	stileid.u32  }
0x43: {  	s1 =	rddreg [dreg:$0x1];
	p0 =	sne.s32 s2, $0x0  }
0x44: {  	s3 =	rddreg [dreg:$0x2];
	[bflag:$0x3] =	sbarrier.arrive $0xFFFF;
	s2 =	simm.s32 @!p0 $0x1C01  }
0x45: {  	[timem:s3], [sflag:s2] =	dma.local @!p0 [hbm:s0], s1  }
0x46: {  	s0 =	simm.s32 @!p0 $0x1  }
0x47: {  	_ =	swait.ge @!p0 [sflag:s0], s1  }
0x48: {  	s1 =	ssub.s32 @!p0 $0x0, s1;
	[sflag:s0] =	ssyncset.done @!p0 $0x0  }
0x49: {  	[sflag:s0] =	ssyncadd.s32 @!p0 s1  }
0x4a: {  	[bflag:$0x3] =	sbarrier.arrive $0xFFFF  }
0x4b: {  	_ =	shalt  }

// kernel: sparse-core-data-format-call.2.cloned.1.call-start
scs
called_computation.2_lowered:
.L_overlay_start_0:
0x0: {  	s2 =	sld [smem:$0x3FD9]  }
0x1: {  	s3 =	sld [smem:$0x3FFE];
	_ =	sdelay $0x1  }
0x2: {  	s1 =	srdreg.scid  }
0x3: {  	s0 =	sand.u32 $0x1, s1  }
0x4: {  	s16 =	sshll.u32 s0, $0xA;
	s2 =	sadd.s32 s3, s2  }
0x5: {  	s2 =	sadd.s32 s2, s16  }
0x6: {  	[smem:$0x3FBC] =	sst s2  }
0x7: {  	_ = 	snop  }
0x8: {  	s2 =	sld [smem:$0x3FD0];
	_ =	sdelay $0x2  }
0x9: {  	s17 =	simm.s32 $0xD;
	s4 =	simm.s32 $0x10  }
0xa: {  	[smem:s4], [sflag:s17] =	dma.local [hbm:s2], $0x1  }
0xb: {  	_ =	swait.eq [sflag:s17], $0x1  }
0xc: {  	[sflag:s17] =	ssyncset.done $0x0  }
0xd: {  	[sflag:s17] =	ssyncadd.s32 $0xFFFFFFFF  }
0xe: {  	s18 =	sld [smem:$0x13];
	(tm) =	ssettm $0x1  }
0xf: {  	s19 =	sld [smem:$0x3FFB];
	_ =	sdelay $0x3  }
0x10: {  	_ =	strace s19  }
0x11: {  	s2 =	sld [smem:$0x3FFC];
	_ =	sdelay $0x3  }
0x12: {  	_ =	strace s2  }
0x13: {  	s2 =	sld [smem:$0x3FFD];
	_ =	sdelay $0x3  }
0x14: {  	_ =	strace s2  }
0x15: {  	_ =	strace $0x8FFFFFFF  }
0x16: {  	s20 =	sld [smem:$0x3FDB];
	_ =	sdelay $0x1  }
0x17: {  	s21 =	simm.s32 $_scs_section_size  }
0x18: {  	s5 =	simm.s32 $_size__tile_overlayer_lowered;
	s6 =	simm.s32 $_tile_overlayer_lowered  }
0x19: {  	s7 =	simm.s32 $0x1BFF;
	s22 =	sshll.u32 s6, $0x1;
	s4 =	sadd.s32 s21, s20  }
0x1a: {  	s23 =	simm.s32 $0x0;
	s5 =	sshll.u32 s5, $0x1;
	s6 =	sadd.s32 s22, s4  }
0x1b: {  	[timem:s23], [sflag:s7] =	dma.local [hbm:s6], s5  }
0x1c: {  	_ =	swait.ge [sflag:s7], s5  }
0x1d: {  	s5 =	ssub.s32 $0x0, s5;
	[sflag:s7] =	ssyncset.done $0x0  }
0x1e: {  	[sflag:s7] =	ssyncadd.s32 s5;
	_ =	sdelay $0x1  }
0x1f: {  	s24 =	simm.s32 $0x1B8B  }
0x20: {  	_ =	swait.ge [sflag:s24], $0x1  }
0x21: {  	[sflag:s24] =	ssyncset.done $0x0  }
0x22: {  	[sflag:s24] =	ssyncadd.s32 $0xFFFFFFFF  }
0x23: {  	s5 =	sld [smem:$0x0]  }
0x24: {  	s6 =	sand.u32 $0xFFFFFFFE, s1  }
0x25: {  	p0 =	sne.s32 s1, s6  }
0x26: {  	s6 =	sshll.u32 @p0 s6, $0xE  }
0x27: {  	s6 =	sadd.s32 @p0 $0x11B8D, s6;
	s7 =	sshll.u32 @p0 s5, $0x11  }
0x28: {  	s6 =	sor.u32 @p0 s7, s6  }
0x29: {  	[sflag:s6] =	ssyncadd.remote.s32 @p0 $0x1;
	_ =	sdelay $0x1  }
0x2a: {  	s6 =	simm.s32 @p0 $0x1B8D  }
0x2b: {  	_ =	swait.eq @p0 [sflag:s6], $0x1  }
0x2c: {  	[sflag:s6] =	ssyncadd.s32 @p0 $0xFFFFFFFF  }
0x2d: {  	s7 =	sshll.u32 @!p0 s1, $0xE  }
0x2e: {  	s7 =	sor.u32 @!p0 $0x4000, s7;
	s6 =	simm.s32 @!p0 $0x1B8D  }
0x2f: {  	s5 =	sshll.u32 @!p0 s5, $0x11;
	s7 =	sadd.s32 @!p0 $0x11B8D, s7;
	_ =	swait.eq @!p0 [sflag:s6], $0x1  }
0x30: {  	s5 =	sor.u32 @!p0 s5, s7;
	[sflag:s6] =	ssyncadd.s32 @!p0 $0xFFFFFFFF  }
0x31: {  	s26 =	simm.s32 $0x1B8E;
	s25 =	sld [smem:$0x3FFE];
	[sflag:s5] =	ssyncadd.remote.s32 @!p0 $0x1  }
0x32: {  	s27 =	simm.s32 $execute0_lowered;
	[smem:$0x3FD2] =	sst s26  }
0x33: {  	s6 =	sshll.u32 s27, $0x1;
	_ =	strace $0x8000004C;
	[dreg:$0x1] =	wrdreg $0xFFFFFFFF  }
0x34: {  	s28 =	simm.s32 $_size_execute0_lowered;
	s4 =	sadd.s32 s4, s6;
	[dreg:$0x0] =	wrdreg $0x0  }
0x35: {  	s6 =	sshll.u32 s28, $0x1;
	[dreg:$0x2] =	wrdreg s4  }
0x36: {  	[dreg:$0x3] =	wrdreg s6  }
0x37: {  	[dreg:$0x4] =	wrdreg $0xC0  }
0x38: {  	_ =	task [dreg:s23], $0x5FFFF  }
0x39: {  	[dreg:$0x1] =	wrdreg $0xFFFFFFFF  }
0x3a: {  	[dreg:$0x0] =	wrdreg $0x60  }
0x3b: {  	[dreg:$0x2] =	wrdreg s25  }
0x3c: {  	[dreg:$0x3] =	wrdreg s18  }
0x3d: {  	[dreg:$0x4] =	wrdreg $0xB  }
0x3e: {  	_ =	task.clear_ibuf [dreg:s23], $0x5FFFF;
	_ =	strace $0x9000004C  }
0x3f: {  	s29 =	simm.s32 $0xB;
	_ =	strace $0x8000004E  }
0x40: {  	_ =	swait.ge [sflag:s29], $0x1  }
0x41: {  	[sflag:s29] =	ssyncadd.s32 $0xFFFFFFFF  }
0x42: {  	_ =	strace $0x9000004E  }
0x43: {  	_ =	sfence  }
0x44: {  	s30 =	sld [smem:$0x0];
	_ =	sdelay $0x2  }
0x45: {  	s31 =	sshll.u32 s1, $0xD;
	s1 =	sshrl.u32 s1, $0x2  }
0x46: {  	s4 =	sand.u32 $0x4000, s31;
	s1 =	sadd.s32 s1, s30  }
0x47: {  	s0 =	sor.u32 s4, s0;
	s1 =	sshll.u32 s1, $0x11  }
0x48: {  	s0 =	sor.u32 s1, s0  }
0x49: {  	s0 =	sadd.s32 $0x8F2B, s0  }
0x4a: {  	[sflag:s0] =	ssyncadd.remote.s32 $0x1  }
0x4b: {  	_ =	sfence.sel $0xFFFF  }
0x4c: {  	[dreg:$0x0] =	wrdreg $0xFFFFFFFF;
	(pc) =	sbr.abs _section_cstart, $3  }
0x4d: {  	[dreg:$0x1] =	wrdreg $0xFFFFFFFF  }
0x4e: {  	_ =	task.clear_ibuf [dreg:s23], $0x2FFFF;
	_ =	strace $0x9FFFFFFF  }
0x4f: {  	(tm) =	ssettm $0x7FFFFFFF  }
tec
execute0_lowered:
.L_overlay_start_1:
0x0: {  	(tag) =	ssettag $0x1  }
0x1: {  	s0 =	srdreg.scid  }
0x2: {  	s1 =	sshll.u32 s0, $0x4  }
0x3: {  	s0 =	stileid.u32;
	s1 =	sand.u32 $0x10, s1  }
0x4: {  	s1 =	sor.u32 s0, s1  }
0x5: {  	s6 =	rddreg [dreg:$0x0];
	s4 =	simm.s32 $0x1;
	s2 =	sshll.u32 s1, $0x7  }
0x6: {  	s7 =	simm.s32 $0x2;
	s12 =	simm.s32 $0x0;
	s1 =	ssub.s32 $0x4000, s2  }
0x7: {  	s8 =	simm.s32 $0x20000;
	s13 =	simm.s32 $0x0;
	s3 =	sand.u32 $0xF80, s1  }
0x8: {  	s9 =	simm.s32 $0x0;
	s5 =	sshrl.u32 s1, $0xC;
	p0 =	sne.s32 s3, $0x0  }
.Ltmp0:
0x9: {  	s1 =	rddreg [dreg:$0x2];
	s4 =	simm.s32 @!p0 $0x0;
	(pc) =	sbr.rel .LBB1_1-.Ltmp0, $4  }
0xa: {  	s11 =	simm.s32 $0x0;
	s3 =	rddreg [dreg:$0x1];
	s5 =	sadd.s32 s4, s5  }
0xb: {  	_ =	strace $0x8000004D;
	s4 =	simm.s32 $0x1;
	s5 =	smul.u32 $0x32, s5  }
0xc: {  	s6 =	sadd.s32 $0xE04600, s6;
	s10 =	smov.u32 s2;
	[sflag:s4] =	ssyncpa.u1 $0x0  }
0xd: {  	p0 =	por $0x0, $0x0;
	[sflag:s7] =	ssyncpa.u1 $0x0;
	s7 =	sor.u32 $0x1, s5  }
.LBB1_4:
0xe: {  	s16 =	sshll.u32 s13, $0x3;
	s17 =	sand.u32 $0x78, s13  }
0xf: {  	s30 =	sand.u32 $0x7800, s13;
	s12 =	sshll.u32 s12, $0xF;
	s16 =	sand.u32 $0x3C00, s16  }
0x10: {  	s31 =	sand.u32 $0x7, s13;
	s16 =	sor.u32 s17, s16;
	s17 =	sadd.s32 s3, s30  }
0x11: {  	s13 =	sshll.u32 s31, $0x12;
	s16 =	sshrl.u32 s16, $0x3;
	s12 =	sadd.s32 s12, s17  }
0x12: {  	[tilespmem:s15+$0x0 ss:$0x81] =	vst.msk $0xffff, v1;
	s13 =	sor.u32 $0x400, s13;
	s12 =	sadd.s32 s16, s12  }
0x13: {  	[hbm4b:s12+s13] =	stream.strided.scatter [tilespmem:s14], [sflag:$0x2], $0x800, s8, s13, $0x20;
	[tilespmem:$0x2020] =	vst v63  }
.LBB1_5:
0x14: {  	s14 =	sadd.s32 $0x1, s9  }
0x15: {  	s12 =	sadd.s32 $0x1000, s10;
	s16 =	smov.u32 s10;
	p2 =	sgt.s32 s14, $0x31  }
0x16: {  	s16 =	smov.u32 @p2 s12  }
0x17: {  	s14 =	simm.s32 @p2 $0x0;
	p2 =	sgt.s32 s16, $0x3FFF  }
0x18: {  	s16 =	smov.u32 @p2 s2;
	p2 =	sne.s32 s11, s7  }
.Ltmp1:
0x19: {  	p1 =	slt.u32 s11, $0x2;
	(pc) =	sbr.rel @!p2 .LBB1_6-.Ltmp1, $4  }
0x1a: {  	s15 =	simm.s32 @!p1 $0x2  }
0x1b: {  	s13 =	smov.u32 s10;
	p0 =	por !p0, !p0;
	_ =	swait.ge @!p1 [sflag:s15], $0x800  }
0x1c: {  	s12 =	smov.u32 s9;
	[sflag:s15] =	ssyncset.done @!p1 $0x0;
	s9 =	smov.u32 s14  }
0x1d: {  	s11 =	sadd.s32 $0x1, s11;
	[sflag:s15] =	ssyncadd.s32 @!p1 $0xFFFFF800;
	s10 =	smov.u32 s16  }
.LBB1_1:
0x1e: {  	p1 =	sge.u32 s11, s5  }
0x1f: {  	s14 =	sand.u32 @!p1 $0x1FFFFFF, s9  }
0x20: {  	s15 =	smulhi.u32 @!p1 $0x4924925, s14;
	_ =	sdelay $0x1  }
0x21: {  	s15 =	smul.u32 @!p1 $0x38, s15  }
0x22: {  	s16 =	sxor.u32 @!p1 $0xFFFFFFFF, s11;
	s17 =	smul.u32 @!p1 $0x380, s10  }
0x23: {  	s31 =	sadd.s32 $0xFFFFFFFF, s11;
	s16 =	sshll.u32 @!p1 s16, $0xB;
	s14 =	ssub.s32 @!p1 s14, s15  }
0x24: {  	s15 =	sand.u32 @!p1 $0x800, s16;
	s16 =	sadd.s32 @!p1 s6, s17;
	s14 =	sshll.u32 @!p1 s14, $0x4  }
0x25: {  	s17 =	simm.s32 @!p1 $0x1C00;
	s14 =	sadd.s32 @!p1 s14, s16;
	s16 =	simm.s32 @!p1 $0x10  }
0x26: {  	[tilespmem:s15], [sflag:$0x1] =	stream.strided.gather @!p1 [hbm4b:s14+s16], $0x800, s17, s16, $0x38;
	[tilespmem:$0x2020] =	vst v63  }
0x27: {  	p1 =	sge.u32 s31, s5  }
.Ltmp2:
0x28: {  	_ = 	snop;
	(pc) =	sbr.rel @p1 .LBB1_5-.Ltmp2, $1  }
0x29: {  	_ =	sdelay $0x3  }
0x2a: {  	s14 =	simm.s32 $0x1  }
0x2b: {  	s14 =	simm.s32 @!p0 $0x0  }
0x2c: {  	s15 =	sshll.u32 s14, $0xB  }
0x2d: {  	v0 =	vmov s15;
	_ =	sdelay $0x1  }
0x2e: {  	_ =	swait.ge [sflag:s4], $0x800  }
0x2f: {  	s31 =	sand.u32 $0x1, s11;
	[sflag:s4] =	ssyncset.done $0x0  }
0x30: {  	s17 =	simm.s32 $0x0;
	s14 =	smul.u32 $0x2040, s14;
	[sflag:s4] =	ssyncadd.s32 $0xFFFFF800  }
0x31: {  	s15 =	smul.u32 $0x2040, s31;
	v1 =	vld.idx.msk [tilespmem:v0+s17+$0x0 ss:$0x1], $0xffff;
	_ =	sdelay $0x1  }
0x32: {  	s14 =	sshrl.u32 s14, $0x2;
	s16 =	sshrl.u32 s15, $0x2  }
0x33: {  	s15 =	sor.u32 $0x1000, s14;
	s14 =	sor.u32 $0x1000, s16;
	s16 =	simm.s32 $0x40  }
.LBB1_3:
0x34: {  	s17 =	sshra.s32 s16, $0x2;
	p1 =	sne.s32 s16, $0x1FC0;
	s16 =	sadd.s32 $0x40, s16  }
.Ltmp3:
0x35: {  	[tilespmem:s15+$0x0 ss:$0x81] =	vst.msk $0xffff, v1;
	v1 =	vld.idx.msk [tilespmem:v0+s17+$0x0 ss:$0x1], $0xffff;
	(pc) =	sbr.rel @p1 .LBB1_3-.Ltmp3, $2  }
0x36: {  	_ =	sdelay $0x2  }
0x37: {  	s15 =	sadd.s32 $0x1, s15  }
.Ltmp4:
0x38: {  	_ = 	snop;
	(pc) =	sbr.rel .LBB1_4-.Ltmp4, $1  }
0x39: {  	_ =	sdelay $0x3  }
.LBB1_6:
0x3a: {  	_ =	sfence.sel $0x180000  }
0x3b: {  	s2 =	simm.s32 $0x1;
	[bflag:$0x0] =	sbarrier.arrive $0xFFFF  }
0x3c: {  	s31 =	simm.s32 $0x2;
	[sflag:s2] =	ssyncpa.u1 $0x1  }
0x3d: {  	[sflag:s31] =	ssyncpa.u1 $0x1  }
0x3e: {  	p0 =	sne.s32 s0, $0x0;
	_ =	strace $0x9000004D  }
0x3f: {  	s0 =	sadd.s32 @!p0 $0x100000, s1;
	[bflag:$0x2] =	sbarrier.arrive $0xFFFF  }
0x40: {  	[sflag:s0] =	ssyncadd.tile.s32 @!p0 $0x1;
	_ =	shalt  }
.Lfunc_end1:
_tile_overlayer_lowered:
.L_overlay_start_2:
0x41: {  	(tag) =	ssettag $0x2  }
0x42: {  	s0 =	rddreg [dreg:$0x0];
	s2 =	stileid.u32  }
0x43: {  	s1 =	rddreg [dreg:$0x1];
	p0 =	sne.s32 s2, $0x0  }
0x44: {  	s3 =	rddreg [dreg:$0x2];
	[bflag:$0x3] =	sbarrier.arrive $0xFFFF;
	s2 =	simm.s32 @!p0 $0x1C01  }
0x45: {  	[timem:s3], [sflag:s2] =	dma.local @!p0 [hbm:s0], s1  }
0x46: {  	s0 =	simm.s32 @!p0 $0x1  }
0x47: {  	_ =	swait.ge @!p0 [sflag:s0], s1  }
0x48: {  	s1 =	ssub.s32 @!p0 $0x0, s1;
	[sflag:s0] =	ssyncset.done @!p0 $0x0  }
0x49: {  	[sflag:s0] =	ssyncadd.s32 @!p0 s1  }
0x4a: {  	[bflag:$0x3] =	sbarrier.arrive $0xFFFF  }
0x4b: {  	_ =	shalt  }

// kernel: sparse-core-data-format-call.3.cloned.1.call-start
scs
called_computation.3_lowered:
.L_overlay_start_0:
0x0: {  	s2 =	sld [smem:$0x3FD9]  }
0x1: {  	s3 =	sld [smem:$0x3FFE];
	_ =	sdelay $0x1  }
0x2: {  	s1 =	srdreg.scid  }
0x3: {  	s0 =	sand.u32 $0x1, s1  }
0x4: {  	s16 =	sshll.u32 s0, $0xA;
	s2 =	sadd.s32 s3, s2  }
0x5: {  	s2 =	sadd.s32 s2, s16  }
0x6: {  	[smem:$0x3FBC] =	sst s2  }
0x7: {  	_ = 	snop  }
0x8: {  	s2 =	sld [smem:$0x3FD0];
	_ =	sdelay $0x2  }
0x9: {  	s17 =	simm.s32 $0xD;
	s4 =	simm.s32 $0x10  }
0xa: {  	[smem:s4], [sflag:s17] =	dma.local [hbm:s2], $0x1  }
0xb: {  	_ =	swait.eq [sflag:s17], $0x1  }
0xc: {  	[sflag:s17] =	ssyncset.done $0x0  }
0xd: {  	[sflag:s17] =	ssyncadd.s32 $0xFFFFFFFF  }
0xe: {  	s18 =	sld [smem:$0x12];
	(tm) =	ssettm $0x1  }
0xf: {  	s19 =	sld [smem:$0x3FFB];
	_ =	sdelay $0x3  }
0x10: {  	_ =	strace s19  }
0x11: {  	s2 =	sld [smem:$0x3FFC];
	_ =	sdelay $0x3  }
0x12: {  	_ =	strace s2  }
0x13: {  	s2 =	sld [smem:$0x3FFD];
	_ =	sdelay $0x3  }
0x14: {  	_ =	strace s2  }
0x15: {  	_ =	strace $0x8FFFFFFF  }
0x16: {  	s20 =	sld [smem:$0x3FDB];
	_ =	sdelay $0x1  }
0x17: {  	s21 =	simm.s32 $_scs_section_size  }
0x18: {  	s5 =	simm.s32 $_size__tile_overlayer_lowered;
	s6 =	simm.s32 $_tile_overlayer_lowered  }
0x19: {  	s7 =	simm.s32 $0x1BFF;
	s22 =	sshll.u32 s6, $0x1;
	s4 =	sadd.s32 s21, s20  }
0x1a: {  	s23 =	simm.s32 $0x0;
	s5 =	sshll.u32 s5, $0x1;
	s6 =	sadd.s32 s22, s4  }
0x1b: {  	[timem:s23], [sflag:s7] =	dma.local [hbm:s6], s5  }
0x1c: {  	_ =	swait.ge [sflag:s7], s5  }
0x1d: {  	s5 =	ssub.s32 $0x0, s5;
	[sflag:s7] =	ssyncset.done $0x0  }
0x1e: {  	[sflag:s7] =	ssyncadd.s32 s5;
	_ =	sdelay $0x1  }
0x1f: {  	s24 =	simm.s32 $0x1B8B  }
0x20: {  	_ =	swait.ge [sflag:s24], $0x1  }
0x21: {  	[sflag:s24] =	ssyncset.done $0x0  }
0x22: {  	[sflag:s24] =	ssyncadd.s32 $0xFFFFFFFF  }
0x23: {  	s5 =	sld [smem:$0x0]  }
0x24: {  	s6 =	sand.u32 $0xFFFFFFFE, s1  }
0x25: {  	p0 =	sne.s32 s1, s6  }
0x26: {  	s6 =	sshll.u32 @p0 s6, $0xE  }
0x27: {  	s6 =	sadd.s32 @p0 $0x11B8D, s6;
	s7 =	sshll.u32 @p0 s5, $0x11  }
0x28: {  	s6 =	sor.u32 @p0 s7, s6  }
0x29: {  	[sflag:s6] =	ssyncadd.remote.s32 @p0 $0x1;
	_ =	sdelay $0x1  }
0x2a: {  	s6 =	simm.s32 @p0 $0x1B8D  }
0x2b: {  	_ =	swait.eq @p0 [sflag:s6], $0x1  }
0x2c: {  	[sflag:s6] =	ssyncadd.s32 @p0 $0xFFFFFFFF  }
0x2d: {  	s7 =	sshll.u32 @!p0 s1, $0xE  }
0x2e: {  	s7 =	sor.u32 @!p0 $0x4000, s7;
	s6 =	simm.s32 @!p0 $0x1B8D  }
0x2f: {  	s5 =	sshll.u32 @!p0 s5, $0x11;
	s7 =	sadd.s32 @!p0 $0x11B8D, s7;
	_ =	swait.eq @!p0 [sflag:s6], $0x1  }
0x30: {  	s5 =	sor.u32 @!p0 s5, s7;
	[sflag:s6] =	ssyncadd.s32 @!p0 $0xFFFFFFFF  }
0x31: {  	s26 =	simm.s32 $0x1B8E;
	s25 =	sld [smem:$0x3FFE];
	[sflag:s5] =	ssyncadd.remote.s32 @!p0 $0x1  }
0x32: {  	s27 =	simm.s32 $execute0_lowered;
	[smem:$0x3FD2] =	sst s26  }
0x33: {  	s6 =	sshll.u32 s27, $0x1;
	_ =	strace $0x8000004F;
	[dreg:$0x1] =	wrdreg $0xFFFFFFFF  }
0x34: {  	s28 =	simm.s32 $_size_execute0_lowered;
	s4 =	sadd.s32 s4, s6;
	[dreg:$0x0] =	wrdreg $0x0  }
0x35: {  	s6 =	sshll.u32 s28, $0x1;
	[dreg:$0x2] =	wrdreg s4  }
0x36: {  	[dreg:$0x3] =	wrdreg s6  }
0x37: {  	[dreg:$0x4] =	wrdreg $0xC0  }
0x38: {  	_ =	task [dreg:s23], $0x5FFFF  }
0x39: {  	[dreg:$0x1] =	wrdreg $0xFFFFFFFF  }
0x3a: {  	[dreg:$0x0] =	wrdreg $0x60  }
0x3b: {  	[dreg:$0x2] =	wrdreg s25  }
0x3c: {  	[dreg:$0x3] =	wrdreg s18  }
0x3d: {  	[dreg:$0x4] =	wrdreg $0xC  }
0x3e: {  	_ =	task.clear_ibuf [dreg:s23], $0x5FFFF;
	_ =	strace $0x9000004F  }
0x3f: {  	s29 =	simm.s32 $0xC;
	_ =	strace $0x80000051  }
0x40: {  	_ =	swait.ge [sflag:s29], $0x1  }
0x41: {  	[sflag:s29] =	ssyncadd.s32 $0xFFFFFFFF  }
0x42: {  	_ =	strace $0x90000051  }
0x43: {  	_ =	sfence  }
0x44: {  	s30 =	sld [smem:$0x0];
	_ =	sdelay $0x2  }
0x45: {  	s31 =	sshll.u32 s1, $0xD;
	s1 =	sshrl.u32 s1, $0x2  }
0x46: {  	s4 =	sand.u32 $0x4000, s31;
	s1 =	sadd.s32 s1, s30  }
0x47: {  	s0 =	sor.u32 s4, s0;
	s1 =	sshll.u32 s1, $0x11  }
0x48: {  	s0 =	sor.u32 s1, s0  }
0x49: {  	s0 =	sadd.s32 $0x8F2B, s0  }
0x4a: {  	[sflag:s0] =	ssyncadd.remote.s32 $0x1  }
0x4b: {  	_ =	sfence.sel $0xFFFF  }
0x4c: {  	[dreg:$0x0] =	wrdreg $0xFFFFFFFF;
	(pc) =	sbr.abs _section_cstart, $3  }
0x4d: {  	[dreg:$0x1] =	wrdreg $0xFFFFFFFF  }
0x4e: {  	_ =	task.clear_ibuf [dreg:s23], $0x2FFFF;
	_ =	strace $0x9FFFFFFF  }
0x4f: {  	(tm) =	ssettm $0x7FFFFFFF  }
tec
execute0_lowered:
.L_overlay_start_1:
0x0: {  	(tag) =	ssettag $0x1  }
0x1: {  	s0 =	srdreg.scid  }
0x2: {  	s1 =	sshll.u32 s0, $0x4  }
0x3: {  	s0 =	stileid.u32;
	s1 =	sand.u32 $0x10, s1  }
0x4: {  	s1 =	sor.u32 s0, s1  }
0x5: {  	s6 =	rddreg [dreg:$0x0];
	s4 =	simm.s32 $0x1;
	s2 =	sshll.u32 s1, $0x7  }
0x6: {  	s7 =	simm.s32 $0x2;
	s12 =	simm.s32 $0x0;
	s1 =	ssub.s32 $0x4000, s2  }
0x7: {  	s8 =	simm.s32 $0x20000;
	s13 =	simm.s32 $0x0;
	s3 =	sand.u32 $0xF80, s1  }
0x8: {  	s9 =	simm.s32 $0x0;
	s5 =	sshrl.u32 s1, $0xC;
	p0 =	sne.s32 s3, $0x0  }
.Ltmp0:
0x9: {  	s1 =	rddreg [dreg:$0x2];
	s4 =	simm.s32 @!p0 $0x0;
	(pc) =	sbr.rel .LBB1_1-.Ltmp0, $4  }
0xa: {  	s11 =	simm.s32 $0x0;
	s3 =	rddreg [dreg:$0x1];
	s5 =	sadd.s32 s4, s5  }
0xb: {  	_ =	strace $0x80000050;
	s4 =	simm.s32 $0x1;
	s5 =	smul.u32 $0x32, s5  }
0xc: {  	s6 =	sadd.s32 $0x1C04600, s6;
	s10 =	smov.u32 s2;
	[sflag:s4] =	ssyncpa.u1 $0x0  }
0xd: {  	p0 =	por $0x0, $0x0;
	[sflag:s7] =	ssyncpa.u1 $0x0;
	s7 =	sor.u32 $0x1, s5  }
.LBB1_4:
0xe: {  	s16 =	sshll.u32 s13, $0x3;
	s17 =	sand.u32 $0x78, s13  }
0xf: {  	s30 =	sand.u32 $0x7800, s13;
	s12 =	sshll.u32 s12, $0xF;
	s16 =	sand.u32 $0x3C00, s16  }
0x10: {  	s31 =	sand.u32 $0x7, s13;
	s16 =	sor.u32 s17, s16;
	s17 =	sadd.s32 s3, s30  }
0x11: {  	s13 =	sshll.u32 s31, $0x12;
	s16 =	sshrl.u32 s16, $0x3;
	s12 =	sadd.s32 s12, s17  }
0x12: {  	[tilespmem:s15+$0x0 ss:$0x81] =	vst.msk $0xffff, v1;
	s13 =	sor.u32 $0x400, s13;
	s12 =	sadd.s32 s16, s12  }
0x13: {  	[hbm4b:s12+s13] =	stream.strided.scatter [tilespmem:s14], [sflag:$0x2], $0x800, s8, s13, $0x20;
	[tilespmem:$0x2020] =	vst v63  }
.LBB1_5:
0x14: {  	s14 =	sadd.s32 $0x1, s9  }
0x15: {  	s12 =	sadd.s32 $0x1000, s10;
	s16 =	smov.u32 s10;
	p2 =	sgt.s32 s14, $0x31  }
0x16: {  	s16 =	smov.u32 @p2 s12  }
0x17: {  	s14 =	simm.s32 @p2 $0x0;
	p2 =	sgt.s32 s16, $0x3FFF  }
0x18: {  	s16 =	smov.u32 @p2 s2;
	p2 =	sne.s32 s11, s7  }
.Ltmp1:
0x19: {  	p1 =	slt.u32 s11, $0x2;
	(pc) =	sbr.rel @!p2 .LBB1_6-.Ltmp1, $4  }
0x1a: {  	s15 =	simm.s32 @!p1 $0x2  }
0x1b: {  	s13 =	smov.u32 s10;
	p0 =	por !p0, !p0;
	_ =	swait.ge @!p1 [sflag:s15], $0x800  }
0x1c: {  	s12 =	smov.u32 s9;
	[sflag:s15] =	ssyncset.done @!p1 $0x0;
	s9 =	smov.u32 s14  }
0x1d: {  	s11 =	sadd.s32 $0x1, s11;
	[sflag:s15] =	ssyncadd.s32 @!p1 $0xFFFFF800;
	s10 =	smov.u32 s16  }
.LBB1_1:
0x1e: {  	p1 =	sge.u32 s11, s5  }
0x1f: {  	s14 =	sand.u32 @!p1 $0x1FFFFFF, s9  }
0x20: {  	s15 =	smulhi.u32 @!p1 $0x4924925, s14;
	_ =	sdelay $0x1  }
0x21: {  	s15 =	smul.u32 @!p1 $0x38, s15  }
0x22: {  	s16 =	sxor.u32 @!p1 $0xFFFFFFFF, s11;
	s17 =	smul.u32 @!p1 $0x380, s10  }
0x23: {  	s31 =	sadd.s32 $0xFFFFFFFF, s11;
	s16 =	sshll.u32 @!p1 s16, $0xB;
	s14 =	ssub.s32 @!p1 s14, s15  }
0x24: {  	s15 =	sand.u32 @!p1 $0x800, s16;
	s16 =	sadd.s32 @!p1 s6, s17;
	s14 =	sshll.u32 @!p1 s14, $0x4  }
0x25: {  	s17 =	simm.s32 @!p1 $0x1C00;
	s14 =	sadd.s32 @!p1 s14, s16;
	s16 =	simm.s32 @!p1 $0x10  }
0x26: {  	[tilespmem:s15], [sflag:$0x1] =	stream.strided.gather @!p1 [hbm4b:s14+s16], $0x800, s17, s16, $0x38;
	[tilespmem:$0x2020] =	vst v63  }
0x27: {  	p1 =	sge.u32 s31, s5  }
.Ltmp2:
0x28: {  	_ = 	snop;
	(pc) =	sbr.rel @p1 .LBB1_5-.Ltmp2, $1  }
0x29: {  	_ =	sdelay $0x3  }
0x2a: {  	s14 =	simm.s32 $0x1  }
0x2b: {  	s14 =	simm.s32 @!p0 $0x0  }
0x2c: {  	s15 =	sshll.u32 s14, $0xB  }
0x2d: {  	v0 =	vmov s15;
	_ =	sdelay $0x1  }
0x2e: {  	_ =	swait.ge [sflag:s4], $0x800  }
0x2f: {  	s31 =	sand.u32 $0x1, s11;
	[sflag:s4] =	ssyncset.done $0x0  }
0x30: {  	s17 =	simm.s32 $0x0;
	s14 =	smul.u32 $0x2040, s14;
	[sflag:s4] =	ssyncadd.s32 $0xFFFFF800  }
0x31: {  	s15 =	smul.u32 $0x2040, s31;
	v1 =	vld.idx.msk [tilespmem:v0+s17+$0x0 ss:$0x1], $0xffff;
	_ =	sdelay $0x1  }
0x32: {  	s14 =	sshrl.u32 s14, $0x2;
	s16 =	sshrl.u32 s15, $0x2  }
0x33: {  	s15 =	sor.u32 $0x1000, s14;
	s14 =	sor.u32 $0x1000, s16;
	s16 =	simm.s32 $0x40  }
.LBB1_3:
0x34: {  	s17 =	sshra.s32 s16, $0x2;
	p1 =	sne.s32 s16, $0x1FC0;
	s16 =	sadd.s32 $0x40, s16  }
.Ltmp3:
0x35: {  	[tilespmem:s15+$0x0 ss:$0x81] =	vst.msk $0xffff, v1;
	v1 =	vld.idx.msk [tilespmem:v0+s17+$0x0 ss:$0x1], $0xffff;
	(pc) =	sbr.rel @p1 .LBB1_3-.Ltmp3, $2  }
0x36: {  	_ =	sdelay $0x2  }
0x37: {  	s15 =	sadd.s32 $0x1, s15  }
.Ltmp4:
0x38: {  	_ = 	snop;
	(pc) =	sbr.rel .LBB1_4-.Ltmp4, $1  }
0x39: {  	_ =	sdelay $0x3  }
.LBB1_6:
0x3a: {  	_ =	sfence.sel $0x180000  }
0x3b: {  	s2 =	simm.s32 $0x1;
	[bflag:$0x0] =	sbarrier.arrive $0xFFFF  }
0x3c: {  	s31 =	simm.s32 $0x2;
	[sflag:s2] =	ssyncpa.u1 $0x1  }
0x3d: {  	[sflag:s31] =	ssyncpa.u1 $0x1  }
0x3e: {  	p0 =	sne.s32 s0, $0x0;
	_ =	strace $0x90000050  }
0x3f: {  	s0 =	sadd.s32 @!p0 $0x100000, s1;
	[bflag:$0x2] =	sbarrier.arrive $0xFFFF  }
0x40: {  	[sflag:s0] =	ssyncadd.tile.s32 @!p0 $0x1;
	_ =	shalt  }
.Lfunc_end1:
_tile_overlayer_lowered:
.L_overlay_start_2:
0x41: {  	(tag) =	ssettag $0x2  }
0x42: {  	s0 =	rddreg [dreg:$0x0];
	s2 =	stileid.u32  }
0x43: {  	s1 =	rddreg [dreg:$0x1];
	p0 =	sne.s32 s2, $0x0  }
0x44: {  	s3 =	rddreg [dreg:$0x2];
	[bflag:$0x3] =	sbarrier.arrive $0xFFFF;
	s2 =	simm.s32 @!p0 $0x1C01  }
0x45: {  	[timem:s3], [sflag:s2] =	dma.local @!p0 [hbm:s0], s1  }
0x46: {  	s0 =	simm.s32 @!p0 $0x1  }
0x47: {  	_ =	swait.ge @!p0 [sflag:s0], s1  }
0x48: {  	s1 =	ssub.s32 @!p0 $0x0, s1;
	[sflag:s0] =	ssyncset.done @!p0 $0x0  }
0x49: {  	[sflag:s0] =	ssyncadd.s32 @!p0 s1  }
0x4a: {  	[bflag:$0x3] =	sbarrier.arrive $0xFFFF  }
0x4b: {  	_ =	shalt  }

// kernel: sparse-core-data-format-call.cloned.1.call-start
scs
called_computation_lowered:
.L_overlay_start_0:
0x0: {  	s2 =	sld [smem:$0x3FD9]  }
0x1: {  	s3 =	sld [smem:$0x3FFE];
	_ =	sdelay $0x1  }
0x2: {  	s1 =	srdreg.scid  }
0x3: {  	s0 =	sand.u32 $0x1, s1  }
0x4: {  	s16 =	sshll.u32 s0, $0xA;
	s2 =	sadd.s32 s3, s2  }
0x5: {  	s2 =	sadd.s32 s2, s16  }
0x6: {  	[smem:$0x3FBC] =	sst s2  }
0x7: {  	_ = 	snop  }
0x8: {  	s2 =	sld [smem:$0x3FD0];
	_ =	sdelay $0x2  }
0x9: {  	s17 =	simm.s32 $0xD;
	s4 =	simm.s32 $0x10  }
0xa: {  	[smem:s4], [sflag:s17] =	dma.local [hbm:s2], $0x1  }
0xb: {  	_ =	swait.eq [sflag:s17], $0x1  }
0xc: {  	[sflag:s17] =	ssyncset.done $0x0  }
0xd: {  	[sflag:s17] =	ssyncadd.s32 $0xFFFFFFFF  }
0xe: {  	s18 =	sld [smem:$0x15];
	(tm) =	ssettm $0x1  }
0xf: {  	s19 =	sld [smem:$0x3FFB];
	_ =	sdelay $0x3  }
0x10: {  	_ =	strace s19  }
0x11: {  	s2 =	sld [smem:$0x3FFC];
	_ =	sdelay $0x3  }
0x12: {  	_ =	strace s2  }
0x13: {  	s2 =	sld [smem:$0x3FFD];
	_ =	sdelay $0x3  }
0x14: {  	_ =	strace s2  }
0x15: {  	_ =	strace $0x8FFFFFFF  }
0x16: {  	s20 =	sld [smem:$0x3FDB];
	_ =	sdelay $0x1  }
0x17: {  	s21 =	simm.s32 $_scs_section_size  }
0x18: {  	s5 =	simm.s32 $_size__tile_overlayer_lowered;
	s6 =	simm.s32 $_tile_overlayer_lowered  }
0x19: {  	s7 =	simm.s32 $0x1BFF;
	s22 =	sshll.u32 s6, $0x1;
	s4 =	sadd.s32 s21, s20  }
0x1a: {  	s23 =	simm.s32 $0x0;
	s5 =	sshll.u32 s5, $0x1;
	s6 =	sadd.s32 s22, s4  }
0x1b: {  	[timem:s23], [sflag:s7] =	dma.local [hbm:s6], s5  }
0x1c: {  	_ =	swait.ge [sflag:s7], s5  }
0x1d: {  	s5 =	ssub.s32 $0x0, s5;
	[sflag:s7] =	ssyncset.done $0x0  }
0x1e: {  	[sflag:s7] =	ssyncadd.s32 s5;
	_ =	sdelay $0x1  }
0x1f: {  	s24 =	simm.s32 $0x1B8B  }
0x20: {  	_ =	swait.ge [sflag:s24], $0x1  }
0x21: {  	[sflag:s24] =	ssyncset.done $0x0  }
0x22: {  	[sflag:s24] =	ssyncadd.s32 $0xFFFFFFFF  }
0x23: {  	s5 =	sld [smem:$0x0]  }
0x24: {  	s6 =	sand.u32 $0xFFFFFFFE, s1  }
0x25: {  	p0 =	sne.s32 s1, s6  }
0x26: {  	s6 =	sshll.u32 @p0 s6, $0xE  }
0x27: {  	s6 =	sadd.s32 @p0 $0x11B8D, s6;
	s7 =	sshll.u32 @p0 s5, $0x11  }
0x28: {  	s6 =	sor.u32 @p0 s7, s6  }
0x29: {  	[sflag:s6] =	ssyncadd.remote.s32 @p0 $0x1;
	_ =	sdelay $0x1  }
0x2a: {  	s6 =	simm.s32 @p0 $0x1B8D  }
0x2b: {  	_ =	swait.eq @p0 [sflag:s6], $0x1  }
0x2c: {  	[sflag:s6] =	ssyncadd.s32 @p0 $0xFFFFFFFF  }
0x2d: {  	s7 =	sshll.u32 @!p0 s1, $0xE  }
0x2e: {  	s7 =	sor.u32 @!p0 $0x4000, s7;
	s6 =	simm.s32 @!p0 $0x1B8D  }
0x2f: {  	s5 =	sshll.u32 @!p0 s5, $0x11;
	s7 =	sadd.s32 @!p0 $0x11B8D, s7;
	_ =	swait.eq @!p0 [sflag:s6], $0x1  }
0x30: {  	s5 =	sor.u32 @!p0 s5, s7;
	[sflag:s6] =	ssyncadd.s32 @!p0 $0xFFFFFFFF  }
0x31: {  	s26 =	simm.s32 $0x1B8E;
	s25 =	sld [smem:$0x3FFE];
	[sflag:s5] =	ssyncadd.remote.s32 @!p0 $0x1  }
0x32: {  	s27 =	simm.s32 $execute0_lowered;
	[smem:$0x3FD2] =	sst s26  }
0x33: {  	s6 =	sshll.u32 s27, $0x1;
	_ =	strace $0x80000052;
	[dreg:$0x1] =	wrdreg $0xFFFFFFFF  }
0x34: {  	s28 =	simm.s32 $_size_execute0_lowered;
	s4 =	sadd.s32 s4, s6;
	[dreg:$0x0] =	wrdreg $0x0  }
0x35: {  	s6 =	sshll.u32 s28, $0x1;
	[dreg:$0x2] =	wrdreg s4  }
0x36: {  	[dreg:$0x3] =	wrdreg s6  }
0x37: {  	[dreg:$0x4] =	wrdreg $0xC0  }
0x38: {  	_ =	task [dreg:s23], $0x5FFFF  }
0x39: {  	[dreg:$0x1] =	wrdreg $0xFFFFFFFF  }
0x3a: {  	[dreg:$0x0] =	wrdreg $0x60  }
0x3b: {  	[dreg:$0x2] =	wrdreg s25  }
0x3c: {  	[dreg:$0x3] =	wrdreg s18  }
0x3d: {  	[dreg:$0x4] =	wrdreg $0x9  }
0x3e: {  	_ =	task.clear_ibuf [dreg:s23], $0x5FFFF;
	_ =	strace $0x90000052  }
0x3f: {  	s29 =	simm.s32 $0x9;
	_ =	strace $0x80000054  }
0x40: {  	_ =	swait.ge [sflag:s29], $0x1  }
0x41: {  	[sflag:s29] =	ssyncadd.s32 $0xFFFFFFFF  }
0x42: {  	_ =	strace $0x90000054  }
0x43: {  	_ =	sfence  }
0x44: {  	s30 =	sld [smem:$0x0];
	_ =	sdelay $0x2  }
0x45: {  	s31 =	sshll.u32 s1, $0xD;
	s1 =	sshrl.u32 s1, $0x2  }
0x46: {  	s4 =	sand.u32 $0x4000, s31;
	s1 =	sadd.s32 s1, s30  }
0x47: {  	s0 =	sor.u32 s4, s0;
	s1 =	sshll.u32 s1, $0x11  }
0x48: {  	s0 =	sor.u32 s1, s0  }
0x49: {  	s0 =	sadd.s32 $0x8F2B, s0  }
0x4a: {  	[sflag:s0] =	ssyncadd.remote.s32 $0x1  }
0x4b: {  	_ =	sfence.sel $0xFFFF  }
0x4c: {  	[dreg:$0x0] =	wrdreg $0xFFFFFFFF;
	(pc) =	sbr.abs _section_cstart, $3  }
0x4d: {  	[dreg:$0x1] =	wrdreg $0xFFFFFFFF  }
0x4e: {  	_ =	task.clear_ibuf [dreg:s23], $0x2FFFF;
	_ =	strace $0x9FFFFFFF  }
0x4f: {  	(tm) =	ssettm $0x7FFFFFFF  }
tec
execute0_lowered:
.L_overlay_start_1:
0x0: {  	(tag) =	ssettag $0x1  }
0x1: {  	s0 =	srdreg.scid  }
0x2: {  	s1 =	sshll.u32 s0, $0x4  }
0x3: {  	s0 =	stileid.u32;
	s1 =	sand.u32 $0x10, s1  }
0x4: {  	s1 =	sor.u32 s0, s1  }
0x5: {  	s6 =	rddreg [dreg:$0x0];
	s4 =	simm.s32 $0x1;
	s2 =	sshll.u32 s1, $0x7  }
0x6: {  	s7 =	simm.s32 $0x2;
	s12 =	simm.s32 $0x0;
	s1 =	ssub.s32 $0x4000, s2  }
0x7: {  	s8 =	simm.s32 $0x20000;
	s13 =	simm.s32 $0x0;
	s3 =	sand.u32 $0xF80, s1  }
0x8: {  	s9 =	simm.s32 $0x0;
	s5 =	sshrl.u32 s1, $0xC;
	p0 =	sne.s32 s3, $0x0  }
.Ltmp0:
0x9: {  	s1 =	rddreg [dreg:$0x2];
	s4 =	simm.s32 @!p0 $0x0;
	(pc) =	sbr.rel .LBB1_1-.Ltmp0, $4  }
0xa: {  	s11 =	simm.s32 $0x0;
	s3 =	rddreg [dreg:$0x1];
	s5 =	sadd.s32 s4, s5  }
0xb: {  	_ =	strace $0x80000053;
	s4 =	simm.s32 $0x1;
	s5 =	smul.u32 $0x32, s5  }
0xc: {  	s6 =	sadd.s32 $0x2A04600, s6;
	s10 =	smov.u32 s2;
	[sflag:s4] =	ssyncpa.u1 $0x0  }
0xd: {  	p0 =	por $0x0, $0x0;
	[sflag:s7] =	ssyncpa.u1 $0x0;
	s7 =	sor.u32 $0x1, s5  }
.LBB1_4:
0xe: {  	s16 =	sshll.u32 s13, $0x3;
	s17 =	sand.u32 $0x78, s13  }
0xf: {  	s30 =	sand.u32 $0x7800, s13;
	s12 =	sshll.u32 s12, $0xF;
	s16 =	sand.u32 $0x3C00, s16  }
0x10: {  	s31 =	sand.u32 $0x7, s13;
	s16 =	sor.u32 s17, s16;
	s17 =	sadd.s32 s3, s30  }
0x11: {  	s13 =	sshll.u32 s31, $0x12;
	s16 =	sshrl.u32 s16, $0x3;
	s12 =	sadd.s32 s12, s17  }
0x12: {  	[tilespmem:s15+$0x0 ss:$0x81] =	vst.msk $0xffff, v1;
	s13 =	sor.u32 $0x400, s13;
	s12 =	sadd.s32 s16, s12  }
0x13: {  	[hbm4b:s12+s13] =	stream.strided.scatter [tilespmem:s14], [sflag:$0x2], $0x800, s8, s13, $0x20;
	[tilespmem:$0x2020] =	vst v63  }
.LBB1_5:
0x14: {  	s14 =	sadd.s32 $0x1, s9  }
0x15: {  	s12 =	sadd.s32 $0x1000, s10;
	s16 =	smov.u32 s10;
	p2 =	sgt.s32 s14, $0x31  }
0x16: {  	s16 =	smov.u32 @p2 s12  }
0x17: {  	s14 =	simm.s32 @p2 $0x0;
	p2 =	sgt.s32 s16, $0x3FFF  }
0x18: {  	s16 =	smov.u32 @p2 s2;
	p2 =	sne.s32 s11, s7  }
.Ltmp1:
0x19: {  	p1 =	slt.u32 s11, $0x2;
	(pc) =	sbr.rel @!p2 .LBB1_6-.Ltmp1, $4  }
0x1a: {  	s15 =	simm.s32 @!p1 $0x2  }
0x1b: {  	s13 =	smov.u32 s10;
	p0 =	por !p0, !p0;
	_ =	swait.ge @!p1 [sflag:s15], $0x800  }
0x1c: {  	s12 =	smov.u32 s9;
	[sflag:s15] =	ssyncset.done @!p1 $0x0;
	s9 =	smov.u32 s14  }
0x1d: {  	s11 =	sadd.s32 $0x1, s11;
	[sflag:s15] =	ssyncadd.s32 @!p1 $0xFFFFF800;
	s10 =	smov.u32 s16  }
.LBB1_1:
0x1e: {  	p1 =	sge.u32 s11, s5  }
0x1f: {  	s14 =	sand.u32 @!p1 $0x1FFFFFF, s9  }
0x20: {  	s15 =	smulhi.u32 @!p1 $0x4924925, s14;
	_ =	sdelay $0x1  }
0x21: {  	s15 =	smul.u32 @!p1 $0x38, s15  }
0x22: {  	s16 =	sxor.u32 @!p1 $0xFFFFFFFF, s11;
	s17 =	smul.u32 @!p1 $0x380, s10  }
0x23: {  	s31 =	sadd.s32 $0xFFFFFFFF, s11;
	s16 =	sshll.u32 @!p1 s16, $0xB;
	s14 =	ssub.s32 @!p1 s14, s15  }
0x24: {  	s15 =	sand.u32 @!p1 $0x800, s16;
	s16 =	sadd.s32 @!p1 s6, s17;
	s14 =	sshll.u32 @!p1 s14, $0x4  }
0x25: {  	s17 =	simm.s32 @!p1 $0x1C00;
	s14 =	sadd.s32 @!p1 s14, s16;
	s16 =	simm.s32 @!p1 $0x10  }
0x26: {  	[tilespmem:s15], [sflag:$0x1] =	stream.strided.gather @!p1 [hbm4b:s14+s16], $0x800, s17, s16, $0x38;
	[tilespmem:$0x2020] =	vst v63  }
0x27: {  	p1 =	sge.u32 s31, s5  }
.Ltmp2:
0x28: {  	_ = 	snop;
	(pc) =	sbr.rel @p1 .LBB1_5-.Ltmp2, $1  }
0x29: {  	_ =	sdelay $0x3  }
0x2a: {  	s14 =	simm.s32 $0x1  }
0x2b: {  	s14 =	simm.s32 @!p0 $0x0  }
0x2c: {  	s15 =	sshll.u32 s14, $0xB  }
0x2d: {  	v0 =	vmov s15;
	_ =	sdelay $0x1  }
0x2e: {  	_ =	swait.ge [sflag:s4], $0x800  }
0x2f: {  	s31 =	sand.u32 $0x1, s11;
	[sflag:s4] =	ssyncset.done $0x0  }
0x30: {  	s17 =	simm.s32 $0x0;
	s14 =	smul.u32 $0x2040, s14;
	[sflag:s4] =	ssyncadd.s32 $0xFFFFF800  }
0x31: {  	s15 =	smul.u32 $0x2040, s31;
	v1 =	vld.idx.msk [tilespmem:v0+s17+$0x0 ss:$0x1], $0xffff;
	_ =	sdelay $0x1  }
0x32: {  	s14 =	sshrl.u32 s14, $0x2;
	s16 =	sshrl.u32 s15, $0x2  }
0x33: {  	s15 =	sor.u32 $0x1000, s14;
	s14 =	sor.u32 $0x1000, s16;
	s16 =	simm.s32 $0x40  }
.LBB1_3:
0x34: {  	s17 =	sshra.s32 s16, $0x2;
	p1 =	sne.s32 s16, $0x1FC0;
	s16 =	sadd.s32 $0x40, s16  }
.Ltmp3:
0x35: {  	[tilespmem:s15+$0x0 ss:$0x81] =	vst.msk $0xffff, v1;
	v1 =	vld.idx.msk [tilespmem:v0+s17+$0x0 ss:$0x1], $0xffff;
	(pc) =	sbr.rel @p1 .LBB1_3-.Ltmp3, $2  }
0x36: {  	_ =	sdelay $0x2  }
0x37: {  	s15 =	sadd.s32 $0x1, s15  }
.Ltmp4:
0x38: {  	_ = 	snop;
	(pc) =	sbr.rel .LBB1_4-.Ltmp4, $1  }
0x39: {  	_ =	sdelay $0x3  }
.LBB1_6:
0x3a: {  	_ =	sfence.sel $0x180000  }
0x3b: {  	s2 =	simm.s32 $0x1;
	[bflag:$0x0] =	sbarrier.arrive $0xFFFF  }
0x3c: {  	s31 =	simm.s32 $0x2;
	[sflag:s2] =	ssyncpa.u1 $0x1  }
0x3d: {  	[sflag:s31] =	ssyncpa.u1 $0x1  }
0x3e: {  	p0 =	sne.s32 s0, $0x0;
	_ =	strace $0x90000053  }
0x3f: {  	s0 =	sadd.s32 @!p0 $0x100000, s1;
	[bflag:$0x2] =	sbarrier.arrive $0xFFFF  }
0x40: {  	[sflag:s0] =	ssyncadd.tile.s32 @!p0 $0x1;
	_ =	shalt  }
.Lfunc_end1:
_tile_overlayer_lowered:
.L_overlay_start_2:
0x41: {  	(tag) =	ssettag $0x2  }
0x42: {  	s0 =	rddreg [dreg:$0x0];
	s2 =	stileid.u32  }
0x43: {  	s1 =	rddreg [dreg:$0x1];
	p0 =	sne.s32 s2, $0x0  }
0x44: {  	s3 =	rddreg [dreg:$0x2];
	[bflag:$0x3] =	sbarrier.arrive $0xFFFF;
	s2 =	simm.s32 @!p0 $0x1C01  }
0x45: {  	[timem:s3], [sflag:s2] =	dma.local @!p0 [hbm:s0], s1  }
0x46: {  	s0 =	simm.s32 @!p0 $0x1  }
0x47: {  	_ =	swait.ge @!p0 [sflag:s0], s1  }
0x48: {  	s1 =	ssub.s32 @!p0 $0x0, s1;
	[sflag:s0] =	ssyncset.done @!p0 $0x0  }
0x49: {  	[sflag:s0] =	ssyncadd.s32 @!p0 s1  }
0x4a: {  	[bflag:$0x3] =	sbarrier.arrive $0xFFFF  }
0x4b: {  	_ =	shalt  }

</sc_bundles>
